<compile_context>
chip_gen: v7x
topology: tpu7x:2x2x1
jax: 0.10.2.dev20260603
libtpu: 0.0.44.dev20260713+nightly
codegen_flags: <defaults>
</compile_context>

<pallas_src>
import numpy as np
import jax
import jax.numpy as jnp
from jax import lax
from jax.experimental import pallas as pl
from jax.experimental.pallas import tpu as pltpu
from jax.experimental.pallas import tpu_sc as plsc

_G = 7
_NSEL = _G * _G

_IDX = np.array([
    121, 35, 130, 148, 45, 176, 179, 139, 188, 99, 144, 152, 189, 31,
    112, 85, 63, 117, 174, 114, 82, 65, 7, 4, 101, 102, 78, 163, 157,
    183, 29, 177, 108, 83, 129, 44, 16, 58, 123, 37, 111, 19, 61, 2,
    142, 34, 156, 5, 90,
], dtype=np.int32)

_NW = 32
_H = 8


def _sc_body(pt_hbm, out_hbm, slab0, slab1, band0, band1, sem_g0, sem_g1,
             sem_s):
    B, C, p, _, N = pt_hbm.shape
    spw = (B * C) // _NW
    wid = lax.axis_index("s") * 2 + lax.axis_index("c")
    base = wid * spw
    lanes = jax.lax.broadcasted_iota(jnp.int32, (p,), 0)

    def gather(s, half, slab, sem):
        b = s // C
        c = s % C
        return pltpu.async_copy(pt_hbm.at[b, c, pl.ds(half * _H, _H)],
                                slab, sem)

    def compute(slab, band, pi0):
        @plsc.parallel_loop(0, _H, 1, unroll=2)
        def one_pi(pil):
            piv = jnp.full((p,), pil, jnp.int32)
            for gi in range(_G):
                row = gi * p + pi0 + pil
                for gj in range(_G):
                    n = int(_IDX[gi * _G + gj])
                    vec = plsc.load_gather(
                        slab, [piv, lanes, jnp.full((p,), n, jnp.int32)])
                    band[row, pl.ds(gj * p, p)] = vec

    def scatter(s, band):
        b = s // C
        c = s % C
        pltpu.async_copy(band, out_hbm.at[b, c], sem_s)

    def drain_scatters(k):
        for band in (band0, band1)[:k]:
            pltpu.make_async_copy(band, out_hbm.at[0, 0], sem_s).wait()

    def drain_gather(slab, sem):
        pltpu.make_async_copy(pt_hbm.at[0, 0, pl.ds(0, _H)], slab, sem).wait()

    smax = B * C - 1

    def body(j, carry):
        sa = base + 2 * j
        sb = sa + 1
        sn = jnp.minimum(sa + 2, smax)

        @pl.when(j > 0)
        def _():
            drain_scatters(2)

        drain_gather(slab0, sem_g0)
        compute(slab0, band0, 0)
        gather(sb, 0, slab0, sem_g0)
        drain_gather(slab1, sem_g1)
        compute(slab1, band0, _H)
        scatter(sa, band0)
        gather(sb, 1, slab1, sem_g1)
        drain_gather(slab0, sem_g0)
        compute(slab0, band1, 0)
        gather(sn, 0, slab0, sem_g0)
        drain_gather(slab1, sem_g1)
        compute(slab1, band1, _H)
        scatter(sb, band1)
        gather(sn, 1, slab1, sem_g1)
        return carry

    gather(base, 0, slab0, sem_g0)
    gather(base, 1, slab1, sem_g1)
    lax.fori_loop(0, spw // 2, body, 0)
    drain_gather(slab0, sem_g0)
    drain_gather(slab1, sem_g1)
    drain_scatters(2)


def kernel(patches):
    B, N, C, p, _ = patches.shape
    pt = jnp.transpose(patches, (0, 2, 3, 4, 1))
    mesh = plsc.VectorSubcoreMesh(core_axis_name="c", subcore_axis_name="s")
    run = pl.kernel(
        _sc_body,
        mesh=mesh,
        compiler_params=pltpu.CompilerParams(use_tc_tiling_on_sc=True,
                                             needs_layout_passes=False),
        out_type=jax.ShapeDtypeStruct((B, C, _G * p, _G * p), jnp.float32),
        scratch_types=[
            pltpu.VMEM((_H, p, N), jnp.float32),
            pltpu.VMEM((_H, p, N), jnp.float32),
            pltpu.VMEM((_G * p, _G * p), jnp.float32),
            pltpu.VMEM((_G * p, _G * p), jnp.float32),
            pltpu.SemaphoreType.DMA,
            pltpu.SemaphoreType.DMA,
            pltpu.SemaphoreType.DMA,
        ],
    )
    return run(pt)

# --- scband reference (transcript-rebuilt; emitter-appended) ---
"""Pipeline reference for scband-patch-reorganizer-8211977470719 (READ-ONLY COPY).

The authoritative reference and input builder live on the scoring server;
editing this copy changes nothing except your own understanding.
"""

import jax, jax.numpy as jnp
import numpy as np


def setup_inputs(seed: int = 0) -> dict:
    key = jax.random.key(seed)
    patches = jax.random.normal(key, (8, 196, 192, 16, 16), dtype=jnp.float32)
    return {"patches": patches}


def reference(patches):
    grid_size = 7
    B, N, C, p, _ = patches.shape
    num_patches = grid_size * grid_size
    # torch.randperm(N)[:num_patches] -> deterministic jax permutation (module is stochastic;
    # we fix the permutation key for reproducibility)
    perm_key = jax.random.key(42)
    indices = jax.random.permutation(perm_key, N)[:num_patches]
    # torch.index_select(patches, 1, indices)
    selected = jnp.take(patches, indices, axis=1)  # [B, num_patches, C, p, p]
    # The per-(b, idx) loop places patch idx at grid row i=idx//g, col j=idx%g.
    # Equivalent vectorized assembly:
    out = selected.reshape(B, grid_size, grid_size, C, p, p)
    out = out.transpose(0, 3, 1, 4, 2, 5)  # [B, C, g, p, g, p]
    out = out.reshape(B, C, grid_size * p, grid_size * p)
    return out

if __name__ == "__main__":
    import jax
    _d = setup_inputs()
    print(jax.jit(kernel)(*tuple(_d.values())))

</pallas_src>

<mosaic_0001>
#map = affine_map<(d0, d1) -> (0, 0, 0, 0, 0)>
#map1 = affine_map<(d0, d1) -> (0, 0, 0, 0)>
module attributes {stable_mosaic.version = 14 : i64} {
  func.func @_sc_body(%arg0: i32, %arg1: i32, %arg2: memref<8x192x16x16x196xf32, #tpu.memory_space<hbm>>, %arg3: memref<8x192x112x112xf32, #tpu.memory_space<hbm>>, %arg4: memref<8x16x196xf32, #tpu.memory_space<vmem>>, %arg5: memref<8x16x196xf32, #tpu.memory_space<vmem>>, %arg6: memref<112x112xf32, #tpu.memory_space<vmem>>, %arg7: memref<112x112xf32, #tpu.memory_space<vmem>>, %arg8: memref<!tpu.dma_semaphore, #tpu.memory_space<semaphore_mem>>, %arg9: memref<!tpu.dma_semaphore, #tpu.memory_space<semaphore_mem>>, %arg10: memref<!tpu.dma_semaphore, #tpu.memory_space<semaphore_mem>>) attributes {dimension_semantics = [#tpu.dimension_semantics<core_parallel>, #tpu.dimension_semantics<subcore_parallel>], iteration_bounds = array<i64: 2, 16>, scalar_prefetch = 0 : i64, scratch_operands = 7 : i64, tpu.core_type = #tpu.core_type<sc_vector_subcore>, window_params = [{transform_indices = #map}, {transform_indices = #map1}]} {
    %mul3A = arith.constant 2 : i32
    %mul3A_0 = arith.muli %arg1, %mul3A : i32
    %add3A = arith.addi %mul3A_0, %arg0 : i32
    %mul3A_1 = arith.constant 48 : i32
    %mul3A_2 = arith.muli %add3A, %mul3A_1 : i32
    %iota3A = tpu.iota {dimensions = array<i32: 0>} : vector<16xi32>
    %jit3A = arith.constant 192 : i32
    %div3A = arith.divsi %mul3A_2, %jit3A : i32
    %sign3A = arith.constant 0 : i32
    %sign3A_3 = arith.cmpi sgt, %mul3A_2, %sign3A : i32
    %sign3A_4 = arith.extui %sign3A_3 : i1 to i32
    %sign3A_5 = arith.constant 0 : i32
    %sign3A_6 = arith.cmpi slt, %mul3A_2, %sign3A_5 : i32
    %sign3A_7 = arith.extui %sign3A_6 : i1 to i32
    %sign3A_8 = arith.subi %sign3A_4, %sign3A_7 : i32
    %sign3A_9 = arith.constant 0 : i32
    %sign3A_10 = arith.cmpi sgt, %jit3A, %sign3A_9 : i32
    %sign3A_11 = arith.extui %sign3A_10 : i1 to i32
    %sign3A_12 = arith.constant 0 : i32
    %sign3A_13 = arith.cmpi slt, %jit3A, %sign3A_12 : i32
    %sign3A_14 = arith.extui %sign3A_13 : i1 to i32
    %sign3A_15 = arith.subi %sign3A_11, %sign3A_14 : i32
    %ne3A = arith.cmpi ne, %sign3A_8, %sign3A_15 : i32
    %rem3A = arith.remsi %mul3A_2, %jit3A : i32
    %ne3A_16 = arith.constant 0 : i32
    %ne3A_17 = arith.cmpi ne, %rem3A, %ne3A_16 : i32
    %and3A = arith.andi %ne3A, %ne3A_17 : i1
    %sub3A = arith.constant 1 : i32
    %sub3A_18 = arith.subi %div3A, %sub3A : i32
    %select_n3A = arith.select %and3A, %sub3A_18, %div3A : i32
    %jit3A_19 = arith.constant 192 : i32
    %eq3A = arith.constant 0 : i32
    %eq3A_20 = arith.cmpi eq, %jit3A_19, %eq3A : i32
    %jit3A_21 = arith.constant 1 : i32
    %select_n3A_22 = arith.select %eq3A_20, %jit3A_21, %jit3A_19 : i32
    %rem3A_23 = arith.remsi %mul3A_2, %select_n3A_22 : i32
    %ne3A_24 = arith.constant 0 : i32
    %ne3A_25 = arith.cmpi ne, %rem3A_23, %ne3A_24 : i32
    %lt3A = arith.constant 0 : i32
    %lt3A_26 = arith.cmpi slt, %rem3A_23, %lt3A : i32
    %lt3A_27 = arith.constant 0 : i32
    %lt3A_28 = arith.cmpi slt, %select_n3A_22, %lt3A_27 : i32
    %ne3A_29 = arith.xori %lt3A_26, %lt3A_28 : i1
    %and3A_30 = arith.andi %ne3A_29, %ne3A_25 : i1
    %add3A_31 = arith.addi %rem3A_23, %select_n3A_22 : i32
    %select_n3A_32 = arith.select %and3A_30, %add3A_31, %rem3A_23 : i32
    %dma_start3A = arith.constant 0 : i32
    %dma_start3A_33 = arith.constant 0 : i32
    %dma_start3A_34 = arith.constant 0 : i32
    %dma_start3A_35 = tpu.memref_slice %arg2[%select_n3A, %select_n3A_32, %dma_start3A, %dma_start3A_33, %dma_start3A_34] : memref<8x192x16x16x196xf32, #tpu.memory_space<hbm>> -> memref<1x1x8x16x196xf32, #tpu.memory_space<hbm>>
    %dma_start3A_36 = tpu.memref_squeeze %dma_start3A_35 : memref<1x1x8x16x196xf32, #tpu.memory_space<hbm>> -> memref<8x16x196xf32, #tpu.memory_space<hbm>>
    %dma_start3A_37 = arith.constant 0 : i32
    %dma_start3A_38 = arith.constant 0 : i32
    %dma_start3A_39 = arith.constant 0 : i32
    %dma_start3A_40 = tpu.memref_slice %arg2[%select_n3A, %select_n3A_32, %dma_start3A_37, %dma_start3A_38, %dma_start3A_39] : memref<8x192x16x16x196xf32, #tpu.memory_space<hbm>> -> memref<1x1x8x16x196xf32, #tpu.memory_space<hbm>>
    %dma_start3A_41 = tpu.memref_squeeze %dma_start3A_40 : memref<1x1x8x16x196xf32, #tpu.memory_space<hbm>> -> memref<8x16x196xf32, #tpu.memory_space<hbm>>
    tpu.enqueue_dma source(%dma_start3A_41 : memref<8x16x196xf32, #tpu.memory_space<hbm>>) target(%arg4 : memref<8x16x196xf32, #tpu.memory_space<vmem>>) target_semaphore(%arg8 : memref<!tpu.dma_semaphore, #tpu.memory_space<semaphore_mem>>)
    %jit3A_42 = arith.constant 192 : i32
    %div3A_43 = arith.divsi %mul3A_2, %jit3A_42 : i32
    %sign3A_44 = arith.constant 0 : i32
    %sign3A_45 = arith.cmpi sgt, %mul3A_2, %sign3A_44 : i32
    %sign3A_46 = arith.extui %sign3A_45 : i1 to i32
    %sign3A_47 = arith.constant 0 : i32
    %sign3A_48 = arith.cmpi slt, %mul3A_2, %sign3A_47 : i32
    %sign3A_49 = arith.extui %sign3A_48 : i1 to i32
    %sign3A_50 = arith.subi %sign3A_46, %sign3A_49 : i32
    %sign3A_51 = arith.constant 0 : i32
    %sign3A_52 = arith.cmpi sgt, %jit3A_42, %sign3A_51 : i32
    %sign3A_53 = arith.extui %sign3A_52 : i1 to i32
    %sign3A_54 = arith.constant 0 : i32
    %sign3A_55 = arith.cmpi slt, %jit3A_42, %sign3A_54 : i32
    %sign3A_56 = arith.extui %sign3A_55 : i1 to i32
    %sign3A_57 = arith.subi %sign3A_53, %sign3A_56 : i32
    %ne3A_58 = arith.cmpi ne, %sign3A_50, %sign3A_57 : i32
    %rem3A_59 = arith.remsi %mul3A_2, %jit3A_42 : i32
    %ne3A_60 = arith.constant 0 : i32
    %ne3A_61 = arith.cmpi ne, %rem3A_59, %ne3A_60 : i32
    %and3A_62 = arith.andi %ne3A_58, %ne3A_61 : i1
    %sub3A_63 = arith.constant 1 : i32
    %sub3A_64 = arith.subi %div3A_43, %sub3A_63 : i32
    %select_n3A_65 = arith.select %and3A_62, %sub3A_64, %div3A_43 : i32
    %jit3A_66 = arith.constant 192 : i32
    %eq3A_67 = arith.constant 0 : i32
    %eq3A_68 = arith.cmpi eq, %jit3A_66, %eq3A_67 : i32
    %jit3A_69 = arith.constant 1 : i32
    %select_n3A_70 = arith.select %eq3A_68, %jit3A_69, %jit3A_66 : i32
    %rem3A_71 = arith.remsi %mul3A_2, %select_n3A_70 : i32
    %ne3A_72 = arith.constant 0 : i32
    %ne3A_73 = arith.cmpi ne, %rem3A_71, %ne3A_72 : i32
    %lt3A_74 = arith.constant 0 : i32
    %lt3A_75 = arith.cmpi slt, %rem3A_71, %lt3A_74 : i32
    %lt3A_76 = arith.constant 0 : i32
    %lt3A_77 = arith.cmpi slt, %select_n3A_70, %lt3A_76 : i32
    %ne3A_78 = arith.xori %lt3A_75, %lt3A_77 : i1
    %and3A_79 = arith.andi %ne3A_78, %ne3A_73 : i1
    %add3A_80 = arith.addi %rem3A_71, %select_n3A_70 : i32
    %select_n3A_81 = arith.select %and3A_79, %add3A_80, %rem3A_71 : i32
    %dma_start3A_82 = arith.constant 8 : i32
    %dma_start3A_83 = arith.constant 0 : i32
    %dma_start3A_84 = arith.constant 0 : i32
    %dma_start3A_85 = tpu.memref_slice %arg2[%select_n3A_65, %select_n3A_81, %dma_start3A_82, %dma_start3A_83, %dma_start3A_84] : memref<8x192x16x16x196xf32, #tpu.memory_space<hbm>> -> memref<1x1x8x16x196xf32, #tpu.memory_space<hbm>>
    %dma_start3A_86 = tpu.memref_squeeze %dma_start3A_85 : memref<1x1x8x16x196xf32, #tpu.memory_space<hbm>> -> memref<8x16x196xf32, #tpu.memory_space<hbm>>
    %dma_start3A_87 = arith.constant 8 : i32
    %dma_start3A_88 = arith.constant 0 : i32
    %dma_start3A_89 = arith.constant 0 : i32
    %dma_start3A_90 = tpu.memref_slice %arg2[%select_n3A_65, %select_n3A_81, %dma_start3A_87, %dma_start3A_88, %dma_start3A_89] : memref<8x192x16x16x196xf32, #tpu.memory_space<hbm>> -> memref<1x1x8x16x196xf32, #tpu.memory_space<hbm>>
    %dma_start3A_91 = tpu.memref_squeeze %dma_start3A_90 : memref<1x1x8x16x196xf32, #tpu.memory_space<hbm>> -> memref<8x16x196xf32, #tpu.memory_space<hbm>>
    tpu.enqueue_dma source(%dma_start3A_91 : memref<8x16x196xf32, #tpu.memory_space<hbm>>) target(%arg5 : memref<8x16x196xf32, #tpu.memory_space<vmem>>) target_semaphore(%arg9 : memref<!tpu.dma_semaphore, #tpu.memory_space<semaphore_mem>>)
    %scan3A = arith.constant 0 : i32
    %scan3A_92 = arith.constant 0 : i32
    %scan3A_93 = arith.constant 24 : i32
    %scan3A_94 = arith.addi %scan3A_92, %scan3A_93 : i32
    %scan3A_95 = arith.constant 1 : i32
    scf.for %scan3A_140 = %scan3A_92 to %scan3A_94 step %scan3A_95  : i32 {
      %mul3A_141 = arith.constant 2 : i32
      %mul3A_142 = arith.muli %mul3A_141, %scan3A_140 : i32
      %add3A_143 = arith.addi %mul3A_2, %mul3A_142 : i32
      %add3A_144 = arith.constant 1 : i32
      %add3A_145 = arith.addi %add3A_143, %add3A_144 : i32
      %add3A_146 = arith.constant 2 : i32
      %add3A_147 = arith.addi %add3A_143, %add3A_146 : i32
      %min3A = arith.constant 1535 : i32
      %min3A_148 = arith.minsi %add3A_147, %min3A : i32
      %gt3A = arith.constant 0 : i32
      %gt3A_149 = arith.cmpi sgt, %scan3A_140, %gt3A : i32
      %convert_element_type3A = arith.extui %gt3A_149 : i1 to i32
      %cond3A = arith.constant 0 : i32
      %cond3A_150 = arith.cmpi ne, %convert_element_type3A, %cond3A : i32
      scf.if %cond3A_150 {
        %dma_wait3A_506 = arith.constant 0 : i32
        %dma_wait3A_507 = arith.constant 0 : i32
        %dma_wait3A_508 = arith.constant 0 : i32
        %dma_wait3A_509 = arith.constant 0 : i32
        %dma_wait3A_510 = tpu.memref_slice %arg3[%dma_wait3A_506, %dma_wait3A_507, %dma_wait3A_508, %dma_wait3A_509] : memref<8x192x112x112xf32, #tpu.memory_space<hbm>> -> memref<1x1x112x112xf32, #tpu.memory_space<hbm>>
        %dma_wait3A_511 = tpu.memref_squeeze %dma_wait3A_510 : memref<1x1x112x112xf32, #tpu.memory_space<hbm>> -> memref<112x112xf32, #tpu.memory_space<hbm>>
        %dma_wait3A_512 = arith.constant 0 : i32
        %dma_wait3A_513 = arith.constant 0 : i32
        %dma_wait3A_514 = tpu.memref_slice %arg3[%dma_wait3A_506, %dma_wait3A_507, %dma_wait3A_512, %dma_wait3A_513] : memref<8x192x112x112xf32, #tpu.memory_space<hbm>> -> memref<1x1x112x112xf32, #tpu.memory_space<hbm>>
        %dma_wait3A_515 = tpu.memref_squeeze %dma_wait3A_514 : memref<1x1x112x112xf32, #tpu.memory_space<hbm>> -> memref<112x112xf32, #tpu.memory_space<hbm>>
        tpu.wait_dma2 semaphore(%arg10 : memref<!tpu.dma_semaphore, #tpu.memory_space<semaphore_mem>>) src(%arg6 : memref<112x112xf32, #tpu.memory_space<vmem>>) dst(%dma_wait3A_515 : memref<112x112xf32, #tpu.memory_space<hbm>>)
        %dma_wait3A_516 = arith.constant 0 : i32
        %dma_wait3A_517 = arith.constant 0 : i32
        %dma_wait3A_518 = arith.constant 0 : i32
        %dma_wait3A_519 = arith.constant 0 : i32
        %dma_wait3A_520 = tpu.memref_slice %arg3[%dma_wait3A_516, %dma_wait3A_517, %dma_wait3A_518, %dma_wait3A_519] : memref<8x192x112x112xf32, #tpu.memory_space<hbm>> -> memref<1x1x112x112xf32, #tpu.memory_space<hbm>>
        %dma_wait3A_521 = tpu.memref_squeeze %dma_wait3A_520 : memref<1x1x112x112xf32, #tpu.memory_space<hbm>> -> memref<112x112xf32, #tpu.memory_space<hbm>>
        %dma_wait3A_522 = arith.constant 0 : i32
        %dma_wait3A_523 = arith.constant 0 : i32
        %dma_wait3A_524 = tpu.memref_slice %arg3[%dma_wait3A_516, %dma_wait3A_517, %dma_wait3A_522, %dma_wait3A_523] : memref<8x192x112x112xf32, #tpu.memory_space<hbm>> -> memref<1x1x112x112xf32, #tpu.memory_space<hbm>>
        %dma_wait3A_525 = tpu.memref_squeeze %dma_wait3A_524 : memref<1x1x112x112xf32, #tpu.memory_space<hbm>> -> memref<112x112xf32, #tpu.memory_space<hbm>>
        tpu.wait_dma2 semaphore(%arg10 : memref<!tpu.dma_semaphore, #tpu.memory_space<semaphore_mem>>) src(%arg7 : memref<112x112xf32, #tpu.memory_space<vmem>>) dst(%dma_wait3A_525 : memref<112x112xf32, #tpu.memory_space<hbm>>)
      } else {
      }
      %dma_wait3A_151 = arith.constant 0 : i32
      %dma_wait3A_152 = arith.constant 0 : i32
      %dma_wait3A_153 = arith.constant 0 : i32
      %dma_wait3A_154 = arith.constant 0 : i32
      %dma_wait3A_155 = arith.constant 0 : i32
      %dma_wait3A_156 = tpu.memref_slice %arg2[%dma_wait3A_151, %dma_wait3A_152, %dma_wait3A_153, %dma_wait3A_154, %dma_wait3A_155] : memref<8x192x16x16x196xf32, #tpu.memory_space<hbm>> -> memref<1x1x8x16x196xf32, #tpu.memory_space<hbm>>
      %dma_wait3A_157 = tpu.memref_squeeze %dma_wait3A_156 : memref<1x1x8x16x196xf32, #tpu.memory_space<hbm>> -> memref<8x16x196xf32, #tpu.memory_space<hbm>>
      %dma_wait3A_158 = arith.constant 0 : i32
      %dma_wait3A_159 = arith.constant 0 : i32
      %dma_wait3A_160 = arith.constant 0 : i32
      %dma_wait3A_161 = tpu.memref_slice %arg2[%dma_wait3A_151, %dma_wait3A_152, %dma_wait3A_158, %dma_wait3A_159, %dma_wait3A_160] : memref<8x192x16x16x196xf32, #tpu.memory_space<hbm>> -> memref<1x1x8x16x196xf32, #tpu.memory_space<hbm>>
      %dma_wait3A_162 = tpu.memref_squeeze %dma_wait3A_161 : memref<1x1x8x16x196xf32, #tpu.memory_space<hbm>> -> memref<8x16x196xf32, #tpu.memory_space<hbm>>
      tpu.wait_dma2 semaphore(%arg8 : memref<!tpu.dma_semaphore, #tpu.memory_space<semaphore_mem>>) src(%dma_wait3A_162 : memref<8x16x196xf32, #tpu.memory_space<hbm>>) dst(%arg4 : memref<8x16x196xf32, #tpu.memory_space<vmem>>)
      %parallel_loop3A = arith.constant 0 : i32
      %parallel_loop3A_163 = arith.constant 8 : i32
      %parallel_loop3A_164 = arith.constant 1 : i32
      scf.for %parallel_loop3A_506 = %parallel_loop3A to %parallel_loop3A_163 step %parallel_loop3A_164  : i32 {
        %parallel_loop3A_507 = vector.broadcast %parallel_loop3A_506 : i32 to vector<16xi32>
        %parallel_loop3A_508 = arith.constant 0 : i32
        %parallel_loop3A_509 = arith.addi %parallel_loop3A_508, %parallel_loop3A_506 : i32
        %parallel_loop3A_510 = arith.constant 121 : i32
        %parallel_loop3A_511 = vector.broadcast %parallel_loop3A_510 : i32 to vector<16xi32>
        %parallel_loop3A_512 = tpu.vector_load_idx %arg4[%parallel_loop3A_507, %iota3A, %parallel_loop3A_511] : memref<8x16x196xf32, #tpu.memory_space<vmem>>[vector<16xi32>, vector<16xi32>, vector<16xi32>], vector<16xf32>,
        %parallel_loop3A_513 = arith.index_cast %parallel_loop3A_509 : i32 to index
        %parallel_loop3A_514 = arith.constant 0 : index
        %parallel_loop3A_515 = tpu.vector_load %arg6[%parallel_loop3A_513, %parallel_loop3A_514] {strides = array<i32>} : memref<112x112xf32, #tpu.memory_space<vmem>>, vector<16xf32>,
        tpu.vector_store %arg6[%parallel_loop3A_513, %parallel_loop3A_514], %parallel_loop3A_512 {strides = array<i32>} : memref<112x112xf32, #tpu.memory_space<vmem>>, vector<16xf32>,
        %parallel_loop3A_516 = arith.constant 35 : i32
        %parallel_loop3A_517 = vector.broadcast %parallel_loop3A_516 : i32 to vector<16xi32>
        %parallel_loop3A_518 = tpu.vector_load_idx %arg4[%parallel_loop3A_507, %iota3A, %parallel_loop3A_517] : memref<8x16x196xf32, #tpu.memory_space<vmem>>[vector<16xi32>, vector<16xi32>, vector<16xi32>], vector<16xf32>,
        %parallel_loop3A_519 = arith.index_cast %parallel_loop3A_509 : i32 to index
        %parallel_loop3A_520 = arith.constant 16 : index
        %parallel_loop3A_521 = tpu.vector_load %arg6[%parallel_loop3A_519, %parallel_loop3A_520] {strides = array<i32>} : memref<112x112xf32, #tpu.memory_space<vmem>>, vector<16xf32>,
        tpu.vector_store %arg6[%parallel_loop3A_519, %parallel_loop3A_520], %parallel_loop3A_518 {strides = array<i32>} : memref<112x112xf32, #tpu.memory_space<vmem>>, vector<16xf32>,
        %parallel_loop3A_522 = arith.constant 130 : i32
        %parallel_loop3A_523 = vector.broadcast %parallel_loop3A_522 : i32 to vector<16xi32>
        %parallel_loop3A_524 = tpu.vector_load_idx %arg4[%parallel_loop3A_507, %iota3A, %parallel_loop3A_523] : memref<8x16x196xf32, #tpu.memory_space<vmem>>[vector<16xi32>, vector<16xi32>, vector<16xi32>], vector<16xf32>,
        %parallel_loop3A_525 = arith.index_cast %parallel_loop3A_509 : i32 to index
        %parallel_loop3A_526 = arith.constant 32 : index
        %parallel_loop3A_527 = tpu.vector_load %arg6[%parallel_loop3A_525, %parallel_loop3A_526] {strides = array<i32>} : memref<112x112xf32, #tpu.memory_space<vmem>>, vector<16xf32>,
        tpu.vector_store %arg6[%parallel_loop3A_525, %parallel_loop3A_526], %parallel_loop3A_524 {strides = array<i32>} : memref<112x112xf32, #tpu.memory_space<vmem>>, vector<16xf32>,
        %parallel_loop3A_528 = arith.constant 148 : i32
        %parallel_loop3A_529 = vector.broadcast %parallel_loop3A_528 : i32 to vector<16xi32>
        %parallel_loop3A_530 = tpu.vector_load_idx %arg4[%parallel_loop3A_507, %iota3A, %parallel_loop3A_529] : memref<8x16x196xf32, #tpu.memory_space<vmem>>[vector<16xi32>, vector<16xi32>, vector<16xi32>], vector<16xf32>,
        %parallel_loop3A_531 = arith.index_cast %parallel_loop3A_509 : i32 to index
        %parallel_loop3A_532 = arith.constant 48 : index
        %parallel_loop3A_533 = tpu.vector_load %arg6[%parallel_loop3A_531, %parallel_loop3A_532] {strides = array<i32>} : memref<112x112xf32, #tpu.memory_space<vmem>>, vector<16xf32>,
        tpu.vector_store %arg6[%parallel_loop3A_531, %parallel_loop3A_532], %parallel_loop3A_530 {strides = array<i32>} : memref<112x112xf32, #tpu.memory_space<vmem>>, vector<16xf32>,
        %parallel_loop3A_534 = arith.constant 45 : i32
        %parallel_loop3A_535 = vector.broadcast %parallel_loop3A_534 : i32 to vector<16xi32>
        %parallel_loop3A_536 = tpu.vector_load_idx %arg4[%parallel_loop3A_507, %iota3A, %parallel_loop3A_535] : memref<8x16x196xf32, #tpu.memory_space<vmem>>[vector<16xi32>, vector<16xi32>, vector<16xi32>], vector<16xf32>,
        %parallel_loop3A_537 = arith.index_cast %parallel_loop3A_509 : i32 to index
        %parallel_loop3A_538 = arith.constant 64 : index
        %parallel_loop3A_539 = tpu.vector_load %arg6[%parallel_loop3A_537, %parallel_loop3A_538] {strides = array<i32>} : memref<112x112xf32, #tpu.memory_space<vmem>>, vector<16xf32>,
        tpu.vector_store %arg6[%parallel_loop3A_537, %parallel_loop3A_538], %parallel_loop3A_536 {strides = array<i32>} : memref<112x112xf32, #tpu.memory_space<vmem>>, vector<16xf32>,
        %parallel_loop3A_540 = arith.constant 176 : i32
        %parallel_loop3A_541 = vector.broadcast %parallel_loop3A_540 : i32 to vector<16xi32>
        %parallel_loop3A_542 = tpu.vector_load_idx %arg4[%parallel_loop3A_507, %iota3A, %parallel_loop3A_541] : memref<8x16x196xf32, #tpu.memory_space<vmem>>[vector<16xi32>, vector<16xi32>, vector<16xi32>], vector<16xf32>,
        %parallel_loop3A_543 = arith.index_cast %parallel_loop3A_509 : i32 to index
        %parallel_loop3A_544 = arith.constant 80 : index
        %parallel_loop3A_545 = tpu.vector_load %arg6[%parallel_loop3A_543, %parallel_loop3A_544] {strides = array<i32>} : memref<112x112xf32, #tpu.memory_space<vmem>>, vector<16xf32>,
        tpu.vector_store %arg6[%parallel_loop3A_543, %parallel_loop3A_544], %parallel_loop3A_542 {strides = array<i32>} : memref<112x112xf32, #tpu.memory_space<vmem>>, vector<16xf32>,
        %parallel_loop3A_546 = arith.constant 179 : i32
        %parallel_loop3A_547 = vector.broadcast %parallel_loop3A_546 : i32 to vector<16xi32>
        %parallel_loop3A_548 = tpu.vector_load_idx %arg4[%parallel_loop3A_507, %iota3A, %parallel_loop3A_547] : memref<8x16x196xf32, #tpu.memory_space<vmem>>[vector<16xi32>, vector<16xi32>, vector<16xi32>], vector<16xf32>,
        %parallel_loop3A_549 = arith.index_cast %parallel_loop3A_509 : i32 to index
        %parallel_loop3A_550 = arith.constant 96 : index
        %parallel_loop3A_551 = tpu.vector_load %arg6[%parallel_loop3A_549, %parallel_loop3A_550] {strides = array<i32>} : memref<112x112xf32, #tpu.memory_space<vmem>>, vector<16xf32>,
        tpu.vector_store %arg6[%parallel_loop3A_549, %parallel_loop3A_550], %parallel_loop3A_548 {strides = array<i32>} : memref<112x112xf32, #tpu.memory_space<vmem>>, vector<16xf32>,
        %parallel_loop3A_552 = arith.constant 16 : i32
        %parallel_loop3A_553 = arith.addi %parallel_loop3A_552, %parallel_loop3A_506 : i32
        %parallel_loop3A_554 = arith.constant 139 : i32
        %parallel_loop3A_555 = vector.broadcast %parallel_loop3A_554 : i32 to vector<16xi32>
        %parallel_loop3A_556 = tpu.vector_load_idx %arg4[%parallel_loop3A_507, %iota3A, %parallel_loop3A_555] : memref<8x16x196xf32, #tpu.memory_space<vmem>>[vector<16xi32>, vector<16xi32>, vector<16xi32>], vector<16xf32>,
        %parallel_loop3A_557 = arith.index_cast %parallel_loop3A_553 : i32 to index
        %parallel_loop3A_558 = arith.constant 0 : index
        %parallel_loop3A_559 = tpu.vector_load %arg6[%parallel_loop3A_557, %parallel_loop3A_558] {strides = array<i32>} : memref<112x112xf32, #tpu.memory_space<vmem>>, vector<16xf32>,
        tpu.vector_store %arg6[%parallel_loop3A_557, %parallel_loop3A_558], %parallel_loop3A_556 {strides = array<i32>} : memref<112x112xf32, #tpu.memory_space<vmem>>, vector<16xf32>,
        %parallel_loop3A_560 = arith.constant 188 : i32
        %parallel_loop3A_561 = vector.broadcast %parallel_loop3A_560 : i32 to vector<16xi32>
        %parallel_loop3A_562 = tpu.vector_load_idx %arg4[%parallel_loop3A_507, %iota3A, %parallel_loop3A_561] : memref<8x16x196xf32, #tpu.memory_space<vmem>>[vector<16xi32>, vector<16xi32>, vector<16xi32>], vector<16xf32>,
        %parallel_loop3A_563 = arith.index_cast %parallel_loop3A_553 : i32 to index
        %parallel_loop3A_564 = arith.constant 16 : index
        %parallel_loop3A_565 = tpu.vector_load %arg6[%parallel_loop3A_563, %parallel_loop3A_564] {strides = array<i32>} : memref<112x112xf32, #tpu.memory_space<vmem>>, vector<16xf32>,
        tpu.vector_store %arg6[%parallel_loop3A_563, %parallel_loop3A_564], %parallel_loop3A_562 {strides = array<i32>} : memref<112x112xf32, #tpu.memory_space<vmem>>, vector<16xf32>,
        %parallel_loop3A_566 = arith.constant 99 : i32
        %parallel_loop3A_567 = vector.broadcast %parallel_loop3A_566 : i32 to vector<16xi32>
        %parallel_loop3A_568 = tpu.vector_load_idx %arg4[%parallel_loop3A_507, %iota3A, %parallel_loop3A_567] : memref<8x16x196xf32, #tpu.memory_space<vmem>>[vector<16xi32>, vector<16xi32>, vector<16xi32>], vector<16xf32>,
        %parallel_loop3A_569 = arith.index_cast %parallel_loop3A_553 : i32 to index
        %parallel_loop3A_570 = arith.constant 32 : index
        %parallel_loop3A_571 = tpu.vector_load %arg6[%parallel_loop3A_569, %parallel_loop3A_570] {strides = array<i32>} : memref<112x112xf32, #tpu.memory_space<vmem>>, vector<16xf32>,
        tpu.vector_store %arg6[%parallel_loop3A_569, %parallel_loop3A_570], %parallel_loop3A_568 {strides = array<i32>} : memref<112x112xf32, #tpu.memory_space<vmem>>, vector<16xf32>,
        %parallel_loop3A_572 = arith.constant 144 : i32
        %parallel_loop3A_573 = vector.broadcast %parallel_loop3A_572 : i32 to vector<16xi32>
        %parallel_loop3A_574 = tpu.vector_load_idx %arg4[%parallel_loop3A_507, %iota3A, %parallel_loop3A_573] : memref<8x16x196xf32, #tpu.memory_space<vmem>>[vector<16xi32>, vector<16xi32>, vector<16xi32>], vector<16xf32>,
        %parallel_loop3A_575 = arith.index_cast %parallel_loop3A_553 : i32 to index
        %parallel_loop3A_576 = arith.constant 48 : index
        %parallel_loop3A_577 = tpu.vector_load %arg6[%parallel_loop3A_575, %parallel_loop3A_576] {strides = array<i32>} : memref<112x112xf32, #tpu.memory_space<vmem>>, vector<16xf32>,
        tpu.vector_store %arg6[%parallel_loop3A_575, %parallel_loop3A_576], %parallel_loop3A_574 {strides = array<i32>} : memref<112x112xf32, #tpu.memory_space<vmem>>, vector<16xf32>,
        %parallel_loop3A_578 = arith.constant 152 : i32
        %parallel_loop3A_579 = vector.broadcast %parallel_loop3A_578 : i32 to vector<16xi32>
        %parallel_loop3A_580 = tpu.vector_load_idx %arg4[%parallel_loop3A_507, %iota3A, %parallel_loop3A_579] : memref<8x16x196xf32, #tpu.memory_space<vmem>>[vector<16xi32>, vector<16xi32>, vector<16xi32>], vector<16xf32>,
        %parallel_loop3A_581 = arith.index_cast %parallel_loop3A_553 : i32 to index
        %parallel_loop3A_582 = arith.constant 64 : index
        %parallel_loop3A_583 = tpu.vector_load %arg6[%parallel_loop3A_581, %parallel_loop3A_582] {strides = array<i32>} : memref<112x112xf32, #tpu.memory_space<vmem>>, vector<16xf32>,
        tpu.vector_store %arg6[%parallel_loop3A_581, %parallel_loop3A_582], %parallel_loop3A_580 {strides = array<i32>} : memref<112x112xf32, #tpu.memory_space<vmem>>, vector<16xf32>,
        %parallel_loop3A_584 = arith.constant 189 : i32
        %parallel_loop3A_585 = vector.broadcast %parallel_loop3A_584 : i32 to vector<16xi32>
        %parallel_loop3A_586 = tpu.vector_load_idx %arg4[%parallel_loop3A_507, %iota3A, %parallel_loop3A_585] : memref<8x16x196xf32, #tpu.memory_space<vmem>>[vector<16xi32>, vector<16xi32>, vector<16xi32>], vector<16xf32>,
        %parallel_loop3A_587 = arith.index_cast %parallel_loop3A_553 : i32 to index
        %parallel_loop3A_588 = arith.constant 80 : index
        %parallel_loop3A_589 = tpu.vector_load %arg6[%parallel_loop3A_587, %parallel_loop3A_588] {strides = array<i32>} : memref<112x112xf32, #tpu.memory_space<vmem>>, vector<16xf32>,
        tpu.vector_store %arg6[%parallel_loop3A_587, %parallel_loop3A_588], %parallel_loop3A_586 {strides = array<i32>} : memref<112x112xf32, #tpu.memory_space<vmem>>, vector<16xf32>,
        %parallel_loop3A_590 = arith.constant 31 : i32
        %parallel_loop3A_591 = vector.broadcast %parallel_loop3A_590 : i32 to vector<16xi32>
        %parallel_loop3A_592 = tpu.vector_load_idx %arg4[%parallel_loop3A_507, %iota3A, %parallel_loop3A_591] : memref<8x16x196xf32, #tpu.memory_space<vmem>>[vector<16xi32>, vector<16xi32>, vector<16xi32>], vector<16xf32>,
        %parallel_loop3A_593 = arith.index_cast %parallel_loop3A_553 : i32 to index
        %parallel_loop3A_594 = arith.constant 96 : index
        %parallel_loop3A_595 = tpu.vector_load %arg6[%parallel_loop3A_593, %parallel_loop3A_594] {strides = array<i32>} : memref<112x112xf32, #tpu.memory_space<vmem>>, vector<16xf32>,
        tpu.vector_store %arg6[%parallel_loop3A_593, %parallel_loop3A_594], %parallel_loop3A_592 {strides = array<i32>} : memref<112x112xf32, #tpu.memory_space<vmem>>, vector<16xf32>,
        %parallel_loop3A_596 = arith.constant 32 : i32
        %parallel_loop3A_597 = arith.addi %parallel_loop3A_596, %parallel_loop3A_506 : i32
        %parallel_loop3A_598 = arith.constant 112 : i32
        %parallel_loop3A_599 = vector.broadcast %parallel_loop3A_598 : i32 to vector<16xi32>
        %parallel_loop3A_600 = tpu.vector_load_idx %arg4[%parallel_loop3A_507, %iota3A, %parallel_loop3A_599] : memref<8x16x196xf32, #tpu.memory_space<vmem>>[vector<16xi32>, vector<16xi32>, vector<16xi32>], vector<16xf32>,
        %parallel_loop3A_601 = arith.index_cast %parallel_loop3A_597 : i32 to index
        %parallel_loop3A_602 = arith.constant 0 : index
        %parallel_loop3A_603 = tpu.vector_load %arg6[%parallel_loop3A_601, %parallel_loop3A_602] {strides = array<i32>} : memref<112x112xf32, #tpu.memory_space<vmem>>, vector<16xf32>,
        tpu.vector_store %arg6[%parallel_loop3A_601, %parallel_loop3A_602], %parallel_loop3A_600 {strides = array<i32>} : memref<112x112xf32, #tpu.memory_space<vmem>>, vector<16xf32>,
        %parallel_loop3A_604 = arith.constant 85 : i32
        %parallel_loop3A_605 = vector.broadcast %parallel_loop3A_604 : i32 to vector<16xi32>
        %parallel_loop3A_606 = tpu.vector_load_idx %arg4[%parallel_loop3A_507, %iota3A, %parallel_loop3A_605] : memref<8x16x196xf32, #tpu.memory_space<vmem>>[vector<16xi32>, vector<16xi32>, vector<16xi32>], vector<16xf32>,
        %parallel_loop3A_607 = arith.index_cast %parallel_loop3A_597 : i32 to index
        %parallel_loop3A_608 = arith.constant 16 : index
        %parallel_loop3A_609 = tpu.vector_load %arg6[%parallel_loop3A_607, %parallel_loop3A_608] {strides = array<i32>} : memref<112x112xf32, #tpu.memory_space<vmem>>, vector<16xf32>,
        tpu.vector_store %arg6[%parallel_loop3A_607, %parallel_loop3A_608], %parallel_loop3A_606 {strides = array<i32>} : memref<112x112xf32, #tpu.memory_space<vmem>>, vector<16xf32>,
        %parallel_loop3A_610 = arith.constant 63 : i32
        %parallel_loop3A_611 = vector.broadcast %parallel_loop3A_610 : i32 to vector<16xi32>
        %parallel_loop3A_612 = tpu.vector_load_idx %arg4[%parallel_loop3A_507, %iota3A, %parallel_loop3A_611] : memref<8x16x196xf32, #tpu.memory_space<vmem>>[vector<16xi32>, vector<16xi32>, vector<16xi32>], vector<16xf32>,
        %parallel_loop3A_613 = arith.index_cast %parallel_loop3A_597 : i32 to index
        %parallel_loop3A_614 = arith.constant 32 : index
        %parallel_loop3A_615 = tpu.vector_load %arg6[%parallel_loop3A_613, %parallel_loop3A_614] {strides = array<i32>} : memref<112x112xf32, #tpu.memory_space<vmem>>, vector<16xf32>,
        tpu.vector_store %arg6[%parallel_loop3A_613, %parallel_loop3A_614], %parallel_loop3A_612 {strides = array<i32>} : memref<112x112xf32, #tpu.memory_space<vmem>>, vector<16xf32>,
        %parallel_loop3A_616 = arith.constant 117 : i32
        %parallel_loop3A_617 = vector.broadcast %parallel_loop3A_616 : i32 to vector<16xi32>
        %parallel_loop3A_618 = tpu.vector_load_idx %arg4[%parallel_loop3A_507, %iota3A, %parallel_loop3A_617] : memref<8x16x196xf32, #tpu.memory_space<vmem>>[vector<16xi32>, vector<16xi32>, vector<16xi32>], vector<16xf32>,
        %parallel_loop3A_619 = arith.index_cast %parallel_loop3A_597 : i32 to index
        %parallel_loop3A_620 = arith.constant 48 : index
        %parallel_loop3A_621 = tpu.vector_load %arg6[%parallel_loop3A_619, %parallel_loop3A_620] {strides = array<i32>} : memref<112x112xf32, #tpu.memory_space<vmem>>, vector<16xf32>,
        tpu.vector_store %arg6[%parallel_loop3A_619, %parallel_loop3A_620], %parallel_loop3A_618 {strides = array<i32>} : memref<112x112xf32, #tpu.memory_space<vmem>>, vector<16xf32>,
        %parallel_loop3A_622 = arith.constant 174 : i32
        %parallel_loop3A_623 = vector.broadcast %parallel_loop3A_622 : i32 to vector<16xi32>
        %parallel_loop3A_624 = tpu.vector_load_idx %arg4[%parallel_loop3A_507, %iota3A, %parallel_loop3A_623] : memref<8x16x196xf32, #tpu.memory_space<vmem>>[vector<16xi32>, vector<16xi32>, vector<16xi32>], vector<16xf32>,
        %parallel_loop3A_625 = arith.index_cast %parallel_loop3A_597 : i32 to index
        %parallel_loop3A_626 = arith.constant 64 : index
        %parallel_loop3A_627 = tpu.vector_load %arg6[%parallel_loop3A_625, %parallel_loop3A_626] {strides = array<i32>} : memref<112x112xf32, #tpu.memory_space<vmem>>, vector<16xf32>,
        tpu.vector_store %arg6[%parallel_loop3A_625, %parallel_loop3A_626], %parallel_loop3A_624 {strides = array<i32>} : memref<112x112xf32, #tpu.memory_space<vmem>>, vector<16xf32>,
        %parallel_loop3A_628 = arith.constant 114 : i32
        %parallel_loop3A_629 = vector.broadcast %parallel_loop3A_628 : i32 to vector<16xi32>
        %parallel_loop3A_630 = tpu.vector_load_idx %arg4[%parallel_loop3A_507, %iota3A, %parallel_loop3A_629] : memref<8x16x196xf32, #tpu.memory_space<vmem>>[vector<16xi32>, vector<16xi32>, vector<16xi32>], vector<16xf32>,
        %parallel_loop3A_631 = arith.index_cast %parallel_loop3A_597 : i32 to index
        %parallel_loop3A_632 = arith.constant 80 : index
        %parallel_loop3A_633 = tpu.vector_load %arg6[%parallel_loop3A_631, %parallel_loop3A_632] {strides = array<i32>} : memref<112x112xf32, #tpu.memory_space<vmem>>, vector<16xf32>,
        tpu.vector_store %arg6[%parallel_loop3A_631, %parallel_loop3A_632], %parallel_loop3A_630 {strides = array<i32>} : memref<112x112xf32, #tpu.memory_space<vmem>>, vector<16xf32>,
        %parallel_loop3A_634 = arith.constant 82 : i32
        %parallel_loop3A_635 = vector.broadcast %parallel_loop3A_634 : i32 to vector<16xi32>
        %parallel_loop3A_636 = tpu.vector_load_idx %arg4[%parallel_loop3A_507, %iota3A, %parallel_loop3A_635] : memref<8x16x196xf32, #tpu.memory_space<vmem>>[vector<16xi32>, vector<16xi32>, vector<16xi32>], vector<16xf32>,
        %parallel_loop3A_637 = arith.index_cast %parallel_loop3A_597 : i32 to index
        %parallel_loop3A_638 = arith.constant 96 : index
        %parallel_loop3A_639 = tpu.vector_load %arg6[%parallel_loop3A_637, %parallel_loop3A_638] {strides = array<i32>} : memref<112x112xf32, #tpu.memory_space<vmem>>, vector<16xf32>,
        tpu.vector_store %arg6[%parallel_loop3A_637, %parallel_loop3A_638], %parallel_loop3A_636 {strides = array<i32>} : memref<112x112xf32, #tpu.memory_space<vmem>>, vector<16xf32>,
        %parallel_loop3A_640 = arith.constant 48 : i32
        %parallel_loop3A_641 = arith.addi %parallel_loop3A_640, %parallel_loop3A_506 : i32
        %parallel_loop3A_642 = arith.constant 65 : i32
        %parallel_loop3A_643 = vector.broadcast %parallel_loop3A_642 : i32 to vector<16xi32>
        %parallel_loop3A_644 = tpu.vector_load_idx %arg4[%parallel_loop3A_507, %iota3A, %parallel_loop3A_643] : memref<8x16x196xf32, #tpu.memory_space<vmem>>[vector<16xi32>, vector<16xi32>, vector<16xi32>], vector<16xf32>,
        %parallel_loop3A_645 = arith.index_cast %parallel_loop3A_641 : i32 to index
        %parallel_loop3A_646 = arith.constant 0 : index
        %parallel_loop3A_647 = tpu.vector_load %arg6[%parallel_loop3A_645, %parallel_loop3A_646] {strides = array<i32>} : memref<112x112xf32, #tpu.memory_space<vmem>>, vector<16xf32>,
        tpu.vector_store %arg6[%parallel_loop3A_645, %parallel_loop3A_646], %parallel_loop3A_644 {strides = array<i32>} : memref<112x112xf32, #tpu.memory_space<vmem>>, vector<16xf32>,
        %parallel_loop3A_648 = arith.constant 7 : i32
        %parallel_loop3A_649 = vector.broadcast %parallel_loop3A_648 : i32 to vector<16xi32>
        %parallel_loop3A_650 = tpu.vector_load_idx %arg4[%parallel_loop3A_507, %iota3A, %parallel_loop3A_649] : memref<8x16x196xf32, #tpu.memory_space<vmem>>[vector<16xi32>, vector<16xi32>, vector<16xi32>], vector<16xf32>,
        %parallel_loop3A_651 = arith.index_cast %parallel_loop3A_641 : i32 to index
        %parallel_loop3A_652 = arith.constant 16 : index
        %parallel_loop3A_653 = tpu.vector_load %arg6[%parallel_loop3A_651, %parallel_loop3A_652] {strides = array<i32>} : memref<112x112xf32, #tpu.memory_space<vmem>>, vector<16xf32>,
        tpu.vector_store %arg6[%parallel_loop3A_651, %parallel_loop3A_652], %parallel_loop3A_650 {strides = array<i32>} : memref<112x112xf32, #tpu.memory_space<vmem>>, vector<16xf32>,
        %parallel_loop3A_654 = arith.constant 4 : i32
        %parallel_loop3A_655 = vector.broadcast %parallel_loop3A_654 : i32 to vector<16xi32>
        %parallel_loop3A_656 = tpu.vector_load_idx %arg4[%parallel_loop3A_507, %iota3A, %parallel_loop3A_655] : memref<8x16x196xf32, #tpu.memory_space<vmem>>[vector<16xi32>, vector<16xi32>, vector<16xi32>], vector<16xf32>,
        %parallel_loop3A_657 = arith.index_cast %parallel_loop3A_641 : i32 to index
        %parallel_loop3A_658 = arith.constant 32 : index
        %parallel_loop3A_659 = tpu.vector_load %arg6[%parallel_loop3A_657, %parallel_loop3A_658] {strides = array<i32>} : memref<112x112xf32, #tpu.memory_space<vmem>>, vector<16xf32>,
        tpu.vector_store %arg6[%parallel_loop3A_657, %parallel_loop3A_658], %parallel_loop3A_656 {strides = array<i32>} : memref<112x112xf32, #tpu.memory_space<vmem>>, vector<16xf32>,
        %parallel_loop3A_660 = arith.constant 101 : i32
        %parallel_loop3A_661 = vector.broadcast %parallel_loop3A_660 : i32 to vector<16xi32>
        %parallel_loop3A_662 = tpu.vector_load_idx %arg4[%parallel_loop3A_507, %iota3A, %parallel_loop3A_661] : memref<8x16x196xf32, #tpu.memory_space<vmem>>[vector<16xi32>, vector<16xi32>, vector<16xi32>], vector<16xf32>,
        %parallel_loop3A_663 = arith.index_cast %parallel_loop3A_641 : i32 to index
        %parallel_loop3A_664 = arith.constant 48 : index
        %parallel_loop3A_665 = tpu.vector_load %arg6[%parallel_loop3A_663, %parallel_loop3A_664] {strides = array<i32>} : memref<112x112xf32, #tpu.memory_space<vmem>>, vector<16xf32>,
        tpu.vector_store %arg6[%parallel_loop3A_663, %parallel_loop3A_664], %parallel_loop3A_662 {strides = array<i32>} : memref<112x112xf32, #tpu.memory_space<vmem>>, vector<16xf32>,
        %parallel_loop3A_666 = arith.constant 102 : i32
        %parallel_loop3A_667 = vector.broadcast %parallel_loop3A_666 : i32 to vector<16xi32>
        %parallel_loop3A_668 = tpu.vector_load_idx %arg4[%parallel_loop3A_507, %iota3A, %parallel_loop3A_667] : memref<8x16x196xf32, #tpu.memory_space<vmem>>[vector<16xi32>, vector<16xi32>, vector<16xi32>], vector<16xf32>,
        %parallel_loop3A_669 = arith.index_cast %parallel_loop3A_641 : i32 to index
        %parallel_loop3A_670 = arith.constant 64 : index
        %parallel_loop3A_671 = tpu.vector_load %arg6[%parallel_loop3A_669, %parallel_loop3A_670] {strides = array<i32>} : memref<112x112xf32, #tpu.memory_space<vmem>>, vector<16xf32>,
        tpu.vector_store %arg6[%parallel_loop3A_669, %parallel_loop3A_670], %parallel_loop3A_668 {strides = array<i32>} : memref<112x112xf32, #tpu.memory_space<vmem>>, vector<16xf32>,
        %parallel_loop3A_672 = arith.constant 78 : i32
        %parallel_loop3A_673 = vector.broadcast %parallel_loop3A_672 : i32 to vector<16xi32>
        %parallel_loop3A_674 = tpu.vector_load_idx %arg4[%parallel_loop3A_507, %iota3A, %parallel_loop3A_673] : memref<8x16x196xf32, #tpu.memory_space<vmem>>[vector<16xi32>, vector<16xi32>, vector<16xi32>], vector<16xf32>,
        %parallel_loop3A_675 = arith.index_cast %parallel_loop3A_641 : i32 to index
        %parallel_loop3A_676 = arith.constant 80 : index
        %parallel_loop3A_677 = tpu.vector_load %arg6[%parallel_loop3A_675, %parallel_loop3A_676] {strides = array<i32>} : memref<112x112xf32, #tpu.memory_space<vmem>>, vector<16xf32>,
        tpu.vector_store %arg6[%parallel_loop3A_675, %parallel_loop3A_676], %parallel_loop3A_674 {strides = array<i32>} : memref<112x112xf32, #tpu.memory_space<vmem>>, vector<16xf32>,
        %parallel_loop3A_678 = arith.constant 163 : i32
        %parallel_loop3A_679 = vector.broadcast %parallel_loop3A_678 : i32 to vector<16xi32>
        %parallel_loop3A_680 = tpu.vector_load_idx %arg4[%parallel_loop3A_507, %iota3A, %parallel_loop3A_679] : memref<8x16x196xf32, #tpu.memory_space<vmem>>[vector<16xi32>, vector<16xi32>, vector<16xi32>], vector<16xf32>,
        %parallel_loop3A_681 = arith.index_cast %parallel_loop3A_641 : i32 to index
        %parallel_loop3A_682 = arith.constant 96 : index
        %parallel_loop3A_683 = tpu.vector_load %arg6[%parallel_loop3A_681, %parallel_loop3A_682] {strides = array<i32>} : memref<112x112xf32, #tpu.memory_space<vmem>>, vector<16xf32>,
        tpu.vector_store %arg6[%parallel_loop3A_681, %parallel_loop3A_682], %parallel_loop3A_680 {strides = array<i32>} : memref<112x112xf32, #tpu.memory_space<vmem>>, vector<16xf32>,
        %parallel_loop3A_684 = arith.constant 64 : i32
        %parallel_loop3A_685 = arith.addi %parallel_loop3A_684, %parallel_loop3A_506 : i32
        %parallel_loop3A_686 = arith.constant 157 : i32
        %parallel_loop3A_687 = vector.broadcast %parallel_loop3A_686 : i32 to vector<16xi32>
        %parallel_loop3A_688 = tpu.vector_load_idx %arg4[%parallel_loop3A_507, %iota3A, %parallel_loop3A_687] : memref<8x16x196xf32, #tpu.memory_space<vmem>>[vector<16xi32>, vector<16xi32>, vector<16xi32>], vector<16xf32>,
        %parallel_loop3A_689 = arith.index_cast %parallel_loop3A_685 : i32 to index
        %parallel_loop3A_690 = arith.constant 0 : index
        %parallel_loop3A_691 = tpu.vector_load %arg6[%parallel_loop3A_689, %parallel_loop3A_690] {strides = array<i32>} : memref<112x112xf32, #tpu.memory_space<vmem>>, vector<16xf32>,
        tpu.vector_store %arg6[%parallel_loop3A_689, %parallel_loop3A_690], %parallel_loop3A_688 {strides = array<i32>} : memref<112x112xf32, #tpu.memory_space<vmem>>, vector<16xf32>,
        %parallel_loop3A_692 = arith.constant 183 : i32
        %parallel_loop3A_693 = vector.broadcast %parallel_loop3A_692 : i32 to vector<16xi32>
        %parallel_loop3A_694 = tpu.vector_load_idx %arg4[%parallel_loop3A_507, %iota3A, %parallel_loop3A_693] : memref<8x16x196xf32, #tpu.memory_space<vmem>>[vector<16xi32>, vector<16xi32>, vector<16xi32>], vector<16xf32>,
        %parallel_loop3A_695 = arith.index_cast %parallel_loop3A_685 : i32 to index
        %parallel_loop3A_696 = arith.constant 16 : index
        %parallel_loop3A_697 = tpu.vector_load %arg6[%parallel_loop3A_695, %parallel_loop3A_696] {strides = array<i32>} : memref<112x112xf32, #tpu.memory_space<vmem>>, vector<16xf32>,
        tpu.vector_store %arg6[%parallel_loop3A_695, %parallel_loop3A_696], %parallel_loop3A_694 {strides = array<i32>} : memref<112x112xf32, #tpu.memory_space<vmem>>, vector<16xf32>,
        %parallel_loop3A_698 = arith.constant 29 : i32
        %parallel_loop3A_699 = vector.broadcast %parallel_loop3A_698 : i32 to vector<16xi32>
        %parallel_loop3A_700 = tpu.vector_load_idx %arg4[%parallel_loop3A_507, %iota3A, %parallel_loop3A_699] : memref<8x16x196xf32, #tpu.memory_space<vmem>>[vector<16xi32>, vector<16xi32>, vector<16xi32>], vector<16xf32>,
        %parallel_loop3A_701 = arith.index_cast %parallel_loop3A_685 : i32 to index
        %parallel_loop3A_702 = arith.constant 32 : index
        %parallel_loop3A_703 = tpu.vector_load %arg6[%parallel_loop3A_701, %parallel_loop3A_702] {strides = array<i32>} : memref<112x112xf32, #tpu.memory_space<vmem>>, vector<16xf32>,
        tpu.vector_store %arg6[%parallel_loop3A_701, %parallel_loop3A_702], %parallel_loop3A_700 {strides = array<i32>} : memref<112x112xf32, #tpu.memory_space<vmem>>, vector<16xf32>,
        %parallel_loop3A_704 = arith.constant 177 : i32
        %parallel_loop3A_705 = vector.broadcast %parallel_loop3A_704 : i32 to vector<16xi32>
        %parallel_loop3A_706 = tpu.vector_load_idx %arg4[%parallel_loop3A_507, %iota3A, %parallel_loop3A_705] : memref<8x16x196xf32, #tpu.memory_space<vmem>>[vector<16xi32>, vector<16xi32>, vector<16xi32>], vector<16xf32>,
        %parallel_loop3A_707 = arith.index_cast %parallel_loop3A_685 : i32 to index
        %parallel_loop3A_708 = arith.constant 48 : index
        %parallel_loop3A_709 = tpu.vector_load %arg6[%parallel_loop3A_707, %parallel_loop3A_708] {strides = array<i32>} : memref<112x112xf32, #tpu.memory_space<vmem>>, vector<16xf32>,
        tpu.vector_store %arg6[%parallel_loop3A_707, %parallel_loop3A_708], %parallel_loop3A_706 {strides = array<i32>} : memref<112x112xf32, #tpu.memory_space<vmem>>, vector<16xf32>,
        %parallel_loop3A_710 = arith.constant 108 : i32
        %parallel_loop3A_711 = vector.broadcast %parallel_loop3A_710 : i32 to vector<16xi32>
        %parallel_loop3A_712 = tpu.vector_load_idx %arg4[%parallel_loop3A_507, %iota3A, %parallel_loop3A_711] : memref<8x16x196xf32, #tpu.memory_space<vmem>>[vector<16xi32>, vector<16xi32>, vector<16xi32>], vector<16xf32>,
        %parallel_loop3A_713 = arith.index_cast %parallel_loop3A_685 : i32 to index
        %parallel_loop3A_714 = arith.constant 64 : index
        %parallel_loop3A_715 = tpu.vector_load %arg6[%parallel_loop3A_713, %parallel_loop3A_714] {strides = array<i32>} : memref<112x112xf32, #tpu.memory_space<vmem>>, vector<16xf32>,
        tpu.vector_store %arg6[%parallel_loop3A_713, %parallel_loop3A_714], %parallel_loop3A_712 {strides = array<i32>} : memref<112x112xf32, #tpu.memory_space<vmem>>, vector<16xf32>,
        %parallel_loop3A_716 = arith.constant 83 : i32
        %parallel_loop3A_717 = vector.broadcast %parallel_loop3A_716 : i32 to vector<16xi32>
        %parallel_loop3A_718 = tpu.vector_load_idx %arg4[%parallel_loop3A_507, %iota3A, %parallel_loop3A_717] : memref<8x16x196xf32, #tpu.memory_space<vmem>>[vector<16xi32>, vector<16xi32>, vector<16xi32>], vector<16xf32>,
        %parallel_loop3A_719 = arith.index_cast %parallel_loop3A_685 : i32 to index
        %parallel_loop3A_720 = arith.constant 80 : index
        %parallel_loop3A_721 = tpu.vector_load %arg6[%parallel_loop3A_719, %parallel_loop3A_720] {strides = array<i32>} : memref<112x112xf32, #tpu.memory_space<vmem>>, vector<16xf32>,
        tpu.vector_store %arg6[%parallel_loop3A_719, %parallel_loop3A_720], %parallel_loop3A_718 {strides = array<i32>} : memref<112x112xf32, #tpu.memory_space<vmem>>, vector<16xf32>,
        %parallel_loop3A_722 = arith.constant 129 : i32
        %parallel_loop3A_723 = vector.broadcast %parallel_loop3A_722 : i32 to vector<16xi32>
        %parallel_loop3A_724 = tpu.vector_load_idx %arg4[%parallel_loop3A_507, %iota3A, %parallel_loop3A_723] : memref<8x16x196xf32, #tpu.memory_space<vmem>>[vector<16xi32>, vector<16xi32>, vector<16xi32>], vector<16xf32>,
        %parallel_loop3A_725 = arith.index_cast %parallel_loop3A_685 : i32 to index
        %parallel_loop3A_726 = arith.constant 96 : index
        %parallel_loop3A_727 = tpu.vector_load %arg6[%parallel_loop3A_725, %parallel_loop3A_726] {strides = array<i32>} : memref<112x112xf32, #tpu.memory_space<vmem>>, vector<16xf32>,
        tpu.vector_store %arg6[%parallel_loop3A_725, %parallel_loop3A_726], %parallel_loop3A_724 {strides = array<i32>} : memref<112x112xf32, #tpu.memory_space<vmem>>, vector<16xf32>,
        %parallel_loop3A_728 = arith.constant 80 : i32
        %parallel_loop3A_729 = arith.addi %parallel_loop3A_728, %parallel_loop3A_506 : i32
        %parallel_loop3A_730 = arith.constant 44 : i32
        %parallel_loop3A_731 = vector.broadcast %parallel_loop3A_730 : i32 to vector<16xi32>
        %parallel_loop3A_732 = tpu.vector_load_idx %arg4[%parallel_loop3A_507, %iota3A, %parallel_loop3A_731] : memref<8x16x196xf32, #tpu.memory_space<vmem>>[vector<16xi32>, vector<16xi32>, vector<16xi32>], vector<16xf32>,
        %parallel_loop3A_733 = arith.index_cast %parallel_loop3A_729 : i32 to index
        %parallel_loop3A_734 = arith.constant 0 : index
        %parallel_loop3A_735 = tpu.vector_load %arg6[%parallel_loop3A_733, %parallel_loop3A_734] {strides = array<i32>} : memref<112x112xf32, #tpu.memory_space<vmem>>, vector<16xf32>,
        tpu.vector_store %arg6[%parallel_loop3A_733, %parallel_loop3A_734], %parallel_loop3A_732 {strides = array<i32>} : memref<112x112xf32, #tpu.memory_space<vmem>>, vector<16xf32>,
        %parallel_loop3A_736 = arith.constant 16 : i32
        %parallel_loop3A_737 = vector.broadcast %parallel_loop3A_736 : i32 to vector<16xi32>
        %parallel_loop3A_738 = tpu.vector_load_idx %arg4[%parallel_loop3A_507, %iota3A, %parallel_loop3A_737] : memref<8x16x196xf32, #tpu.memory_space<vmem>>[vector<16xi32>, vector<16xi32>, vector<16xi32>], vector<16xf32>,
        %parallel_loop3A_739 = arith.index_cast %parallel_loop3A_729 : i32 to index
        %parallel_loop3A_740 = arith.constant 16 : index
        %parallel_loop3A_741 = tpu.vector_load %arg6[%parallel_loop3A_739, %parallel_loop3A_740] {strides = array<i32>} : memref<112x112xf32, #tpu.memory_space<vmem>>, vector<16xf32>,
        tpu.vector_store %arg6[%parallel_loop3A_739, %parallel_loop3A_740], %parallel_loop3A_738 {strides = array<i32>} : memref<112x112xf32, #tpu.memory_space<vmem>>, vector<16xf32>,
        %parallel_loop3A_742 = arith.constant 58 : i32
        %parallel_loop3A_743 = vector.broadcast %parallel_loop3A_742 : i32 to vector<16xi32>
        %parallel_loop3A_744 = tpu.vector_load_idx %arg4[%parallel_loop3A_507, %iota3A, %parallel_loop3A_743] : memref<8x16x196xf32, #tpu.memory_space<vmem>>[vector<16xi32>, vector<16xi32>, vector<16xi32>], vector<16xf32>,
        %parallel_loop3A_745 = arith.index_cast %parallel_loop3A_729 : i32 to index
        %parallel_loop3A_746 = arith.constant 32 : index
        %parallel_loop3A_747 = tpu.vector_load %arg6[%parallel_loop3A_745, %parallel_loop3A_746] {strides = array<i32>} : memref<112x112xf32, #tpu.memory_space<vmem>>, vector<16xf32>,
        tpu.vector_store %arg6[%parallel_loop3A_745, %parallel_loop3A_746], %parallel_loop3A_744 {strides = array<i32>} : memref<112x112xf32, #tpu.memory_space<vmem>>, vector<16xf32>,
        %parallel_loop3A_748 = arith.constant 123 : i32
        %parallel_loop3A_749 = vector.broadcast %parallel_loop3A_748 : i32 to vector<16xi32>
        %parallel_loop3A_750 = tpu.vector_load_idx %arg4[%parallel_loop3A_507, %iota3A, %parallel_loop3A_749] : memref<8x16x196xf32, #tpu.memory_space<vmem>>[vector<16xi32>, vector<16xi32>, vector<16xi32>], vector<16xf32>,
        %parallel_loop3A_751 = arith.index_cast %parallel_loop3A_729 : i32 to index
        %parallel_loop3A_752 = arith.constant 48 : index
        %parallel_loop3A_753 = tpu.vector_load %arg6[%parallel_loop3A_751, %parallel_loop3A_752] {strides = array<i32>} : memref<112x112xf32, #tpu.memory_space<vmem>>, vector<16xf32>,
        tpu.vector_store %arg6[%parallel_loop3A_751, %parallel_loop3A_752], %parallel_loop3A_750 {strides = array<i32>} : memref<112x112xf32, #tpu.memory_space<vmem>>, vector<16xf32>,
        %parallel_loop3A_754 = arith.constant 37 : i32
        %parallel_loop3A_755 = vector.broadcast %parallel_loop3A_754 : i32 to vector<16xi32>
        %parallel_loop3A_756 = tpu.vector_load_idx %arg4[%parallel_loop3A_507, %iota3A, %parallel_loop3A_755] : memref<8x16x196xf32, #tpu.memory_space<vmem>>[vector<16xi32>, vector<16xi32>, vector<16xi32>], vector<16xf32>,
        %parallel_loop3A_757 = arith.index_cast %parallel_loop3A_729 : i32 to index
        %parallel_loop3A_758 = arith.constant 64 : index
        %parallel_loop3A_759 = tpu.vector_load %arg6[%parallel_loop3A_757, %parallel_loop3A_758] {strides = array<i32>} : memref<112x112xf32, #tpu.memory_space<vmem>>, vector<16xf32>,
        tpu.vector_store %arg6[%parallel_loop3A_757, %parallel_loop3A_758], %parallel_loop3A_756 {strides = array<i32>} : memref<112x112xf32, #tpu.memory_space<vmem>>, vector<16xf32>,
        %parallel_loop3A_760 = arith.constant 111 : i32
        %parallel_loop3A_761 = vector.broadcast %parallel_loop3A_760 : i32 to vector<16xi32>
        %parallel_loop3A_762 = tpu.vector_load_idx %arg4[%parallel_loop3A_507, %iota3A, %parallel_loop3A_761] : memref<8x16x196xf32, #tpu.memory_space<vmem>>[vector<16xi32>, vector<16xi32>, vector<16xi32>], vector<16xf32>,
        %parallel_loop3A_763 = arith.index_cast %parallel_loop3A_729 : i32 to index
        %parallel_loop3A_764 = arith.constant 80 : index
        %parallel_loop3A_765 = tpu.vector_load %arg6[%parallel_loop3A_763, %parallel_loop3A_764] {strides = array<i32>} : memref<112x112xf32, #tpu.memory_space<vmem>>, vector<16xf32>,
        tpu.vector_store %arg6[%parallel_loop3A_763, %parallel_loop3A_764], %parallel_loop3A_762 {strides = array<i32>} : memref<112x112xf32, #tpu.memory_space<vmem>>, vector<16xf32>,
        %parallel_loop3A_766 = arith.constant 19 : i32
        %parallel_loop3A_767 = vector.broadcast %parallel_loop3A_766 : i32 to vector<16xi32>
        %parallel_loop3A_768 = tpu.vector_load_idx %arg4[%parallel_loop3A_507, %iota3A, %parallel_loop3A_767] : memref<8x16x196xf32, #tpu.memory_space<vmem>>[vector<16xi32>, vector<16xi32>, vector<16xi32>], vector<16xf32>,
        %parallel_loop3A_769 = arith.index_cast %parallel_loop3A_729 : i32 to index
        %parallel_loop3A_770 = arith.constant 96 : index
        %parallel_loop3A_771 = tpu.vector_load %arg6[%parallel_loop3A_769, %parallel_loop3A_770] {strides = array<i32>} : memref<112x112xf32, #tpu.memory_space<vmem>>, vector<16xf32>,
        tpu.vector_store %arg6[%parallel_loop3A_769, %parallel_loop3A_770], %parallel_loop3A_768 {strides = array<i32>} : memref<112x112xf32, #tpu.memory_space<vmem>>, vector<16xf32>,
        %parallel_loop3A_772 = arith.constant 96 : i32
        %parallel_loop3A_773 = arith.addi %parallel_loop3A_772, %parallel_loop3A_506 : i32
        %parallel_loop3A_774 = arith.constant 61 : i32
        %parallel_loop3A_775 = vector.broadcast %parallel_loop3A_774 : i32 to vector<16xi32>
        %parallel_loop3A_776 = tpu.vector_load_idx %arg4[%parallel_loop3A_507, %iota3A, %parallel_loop3A_775] : memref<8x16x196xf32, #tpu.memory_space<vmem>>[vector<16xi32>, vector<16xi32>, vector<16xi32>], vector<16xf32>,
        %parallel_loop3A_777 = arith.index_cast %parallel_loop3A_773 : i32 to index
        %parallel_loop3A_778 = arith.constant 0 : index
        %parallel_loop3A_779 = tpu.vector_load %arg6[%parallel_loop3A_777, %parallel_loop3A_778] {strides = array<i32>} : memref<112x112xf32, #tpu.memory_space<vmem>>, vector<16xf32>,
        tpu.vector_store %arg6[%parallel_loop3A_777, %parallel_loop3A_778], %parallel_loop3A_776 {strides = array<i32>} : memref<112x112xf32, #tpu.memory_space<vmem>>, vector<16xf32>,
        %parallel_loop3A_780 = arith.constant 2 : i32
        %parallel_loop3A_781 = vector.broadcast %parallel_loop3A_780 : i32 to vector<16xi32>
        %parallel_loop3A_782 = tpu.vector_load_idx %arg4[%parallel_loop3A_507, %iota3A, %parallel_loop3A_781] : memref<8x16x196xf32, #tpu.memory_space<vmem>>[vector<16xi32>, vector<16xi32>, vector<16xi32>], vector<16xf32>,
        %parallel_loop3A_783 = arith.index_cast %parallel_loop3A_773 : i32 to index
        %parallel_loop3A_784 = arith.constant 16 : index
        %parallel_loop3A_785 = tpu.vector_load %arg6[%parallel_loop3A_783, %parallel_loop3A_784] {strides = array<i32>} : memref<112x112xf32, #tpu.memory_space<vmem>>, vector<16xf32>,
        tpu.vector_store %arg6[%parallel_loop3A_783, %parallel_loop3A_784], %parallel_loop3A_782 {strides = array<i32>} : memref<112x112xf32, #tpu.memory_space<vmem>>, vector<16xf32>,
        %parallel_loop3A_786 = arith.constant 142 : i32
        %parallel_loop3A_787 = vector.broadcast %parallel_loop3A_786 : i32 to vector<16xi32>
        %parallel_loop3A_788 = tpu.vector_load_idx %arg4[%parallel_loop3A_507, %iota3A, %parallel_loop3A_787] : memref<8x16x196xf32, #tpu.memory_space<vmem>>[vector<16xi32>, vector<16xi32>, vector<16xi32>], vector<16xf32>,
        %parallel_loop3A_789 = arith.index_cast %parallel_loop3A_773 : i32 to index
        %parallel_loop3A_790 = arith.constant 32 : index
        %parallel_loop3A_791 = tpu.vector_load %arg6[%parallel_loop3A_789, %parallel_loop3A_790] {strides = array<i32>} : memref<112x112xf32, #tpu.memory_space<vmem>>, vector<16xf32>,
        tpu.vector_store %arg6[%parallel_loop3A_789, %parallel_loop3A_790], %parallel_loop3A_788 {strides = array<i32>} : memref<112x112xf32, #tpu.memory_space<vmem>>, vector<16xf32>,
        %parallel_loop3A_792 = arith.constant 34 : i32
        %parallel_loop3A_793 = vector.broadcast %parallel_loop3A_792 : i32 to vector<16xi32>
        %parallel_loop3A_794 = tpu.vector_load_idx %arg4[%parallel_loop3A_507, %iota3A, %parallel_loop3A_793] : memref<8x16x196xf32, #tpu.memory_space<vmem>>[vector<16xi32>, vector<16xi32>, vector<16xi32>], vector<16xf32>,
        %parallel_loop3A_795 = arith.index_cast %parallel_loop3A_773 : i32 to index
        %parallel_loop3A_796 = arith.constant 48 : index
        %parallel_loop3A_797 = tpu.vector_load %arg6[%parallel_loop3A_795, %parallel_loop3A_796] {strides = array<i32>} : memref<112x112xf32, #tpu.memory_space<vmem>>, vector<16xf32>,
        tpu.vector_store %arg6[%parallel_loop3A_795, %parallel_loop3A_796], %parallel_loop3A_794 {strides = array<i32>} : memref<112x112xf32, #tpu.memory_space<vmem>>, vector<16xf32>,
        %parallel_loop3A_798 = arith.constant 156 : i32
        %parallel_loop3A_799 = vector.broadcast %parallel_loop3A_798 : i32 to vector<16xi32>
        %parallel_loop3A_800 = tpu.vector_load_idx %arg4[%parallel_loop3A_507, %iota3A, %parallel_loop3A_799] : memref<8x16x196xf32, #tpu.memory_space<vmem>>[vector<16xi32>, vector<16xi32>, vector<16xi32>], vector<16xf32>,
        %parallel_loop3A_801 = arith.index_cast %parallel_loop3A_773 : i32 to index
        %parallel_loop3A_802 = arith.constant 64 : index
        %parallel_loop3A_803 = tpu.vector_load %arg6[%parallel_loop3A_801, %parallel_loop3A_802] {strides = array<i32>} : memref<112x112xf32, #tpu.memory_space<vmem>>, vector<16xf32>,
        tpu.vector_store %arg6[%parallel_loop3A_801, %parallel_loop3A_802], %parallel_loop3A_800 {strides = array<i32>} : memref<112x112xf32, #tpu.memory_space<vmem>>, vector<16xf32>,
        %parallel_loop3A_804 = arith.constant 5 : i32
        %parallel_loop3A_805 = vector.broadcast %parallel_loop3A_804 : i32 to vector<16xi32>
        %parallel_loop3A_806 = tpu.vector_load_idx %arg4[%parallel_loop3A_507, %iota3A, %parallel_loop3A_805] : memref<8x16x196xf32, #tpu.memory_space<vmem>>[vector<16xi32>, vector<16xi32>, vector<16xi32>], vector<16xf32>,
        %parallel_loop3A_807 = arith.index_cast %parallel_loop3A_773 : i32 to index
        %parallel_loop3A_808 = arith.constant 80 : index
        %parallel_loop3A_809 = tpu.vector_load %arg6[%parallel_loop3A_807, %parallel_loop3A_808] {strides = array<i32>} : memref<112x112xf32, #tpu.memory_space<vmem>>, vector<16xf32>,
        tpu.vector_store %arg6[%parallel_loop3A_807, %parallel_loop3A_808], %parallel_loop3A_806 {strides = array<i32>} : memref<112x112xf32, #tpu.memory_space<vmem>>, vector<16xf32>,
        %parallel_loop3A_810 = arith.constant 90 : i32
        %parallel_loop3A_811 = vector.broadcast %parallel_loop3A_810 : i32 to vector<16xi32>
        %parallel_loop3A_812 = tpu.vector_load_idx %arg4[%parallel_loop3A_507, %iota3A, %parallel_loop3A_811] : memref<8x16x196xf32, #tpu.memory_space<vmem>>[vector<16xi32>, vector<16xi32>, vector<16xi32>], vector<16xf32>,
        %parallel_loop3A_813 = arith.index_cast %parallel_loop3A_773 : i32 to index
        %parallel_loop3A_814 = arith.constant 96 : index
        %parallel_loop3A_815 = tpu.vector_load %arg6[%parallel_loop3A_813, %parallel_loop3A_814] {strides = array<i32>} : memref<112x112xf32, #tpu.memory_space<vmem>>, vector<16xf32>,
        tpu.vector_store %arg6[%parallel_loop3A_813, %parallel_loop3A_814], %parallel_loop3A_812 {strides = array<i32>} : memref<112x112xf32, #tpu.memory_space<vmem>>, vector<16xf32>,
      } {sc.loop_unroll_factor = 2 : i64, sc.parallel_access}
      %jit3A_165 = arith.constant 192 : i32
      %div3A_166 = arith.divsi %add3A_145, %jit3A_165 : i32
      %sign3A_167 = arith.constant 0 : i32
      %sign3A_168 = arith.cmpi sgt, %add3A_145, %sign3A_167 : i32
      %sign3A_169 = arith.extui %sign3A_168 : i1 to i32
      %sign3A_170 = arith.constant 0 : i32
      %sign3A_171 = arith.cmpi slt, %add3A_145, %sign3A_170 : i32
      %sign3A_172 = arith.extui %sign3A_171 : i1 to i32
      %sign3A_173 = arith.subi %sign3A_169, %sign3A_172 : i32
      %sign3A_174 = arith.constant 0 : i32
      %sign3A_175 = arith.cmpi sgt, %jit3A_165, %sign3A_174 : i32
      %sign3A_176 = arith.extui %sign3A_175 : i1 to i32
      %sign3A_177 = arith.constant 0 : i32
      %sign3A_178 = arith.cmpi slt, %jit3A_165, %sign3A_177 : i32
      %sign3A_179 = arith.extui %sign3A_178 : i1 to i32
      %sign3A_180 = arith.subi %sign3A_176, %sign3A_179 : i32
      %ne3A_181 = arith.cmpi ne, %sign3A_173, %sign3A_180 : i32
      %rem3A_182 = arith.remsi %add3A_145, %jit3A_165 : i32
      %ne3A_183 = arith.constant 0 : i32
      %ne3A_184 = arith.cmpi ne, %rem3A_182, %ne3A_183 : i32
      %and3A_185 = arith.andi %ne3A_181, %ne3A_184 : i1
      %sub3A_186 = arith.constant 1 : i32
      %sub3A_187 = arith.subi %div3A_166, %sub3A_186 : i32
      %select_n3A_188 = arith.select %and3A_185, %sub3A_187, %div3A_166 : i32
      %jit3A_189 = arith.constant 192 : i32
      %eq3A_190 = arith.constant 0 : i32
      %eq3A_191 = arith.cmpi eq, %jit3A_189, %eq3A_190 : i32
      %jit3A_192 = arith.constant 1 : i32
      %select_n3A_193 = arith.select %eq3A_191, %jit3A_192, %jit3A_189 : i32
      %rem3A_194 = arith.remsi %add3A_145, %select_n3A_193 : i32
      %ne3A_195 = arith.constant 0 : i32
      %ne3A_196 = arith.cmpi ne, %rem3A_194, %ne3A_195 : i32
      %lt3A_197 = arith.constant 0 : i32
      %lt3A_198 = arith.cmpi slt, %rem3A_194, %lt3A_197 : i32
      %lt3A_199 = arith.constant 0 : i32
      %lt3A_200 = arith.cmpi slt, %select_n3A_193, %lt3A_199 : i32
      %ne3A_201 = arith.xori %lt3A_198, %lt3A_200 : i1
      %and3A_202 = arith.andi %ne3A_201, %ne3A_196 : i1
      %add3A_203 = arith.addi %rem3A_194, %select_n3A_193 : i32
      %select_n3A_204 = arith.select %and3A_202, %add3A_203, %rem3A_194 : i32
      %dma_start3A_205 = arith.constant 0 : i32
      %dma_start3A_206 = arith.constant 0 : i32
      %dma_start3A_207 = arith.constant 0 : i32
      %dma_start3A_208 = tpu.memref_slice %arg2[%select_n3A_188, %select_n3A_204, %dma_start3A_205, %dma_start3A_206, %dma_start3A_207] : memref<8x192x16x16x196xf32, #tpu.memory_space<hbm>> -> memref<1x1x8x16x196xf32, #tpu.memory_space<hbm>>
      %dma_start3A_209 = tpu.memref_squeeze %dma_start3A_208 : memref<1x1x8x16x196xf32, #tpu.memory_space<hbm>> -> memref<8x16x196xf32, #tpu.memory_space<hbm>>
      %dma_start3A_210 = arith.constant 0 : i32
      %dma_start3A_211 = arith.constant 0 : i32
      %dma_start3A_212 = arith.constant 0 : i32
      %dma_start3A_213 = tpu.memref_slice %arg2[%select_n3A_188, %select_n3A_204, %dma_start3A_210, %dma_start3A_211, %dma_start3A_212] : memref<8x192x16x16x196xf32, #tpu.memory_space<hbm>> -> memref<1x1x8x16x196xf32, #tpu.memory_space<hbm>>
      %dma_start3A_214 = tpu.memref_squeeze %dma_start3A_213 : memref<1x1x8x16x196xf32, #tpu.memory_space<hbm>> -> memref<8x16x196xf32, #tpu.memory_space<hbm>>
      tpu.enqueue_dma source(%dma_start3A_214 : memref<8x16x196xf32, #tpu.memory_space<hbm>>) target(%arg4 : memref<8x16x196xf32, #tpu.memory_space<vmem>>) target_semaphore(%arg8 : memref<!tpu.dma_semaphore, #tpu.memory_space<semaphore_mem>>)
      %dma_wait3A_215 = arith.constant 0 : i32
      %dma_wait3A_216 = arith.constant 0 : i32
      %dma_wait3A_217 = arith.constant 0 : i32
      %dma_wait3A_218 = arith.constant 0 : i32
      %dma_wait3A_219 = arith.constant 0 : i32
      %dma_wait3A_220 = tpu.memref_slice %arg2[%dma_wait3A_215, %dma_wait3A_216, %dma_wait3A_217, %dma_wait3A_218, %dma_wait3A_219] : memref<8x192x16x16x196xf32, #tpu.memory_space<hbm>> -> memref<1x1x8x16x196xf32, #tpu.memory_space<hbm>>
      %dma_wait3A_221 = tpu.memref_squeeze %dma_wait3A_220 : memref<1x1x8x16x196xf32, #tpu.memory_space<hbm>> -> memref<8x16x196xf32, #tpu.memory_space<hbm>>
      %dma_wait3A_222 = arith.constant 0 : i32
      %dma_wait3A_223 = arith.constant 0 : i32
      %dma_wait3A_224 = arith.constant 0 : i32
      %dma_wait3A_225 = tpu.memref_slice %arg2[%dma_wait3A_215, %dma_wait3A_216, %dma_wait3A_222, %dma_wait3A_223, %dma_wait3A_224] : memref<8x192x16x16x196xf32, #tpu.memory_space<hbm>> -> memref<1x1x8x16x196xf32, #tpu.memory_space<hbm>>
      %dma_wait3A_226 = tpu.memref_squeeze %dma_wait3A_225 : memref<1x1x8x16x196xf32, #tpu.memory_space<hbm>> -> memref<8x16x196xf32, #tpu.memory_space<hbm>>
      tpu.wait_dma2 semaphore(%arg9 : memref<!tpu.dma_semaphore, #tpu.memory_space<semaphore_mem>>) src(%dma_wait3A_226 : memref<8x16x196xf32, #tpu.memory_space<hbm>>) dst(%arg5 : memref<8x16x196xf32, #tpu.memory_space<vmem>>)
      %parallel_loop3A_227 = arith.constant 0 : i32
      %parallel_loop3A_228 = arith.constant 8 : i32
      %parallel_loop3A_229 = arith.constant 1 : i32
      scf.for %parallel_loop3A_506 = %parallel_loop3A_227 to %parallel_loop3A_228 step %parallel_loop3A_229  : i32 {
        %parallel_loop3A_507 = vector.broadcast %parallel_loop3A_506 : i32 to vector<16xi32>
        %parallel_loop3A_508 = arith.constant 8 : i32
        %parallel_loop3A_509 = arith.addi %parallel_loop3A_508, %parallel_loop3A_506 : i32
        %parallel_loop3A_510 = arith.constant 121 : i32
        %parallel_loop3A_511 = vector.broadcast %parallel_loop3A_510 : i32 to vector<16xi32>
        %parallel_loop3A_512 = tpu.vector_load_idx %arg5[%parallel_loop3A_507, %iota3A, %parallel_loop3A_511] : memref<8x16x196xf32, #tpu.memory_space<vmem>>[vector<16xi32>, vector<16xi32>, vector<16xi32>], vector<16xf32>,
        %parallel_loop3A_513 = arith.index_cast %parallel_loop3A_509 : i32 to index
        %parallel_loop3A_514 = arith.constant 0 : index
        %parallel_loop3A_515 = tpu.vector_load %arg6[%parallel_loop3A_513, %parallel_loop3A_514] {strides = array<i32>} : memref<112x112xf32, #tpu.memory_space<vmem>>, vector<16xf32>,
        tpu.vector_store %arg6[%parallel_loop3A_513, %parallel_loop3A_514], %parallel_loop3A_512 {strides = array<i32>} : memref<112x112xf32, #tpu.memory_space<vmem>>, vector<16xf32>,
        %parallel_loop3A_516 = arith.constant 35 : i32
        %parallel_loop3A_517 = vector.broadcast %parallel_loop3A_516 : i32 to vector<16xi32>
        %parallel_loop3A_518 = tpu.vector_load_idx %arg5[%parallel_loop3A_507, %iota3A, %parallel_loop3A_517] : memref<8x16x196xf32, #tpu.memory_space<vmem>>[vector<16xi32>, vector<16xi32>, vector<16xi32>], vector<16xf32>,
        %parallel_loop3A_519 = arith.index_cast %parallel_loop3A_509 : i32 to index
        %parallel_loop3A_520 = arith.constant 16 : index
        %parallel_loop3A_521 = tpu.vector_load %arg6[%parallel_loop3A_519, %parallel_loop3A_520] {strides = array<i32>} : memref<112x112xf32, #tpu.memory_space<vmem>>, vector<16xf32>,
        tpu.vector_store %arg6[%parallel_loop3A_519, %parallel_loop3A_520], %parallel_loop3A_518 {strides = array<i32>} : memref<112x112xf32, #tpu.memory_space<vmem>>, vector<16xf32>,
        %parallel_loop3A_522 = arith.constant 130 : i32
        %parallel_loop3A_523 = vector.broadcast %parallel_loop3A_522 : i32 to vector<16xi32>
        %parallel_loop3A_524 = tpu.vector_load_idx %arg5[%parallel_loop3A_507, %iota3A, %parallel_loop3A_523] : memref<8x16x196xf32, #tpu.memory_space<vmem>>[vector<16xi32>, vector<16xi32>, vector<16xi32>], vector<16xf32>,
        %parallel_loop3A_525 = arith.index_cast %parallel_loop3A_509 : i32 to index
        %parallel_loop3A_526 = arith.constant 32 : index
        %parallel_loop3A_527 = tpu.vector_load %arg6[%parallel_loop3A_525, %parallel_loop3A_526] {strides = array<i32>} : memref<112x112xf32, #tpu.memory_space<vmem>>, vector<16xf32>,
        tpu.vector_store %arg6[%parallel_loop3A_525, %parallel_loop3A_526], %parallel_loop3A_524 {strides = array<i32>} : memref<112x112xf32, #tpu.memory_space<vmem>>, vector<16xf32>,
        %parallel_loop3A_528 = arith.constant 148 : i32
        %parallel_loop3A_529 = vector.broadcast %parallel_loop3A_528 : i32 to vector<16xi32>
        %parallel_loop3A_530 = tpu.vector_load_idx %arg5[%parallel_loop3A_507, %iota3A, %parallel_loop3A_529] : memref<8x16x196xf32, #tpu.memory_space<vmem>>[vector<16xi32>, vector<16xi32>, vector<16xi32>], vector<16xf32>,
        %parallel_loop3A_531 = arith.index_cast %parallel_loop3A_509 : i32 to index
        %parallel_loop3A_532 = arith.constant 48 : index
        %parallel_loop3A_533 = tpu.vector_load %arg6[%parallel_loop3A_531, %parallel_loop3A_532] {strides = array<i32>} : memref<112x112xf32, #tpu.memory_space<vmem>>, vector<16xf32>,
        tpu.vector_store %arg6[%parallel_loop3A_531, %parallel_loop3A_532], %parallel_loop3A_530 {strides = array<i32>} : memref<112x112xf32, #tpu.memory_space<vmem>>, vector<16xf32>,
        %parallel_loop3A_534 = arith.constant 45 : i32
        %parallel_loop3A_535 = vector.broadcast %parallel_loop3A_534 : i32 to vector<16xi32>
        %parallel_loop3A_536 = tpu.vector_load_idx %arg5[%parallel_loop3A_507, %iota3A, %parallel_loop3A_535] : memref<8x16x196xf32, #tpu.memory_space<vmem>>[vector<16xi32>, vector<16xi32>, vector<16xi32>], vector<16xf32>,
        %parallel_loop3A_537 = arith.index_cast %parallel_loop3A_509 : i32 to index
        %parallel_loop3A_538 = arith.constant 64 : index
        %parallel_loop3A_539 = tpu.vector_load %arg6[%parallel_loop3A_537, %parallel_loop3A_538] {strides = array<i32>} : memref<112x112xf32, #tpu.memory_space<vmem>>, vector<16xf32>,
        tpu.vector_store %arg6[%parallel_loop3A_537, %parallel_loop3A_538], %parallel_loop3A_536 {strides = array<i32>} : memref<112x112xf32, #tpu.memory_space<vmem>>, vector<16xf32>,
        %parallel_loop3A_540 = arith.constant 176 : i32
        %parallel_loop3A_541 = vector.broadcast %parallel_loop3A_540 : i32 to vector<16xi32>
        %parallel_loop3A_542 = tpu.vector_load_idx %arg5[%parallel_loop3A_507, %iota3A, %parallel_loop3A_541] : memref<8x16x196xf32, #tpu.memory_space<vmem>>[vector<16xi32>, vector<16xi32>, vector<16xi32>], vector<16xf32>,
        %parallel_loop3A_543 = arith.index_cast %parallel_loop3A_509 : i32 to index
        %parallel_loop3A_544 = arith.constant 80 : index
        %parallel_loop3A_545 = tpu.vector_load %arg6[%parallel_loop3A_543, %parallel_loop3A_544] {strides = array<i32>} : memref<112x112xf32, #tpu.memory_space<vmem>>, vector<16xf32>,
        tpu.vector_store %arg6[%parallel_loop3A_543, %parallel_loop3A_544], %parallel_loop3A_542 {strides = array<i32>} : memref<112x112xf32, #tpu.memory_space<vmem>>, vector<16xf32>,
        %parallel_loop3A_546 = arith.constant 179 : i32
        %parallel_loop3A_547 = vector.broadcast %parallel_loop3A_546 : i32 to vector<16xi32>
        %parallel_loop3A_548 = tpu.vector_load_idx %arg5[%parallel_loop3A_507, %iota3A, %parallel_loop3A_547] : memref<8x16x196xf32, #tpu.memory_space<vmem>>[vector<16xi32>, vector<16xi32>, vector<16xi32>], vector<16xf32>,
        %parallel_loop3A_549 = arith.index_cast %parallel_loop3A_509 : i32 to index
        %parallel_loop3A_550 = arith.constant 96 : index
        %parallel_loop3A_551 = tpu.vector_load %arg6[%parallel_loop3A_549, %parallel_loop3A_550] {strides = array<i32>} : memref<112x112xf32, #tpu.memory_space<vmem>>, vector<16xf32>,
        tpu.vector_store %arg6[%parallel_loop3A_549, %parallel_loop3A_550], %parallel_loop3A_548 {strides = array<i32>} : memref<112x112xf32, #tpu.memory_space<vmem>>, vector<16xf32>,
        %parallel_loop3A_552 = arith.constant 24 : i32
        %parallel_loop3A_553 = arith.addi %parallel_loop3A_552, %parallel_loop3A_506 : i32
        %parallel_loop3A_554 = arith.constant 139 : i32
        %parallel_loop3A_555 = vector.broadcast %parallel_loop3A_554 : i32 to vector<16xi32>
        %parallel_loop3A_556 = tpu.vector_load_idx %arg5[%parallel_loop3A_507, %iota3A, %parallel_loop3A_555] : memref<8x16x196xf32, #tpu.memory_space<vmem>>[vector<16xi32>, vector<16xi32>, vector<16xi32>], vector<16xf32>,
        %parallel_loop3A_557 = arith.index_cast %parallel_loop3A_553 : i32 to index
        %parallel_loop3A_558 = arith.constant 0 : index
        %parallel_loop3A_559 = tpu.vector_load %arg6[%parallel_loop3A_557, %parallel_loop3A_558] {strides = array<i32>} : memref<112x112xf32, #tpu.memory_space<vmem>>, vector<16xf32>,
        tpu.vector_store %arg6[%parallel_loop3A_557, %parallel_loop3A_558], %parallel_loop3A_556 {strides = array<i32>} : memref<112x112xf32, #tpu.memory_space<vmem>>, vector<16xf32>,
        %parallel_loop3A_560 = arith.constant 188 : i32
        %parallel_loop3A_561 = vector.broadcast %parallel_loop3A_560 : i32 to vector<16xi32>
        %parallel_loop3A_562 = tpu.vector_load_idx %arg5[%parallel_loop3A_507, %iota3A, %parallel_loop3A_561] : memref<8x16x196xf32, #tpu.memory_space<vmem>>[vector<16xi32>, vector<16xi32>, vector<16xi32>], vector<16xf32>,
        %parallel_loop3A_563 = arith.index_cast %parallel_loop3A_553 : i32 to index
        %parallel_loop3A_564 = arith.constant 16 : index
        %parallel_loop3A_565 = tpu.vector_load %arg6[%parallel_loop3A_563, %parallel_loop3A_564] {strides = array<i32>} : memref<112x112xf32, #tpu.memory_space<vmem>>, vector<16xf32>,
        tpu.vector_store %arg6[%parallel_loop3A_563, %parallel_loop3A_564], %parallel_loop3A_562 {strides = array<i32>} : memref<112x112xf32, #tpu.memory_space<vmem>>, vector<16xf32>,
        %parallel_loop3A_566 = arith.constant 99 : i32
        %parallel_loop3A_567 = vector.broadcast %parallel_loop3A_566 : i32 to vector<16xi32>
        %parallel_loop3A_568 = tpu.vector_load_idx %arg5[%parallel_loop3A_507, %iota3A, %parallel_loop3A_567] : memref<8x16x196xf32, #tpu.memory_space<vmem>>[vector<16xi32>, vector<16xi32>, vector<16xi32>], vector<16xf32>,
        %parallel_loop3A_569 = arith.index_cast %parallel_loop3A_553 : i32 to index
        %parallel_loop3A_570 = arith.constant 32 : index
        %parallel_loop3A_571 = tpu.vector_load %arg6[%parallel_loop3A_569, %parallel_loop3A_570] {strides = array<i32>} : memref<112x112xf32, #tpu.memory_space<vmem>>, vector<16xf32>,
        tpu.vector_store %arg6[%parallel_loop3A_569, %parallel_loop3A_570], %parallel_loop3A_568 {strides = array<i32>} : memref<112x112xf32, #tpu.memory_space<vmem>>, vector<16xf32>,
        %parallel_loop3A_572 = arith.constant 144 : i32
        %parallel_loop3A_573 = vector.broadcast %parallel_loop3A_572 : i32 to vector<16xi32>
        %parallel_loop3A_574 = tpu.vector_load_idx %arg5[%parallel_loop3A_507, %iota3A, %parallel_loop3A_573] : memref<8x16x196xf32, #tpu.memory_space<vmem>>[vector<16xi32>, vector<16xi32>, vector<16xi32>], vector<16xf32>,
        %parallel_loop3A_575 = arith.index_cast %parallel_loop3A_553 : i32 to index
        %parallel_loop3A_576 = arith.constant 48 : index
        %parallel_loop3A_577 = tpu.vector_load %arg6[%parallel_loop3A_575, %parallel_loop3A_576] {strides = array<i32>} : memref<112x112xf32, #tpu.memory_space<vmem>>, vector<16xf32>,
        tpu.vector_store %arg6[%parallel_loop3A_575, %parallel_loop3A_576], %parallel_loop3A_574 {strides = array<i32>} : memref<112x112xf32, #tpu.memory_space<vmem>>, vector<16xf32>,
        %parallel_loop3A_578 = arith.constant 152 : i32
        %parallel_loop3A_579 = vector.broadcast %parallel_loop3A_578 : i32 to vector<16xi32>
        %parallel_loop3A_580 = tpu.vector_load_idx %arg5[%parallel_loop3A_507, %iota3A, %parallel_loop3A_579] : memref<8x16x196xf32, #tpu.memory_space<vmem>>[vector<16xi32>, vector<16xi32>, vector<16xi32>], vector<16xf32>,
        %parallel_loop3A_581 = arith.index_cast %parallel_loop3A_553 : i32 to index
        %parallel_loop3A_582 = arith.constant 64 : index
        %parallel_loop3A_583 = tpu.vector_load %arg6[%parallel_loop3A_581, %parallel_loop3A_582] {strides = array<i32>} : memref<112x112xf32, #tpu.memory_space<vmem>>, vector<16xf32>,
        tpu.vector_store %arg6[%parallel_loop3A_581, %parallel_loop3A_582], %parallel_loop3A_580 {strides = array<i32>} : memref<112x112xf32, #tpu.memory_space<vmem>>, vector<16xf32>,
        %parallel_loop3A_584 = arith.constant 189 : i32
        %parallel_loop3A_585 = vector.broadcast %parallel_loop3A_584 : i32 to vector<16xi32>
        %parallel_loop3A_586 = tpu.vector_load_idx %arg5[%parallel_loop3A_507, %iota3A, %parallel_loop3A_585] : memref<8x16x196xf32, #tpu.memory_space<vmem>>[vector<16xi32>, vector<16xi32>, vector<16xi32>], vector<16xf32>,
        %parallel_loop3A_587 = arith.index_cast %parallel_loop3A_553 : i32 to index
        %parallel_loop3A_588 = arith.constant 80 : index
        %parallel_loop3A_589 = tpu.vector_load %arg6[%parallel_loop3A_587, %parallel_loop3A_588] {strides = array<i32>} : memref<112x112xf32, #tpu.memory_space<vmem>>, vector<16xf32>,
        tpu.vector_store %arg6[%parallel_loop3A_587, %parallel_loop3A_588], %parallel_loop3A_586 {strides = array<i32>} : memref<112x112xf32, #tpu.memory_space<vmem>>, vector<16xf32>,
        %parallel_loop3A_590 = arith.constant 31 : i32
        %parallel_loop3A_591 = vector.broadcast %parallel_loop3A_590 : i32 to vector<16xi32>
        %parallel_loop3A_592 = tpu.vector_load_idx %arg5[%parallel_loop3A_507, %iota3A, %parallel_loop3A_591] : memref<8x16x196xf32, #tpu.memory_space<vmem>>[vector<16xi32>, vector<16xi32>, vector<16xi32>], vector<16xf32>,
        %parallel_loop3A_593 = arith.index_cast %parallel_loop3A_553 : i32 to index
        %parallel_loop3A_594 = arith.constant 96 : index
        %parallel_loop3A_595 = tpu.vector_load %arg6[%parallel_loop3A_593, %parallel_loop3A_594] {strides = array<i32>} : memref<112x112xf32, #tpu.memory_space<vmem>>, vector<16xf32>,
        tpu.vector_store %arg6[%parallel_loop3A_593, %parallel_loop3A_594], %parallel_loop3A_592 {strides = array<i32>} : memref<112x112xf32, #tpu.memory_space<vmem>>, vector<16xf32>,
        %parallel_loop3A_596 = arith.constant 40 : i32
        %parallel_loop3A_597 = arith.addi %parallel_loop3A_596, %parallel_loop3A_506 : i32
        %parallel_loop3A_598 = arith.constant 112 : i32
        %parallel_loop3A_599 = vector.broadcast %parallel_loop3A_598 : i32 to vector<16xi32>
        %parallel_loop3A_600 = tpu.vector_load_idx %arg5[%parallel_loop3A_507, %iota3A, %parallel_loop3A_599] : memref<8x16x196xf32, #tpu.memory_space<vmem>>[vector<16xi32>, vector<16xi32>, vector<16xi32>], vector<16xf32>,
        %parallel_loop3A_601 = arith.index_cast %parallel_loop3A_597 : i32 to index
        %parallel_loop3A_602 = arith.constant 0 : index
        %parallel_loop3A_603 = tpu.vector_load %arg6[%parallel_loop3A_601, %parallel_loop3A_602] {strides = array<i32>} : memref<112x112xf32, #tpu.memory_space<vmem>>, vector<16xf32>,
        tpu.vector_store %arg6[%parallel_loop3A_601, %parallel_loop3A_602], %parallel_loop3A_600 {strides = array<i32>} : memref<112x112xf32, #tpu.memory_space<vmem>>, vector<16xf32>,
        %parallel_loop3A_604 = arith.constant 85 : i32
        %parallel_loop3A_605 = vector.broadcast %parallel_loop3A_604 : i32 to vector<16xi32>
        %parallel_loop3A_606 = tpu.vector_load_idx %arg5[%parallel_loop3A_507, %iota3A, %parallel_loop3A_605] : memref<8x16x196xf32, #tpu.memory_space<vmem>>[vector<16xi32>, vector<16xi32>, vector<16xi32>], vector<16xf32>,
        %parallel_loop3A_607 = arith.index_cast %parallel_loop3A_597 : i32 to index
        %parallel_loop3A_608 = arith.constant 16 : index
        %parallel_loop3A_609 = tpu.vector_load %arg6[%parallel_loop3A_607, %parallel_loop3A_608] {strides = array<i32>} : memref<112x112xf32, #tpu.memory_space<vmem>>, vector<16xf32>,
        tpu.vector_store %arg6[%parallel_loop3A_607, %parallel_loop3A_608], %parallel_loop3A_606 {strides = array<i32>} : memref<112x112xf32, #tpu.memory_space<vmem>>, vector<16xf32>,
        %parallel_loop3A_610 = arith.constant 63 : i32
        %parallel_loop3A_611 = vector.broadcast %parallel_loop3A_610 : i32 to vector<16xi32>
        %parallel_loop3A_612 = tpu.vector_load_idx %arg5[%parallel_loop3A_507, %iota3A, %parallel_loop3A_611] : memref<8x16x196xf32, #tpu.memory_space<vmem>>[vector<16xi32>, vector<16xi32>, vector<16xi32>], vector<16xf32>,
        %parallel_loop3A_613 = arith.index_cast %parallel_loop3A_597 : i32 to index
        %parallel_loop3A_614 = arith.constant 32 : index
        %parallel_loop3A_615 = tpu.vector_load %arg6[%parallel_loop3A_613, %parallel_loop3A_614] {strides = array<i32>} : memref<112x112xf32, #tpu.memory_space<vmem>>, vector<16xf32>,
        tpu.vector_store %arg6[%parallel_loop3A_613, %parallel_loop3A_614], %parallel_loop3A_612 {strides = array<i32>} : memref<112x112xf32, #tpu.memory_space<vmem>>, vector<16xf32>,
        %parallel_loop3A_616 = arith.constant 117 : i32
        %parallel_loop3A_617 = vector.broadcast %parallel_loop3A_616 : i32 to vector<16xi32>
        %parallel_loop3A_618 = tpu.vector_load_idx %arg5[%parallel_loop3A_507, %iota3A, %parallel_loop3A_617] : memref<8x16x196xf32, #tpu.memory_space<vmem>>[vector<16xi32>, vector<16xi32>, vector<16xi32>], vector<16xf32>,
        %parallel_loop3A_619 = arith.index_cast %parallel_loop3A_597 : i32 to index
        %parallel_loop3A_620 = arith.constant 48 : index
        %parallel_loop3A_621 = tpu.vector_load %arg6[%parallel_loop3A_619, %parallel_loop3A_620] {strides = array<i32>} : memref<112x112xf32, #tpu.memory_space<vmem>>, vector<16xf32>,
        tpu.vector_store %arg6[%parallel_loop3A_619, %parallel_loop3A_620], %parallel_loop3A_618 {strides = array<i32>} : memref<112x112xf32, #tpu.memory_space<vmem>>, vector<16xf32>,
        %parallel_loop3A_622 = arith.constant 174 : i32
        %parallel_loop3A_623 = vector.broadcast %parallel_loop3A_622 : i32 to vector<16xi32>
        %parallel_loop3A_624 = tpu.vector_load_idx %arg5[%parallel_loop3A_507, %iota3A, %parallel_loop3A_623] : memref<8x16x196xf32, #tpu.memory_space<vmem>>[vector<16xi32>, vector<16xi32>, vector<16xi32>], vector<16xf32>,
        %parallel_loop3A_625 = arith.index_cast %parallel_loop3A_597 : i32 to index
        %parallel_loop3A_626 = arith.constant 64 : index
        %parallel_loop3A_627 = tpu.vector_load %arg6[%parallel_loop3A_625, %parallel_loop3A_626] {strides = array<i32>} : memref<112x112xf32, #tpu.memory_space<vmem>>, vector<16xf32>,
        tpu.vector_store %arg6[%parallel_loop3A_625, %parallel_loop3A_626], %parallel_loop3A_624 {strides = array<i32>} : memref<112x112xf32, #tpu.memory_space<vmem>>, vector<16xf32>,
        %parallel_loop3A_628 = arith.constant 114 : i32
        %parallel_loop3A_629 = vector.broadcast %parallel_loop3A_628 : i32 to vector<16xi32>
        %parallel_loop3A_630 = tpu.vector_load_idx %arg5[%parallel_loop3A_507, %iota3A, %parallel_loop3A_629] : memref<8x16x196xf32, #tpu.memory_space<vmem>>[vector<16xi32>, vector<16xi32>, vector<16xi32>], vector<16xf32>,
        %parallel_loop3A_631 = arith.index_cast %parallel_loop3A_597 : i32 to index
        %parallel_loop3A_632 = arith.constant 80 : index
        %parallel_loop3A_633 = tpu.vector_load %arg6[%parallel_loop3A_631, %parallel_loop3A_632] {strides = array<i32>} : memref<112x112xf32, #tpu.memory_space<vmem>>, vector<16xf32>,
        tpu.vector_store %arg6[%parallel_loop3A_631, %parallel_loop3A_632], %parallel_loop3A_630 {strides = array<i32>} : memref<112x112xf32, #tpu.memory_space<vmem>>, vector<16xf32>,
        %parallel_loop3A_634 = arith.constant 82 : i32
        %parallel_loop3A_635 = vector.broadcast %parallel_loop3A_634 : i32 to vector<16xi32>
        %parallel_loop3A_636 = tpu.vector_load_idx %arg5[%parallel_loop3A_507, %iota3A, %parallel_loop3A_635] : memref<8x16x196xf32, #tpu.memory_space<vmem>>[vector<16xi32>, vector<16xi32>, vector<16xi32>], vector<16xf32>,
        %parallel_loop3A_637 = arith.index_cast %parallel_loop3A_597 : i32 to index
        %parallel_loop3A_638 = arith.constant 96 : index
        %parallel_loop3A_639 = tpu.vector_load %arg6[%parallel_loop3A_637, %parallel_loop3A_638] {strides = array<i32>} : memref<112x112xf32, #tpu.memory_space<vmem>>, vector<16xf32>,
        tpu.vector_store %arg6[%parallel_loop3A_637, %parallel_loop3A_638], %parallel_loop3A_636 {strides = array<i32>} : memref<112x112xf32, #tpu.memory_space<vmem>>, vector<16xf32>,
        %parallel_loop3A_640 = arith.constant 56 : i32
        %parallel_loop3A_641 = arith.addi %parallel_loop3A_640, %parallel_loop3A_506 : i32
        %parallel_loop3A_642 = arith.constant 65 : i32
        %parallel_loop3A_643 = vector.broadcast %parallel_loop3A_642 : i32 to vector<16xi32>
        %parallel_loop3A_644 = tpu.vector_load_idx %arg5[%parallel_loop3A_507, %iota3A, %parallel_loop3A_643] : memref<8x16x196xf32, #tpu.memory_space<vmem>>[vector<16xi32>, vector<16xi32>, vector<16xi32>], vector<16xf32>,
        %parallel_loop3A_645 = arith.index_cast %parallel_loop3A_641 : i32 to index
        %parallel_loop3A_646 = arith.constant 0 : index
        %parallel_loop3A_647 = tpu.vector_load %arg6[%parallel_loop3A_645, %parallel_loop3A_646] {strides = array<i32>} : memref<112x112xf32, #tpu.memory_space<vmem>>, vector<16xf32>,
        tpu.vector_store %arg6[%parallel_loop3A_645, %parallel_loop3A_646], %parallel_loop3A_644 {strides = array<i32>} : memref<112x112xf32, #tpu.memory_space<vmem>>, vector<16xf32>,
        %parallel_loop3A_648 = arith.constant 7 : i32
        %parallel_loop3A_649 = vector.broadcast %parallel_loop3A_648 : i32 to vector<16xi32>
        %parallel_loop3A_650 = tpu.vector_load_idx %arg5[%parallel_loop3A_507, %iota3A, %parallel_loop3A_649] : memref<8x16x196xf32, #tpu.memory_space<vmem>>[vector<16xi32>, vector<16xi32>, vector<16xi32>], vector<16xf32>,
        %parallel_loop3A_651 = arith.index_cast %parallel_loop3A_641 : i32 to index
        %parallel_loop3A_652 = arith.constant 16 : index
        %parallel_loop3A_653 = tpu.vector_load %arg6[%parallel_loop3A_651, %parallel_loop3A_652] {strides = array<i32>} : memref<112x112xf32, #tpu.memory_space<vmem>>, vector<16xf32>,
        tpu.vector_store %arg6[%parallel_loop3A_651, %parallel_loop3A_652], %parallel_loop3A_650 {strides = array<i32>} : memref<112x112xf32, #tpu.memory_space<vmem>>, vector<16xf32>,
        %parallel_loop3A_654 = arith.constant 4 : i32
        %parallel_loop3A_655 = vector.broadcast %parallel_loop3A_654 : i32 to vector<16xi32>
        %parallel_loop3A_656 = tpu.vector_load_idx %arg5[%parallel_loop3A_507, %iota3A, %parallel_loop3A_655] : memref<8x16x196xf32, #tpu.memory_space<vmem>>[vector<16xi32>, vector<16xi32>, vector<16xi32>], vector<16xf32>,
        %parallel_loop3A_657 = arith.index_cast %parallel_loop3A_641 : i32 to index
        %parallel_loop3A_658 = arith.constant 32 : index
        %parallel_loop3A_659 = tpu.vector_load %arg6[%parallel_loop3A_657, %parallel_loop3A_658] {strides = array<i32>} : memref<112x112xf32, #tpu.memory_space<vmem>>, vector<16xf32>,
        tpu.vector_store %arg6[%parallel_loop3A_657, %parallel_loop3A_658], %parallel_loop3A_656 {strides = array<i32>} : memref<112x112xf32, #tpu.memory_space<vmem>>, vector<16xf32>,
        %parallel_loop3A_660 = arith.constant 101 : i32
        %parallel_loop3A_661 = vector.broadcast %parallel_loop3A_660 : i32 to vector<16xi32>
        %parallel_loop3A_662 = tpu.vector_load_idx %arg5[%parallel_loop3A_507, %iota3A, %parallel_loop3A_661] : memref<8x16x196xf32, #tpu.memory_space<vmem>>[vector<16xi32>, vector<16xi32>, vector<16xi32>], vector<16xf32>,
        %parallel_loop3A_663 = arith.index_cast %parallel_loop3A_641 : i32 to index
        %parallel_loop3A_664 = arith.constant 48 : index
        %parallel_loop3A_665 = tpu.vector_load %arg6[%parallel_loop3A_663, %parallel_loop3A_664] {strides = array<i32>} : memref<112x112xf32, #tpu.memory_space<vmem>>, vector<16xf32>,
        tpu.vector_store %arg6[%parallel_loop3A_663, %parallel_loop3A_664], %parallel_loop3A_662 {strides = array<i32>} : memref<112x112xf32, #tpu.memory_space<vmem>>, vector<16xf32>,
        %parallel_loop3A_666 = arith.constant 102 : i32
        %parallel_loop3A_667 = vector.broadcast %parallel_loop3A_666 : i32 to vector<16xi32>
        %parallel_loop3A_668 = tpu.vector_load_idx %arg5[%parallel_loop3A_507, %iota3A, %parallel_loop3A_667] : memref<8x16x196xf32, #tpu.memory_space<vmem>>[vector<16xi32>, vector<16xi32>, vector<16xi32>], vector<16xf32>,
        %parallel_loop3A_669 = arith.index_cast %parallel_loop3A_641 : i32 to index
        %parallel_loop3A_670 = arith.constant 64 : index
        %parallel_loop3A_671 = tpu.vector_load %arg6[%parallel_loop3A_669, %parallel_loop3A_670] {strides = array<i32>} : memref<112x112xf32, #tpu.memory_space<vmem>>, vector<16xf32>,
        tpu.vector_store %arg6[%parallel_loop3A_669, %parallel_loop3A_670], %parallel_loop3A_668 {strides = array<i32>} : memref<112x112xf32, #tpu.memory_space<vmem>>, vector<16xf32>,
        %parallel_loop3A_672 = arith.constant 78 : i32
        %parallel_loop3A_673 = vector.broadcast %parallel_loop3A_672 : i32 to vector<16xi32>
        %parallel_loop3A_674 = tpu.vector_load_idx %arg5[%parallel_loop3A_507, %iota3A, %parallel_loop3A_673] : memref<8x16x196xf32, #tpu.memory_space<vmem>>[vector<16xi32>, vector<16xi32>, vector<16xi32>], vector<16xf32>,
        %parallel_loop3A_675 = arith.index_cast %parallel_loop3A_641 : i32 to index
        %parallel_loop3A_676 = arith.constant 80 : index
        %parallel_loop3A_677 = tpu.vector_load %arg6[%parallel_loop3A_675, %parallel_loop3A_676] {strides = array<i32>} : memref<112x112xf32, #tpu.memory_space<vmem>>, vector<16xf32>,
        tpu.vector_store %arg6[%parallel_loop3A_675, %parallel_loop3A_676], %parallel_loop3A_674 {strides = array<i32>} : memref<112x112xf32, #tpu.memory_space<vmem>>, vector<16xf32>,
        %parallel_loop3A_678 = arith.constant 163 : i32
        %parallel_loop3A_679 = vector.broadcast %parallel_loop3A_678 : i32 to vector<16xi32>
        %parallel_loop3A_680 = tpu.vector_load_idx %arg5[%parallel_loop3A_507, %iota3A, %parallel_loop3A_679] : memref<8x16x196xf32, #tpu.memory_space<vmem>>[vector<16xi32>, vector<16xi32>, vector<16xi32>], vector<16xf32>,
        %parallel_loop3A_681 = arith.index_cast %parallel_loop3A_641 : i32 to index
        %parallel_loop3A_682 = arith.constant 96 : index
        %parallel_loop3A_683 = tpu.vector_load %arg6[%parallel_loop3A_681, %parallel_loop3A_682] {strides = array<i32>} : memref<112x112xf32, #tpu.memory_space<vmem>>, vector<16xf32>,
        tpu.vector_store %arg6[%parallel_loop3A_681, %parallel_loop3A_682], %parallel_loop3A_680 {strides = array<i32>} : memref<112x112xf32, #tpu.memory_space<vmem>>, vector<16xf32>,
        %parallel_loop3A_684 = arith.constant 72 : i32
        %parallel_loop3A_685 = arith.addi %parallel_loop3A_684, %parallel_loop3A_506 : i32
        %parallel_loop3A_686 = arith.constant 157 : i32
        %parallel_loop3A_687 = vector.broadcast %parallel_loop3A_686 : i32 to vector<16xi32>
        %parallel_loop3A_688 = tpu.vector_load_idx %arg5[%parallel_loop3A_507, %iota3A, %parallel_loop3A_687] : memref<8x16x196xf32, #tpu.memory_space<vmem>>[vector<16xi32>, vector<16xi32>, vector<16xi32>], vector<16xf32>,
        %parallel_loop3A_689 = arith.index_cast %parallel_loop3A_685 : i32 to index
        %parallel_loop3A_690 = arith.constant 0 : index
        %parallel_loop3A_691 = tpu.vector_load %arg6[%parallel_loop3A_689, %parallel_loop3A_690] {strides = array<i32>} : memref<112x112xf32, #tpu.memory_space<vmem>>, vector<16xf32>,
        tpu.vector_store %arg6[%parallel_loop3A_689, %parallel_loop3A_690], %parallel_loop3A_688 {strides = array<i32>} : memref<112x112xf32, #tpu.memory_space<vmem>>, vector<16xf32>,
        %parallel_loop3A_692 = arith.constant 183 : i32
        %parallel_loop3A_693 = vector.broadcast %parallel_loop3A_692 : i32 to vector<16xi32>
        %parallel_loop3A_694 = tpu.vector_load_idx %arg5[%parallel_loop3A_507, %iota3A, %parallel_loop3A_693] : memref<8x16x196xf32, #tpu.memory_space<vmem>>[vector<16xi32>, vector<16xi32>, vector<16xi32>], vector<16xf32>,
        %parallel_loop3A_695 = arith.index_cast %parallel_loop3A_685 : i32 to index
        %parallel_loop3A_696 = arith.constant 16 : index
        %parallel_loop3A_697 = tpu.vector_load %arg6[%parallel_loop3A_695, %parallel_loop3A_696] {strides = array<i32>} : memref<112x112xf32, #tpu.memory_space<vmem>>, vector<16xf32>,
        tpu.vector_store %arg6[%parallel_loop3A_695, %parallel_loop3A_696], %parallel_loop3A_694 {strides = array<i32>} : memref<112x112xf32, #tpu.memory_space<vmem>>, vector<16xf32>,
        %parallel_loop3A_698 = arith.constant 29 : i32
        %parallel_loop3A_699 = vector.broadcast %parallel_loop3A_698 : i32 to vector<16xi32>
        %parallel_loop3A_700 = tpu.vector_load_idx %arg5[%parallel_loop3A_507, %iota3A, %parallel_loop3A_699] : memref<8x16x196xf32, #tpu.memory_space<vmem>>[vector<16xi32>, vector<16xi32>, vector<16xi32>], vector<16xf32>,
        %parallel_loop3A_701 = arith.index_cast %parallel_loop3A_685 : i32 to index
        %parallel_loop3A_702 = arith.constant 32 : index
        %parallel_loop3A_703 = tpu.vector_load %arg6[%parallel_loop3A_701, %parallel_loop3A_702] {strides = array<i32>} : memref<112x112xf32, #tpu.memory_space<vmem>>, vector<16xf32>,
        tpu.vector_store %arg6[%parallel_loop3A_701, %parallel_loop3A_702], %parallel_loop3A_700 {strides = array<i32>} : memref<112x112xf32, #tpu.memory_space<vmem>>, vector<16xf32>,
        %parallel_loop3A_704 = arith.constant 177 : i32
        %parallel_loop3A_705 = vector.broadcast %parallel_loop3A_704 : i32 to vector<16xi32>
        %parallel_loop3A_706 = tpu.vector_load_idx %arg5[%parallel_loop3A_507, %iota3A, %parallel_loop3A_705] : memref<8x16x196xf32, #tpu.memory_space<vmem>>[vector<16xi32>, vector<16xi32>, vector<16xi32>], vector<16xf32>,
        %parallel_loop3A_707 = arith.index_cast %parallel_loop3A_685 : i32 to index
        %parallel_loop3A_708 = arith.constant 48 : index
        %parallel_loop3A_709 = tpu.vector_load %arg6[%parallel_loop3A_707, %parallel_loop3A_708] {strides = array<i32>} : memref<112x112xf32, #tpu.memory_space<vmem>>, vector<16xf32>,
        tpu.vector_store %arg6[%parallel_loop3A_707, %parallel_loop3A_708], %parallel_loop3A_706 {strides = array<i32>} : memref<112x112xf32, #tpu.memory_space<vmem>>, vector<16xf32>,
        %parallel_loop3A_710 = arith.constant 108 : i32
        %parallel_loop3A_711 = vector.broadcast %parallel_loop3A_710 : i32 to vector<16xi32>
        %parallel_loop3A_712 = tpu.vector_load_idx %arg5[%parallel_loop3A_507, %iota3A, %parallel_loop3A_711] : memref<8x16x196xf32, #tpu.memory_space<vmem>>[vector<16xi32>, vector<16xi32>, vector<16xi32>], vector<16xf32>,
        %parallel_loop3A_713 = arith.index_cast %parallel_loop3A_685 : i32 to index
        %parallel_loop3A_714 = arith.constant 64 : index
        %parallel_loop3A_715 = tpu.vector_load %arg6[%parallel_loop3A_713, %parallel_loop3A_714] {strides = array<i32>} : memref<112x112xf32, #tpu.memory_space<vmem>>, vector<16xf32>,
        tpu.vector_store %arg6[%parallel_loop3A_713, %parallel_loop3A_714], %parallel_loop3A_712 {strides = array<i32>} : memref<112x112xf32, #tpu.memory_space<vmem>>, vector<16xf32>,
        %parallel_loop3A_716 = arith.constant 83 : i32
        %parallel_loop3A_717 = vector.broadcast %parallel_loop3A_716 : i32 to vector<16xi32>
        %parallel_loop3A_718 = tpu.vector_load_idx %arg5[%parallel_loop3A_507, %iota3A, %parallel_loop3A_717] : memref<8x16x196xf32, #tpu.memory_space<vmem>>[vector<16xi32>, vector<16xi32>, vector<16xi32>], vector<16xf32>,
        %parallel_loop3A_719 = arith.index_cast %parallel_loop3A_685 : i32 to index
        %parallel_loop3A_720 = arith.constant 80 : index
        %parallel_loop3A_721 = tpu.vector_load %arg6[%parallel_loop3A_719, %parallel_loop3A_720] {strides = array<i32>} : memref<112x112xf32, #tpu.memory_space<vmem>>, vector<16xf32>,
        tpu.vector_store %arg6[%parallel_loop3A_719, %parallel_loop3A_720], %parallel_loop3A_718 {strides = array<i32>} : memref<112x112xf32, #tpu.memory_space<vmem>>, vector<16xf32>,
        %parallel_loop3A_722 = arith.constant 129 : i32
        %parallel_loop3A_723 = vector.broadcast %parallel_loop3A_722 : i32 to vector<16xi32>
        %parallel_loop3A_724 = tpu.vector_load_idx %arg5[%parallel_loop3A_507, %iota3A, %parallel_loop3A_723] : memref<8x16x196xf32, #tpu.memory_space<vmem>>[vector<16xi32>, vector<16xi32>, vector<16xi32>], vector<16xf32>,
        %parallel_loop3A_725 = arith.index_cast %parallel_loop3A_685 : i32 to index
        %parallel_loop3A_726 = arith.constant 96 : index
        %parallel_loop3A_727 = tpu.vector_load %arg6[%parallel_loop3A_725, %parallel_loop3A_726] {strides = array<i32>} : memref<112x112xf32, #tpu.memory_space<vmem>>, vector<16xf32>,
        tpu.vector_store %arg6[%parallel_loop3A_725, %parallel_loop3A_726], %parallel_loop3A_724 {strides = array<i32>} : memref<112x112xf32, #tpu.memory_space<vmem>>, vector<16xf32>,
        %parallel_loop3A_728 = arith.constant 88 : i32
        %parallel_loop3A_729 = arith.addi %parallel_loop3A_728, %parallel_loop3A_506 : i32
        %parallel_loop3A_730 = arith.constant 44 : i32
        %parallel_loop3A_731 = vector.broadcast %parallel_loop3A_730 : i32 to vector<16xi32>
        %parallel_loop3A_732 = tpu.vector_load_idx %arg5[%parallel_loop3A_507, %iota3A, %parallel_loop3A_731] : memref<8x16x196xf32, #tpu.memory_space<vmem>>[vector<16xi32>, vector<16xi32>, vector<16xi32>], vector<16xf32>,
        %parallel_loop3A_733 = arith.index_cast %parallel_loop3A_729 : i32 to index
        %parallel_loop3A_734 = arith.constant 0 : index
        %parallel_loop3A_735 = tpu.vector_load %arg6[%parallel_loop3A_733, %parallel_loop3A_734] {strides = array<i32>} : memref<112x112xf32, #tpu.memory_space<vmem>>, vector<16xf32>,
        tpu.vector_store %arg6[%parallel_loop3A_733, %parallel_loop3A_734], %parallel_loop3A_732 {strides = array<i32>} : memref<112x112xf32, #tpu.memory_space<vmem>>, vector<16xf32>,
        %parallel_loop3A_736 = arith.constant 16 : i32
        %parallel_loop3A_737 = vector.broadcast %parallel_loop3A_736 : i32 to vector<16xi32>
        %parallel_loop3A_738 = tpu.vector_load_idx %arg5[%parallel_loop3A_507, %iota3A, %parallel_loop3A_737] : memref<8x16x196xf32, #tpu.memory_space<vmem>>[vector<16xi32>, vector<16xi32>, vector<16xi32>], vector<16xf32>,
        %parallel_loop3A_739 = arith.index_cast %parallel_loop3A_729 : i32 to index
        %parallel_loop3A_740 = arith.constant 16 : index
        %parallel_loop3A_741 = tpu.vector_load %arg6[%parallel_loop3A_739, %parallel_loop3A_740] {strides = array<i32>} : memref<112x112xf32, #tpu.memory_space<vmem>>, vector<16xf32>,
        tpu.vector_store %arg6[%parallel_loop3A_739, %parallel_loop3A_740], %parallel_loop3A_738 {strides = array<i32>} : memref<112x112xf32, #tpu.memory_space<vmem>>, vector<16xf32>,
        %parallel_loop3A_742 = arith.constant 58 : i32
        %parallel_loop3A_743 = vector.broadcast %parallel_loop3A_742 : i32 to vector<16xi32>
        %parallel_loop3A_744 = tpu.vector_load_idx %arg5[%parallel_loop3A_507, %iota3A, %parallel_loop3A_743] : memref<8x16x196xf32, #tpu.memory_space<vmem>>[vector<16xi32>, vector<16xi32>, vector<16xi32>], vector<16xf32>,
        %parallel_loop3A_745 = arith.index_cast %parallel_loop3A_729 : i32 to index
        %parallel_loop3A_746 = arith.constant 32 : index
        %parallel_loop3A_747 = tpu.vector_load %arg6[%parallel_loop3A_745, %parallel_loop3A_746] {strides = array<i32>} : memref<112x112xf32, #tpu.memory_space<vmem>>, vector<16xf32>,
        tpu.vector_store %arg6[%parallel_loop3A_745, %parallel_loop3A_746], %parallel_loop3A_744 {strides = array<i32>} : memref<112x112xf32, #tpu.memory_space<vmem>>, vector<16xf32>,
        %parallel_loop3A_748 = arith.constant 123 : i32
        %parallel_loop3A_749 = vector.broadcast %parallel_loop3A_748 : i32 to vector<16xi32>
        %parallel_loop3A_750 = tpu.vector_load_idx %arg5[%parallel_loop3A_507, %iota3A, %parallel_loop3A_749] : memref<8x16x196xf32, #tpu.memory_space<vmem>>[vector<16xi32>, vector<16xi32>, vector<16xi32>], vector<16xf32>,
        %parallel_loop3A_751 = arith.index_cast %parallel_loop3A_729 : i32 to index
        %parallel_loop3A_752 = arith.constant 48 : index
        %parallel_loop3A_753 = tpu.vector_load %arg6[%parallel_loop3A_751, %parallel_loop3A_752] {strides = array<i32>} : memref<112x112xf32, #tpu.memory_space<vmem>>, vector<16xf32>,
        tpu.vector_store %arg6[%parallel_loop3A_751, %parallel_loop3A_752], %parallel_loop3A_750 {strides = array<i32>} : memref<112x112xf32, #tpu.memory_space<vmem>>, vector<16xf32>,
        %parallel_loop3A_754 = arith.constant 37 : i32
        %parallel_loop3A_755 = vector.broadcast %parallel_loop3A_754 : i32 to vector<16xi32>
        %parallel_loop3A_756 = tpu.vector_load_idx %arg5[%parallel_loop3A_507, %iota3A, %parallel_loop3A_755] : memref<8x16x196xf32, #tpu.memory_space<vmem>>[vector<16xi32>, vector<16xi32>, vector<16xi32>], vector<16xf32>,
        %parallel_loop3A_757 = arith.index_cast %parallel_loop3A_729 : i32 to index
        %parallel_loop3A_758 = arith.constant 64 : index
        %parallel_loop3A_759 = tpu.vector_load %arg6[%parallel_loop3A_757, %parallel_loop3A_758] {strides = array<i32>} : memref<112x112xf32, #tpu.memory_space<vmem>>, vector<16xf32>,
        tpu.vector_store %arg6[%parallel_loop3A_757, %parallel_loop3A_758], %parallel_loop3A_756 {strides = array<i32>} : memref<112x112xf32, #tpu.memory_space<vmem>>, vector<16xf32>,
        %parallel_loop3A_760 = arith.constant 111 : i32
        %parallel_loop3A_761 = vector.broadcast %parallel_loop3A_760 : i32 to vector<16xi32>
        %parallel_loop3A_762 = tpu.vector_load_idx %arg5[%parallel_loop3A_507, %iota3A, %parallel_loop3A_761] : memref<8x16x196xf32, #tpu.memory_space<vmem>>[vector<16xi32>, vector<16xi32>, vector<16xi32>], vector<16xf32>,
        %parallel_loop3A_763 = arith.index_cast %parallel_loop3A_729 : i32 to index
        %parallel_loop3A_764 = arith.constant 80 : index
        %parallel_loop3A_765 = tpu.vector_load %arg6[%parallel_loop3A_763, %parallel_loop3A_764] {strides = array<i32>} : memref<112x112xf32, #tpu.memory_space<vmem>>, vector<16xf32>,
        tpu.vector_store %arg6[%parallel_loop3A_763, %parallel_loop3A_764], %parallel_loop3A_762 {strides = array<i32>} : memref<112x112xf32, #tpu.memory_space<vmem>>, vector<16xf32>,
        %parallel_loop3A_766 = arith.constant 19 : i32
        %parallel_loop3A_767 = vector.broadcast %parallel_loop3A_766 : i32 to vector<16xi32>
        %parallel_loop3A_768 = tpu.vector_load_idx %arg5[%parallel_loop3A_507, %iota3A, %parallel_loop3A_767] : memref<8x16x196xf32, #tpu.memory_space<vmem>>[vector<16xi32>, vector<16xi32>, vector<16xi32>], vector<16xf32>,
        %parallel_loop3A_769 = arith.index_cast %parallel_loop3A_729 : i32 to index
        %parallel_loop3A_770 = arith.constant 96 : index
        %parallel_loop3A_771 = tpu.vector_load %arg6[%parallel_loop3A_769, %parallel_loop3A_770] {strides = array<i32>} : memref<112x112xf32, #tpu.memory_space<vmem>>, vector<16xf32>,
        tpu.vector_store %arg6[%parallel_loop3A_769, %parallel_loop3A_770], %parallel_loop3A_768 {strides = array<i32>} : memref<112x112xf32, #tpu.memory_space<vmem>>, vector<16xf32>,
        %parallel_loop3A_772 = arith.constant 104 : i32
        %parallel_loop3A_773 = arith.addi %parallel_loop3A_772, %parallel_loop3A_506 : i32
        %parallel_loop3A_774 = arith.constant 61 : i32
        %parallel_loop3A_775 = vector.broadcast %parallel_loop3A_774 : i32 to vector<16xi32>
        %parallel_loop3A_776 = tpu.vector_load_idx %arg5[%parallel_loop3A_507, %iota3A, %parallel_loop3A_775] : memref<8x16x196xf32, #tpu.memory_space<vmem>>[vector<16xi32>, vector<16xi32>, vector<16xi32>], vector<16xf32>,
        %parallel_loop3A_777 = arith.index_cast %parallel_loop3A_773 : i32 to index
        %parallel_loop3A_778 = arith.constant 0 : index
        %parallel_loop3A_779 = tpu.vector_load %arg6[%parallel_loop3A_777, %parallel_loop3A_778] {strides = array<i32>} : memref<112x112xf32, #tpu.memory_space<vmem>>, vector<16xf32>,
        tpu.vector_store %arg6[%parallel_loop3A_777, %parallel_loop3A_778], %parallel_loop3A_776 {strides = array<i32>} : memref<112x112xf32, #tpu.memory_space<vmem>>, vector<16xf32>,
        %parallel_loop3A_780 = arith.constant 2 : i32
        %parallel_loop3A_781 = vector.broadcast %parallel_loop3A_780 : i32 to vector<16xi32>
        %parallel_loop3A_782 = tpu.vector_load_idx %arg5[%parallel_loop3A_507, %iota3A, %parallel_loop3A_781] : memref<8x16x196xf32, #tpu.memory_space<vmem>>[vector<16xi32>, vector<16xi32>, vector<16xi32>], vector<16xf32>,
        %parallel_loop3A_783 = arith.index_cast %parallel_loop3A_773 : i32 to index
        %parallel_loop3A_784 = arith.constant 16 : index
        %parallel_loop3A_785 = tpu.vector_load %arg6[%parallel_loop3A_783, %parallel_loop3A_784] {strides = array<i32>} : memref<112x112xf32, #tpu.memory_space<vmem>>, vector<16xf32>,
        tpu.vector_store %arg6[%parallel_loop3A_783, %parallel_loop3A_784], %parallel_loop3A_782 {strides = array<i32>} : memref<112x112xf32, #tpu.memory_space<vmem>>, vector<16xf32>,
        %parallel_loop3A_786 = arith.constant 142 : i32
        %parallel_loop3A_787 = vector.broadcast %parallel_loop3A_786 : i32 to vector<16xi32>
        %parallel_loop3A_788 = tpu.vector_load_idx %arg5[%parallel_loop3A_507, %iota3A, %parallel_loop3A_787] : memref<8x16x196xf32, #tpu.memory_space<vmem>>[vector<16xi32>, vector<16xi32>, vector<16xi32>], vector<16xf32>,
        %parallel_loop3A_789 = arith.index_cast %parallel_loop3A_773 : i32 to index
        %parallel_loop3A_790 = arith.constant 32 : index
        %parallel_loop3A_791 = tpu.vector_load %arg6[%parallel_loop3A_789, %parallel_loop3A_790] {strides = array<i32>} : memref<112x112xf32, #tpu.memory_space<vmem>>, vector<16xf32>,
        tpu.vector_store %arg6[%parallel_loop3A_789, %parallel_loop3A_790], %parallel_loop3A_788 {strides = array<i32>} : memref<112x112xf32, #tpu.memory_space<vmem>>, vector<16xf32>,
        %parallel_loop3A_792 = arith.constant 34 : i32
        %parallel_loop3A_793 = vector.broadcast %parallel_loop3A_792 : i32 to vector<16xi32>
        %parallel_loop3A_794 = tpu.vector_load_idx %arg5[%parallel_loop3A_507, %iota3A, %parallel_loop3A_793] : memref<8x16x196xf32, #tpu.memory_space<vmem>>[vector<16xi32>, vector<16xi32>, vector<16xi32>], vector<16xf32>,
        %parallel_loop3A_795 = arith.index_cast %parallel_loop3A_773 : i32 to index
        %parallel_loop3A_796 = arith.constant 48 : index
        %parallel_loop3A_797 = tpu.vector_load %arg6[%parallel_loop3A_795, %parallel_loop3A_796] {strides = array<i32>} : memref<112x112xf32, #tpu.memory_space<vmem>>, vector<16xf32>,
        tpu.vector_store %arg6[%parallel_loop3A_795, %parallel_loop3A_796], %parallel_loop3A_794 {strides = array<i32>} : memref<112x112xf32, #tpu.memory_space<vmem>>, vector<16xf32>,
        %parallel_loop3A_798 = arith.constant 156 : i32
        %parallel_loop3A_799 = vector.broadcast %parallel_loop3A_798 : i32 to vector<16xi32>
        %parallel_loop3A_800 = tpu.vector_load_idx %arg5[%parallel_loop3A_507, %iota3A, %parallel_loop3A_799] : memref<8x16x196xf32, #tpu.memory_space<vmem>>[vector<16xi32>, vector<16xi32>, vector<16xi32>], vector<16xf32>,
        %parallel_loop3A_801 = arith.index_cast %parallel_loop3A_773 : i32 to index
        %parallel_loop3A_802 = arith.constant 64 : index
        %parallel_loop3A_803 = tpu.vector_load %arg6[%parallel_loop3A_801, %parallel_loop3A_802] {strides = array<i32>} : memref<112x112xf32, #tpu.memory_space<vmem>>, vector<16xf32>,
        tpu.vector_store %arg6[%parallel_loop3A_801, %parallel_loop3A_802], %parallel_loop3A_800 {strides = array<i32>} : memref<112x112xf32, #tpu.memory_space<vmem>>, vector<16xf32>,
        %parallel_loop3A_804 = arith.constant 5 : i32
        %parallel_loop3A_805 = vector.broadcast %parallel_loop3A_804 : i32 to vector<16xi32>
        %parallel_loop3A_806 = tpu.vector_load_idx %arg5[%parallel_loop3A_507, %iota3A, %parallel_loop3A_805] : memref<8x16x196xf32, #tpu.memory_space<vmem>>[vector<16xi32>, vector<16xi32>, vector<16xi32>], vector<16xf32>,
        %parallel_loop3A_807 = arith.index_cast %parallel_loop3A_773 : i32 to index
        %parallel_loop3A_808 = arith.constant 80 : index
        %parallel_loop3A_809 = tpu.vector_load %arg6[%parallel_loop3A_807, %parallel_loop3A_808] {strides = array<i32>} : memref<112x112xf32, #tpu.memory_space<vmem>>, vector<16xf32>,
        tpu.vector_store %arg6[%parallel_loop3A_807, %parallel_loop3A_808], %parallel_loop3A_806 {strides = array<i32>} : memref<112x112xf32, #tpu.memory_space<vmem>>, vector<16xf32>,
        %parallel_loop3A_810 = arith.constant 90 : i32
        %parallel_loop3A_811 = vector.broadcast %parallel_loop3A_810 : i32 to vector<16xi32>
        %parallel_loop3A_812 = tpu.vector_load_idx %arg5[%parallel_loop3A_507, %iota3A, %parallel_loop3A_811] : memref<8x16x196xf32, #tpu.memory_space<vmem>>[vector<16xi32>, vector<16xi32>, vector<16xi32>], vector<16xf32>,
        %parallel_loop3A_813 = arith.index_cast %parallel_loop3A_773 : i32 to index
        %parallel_loop3A_814 = arith.constant 96 : index
        %parallel_loop3A_815 = tpu.vector_load %arg6[%parallel_loop3A_813, %parallel_loop3A_814] {strides = array<i32>} : memref<112x112xf32, #tpu.memory_space<vmem>>, vector<16xf32>,
        tpu.vector_store %arg6[%parallel_loop3A_813, %parallel_loop3A_814], %parallel_loop3A_812 {strides = array<i32>} : memref<112x112xf32, #tpu.memory_space<vmem>>, vector<16xf32>,
      } {sc.loop_unroll_factor = 2 : i64, sc.parallel_access}
      %jit3A_230 = arith.constant 192 : i32
      %div3A_231 = arith.divsi %add3A_143, %jit3A_230 : i32
      %sign3A_232 = arith.constant 0 : i32
      %sign3A_233 = arith.cmpi sgt, %add3A_143, %sign3A_232 : i32
      %sign3A_234 = arith.extui %sign3A_233 : i1 to i32
      %sign3A_235 = arith.constant 0 : i32
      %sign3A_236 = arith.cmpi slt, %add3A_143, %sign3A_235 : i32
      %sign3A_237 = arith.extui %sign3A_236 : i1 to i32
      %sign3A_238 = arith.subi %sign3A_234, %sign3A_237 : i32
      %sign3A_239 = arith.constant 0 : i32
      %sign3A_240 = arith.cmpi sgt, %jit3A_230, %sign3A_239 : i32
      %sign3A_241 = arith.extui %sign3A_240 : i1 to i32
      %sign3A_242 = arith.constant 0 : i32
      %sign3A_243 = arith.cmpi slt, %jit3A_230, %sign3A_242 : i32
      %sign3A_244 = arith.extui %sign3A_243 : i1 to i32
      %sign3A_245 = arith.subi %sign3A_241, %sign3A_244 : i32
      %ne3A_246 = arith.cmpi ne, %sign3A_238, %sign3A_245 : i32
      %rem3A_247 = arith.remsi %add3A_143, %jit3A_230 : i32
      %ne3A_248 = arith.constant 0 : i32
      %ne3A_249 = arith.cmpi ne, %rem3A_247, %ne3A_248 : i32
      %and3A_250 = arith.andi %ne3A_246, %ne3A_249 : i1
      %sub3A_251 = arith.constant 1 : i32
      %sub3A_252 = arith.subi %div3A_231, %sub3A_251 : i32
      %select_n3A_253 = arith.select %and3A_250, %sub3A_252, %div3A_231 : i32
      %jit3A_254 = arith.constant 192 : i32
      %eq3A_255 = arith.constant 0 : i32
      %eq3A_256 = arith.cmpi eq, %jit3A_254, %eq3A_255 : i32
      %jit3A_257 = arith.constant 1 : i32
      %select_n3A_258 = arith.select %eq3A_256, %jit3A_257, %jit3A_254 : i32
      %rem3A_259 = arith.remsi %add3A_143, %select_n3A_258 : i32
      %ne3A_260 = arith.constant 0 : i32
      %ne3A_261 = arith.cmpi ne, %rem3A_259, %ne3A_260 : i32
      %lt3A_262 = arith.constant 0 : i32
      %lt3A_263 = arith.cmpi slt, %rem3A_259, %lt3A_262 : i32
      %lt3A_264 = arith.constant 0 : i32
      %lt3A_265 = arith.cmpi slt, %select_n3A_258, %lt3A_264 : i32
      %ne3A_266 = arith.xori %lt3A_263, %lt3A_265 : i1
      %and3A_267 = arith.andi %ne3A_266, %ne3A_261 : i1
      %add3A_268 = arith.addi %rem3A_259, %select_n3A_258 : i32
      %select_n3A_269 = arith.select %and3A_267, %add3A_268, %rem3A_259 : i32
      %dma_start3A_270 = arith.constant 0 : i32
      %dma_start3A_271 = arith.constant 0 : i32
      %dma_start3A_272 = tpu.memref_slice %arg3[%select_n3A_253, %select_n3A_269, %dma_start3A_270, %dma_start3A_271] : memref<8x192x112x112xf32, #tpu.memory_space<hbm>> -> memref<1x1x112x112xf32, #tpu.memory_space<hbm>>
      %dma_start3A_273 = tpu.memref_squeeze %dma_start3A_272 : memref<1x1x112x112xf32, #tpu.memory_space<hbm>> -> memref<112x112xf32, #tpu.memory_space<hbm>>
      %dma_start3A_274 = arith.constant 0 : i32
      %dma_start3A_275 = arith.constant 0 : i32
      %dma_start3A_276 = tpu.memref_slice %arg3[%select_n3A_253, %select_n3A_269, %dma_start3A_274, %dma_start3A_275] : memref<8x192x112x112xf32, #tpu.memory_space<hbm>> -> memref<1x1x112x112xf32, #tpu.memory_space<hbm>>
      %dma_start3A_277 = tpu.memref_squeeze %dma_start3A_276 : memref<1x1x112x112xf32, #tpu.memory_space<hbm>> -> memref<112x112xf32, #tpu.memory_space<hbm>>
      tpu.enqueue_dma source(%arg6 : memref<112x112xf32, #tpu.memory_space<vmem>>) target(%dma_start3A_277 : memref<112x112xf32, #tpu.memory_space<hbm>>) target_semaphore(%arg10 : memref<!tpu.dma_semaphore, #tpu.memory_space<semaphore_mem>>)
      %jit3A_278 = arith.constant 192 : i32
      %div3A_279 = arith.divsi %add3A_145, %jit3A_278 : i32
      %sign3A_280 = arith.constant 0 : i32
      %sign3A_281 = arith.cmpi sgt, %add3A_145, %sign3A_280 : i32
      %sign3A_282 = arith.extui %sign3A_281 : i1 to i32
      %sign3A_283 = arith.constant 0 : i32
      %sign3A_284 = arith.cmpi slt, %add3A_145, %sign3A_283 : i32
      %sign3A_285 = arith.extui %sign3A_284 : i1 to i32
      %sign3A_286 = arith.subi %sign3A_282, %sign3A_285 : i32
      %sign3A_287 = arith.constant 0 : i32
      %sign3A_288 = arith.cmpi sgt, %jit3A_278, %sign3A_287 : i32
      %sign3A_289 = arith.extui %sign3A_288 : i1 to i32
      %sign3A_290 = arith.constant 0 : i32
      %sign3A_291 = arith.cmpi slt, %jit3A_278, %sign3A_290 : i32
      %sign3A_292 = arith.extui %sign3A_291 : i1 to i32
      %sign3A_293 = arith.subi %sign3A_289, %sign3A_292 : i32
      %ne3A_294 = arith.cmpi ne, %sign3A_286, %sign3A_293 : i32
      %rem3A_295 = arith.remsi %add3A_145, %jit3A_278 : i32
      %ne3A_296 = arith.constant 0 : i32
      %ne3A_297 = arith.cmpi ne, %rem3A_295, %ne3A_296 : i32
      %and3A_298 = arith.andi %ne3A_294, %ne3A_297 : i1
      %sub3A_299 = arith.constant 1 : i32
      %sub3A_300 = arith.subi %div3A_279, %sub3A_299 : i32
      %select_n3A_301 = arith.select %and3A_298, %sub3A_300, %div3A_279 : i32
      %jit3A_302 = arith.constant 192 : i32
      %eq3A_303 = arith.constant 0 : i32
      %eq3A_304 = arith.cmpi eq, %jit3A_302, %eq3A_303 : i32
      %jit3A_305 = arith.constant 1 : i32
      %select_n3A_306 = arith.select %eq3A_304, %jit3A_305, %jit3A_302 : i32
      %rem3A_307 = arith.remsi %add3A_145, %select_n3A_306 : i32
      %ne3A_308 = arith.constant 0 : i32
      %ne3A_309 = arith.cmpi ne, %rem3A_307, %ne3A_308 : i32
      %lt3A_310 = arith.constant 0 : i32
      %lt3A_311 = arith.cmpi slt, %rem3A_307, %lt3A_310 : i32
      %lt3A_312 = arith.constant 0 : i32
      %lt3A_313 = arith.cmpi slt, %select_n3A_306, %lt3A_312 : i32
      %ne3A_314 = arith.xori %lt3A_311, %lt3A_313 : i1
      %and3A_315 = arith.andi %ne3A_314, %ne3A_309 : i1
      %add3A_316 = arith.addi %rem3A_307, %select_n3A_306 : i32
      %select_n3A_317 = arith.select %and3A_315, %add3A_316, %rem3A_307 : i32
      %dma_start3A_318 = arith.constant 8 : i32
      %dma_start3A_319 = arith.constant 0 : i32
      %dma_start3A_320 = arith.constant 0 : i32
      %dma_start3A_321 = tpu.memref_slice %arg2[%select_n3A_301, %select_n3A_317, %dma_start3A_318, %dma_start3A_319, %dma_start3A_320] : memref<8x192x16x16x196xf32, #tpu.memory_space<hbm>> -> memref<1x1x8x16x196xf32, #tpu.memory_space<hbm>>
      %dma_start3A_322 = tpu.memref_squeeze %dma_start3A_321 : memref<1x1x8x16x196xf32, #tpu.memory_space<hbm>> -> memref<8x16x196xf32, #tpu.memory_space<hbm>>
      %dma_start3A_323 = arith.constant 8 : i32
      %dma_start3A_324 = arith.constant 0 : i32
      %dma_start3A_325 = arith.constant 0 : i32
      %dma_start3A_326 = tpu.memref_slice %arg2[%select_n3A_301, %select_n3A_317, %dma_start3A_323, %dma_start3A_324, %dma_start3A_325] : memref<8x192x16x16x196xf32, #tpu.memory_space<hbm>> -> memref<1x1x8x16x196xf32, #tpu.memory_space<hbm>>
      %dma_start3A_327 = tpu.memref_squeeze %dma_start3A_326 : memref<1x1x8x16x196xf32, #tpu.memory_space<hbm>> -> memref<8x16x196xf32, #tpu.memory_space<hbm>>
      tpu.enqueue_dma source(%dma_start3A_327 : memref<8x16x196xf32, #tpu.memory_space<hbm>>) target(%arg5 : memref<8x16x196xf32, #tpu.memory_space<vmem>>) target_semaphore(%arg9 : memref<!tpu.dma_semaphore, #tpu.memory_space<semaphore_mem>>)
      %dma_wait3A_328 = arith.constant 0 : i32
      %dma_wait3A_329 = arith.constant 0 : i32
      %dma_wait3A_330 = arith.constant 0 : i32
      %dma_wait3A_331 = arith.constant 0 : i32
      %dma_wait3A_332 = arith.constant 0 : i32
      %dma_wait3A_333 = tpu.memref_slice %arg2[%dma_wait3A_328, %dma_wait3A_329, %dma_wait3A_330, %dma_wait3A_331, %dma_wait3A_332] : memref<8x192x16x16x196xf32, #tpu.memory_space<hbm>> -> memref<1x1x8x16x196xf32, #tpu.memory_space<hbm>>
      %dma_wait3A_334 = tpu.memref_squeeze %dma_wait3A_333 : memref<1x1x8x16x196xf32, #tpu.memory_space<hbm>> -> memref<8x16x196xf32, #tpu.memory_space<hbm>>
      %dma_wait3A_335 = arith.constant 0 : i32
      %dma_wait3A_336 = arith.constant 0 : i32
      %dma_wait3A_337 = arith.constant 0 : i32
      %dma_wait3A_338 = tpu.memref_slice %arg2[%dma_wait3A_328, %dma_wait3A_329, %dma_wait3A_335, %dma_wait3A_336, %dma_wait3A_337] : memref<8x192x16x16x196xf32, #tpu.memory_space<hbm>> -> memref<1x1x8x16x196xf32, #tpu.memory_space<hbm>>
      %dma_wait3A_339 = tpu.memref_squeeze %dma_wait3A_338 : memref<1x1x8x16x196xf32, #tpu.memory_space<hbm>> -> memref<8x16x196xf32, #tpu.memory_space<hbm>>
      tpu.wait_dma2 semaphore(%arg8 : memref<!tpu.dma_semaphore, #tpu.memory_space<semaphore_mem>>) src(%dma_wait3A_339 : memref<8x16x196xf32, #tpu.memory_space<hbm>>) dst(%arg4 : memref<8x16x196xf32, #tpu.memory_space<vmem>>)
      %parallel_loop3A_340 = arith.constant 0 : i32
      %parallel_loop3A_341 = arith.constant 8 : i32
      %parallel_loop3A_342 = arith.constant 1 : i32
      scf.for %parallel_loop3A_506 = %parallel_loop3A_340 to %parallel_loop3A_341 step %parallel_loop3A_342  : i32 {
        %parallel_loop3A_507 = vector.broadcast %parallel_loop3A_506 : i32 to vector<16xi32>
        %parallel_loop3A_508 = arith.constant 0 : i32
        %parallel_loop3A_509 = arith.addi %parallel_loop3A_508, %parallel_loop3A_506 : i32
        %parallel_loop3A_510 = arith.constant 121 : i32
        %parallel_loop3A_511 = vector.broadcast %parallel_loop3A_510 : i32 to vector<16xi32>
        %parallel_loop3A_512 = tpu.vector_load_idx %arg4[%parallel_loop3A_507, %iota3A, %parallel_loop3A_511] : memref<8x16x196xf32, #tpu.memory_space<vmem>>[vector<16xi32>, vector<16xi32>, vector<16xi32>], vector<16xf32>,
        %parallel_loop3A_513 = arith.index_cast %parallel_loop3A_509 : i32 to index
        %parallel_loop3A_514 = arith.constant 0 : index
        %parallel_loop3A_515 = tpu.vector_load %arg7[%parallel_loop3A_513, %parallel_loop3A_514] {strides = array<i32>} : memref<112x112xf32, #tpu.memory_space<vmem>>, vector<16xf32>,
        tpu.vector_store %arg7[%parallel_loop3A_513, %parallel_loop3A_514], %parallel_loop3A_512 {strides = array<i32>} : memref<112x112xf32, #tpu.memory_space<vmem>>, vector<16xf32>,
        %parallel_loop3A_516 = arith.constant 35 : i32
        %parallel_loop3A_517 = vector.broadcast %parallel_loop3A_516 : i32 to vector<16xi32>
        %parallel_loop3A_518 = tpu.vector_load_idx %arg4[%parallel_loop3A_507, %iota3A, %parallel_loop3A_517] : memref<8x16x196xf32, #tpu.memory_space<vmem>>[vector<16xi32>, vector<16xi32>, vector<16xi32>], vector<16xf32>,
        %parallel_loop3A_519 = arith.index_cast %parallel_loop3A_509 : i32 to index
        %parallel_loop3A_520 = arith.constant 16 : index
        %parallel_loop3A_521 = tpu.vector_load %arg7[%parallel_loop3A_519, %parallel_loop3A_520] {strides = array<i32>} : memref<112x112xf32, #tpu.memory_space<vmem>>, vector<16xf32>,
        tpu.vector_store %arg7[%parallel_loop3A_519, %parallel_loop3A_520], %parallel_loop3A_518 {strides = array<i32>} : memref<112x112xf32, #tpu.memory_space<vmem>>, vector<16xf32>,
        %parallel_loop3A_522 = arith.constant 130 : i32
        %parallel_loop3A_523 = vector.broadcast %parallel_loop3A_522 : i32 to vector<16xi32>
        %parallel_loop3A_524 = tpu.vector_load_idx %arg4[%parallel_loop3A_507, %iota3A, %parallel_loop3A_523] : memref<8x16x196xf32, #tpu.memory_space<vmem>>[vector<16xi32>, vector<16xi32>, vector<16xi32>], vector<16xf32>,
        %parallel_loop3A_525 = arith.index_cast %parallel_loop3A_509 : i32 to index
        %parallel_loop3A_526 = arith.constant 32 : index
        %parallel_loop3A_527 = tpu.vector_load %arg7[%parallel_loop3A_525, %parallel_loop3A_526] {strides = array<i32>} : memref<112x112xf32, #tpu.memory_space<vmem>>, vector<16xf32>,
        tpu.vector_store %arg7[%parallel_loop3A_525, %parallel_loop3A_526], %parallel_loop3A_524 {strides = array<i32>} : memref<112x112xf32, #tpu.memory_space<vmem>>, vector<16xf32>,
        %parallel_loop3A_528 = arith.constant 148 : i32
        %parallel_loop3A_529 = vector.broadcast %parallel_loop3A_528 : i32 to vector<16xi32>
        %parallel_loop3A_530 = tpu.vector_load_idx %arg4[%parallel_loop3A_507, %iota3A, %parallel_loop3A_529] : memref<8x16x196xf32, #tpu.memory_space<vmem>>[vector<16xi32>, vector<16xi32>, vector<16xi32>], vector<16xf32>,
        %parallel_loop3A_531 = arith.index_cast %parallel_loop3A_509 : i32 to index
        %parallel_loop3A_532 = arith.constant 48 : index
        %parallel_loop3A_533 = tpu.vector_load %arg7[%parallel_loop3A_531, %parallel_loop3A_532] {strides = array<i32>} : memref<112x112xf32, #tpu.memory_space<vmem>>, vector<16xf32>,
        tpu.vector_store %arg7[%parallel_loop3A_531, %parallel_loop3A_532], %parallel_loop3A_530 {strides = array<i32>} : memref<112x112xf32, #tpu.memory_space<vmem>>, vector<16xf32>,
        %parallel_loop3A_534 = arith.constant 45 : i32
        %parallel_loop3A_535 = vector.broadcast %parallel_loop3A_534 : i32 to vector<16xi32>
        %parallel_loop3A_536 = tpu.vector_load_idx %arg4[%parallel_loop3A_507, %iota3A, %parallel_loop3A_535] : memref<8x16x196xf32, #tpu.memory_space<vmem>>[vector<16xi32>, vector<16xi32>, vector<16xi32>], vector<16xf32>,
        %parallel_loop3A_537 = arith.index_cast %parallel_loop3A_509 : i32 to index
        %parallel_loop3A_538 = arith.constant 64 : index
        %parallel_loop3A_539 = tpu.vector_load %arg7[%parallel_loop3A_537, %parallel_loop3A_538] {strides = array<i32>} : memref<112x112xf32, #tpu.memory_space<vmem>>, vector<16xf32>,
        tpu.vector_store %arg7[%parallel_loop3A_537, %parallel_loop3A_538], %parallel_loop3A_536 {strides = array<i32>} : memref<112x112xf32, #tpu.memory_space<vmem>>, vector<16xf32>,
        %parallel_loop3A_540 = arith.constant 176 : i32
        %parallel_loop3A_541 = vector.broadcast %parallel_loop3A_540 : i32 to vector<16xi32>
        %parallel_loop3A_542 = tpu.vector_load_idx %arg4[%parallel_loop3A_507, %iota3A, %parallel_loop3A_541] : memref<8x16x196xf32, #tpu.memory_space<vmem>>[vector<16xi32>, vector<16xi32>, vector<16xi32>], vector<16xf32>,
        %parallel_loop3A_543 = arith.index_cast %parallel_loop3A_509 : i32 to index
        %parallel_loop3A_544 = arith.constant 80 : index
        %parallel_loop3A_545 = tpu.vector_load %arg7[%parallel_loop3A_543, %parallel_loop3A_544] {strides = array<i32>} : memref<112x112xf32, #tpu.memory_space<vmem>>, vector<16xf32>,
        tpu.vector_store %arg7[%parallel_loop3A_543, %parallel_loop3A_544], %parallel_loop3A_542 {strides = array<i32>} : memref<112x112xf32, #tpu.memory_space<vmem>>, vector<16xf32>,
        %parallel_loop3A_546 = arith.constant 179 : i32
        %parallel_loop3A_547 = vector.broadcast %parallel_loop3A_546 : i32 to vector<16xi32>
        %parallel_loop3A_548 = tpu.vector_load_idx %arg4[%parallel_loop3A_507, %iota3A, %parallel_loop3A_547] : memref<8x16x196xf32, #tpu.memory_space<vmem>>[vector<16xi32>, vector<16xi32>, vector<16xi32>], vector<16xf32>,
        %parallel_loop3A_549 = arith.index_cast %parallel_loop3A_509 : i32 to index
        %parallel_loop3A_550 = arith.constant 96 : index
        %parallel_loop3A_551 = tpu.vector_load %arg7[%parallel_loop3A_549, %parallel_loop3A_550] {strides = array<i32>} : memref<112x112xf32, #tpu.memory_space<vmem>>, vector<16xf32>,
        tpu.vector_store %arg7[%parallel_loop3A_549, %parallel_loop3A_550], %parallel_loop3A_548 {strides = array<i32>} : memref<112x112xf32, #tpu.memory_space<vmem>>, vector<16xf32>,
        %parallel_loop3A_552 = arith.constant 16 : i32
        %parallel_loop3A_553 = arith.addi %parallel_loop3A_552, %parallel_loop3A_506 : i32
        %parallel_loop3A_554 = arith.constant 139 : i32
        %parallel_loop3A_555 = vector.broadcast %parallel_loop3A_554 : i32 to vector<16xi32>
        %parallel_loop3A_556 = tpu.vector_load_idx %arg4[%parallel_loop3A_507, %iota3A, %parallel_loop3A_555] : memref<8x16x196xf32, #tpu.memory_space<vmem>>[vector<16xi32>, vector<16xi32>, vector<16xi32>], vector<16xf32>,
        %parallel_loop3A_557 = arith.index_cast %parallel_loop3A_553 : i32 to index
        %parallel_loop3A_558 = arith.constant 0 : index
        %parallel_loop3A_559 = tpu.vector_load %arg7[%parallel_loop3A_557, %parallel_loop3A_558] {strides = array<i32>} : memref<112x112xf32, #tpu.memory_space<vmem>>, vector<16xf32>,
        tpu.vector_store %arg7[%parallel_loop3A_557, %parallel_loop3A_558], %parallel_loop3A_556 {strides = array<i32>} : memref<112x112xf32, #tpu.memory_space<vmem>>, vector<16xf32>,
        %parallel_loop3A_560 = arith.constant 188 : i32
        %parallel_loop3A_561 = vector.broadcast %parallel_loop3A_560 : i32 to vector<16xi32>
        %parallel_loop3A_562 = tpu.vector_load_idx %arg4[%parallel_loop3A_507, %iota3A, %parallel_loop3A_561] : memref<8x16x196xf32, #tpu.memory_space<vmem>>[vector<16xi32>, vector<16xi32>, vector<16xi32>], vector<16xf32>,
        %parallel_loop3A_563 = arith.index_cast %parallel_loop3A_553 : i32 to index
        %parallel_loop3A_564 = arith.constant 16 : index
        %parallel_loop3A_565 = tpu.vector_load %arg7[%parallel_loop3A_563, %parallel_loop3A_564] {strides = array<i32>} : memref<112x112xf32, #tpu.memory_space<vmem>>, vector<16xf32>,
        tpu.vector_store %arg7[%parallel_loop3A_563, %parallel_loop3A_564], %parallel_loop3A_562 {strides = array<i32>} : memref<112x112xf32, #tpu.memory_space<vmem>>, vector<16xf32>,
        %parallel_loop3A_566 = arith.constant 99 : i32
        %parallel_loop3A_567 = vector.broadcast %parallel_loop3A_566 : i32 to vector<16xi32>
        %parallel_loop3A_568 = tpu.vector_load_idx %arg4[%parallel_loop3A_507, %iota3A, %parallel_loop3A_567] : memref<8x16x196xf32, #tpu.memory_space<vmem>>[vector<16xi32>, vector<16xi32>, vector<16xi32>], vector<16xf32>,
        %parallel_loop3A_569 = arith.index_cast %parallel_loop3A_553 : i32 to index
        %parallel_loop3A_570 = arith.constant 32 : index
        %parallel_loop3A_571 = tpu.vector_load %arg7[%parallel_loop3A_569, %parallel_loop3A_570] {strides = array<i32>} : memref<112x112xf32, #tpu.memory_space<vmem>>, vector<16xf32>,
        tpu.vector_store %arg7[%parallel_loop3A_569, %parallel_loop3A_570], %parallel_loop3A_568 {strides = array<i32>} : memref<112x112xf32, #tpu.memory_space<vmem>>, vector<16xf32>,
        %parallel_loop3A_572 = arith.constant 144 : i32
        %parallel_loop3A_573 = vector.broadcast %parallel_loop3A_572 : i32 to vector<16xi32>
        %parallel_loop3A_574 = tpu.vector_load_idx %arg4[%parallel_loop3A_507, %iota3A, %parallel_loop3A_573] : memref<8x16x196xf32, #tpu.memory_space<vmem>>[vector<16xi32>, vector<16xi32>, vector<16xi32>], vector<16xf32>,
        %parallel_loop3A_575 = arith.index_cast %parallel_loop3A_553 : i32 to index
        %parallel_loop3A_576 = arith.constant 48 : index
        %parallel_loop3A_577 = tpu.vector_load %arg7[%parallel_loop3A_575, %parallel_loop3A_576] {strides = array<i32>} : memref<112x112xf32, #tpu.memory_space<vmem>>, vector<16xf32>,
        tpu.vector_store %arg7[%parallel_loop3A_575, %parallel_loop3A_576], %parallel_loop3A_574 {strides = array<i32>} : memref<112x112xf32, #tpu.memory_space<vmem>>, vector<16xf32>,
        %parallel_loop3A_578 = arith.constant 152 : i32
        %parallel_loop3A_579 = vector.broadcast %parallel_loop3A_578 : i32 to vector<16xi32>
        %parallel_loop3A_580 = tpu.vector_load_idx %arg4[%parallel_loop3A_507, %iota3A, %parallel_loop3A_579] : memref<8x16x196xf32, #tpu.memory_space<vmem>>[vector<16xi32>, vector<16xi32>, vector<16xi32>], vector<16xf32>,
        %parallel_loop3A_581 = arith.index_cast %parallel_loop3A_553 : i32 to index
        %parallel_loop3A_582 = arith.constant 64 : index
        %parallel_loop3A_583 = tpu.vector_load %arg7[%parallel_loop3A_581, %parallel_loop3A_582] {strides = array<i32>} : memref<112x112xf32, #tpu.memory_space<vmem>>, vector<16xf32>,
        tpu.vector_store %arg7[%parallel_loop3A_581, %parallel_loop3A_582], %parallel_loop3A_580 {strides = array<i32>} : memref<112x112xf32, #tpu.memory_space<vmem>>, vector<16xf32>,
        %parallel_loop3A_584 = arith.constant 189 : i32
        %parallel_loop3A_585 = vector.broadcast %parallel_loop3A_584 : i32 to vector<16xi32>
        %parallel_loop3A_586 = tpu.vector_load_idx %arg4[%parallel_loop3A_507, %iota3A, %parallel_loop3A_585] : memref<8x16x196xf32, #tpu.memory_space<vmem>>[vector<16xi32>, vector<16xi32>, vector<16xi32>], vector<16xf32>,
        %parallel_loop3A_587 = arith.index_cast %parallel_loop3A_553 : i32 to index
        %parallel_loop3A_588 = arith.constant 80 : index
        %parallel_loop3A_589 = tpu.vector_load %arg7[%parallel_loop3A_587, %parallel_loop3A_588] {strides = array<i32>} : memref<112x112xf32, #tpu.memory_space<vmem>>, vector<16xf32>,
        tpu.vector_store %arg7[%parallel_loop3A_587, %parallel_loop3A_588], %parallel_loop3A_586 {strides = array<i32>} : memref<112x112xf32, #tpu.memory_space<vmem>>, vector<16xf32>,
        %parallel_loop3A_590 = arith.constant 31 : i32
        %parallel_loop3A_591 = vector.broadcast %parallel_loop3A_590 : i32 to vector<16xi32>
        %parallel_loop3A_592 = tpu.vector_load_idx %arg4[%parallel_loop3A_507, %iota3A, %parallel_loop3A_591] : memref<8x16x196xf32, #tpu.memory_space<vmem>>[vector<16xi32>, vector<16xi32>, vector<16xi32>], vector<16xf32>,
        %parallel_loop3A_593 = arith.index_cast %parallel_loop3A_553 : i32 to index
        %parallel_loop3A_594 = arith.constant 96 : index
        %parallel_loop3A_595 = tpu.vector_load %arg7[%parallel_loop3A_593, %parallel_loop3A_594] {strides = array<i32>} : memref<112x112xf32, #tpu.memory_space<vmem>>, vector<16xf32>,
        tpu.vector_store %arg7[%parallel_loop3A_593, %parallel_loop3A_594], %parallel_loop3A_592 {strides = array<i32>} : memref<112x112xf32, #tpu.memory_space<vmem>>, vector<16xf32>,
        %parallel_loop3A_596 = arith.constant 32 : i32
        %parallel_loop3A_597 = arith.addi %parallel_loop3A_596, %parallel_loop3A_506 : i32
        %parallel_loop3A_598 = arith.constant 112 : i32
        %parallel_loop3A_599 = vector.broadcast %parallel_loop3A_598 : i32 to vector<16xi32>
        %parallel_loop3A_600 = tpu.vector_load_idx %arg4[%parallel_loop3A_507, %iota3A, %parallel_loop3A_599] : memref<8x16x196xf32, #tpu.memory_space<vmem>>[vector<16xi32>, vector<16xi32>, vector<16xi32>], vector<16xf32>,
        %parallel_loop3A_601 = arith.index_cast %parallel_loop3A_597 : i32 to index
        %parallel_loop3A_602 = arith.constant 0 : index
        %parallel_loop3A_603 = tpu.vector_load %arg7[%parallel_loop3A_601, %parallel_loop3A_602] {strides = array<i32>} : memref<112x112xf32, #tpu.memory_space<vmem>>, vector<16xf32>,
        tpu.vector_store %arg7[%parallel_loop3A_601, %parallel_loop3A_602], %parallel_loop3A_600 {strides = array<i32>} : memref<112x112xf32, #tpu.memory_space<vmem>>, vector<16xf32>,
        %parallel_loop3A_604 = arith.constant 85 : i32
        %parallel_loop3A_605 = vector.broadcast %parallel_loop3A_604 : i32 to vector<16xi32>
        %parallel_loop3A_606 = tpu.vector_load_idx %arg4[%parallel_loop3A_507, %iota3A, %parallel_loop3A_605] : memref<8x16x196xf32, #tpu.memory_space<vmem>>[vector<16xi32>, vector<16xi32>, vector<16xi32>], vector<16xf32>,
        %parallel_loop3A_607 = arith.index_cast %parallel_loop3A_597 : i32 to index
        %parallel_loop3A_608 = arith.constant 16 : index
        %parallel_loop3A_609 = tpu.vector_load %arg7[%parallel_loop3A_607, %parallel_loop3A_608] {strides = array<i32>} : memref<112x112xf32, #tpu.memory_space<vmem>>, vector<16xf32>,
        tpu.vector_store %arg7[%parallel_loop3A_607, %parallel_loop3A_608], %parallel_loop3A_606 {strides = array<i32>} : memref<112x112xf32, #tpu.memory_space<vmem>>, vector<16xf32>,
        %parallel_loop3A_610 = arith.constant 63 : i32
        %parallel_loop3A_611 = vector.broadcast %parallel_loop3A_610 : i32 to vector<16xi32>
        %parallel_loop3A_612 = tpu.vector_load_idx %arg4[%parallel_loop3A_507, %iota3A, %parallel_loop3A_611] : memref<8x16x196xf32, #tpu.memory_space<vmem>>[vector<16xi32>, vector<16xi32>, vector<16xi32>], vector<16xf32>,
        %parallel_loop3A_613 = arith.index_cast %parallel_loop3A_597 : i32 to index
        %parallel_loop3A_614 = arith.constant 32 : index
        %parallel_loop3A_615 = tpu.vector_load %arg7[%parallel_loop3A_613, %parallel_loop3A_614] {strides = array<i32>} : memref<112x112xf32, #tpu.memory_space<vmem>>, vector<16xf32>,
        tpu.vector_store %arg7[%parallel_loop3A_613, %parallel_loop3A_614], %parallel_loop3A_612 {strides = array<i32>} : memref<112x112xf32, #tpu.memory_space<vmem>>, vector<16xf32>,
        %parallel_loop3A_616 = arith.constant 117 : i32
        %parallel_loop3A_617 = vector.broadcast %parallel_loop3A_616 : i32 to vector<16xi32>
        %parallel_loop3A_618 = tpu.vector_load_idx %arg4[%parallel_loop3A_507, %iota3A, %parallel_loop3A_617] : memref<8x16x196xf32, #tpu.memory_space<vmem>>[vector<16xi32>, vector<16xi32>, vector<16xi32>], vector<16xf32>,
        %parallel_loop3A_619 = arith.index_cast %parallel_loop3A_597 : i32 to index
        %parallel_loop3A_620 = arith.constant 48 : index
        %parallel_loop3A_621 = tpu.vector_load %arg7[%parallel_loop3A_619, %parallel_loop3A_620] {strides = array<i32>} : memref<112x112xf32, #tpu.memory_space<vmem>>, vector<16xf32>,
        tpu.vector_store %arg7[%parallel_loop3A_619, %parallel_loop3A_620], %parallel_loop3A_618 {strides = array<i32>} : memref<112x112xf32, #tpu.memory_space<vmem>>, vector<16xf32>,
        %parallel_loop3A_622 = arith.constant 174 : i32
        %parallel_loop3A_623 = vector.broadcast %parallel_loop3A_622 : i32 to vector<16xi32>
        %parallel_loop3A_624 = tpu.vector_load_idx %arg4[%parallel_loop3A_507, %iota3A, %parallel_loop3A_623] : memref<8x16x196xf32, #tpu.memory_space<vmem>>[vector<16xi32>, vector<16xi32>, vector<16xi32>], vector<16xf32>,
        %parallel_loop3A_625 = arith.index_cast %parallel_loop3A_597 : i32 to index
        %parallel_loop3A_626 = arith.constant 64 : index
        %parallel_loop3A_627 = tpu.vector_load %arg7[%parallel_loop3A_625, %parallel_loop3A_626] {strides = array<i32>} : memref<112x112xf32, #tpu.memory_space<vmem>>, vector<16xf32>,
        tpu.vector_store %arg7[%parallel_loop3A_625, %parallel_loop3A_626], %parallel_loop3A_624 {strides = array<i32>} : memref<112x112xf32, #tpu.memory_space<vmem>>, vector<16xf32>,
        %parallel_loop3A_628 = arith.constant 114 : i32
        %parallel_loop3A_629 = vector.broadcast %parallel_loop3A_628 : i32 to vector<16xi32>
        %parallel_loop3A_630 = tpu.vector_load_idx %arg4[%parallel_loop3A_507, %iota3A, %parallel_loop3A_629] : memref<8x16x196xf32, #tpu.memory_space<vmem>>[vector<16xi32>, vector<16xi32>, vector<16xi32>], vector<16xf32>,
        %parallel_loop3A_631 = arith.index_cast %parallel_loop3A_597 : i32 to index
        %parallel_loop3A_632 = arith.constant 80 : index
        %parallel_loop3A_633 = tpu.vector_load %arg7[%parallel_loop3A_631, %parallel_loop3A_632] {strides = array<i32>} : memref<112x112xf32, #tpu.memory_space<vmem>>, vector<16xf32>,
        tpu.vector_store %arg7[%parallel_loop3A_631, %parallel_loop3A_632], %parallel_loop3A_630 {strides = array<i32>} : memref<112x112xf32, #tpu.memory_space<vmem>>, vector<16xf32>,
        %parallel_loop3A_634 = arith.constant 82 : i32
        %parallel_loop3A_635 = vector.broadcast %parallel_loop3A_634 : i32 to vector<16xi32>
        %parallel_loop3A_636 = tpu.vector_load_idx %arg4[%parallel_loop3A_507, %iota3A, %parallel_loop3A_635] : memref<8x16x196xf32, #tpu.memory_space<vmem>>[vector<16xi32>, vector<16xi32>, vector<16xi32>], vector<16xf32>,
        %parallel_loop3A_637 = arith.index_cast %parallel_loop3A_597 : i32 to index
        %parallel_loop3A_638 = arith.constant 96 : index
        %parallel_loop3A_639 = tpu.vector_load %arg7[%parallel_loop3A_637, %parallel_loop3A_638] {strides = array<i32>} : memref<112x112xf32, #tpu.memory_space<vmem>>, vector<16xf32>,
        tpu.vector_store %arg7[%parallel_loop3A_637, %parallel_loop3A_638], %parallel_loop3A_636 {strides = array<i32>} : memref<112x112xf32, #tpu.memory_space<vmem>>, vector<16xf32>,
        %parallel_loop3A_640 = arith.constant 48 : i32
        %parallel_loop3A_641 = arith.addi %parallel_loop3A_640, %parallel_loop3A_506 : i32
        %parallel_loop3A_642 = arith.constant 65 : i32
        %parallel_loop3A_643 = vector.broadcast %parallel_loop3A_642 : i32 to vector<16xi32>
        %parallel_loop3A_644 = tpu.vector_load_idx %arg4[%parallel_loop3A_507, %iota3A, %parallel_loop3A_643] : memref<8x16x196xf32, #tpu.memory_space<vmem>>[vector<16xi32>, vector<16xi32>, vector<16xi32>], vector<16xf32>,
        %parallel_loop3A_645 = arith.index_cast %parallel_loop3A_641 : i32 to index
        %parallel_loop3A_646 = arith.constant 0 : index
        %parallel_loop3A_647 = tpu.vector_load %arg7[%parallel_loop3A_645, %parallel_loop3A_646] {strides = array<i32>} : memref<112x112xf32, #tpu.memory_space<vmem>>, vector<16xf32>,
        tpu.vector_store %arg7[%parallel_loop3A_645, %parallel_loop3A_646], %parallel_loop3A_644 {strides = array<i32>} : memref<112x112xf32, #tpu.memory_space<vmem>>, vector<16xf32>,
        %parallel_loop3A_648 = arith.constant 7 : i32
        %parallel_loop3A_649 = vector.broadcast %parallel_loop3A_648 : i32 to vector<16xi32>
        %parallel_loop3A_650 = tpu.vector_load_idx %arg4[%parallel_loop3A_507, %iota3A, %parallel_loop3A_649] : memref<8x16x196xf32, #tpu.memory_space<vmem>>[vector<16xi32>, vector<16xi32>, vector<16xi32>], vector<16xf32>,
        %parallel_loop3A_651 = arith.index_cast %parallel_loop3A_641 : i32 to index
        %parallel_loop3A_652 = arith.constant 16 : index
        %parallel_loop3A_653 = tpu.vector_load %arg7[%parallel_loop3A_651, %parallel_loop3A_652] {strides = array<i32>} : memref<112x112xf32, #tpu.memory_space<vmem>>, vector<16xf32>,
        tpu.vector_store %arg7[%parallel_loop3A_651, %parallel_loop3A_652], %parallel_loop3A_650 {strides = array<i32>} : memref<112x112xf32, #tpu.memory_space<vmem>>, vector<16xf32>,
        %parallel_loop3A_654 = arith.constant 4 : i32
        %parallel_loop3A_655 = vector.broadcast %parallel_loop3A_654 : i32 to vector<16xi32>
        %parallel_loop3A_656 = tpu.vector_load_idx %arg4[%parallel_loop3A_507, %iota3A, %parallel_loop3A_655] : memref<8x16x196xf32, #tpu.memory_space<vmem>>[vector<16xi32>, vector<16xi32>, vector<16xi32>], vector<16xf32>,
        %parallel_loop3A_657 = arith.index_cast %parallel_loop3A_641 : i32 to index
        %parallel_loop3A_658 = arith.constant 32 : index
        %parallel_loop3A_659 = tpu.vector_load %arg7[%parallel_loop3A_657, %parallel_loop3A_658] {strides = array<i32>} : memref<112x112xf32, #tpu.memory_space<vmem>>, vector<16xf32>,
        tpu.vector_store %arg7[%parallel_loop3A_657, %parallel_loop3A_658], %parallel_loop3A_656 {strides = array<i32>} : memref<112x112xf32, #tpu.memory_space<vmem>>, vector<16xf32>,
        %parallel_loop3A_660 = arith.constant 101 : i32
        %parallel_loop3A_661 = vector.broadcast %parallel_loop3A_660 : i32 to vector<16xi32>
        %parallel_loop3A_662 = tpu.vector_load_idx %arg4[%parallel_loop3A_507, %iota3A, %parallel_loop3A_661] : memref<8x16x196xf32, #tpu.memory_space<vmem>>[vector<16xi32>, vector<16xi32>, vector<16xi32>], vector<16xf32>,
        %parallel_loop3A_663 = arith.index_cast %parallel_loop3A_641 : i32 to index
        %parallel_loop3A_664 = arith.constant 48 : index
        %parallel_loop3A_665 = tpu.vector_load %arg7[%parallel_loop3A_663, %parallel_loop3A_664] {strides = array<i32>} : memref<112x112xf32, #tpu.memory_space<vmem>>, vector<16xf32>,
        tpu.vector_store %arg7[%parallel_loop3A_663, %parallel_loop3A_664], %parallel_loop3A_662 {strides = array<i32>} : memref<112x112xf32, #tpu.memory_space<vmem>>, vector<16xf32>,
        %parallel_loop3A_666 = arith.constant 102 : i32
        %parallel_loop3A_667 = vector.broadcast %parallel_loop3A_666 : i32 to vector<16xi32>
        %parallel_loop3A_668 = tpu.vector_load_idx %arg4[%parallel_loop3A_507, %iota3A, %parallel_loop3A_667] : memref<8x16x196xf32, #tpu.memory_space<vmem>>[vector<16xi32>, vector<16xi32>, vector<16xi32>], vector<16xf32>,
        %parallel_loop3A_669 = arith.index_cast %parallel_loop3A_641 : i32 to index
        %parallel_loop3A_670 = arith.constant 64 : index
        %parallel_loop3A_671 = tpu.vector_load %arg7[%parallel_loop3A_669, %parallel_loop3A_670] {strides = array<i32>} : memref<112x112xf32, #tpu.memory_space<vmem>>, vector<16xf32>,
        tpu.vector_store %arg7[%parallel_loop3A_669, %parallel_loop3A_670], %parallel_loop3A_668 {strides = array<i32>} : memref<112x112xf32, #tpu.memory_space<vmem>>, vector<16xf32>,
        %parallel_loop3A_672 = arith.constant 78 : i32
        %parallel_loop3A_673 = vector.broadcast %parallel_loop3A_672 : i32 to vector<16xi32>
        %parallel_loop3A_674 = tpu.vector_load_idx %arg4[%parallel_loop3A_507, %iota3A, %parallel_loop3A_673] : memref<8x16x196xf32, #tpu.memory_space<vmem>>[vector<16xi32>, vector<16xi32>, vector<16xi32>], vector<16xf32>,
        %parallel_loop3A_675 = arith.index_cast %parallel_loop3A_641 : i32 to index
        %parallel_loop3A_676 = arith.constant 80 : index
        %parallel_loop3A_677 = tpu.vector_load %arg7[%parallel_loop3A_675, %parallel_loop3A_676] {strides = array<i32>} : memref<112x112xf32, #tpu.memory_space<vmem>>, vector<16xf32>,
        tpu.vector_store %arg7[%parallel_loop3A_675, %parallel_loop3A_676], %parallel_loop3A_674 {strides = array<i32>} : memref<112x112xf32, #tpu.memory_space<vmem>>, vector<16xf32>,
        %parallel_loop3A_678 = arith.constant 163 : i32
        %parallel_loop3A_679 = vector.broadcast %parallel_loop3A_678 : i32 to vector<16xi32>
        %parallel_loop3A_680 = tpu.vector_load_idx %arg4[%parallel_loop3A_507, %iota3A, %parallel_loop3A_679] : memref<8x16x196xf32, #tpu.memory_space<vmem>>[vector<16xi32>, vector<16xi32>, vector<16xi32>], vector<16xf32>,
        %parallel_loop3A_681 = arith.index_cast %parallel_loop3A_641 : i32 to index
        %parallel_loop3A_682 = arith.constant 96 : index
        %parallel_loop3A_683 = tpu.vector_load %arg7[%parallel_loop3A_681, %parallel_loop3A_682] {strides = array<i32>} : memref<112x112xf32, #tpu.memory_space<vmem>>, vector<16xf32>,
        tpu.vector_store %arg7[%parallel_loop3A_681, %parallel_loop3A_682], %parallel_loop3A_680 {strides = array<i32>} : memref<112x112xf32, #tpu.memory_space<vmem>>, vector<16xf32>,
        %parallel_loop3A_684 = arith.constant 64 : i32
        %parallel_loop3A_685 = arith.addi %parallel_loop3A_684, %parallel_loop3A_506 : i32
        %parallel_loop3A_686 = arith.constant 157 : i32
        %parallel_loop3A_687 = vector.broadcast %parallel_loop3A_686 : i32 to vector<16xi32>
        %parallel_loop3A_688 = tpu.vector_load_idx %arg4[%parallel_loop3A_507, %iota3A, %parallel_loop3A_687] : memref<8x16x196xf32, #tpu.memory_space<vmem>>[vector<16xi32>, vector<16xi32>, vector<16xi32>], vector<16xf32>,
        %parallel_loop3A_689 = arith.index_cast %parallel_loop3A_685 : i32 to index
        %parallel_loop3A_690 = arith.constant 0 : index
        %parallel_loop3A_691 = tpu.vector_load %arg7[%parallel_loop3A_689, %parallel_loop3A_690] {strides = array<i32>} : memref<112x112xf32, #tpu.memory_space<vmem>>, vector<16xf32>,
        tpu.vector_store %arg7[%parallel_loop3A_689, %parallel_loop3A_690], %parallel_loop3A_688 {strides = array<i32>} : memref<112x112xf32, #tpu.memory_space<vmem>>, vector<16xf32>,
        %parallel_loop3A_692 = arith.constant 183 : i32
        %parallel_loop3A_693 = vector.broadcast %parallel_loop3A_692 : i32 to vector<16xi32>
        %parallel_loop3A_694 = tpu.vector_load_idx %arg4[%parallel_loop3A_507, %iota3A, %parallel_loop3A_693] : memref<8x16x196xf32, #tpu.memory_space<vmem>>[vector<16xi32>, vector<16xi32>, vector<16xi32>], vector<16xf32>,
        %parallel_loop3A_695 = arith.index_cast %parallel_loop3A_685 : i32 to index
        %parallel_loop3A_696 = arith.constant 16 : index
        %parallel_loop3A_697 = tpu.vector_load %arg7[%parallel_loop3A_695, %parallel_loop3A_696] {strides = array<i32>} : memref<112x112xf32, #tpu.memory_space<vmem>>, vector<16xf32>,
        tpu.vector_store %arg7[%parallel_loop3A_695, %parallel_loop3A_696], %parallel_loop3A_694 {strides = array<i32>} : memref<112x112xf32, #tpu.memory_space<vmem>>, vector<16xf32>,
        %parallel_loop3A_698 = arith.constant 29 : i32
        %parallel_loop3A_699 = vector.broadcast %parallel_loop3A_698 : i32 to vector<16xi32>
        %parallel_loop3A_700 = tpu.vector_load_idx %arg4[%parallel_loop3A_507, %iota3A, %parallel_loop3A_699] : memref<8x16x196xf32, #tpu.memory_space<vmem>>[vector<16xi32>, vector<16xi32>, vector<16xi32>], vector<16xf32>,
        %parallel_loop3A_701 = arith.index_cast %parallel_loop3A_685 : i32 to index
        %parallel_loop3A_702 = arith.constant 32 : index
        %parallel_loop3A_703 = tpu.vector_load %arg7[%parallel_loop3A_701, %parallel_loop3A_702] {strides = array<i32>} : memref<112x112xf32, #tpu.memory_space<vmem>>, vector<16xf32>,
        tpu.vector_store %arg7[%parallel_loop3A_701, %parallel_loop3A_702], %parallel_loop3A_700 {strides = array<i32>} : memref<112x112xf32, #tpu.memory_space<vmem>>, vector<16xf32>,
        %parallel_loop3A_704 = arith.constant 177 : i32
        %parallel_loop3A_705 = vector.broadcast %parallel_loop3A_704 : i32 to vector<16xi32>
        %parallel_loop3A_706 = tpu.vector_load_idx %arg4[%parallel_loop3A_507, %iota3A, %parallel_loop3A_705] : memref<8x16x196xf32, #tpu.memory_space<vmem>>[vector<16xi32>, vector<16xi32>, vector<16xi32>], vector<16xf32>,
        %parallel_loop3A_707 = arith.index_cast %parallel_loop3A_685 : i32 to index
        %parallel_loop3A_708 = arith.constant 48 : index
        %parallel_loop3A_709 = tpu.vector_load %arg7[%parallel_loop3A_707, %parallel_loop3A_708] {strides = array<i32>} : memref<112x112xf32, #tpu.memory_space<vmem>>, vector<16xf32>,
        tpu.vector_store %arg7[%parallel_loop3A_707, %parallel_loop3A_708], %parallel_loop3A_706 {strides = array<i32>} : memref<112x112xf32, #tpu.memory_space<vmem>>, vector<16xf32>,
        %parallel_loop3A_710 = arith.constant 108 : i32
        %parallel_loop3A_711 = vector.broadcast %parallel_loop3A_710 : i32 to vector<16xi32>
        %parallel_loop3A_712 = tpu.vector_load_idx %arg4[%parallel_loop3A_507, %iota3A, %parallel_loop3A_711] : memref<8x16x196xf32, #tpu.memory_space<vmem>>[vector<16xi32>, vector<16xi32>, vector<16xi32>], vector<16xf32>,
        %parallel_loop3A_713 = arith.index_cast %parallel_loop3A_685 : i32 to index
        %parallel_loop3A_714 = arith.constant 64 : index
        %parallel_loop3A_715 = tpu.vector_load %arg7[%parallel_loop3A_713, %parallel_loop3A_714] {strides = array<i32>} : memref<112x112xf32, #tpu.memory_space<vmem>>, vector<16xf32>,
        tpu.vector_store %arg7[%parallel_loop3A_713, %parallel_loop3A_714], %parallel_loop3A_712 {strides = array<i32>} : memref<112x112xf32, #tpu.memory_space<vmem>>, vector<16xf32>,
        %parallel_loop3A_716 = arith.constant 83 : i32
        %parallel_loop3A_717 = vector.broadcast %parallel_loop3A_716 : i32 to vector<16xi32>
        %parallel_loop3A_718 = tpu.vector_load_idx %arg4[%parallel_loop3A_507, %iota3A, %parallel_loop3A_717] : memref<8x16x196xf32, #tpu.memory_space<vmem>>[vector<16xi32>, vector<16xi32>, vector<16xi32>], vector<16xf32>,
        %parallel_loop3A_719 = arith.index_cast %parallel_loop3A_685 : i32 to index
        %parallel_loop3A_720 = arith.constant 80 : index
        %parallel_loop3A_721 = tpu.vector_load %arg7[%parallel_loop3A_719, %parallel_loop3A_720] {strides = array<i32>} : memref<112x112xf32, #tpu.memory_space<vmem>>, vector<16xf32>,
        tpu.vector_store %arg7[%parallel_loop3A_719, %parallel_loop3A_720], %parallel_loop3A_718 {strides = array<i32>} : memref<112x112xf32, #tpu.memory_space<vmem>>, vector<16xf32>,
        %parallel_loop3A_722 = arith.constant 129 : i32
        %parallel_loop3A_723 = vector.broadcast %parallel_loop3A_722 : i32 to vector<16xi32>
        %parallel_loop3A_724 = tpu.vector_load_idx %arg4[%parallel_loop3A_507, %iota3A, %parallel_loop3A_723] : memref<8x16x196xf32, #tpu.memory_space<vmem>>[vector<16xi32>, vector<16xi32>, vector<16xi32>], vector<16xf32>,
        %parallel_loop3A_725 = arith.index_cast %parallel_loop3A_685 : i32 to index
        %parallel_loop3A_726 = arith.constant 96 : index
        %parallel_loop3A_727 = tpu.vector_load %arg7[%parallel_loop3A_725, %parallel_loop3A_726] {strides = array<i32>} : memref<112x112xf32, #tpu.memory_space<vmem>>, vector<16xf32>,
        tpu.vector_store %arg7[%parallel_loop3A_725, %parallel_loop3A_726], %parallel_loop3A_724 {strides = array<i32>} : memref<112x112xf32, #tpu.memory_space<vmem>>, vector<16xf32>,
        %parallel_loop3A_728 = arith.constant 80 : i32
        %parallel_loop3A_729 = arith.addi %parallel_loop3A_728, %parallel_loop3A_506 : i32
        %parallel_loop3A_730 = arith.constant 44 : i32
        %parallel_loop3A_731 = vector.broadcast %parallel_loop3A_730 : i32 to vector<16xi32>
        %parallel_loop3A_732 = tpu.vector_load_idx %arg4[%parallel_loop3A_507, %iota3A, %parallel_loop3A_731] : memref<8x16x196xf32, #tpu.memory_space<vmem>>[vector<16xi32>, vector<16xi32>, vector<16xi32>], vector<16xf32>,
        %parallel_loop3A_733 = arith.index_cast %parallel_loop3A_729 : i32 to index
        %parallel_loop3A_734 = arith.constant 0 : index
        %parallel_loop3A_735 = tpu.vector_load %arg7[%parallel_loop3A_733, %parallel_loop3A_734] {strides = array<i32>} : memref<112x112xf32, #tpu.memory_space<vmem>>, vector<16xf32>,
        tpu.vector_store %arg7[%parallel_loop3A_733, %parallel_loop3A_734], %parallel_loop3A_732 {strides = array<i32>} : memref<112x112xf32, #tpu.memory_space<vmem>>, vector<16xf32>,
        %parallel_loop3A_736 = arith.constant 16 : i32
        %parallel_loop3A_737 = vector.broadcast %parallel_loop3A_736 : i32 to vector<16xi32>
        %parallel_loop3A_738 = tpu.vector_load_idx %arg4[%parallel_loop3A_507, %iota3A, %parallel_loop3A_737] : memref<8x16x196xf32, #tpu.memory_space<vmem>>[vector<16xi32>, vector<16xi32>, vector<16xi32>], vector<16xf32>,
        %parallel_loop3A_739 = arith.index_cast %parallel_loop3A_729 : i32 to index
        %parallel_loop3A_740 = arith.constant 16 : index
        %parallel_loop3A_741 = tpu.vector_load %arg7[%parallel_loop3A_739, %parallel_loop3A_740] {strides = array<i32>} : memref<112x112xf32, #tpu.memory_space<vmem>>, vector<16xf32>,
        tpu.vector_store %arg7[%parallel_loop3A_739, %parallel_loop3A_740], %parallel_loop3A_738 {strides = array<i32>} : memref<112x112xf32, #tpu.memory_space<vmem>>, vector<16xf32>,
        %parallel_loop3A_742 = arith.constant 58 : i32
        %parallel_loop3A_743 = vector.broadcast %parallel_loop3A_742 : i32 to vector<16xi32>
        %parallel_loop3A_744 = tpu.vector_load_idx %arg4[%parallel_loop3A_507, %iota3A, %parallel_loop3A_743] : memref<8x16x196xf32, #tpu.memory_space<vmem>>[vector<16xi32>, vector<16xi32>, vector<16xi32>], vector<16xf32>,
        %parallel_loop3A_745 = arith.index_cast %parallel_loop3A_729 : i32 to index
        %parallel_loop3A_746 = arith.constant 32 : index
        %parallel_loop3A_747 = tpu.vector_load %arg7[%parallel_loop3A_745, %parallel_loop3A_746] {strides = array<i32>} : memref<112x112xf32, #tpu.memory_space<vmem>>, vector<16xf32>,
        tpu.vector_store %arg7[%parallel_loop3A_745, %parallel_loop3A_746], %parallel_loop3A_744 {strides = array<i32>} : memref<112x112xf32, #tpu.memory_space<vmem>>, vector<16xf32>,
        %parallel_loop3A_748 = arith.constant 123 : i32
        %parallel_loop3A_749 = vector.broadcast %parallel_loop3A_748 : i32 to vector<16xi32>
        %parallel_loop3A_750 = tpu.vector_load_idx %arg4[%parallel_loop3A_507, %iota3A, %parallel_loop3A_749] : memref<8x16x196xf32, #tpu.memory_space<vmem>>[vector<16xi32>, vector<16xi32>, vector<16xi32>], vector<16xf32>,
        %parallel_loop3A_751 = arith.index_cast %parallel_loop3A_729 : i32 to index
        %parallel_loop3A_752 = arith.constant 48 : index
        %parallel_loop3A_753 = tpu.vector_load %arg7[%parallel_loop3A_751, %parallel_loop3A_752] {strides = array<i32>} : memref<112x112xf32, #tpu.memory_space<vmem>>, vector<16xf32>,
        tpu.vector_store %arg7[%parallel_loop3A_751, %parallel_loop3A_752], %parallel_loop3A_750 {strides = array<i32>} : memref<112x112xf32, #tpu.memory_space<vmem>>, vector<16xf32>,
        %parallel_loop3A_754 = arith.constant 37 : i32
        %parallel_loop3A_755 = vector.broadcast %parallel_loop3A_754 : i32 to vector<16xi32>
        %parallel_loop3A_756 = tpu.vector_load_idx %arg4[%parallel_loop3A_507, %iota3A, %parallel_loop3A_755] : memref<8x16x196xf32, #tpu.memory_space<vmem>>[vector<16xi32>, vector<16xi32>, vector<16xi32>], vector<16xf32>,
        %parallel_loop3A_757 = arith.index_cast %parallel_loop3A_729 : i32 to index
        %parallel_loop3A_758 = arith.constant 64 : index
        %parallel_loop3A_759 = tpu.vector_load %arg7[%parallel_loop3A_757, %parallel_loop3A_758] {strides = array<i32>} : memref<112x112xf32, #tpu.memory_space<vmem>>, vector<16xf32>,
        tpu.vector_store %arg7[%parallel_loop3A_757, %parallel_loop3A_758], %parallel_loop3A_756 {strides = array<i32>} : memref<112x112xf32, #tpu.memory_space<vmem>>, vector<16xf32>,
        %parallel_loop3A_760 = arith.constant 111 : i32
        %parallel_loop3A_761 = vector.broadcast %parallel_loop3A_760 : i32 to vector<16xi32>
        %parallel_loop3A_762 = tpu.vector_load_idx %arg4[%parallel_loop3A_507, %iota3A, %parallel_loop3A_761] : memref<8x16x196xf32, #tpu.memory_space<vmem>>[vector<16xi32>, vector<16xi32>, vector<16xi32>], vector<16xf32>,
        %parallel_loop3A_763 = arith.index_cast %parallel_loop3A_729 : i32 to index
        %parallel_loop3A_764 = arith.constant 80 : index
        %parallel_loop3A_765 = tpu.vector_load %arg7[%parallel_loop3A_763, %parallel_loop3A_764] {strides = array<i32>} : memref<112x112xf32, #tpu.memory_space<vmem>>, vector<16xf32>,
        tpu.vector_store %arg7[%parallel_loop3A_763, %parallel_loop3A_764], %parallel_loop3A_762 {strides = array<i32>} : memref<112x112xf32, #tpu.memory_space<vmem>>, vector<16xf32>,
        %parallel_loop3A_766 = arith.constant 19 : i32
        %parallel_loop3A_767 = vector.broadcast %parallel_loop3A_766 : i32 to vector<16xi32>
        %parallel_loop3A_768 = tpu.vector_load_idx %arg4[%parallel_loop3A_507, %iota3A, %parallel_loop3A_767] : memref<8x16x196xf32, #tpu.memory_space<vmem>>[vector<16xi32>, vector<16xi32>, vector<16xi32>], vector<16xf32>,
        %parallel_loop3A_769 = arith.index_cast %parallel_loop3A_729 : i32 to index
        %parallel_loop3A_770 = arith.constant 96 : index
        %parallel_loop3A_771 = tpu.vector_load %arg7[%parallel_loop3A_769, %parallel_loop3A_770] {strides = array<i32>} : memref<112x112xf32, #tpu.memory_space<vmem>>, vector<16xf32>,
        tpu.vector_store %arg7[%parallel_loop3A_769, %parallel_loop3A_770], %parallel_loop3A_768 {strides = array<i32>} : memref<112x112xf32, #tpu.memory_space<vmem>>, vector<16xf32>,
        %parallel_loop3A_772 = arith.constant 96 : i32
        %parallel_loop3A_773 = arith.addi %parallel_loop3A_772, %parallel_loop3A_506 : i32
        %parallel_loop3A_774 = arith.constant 61 : i32
        %parallel_loop3A_775 = vector.broadcast %parallel_loop3A_774 : i32 to vector<16xi32>
        %parallel_loop3A_776 = tpu.vector_load_idx %arg4[%parallel_loop3A_507, %iota3A, %parallel_loop3A_775] : memref<8x16x196xf32, #tpu.memory_space<vmem>>[vector<16xi32>, vector<16xi32>, vector<16xi32>], vector<16xf32>,
        %parallel_loop3A_777 = arith.index_cast %parallel_loop3A_773 : i32 to index
        %parallel_loop3A_778 = arith.constant 0 : index
        %parallel_loop3A_779 = tpu.vector_load %arg7[%parallel_loop3A_777, %parallel_loop3A_778] {strides = array<i32>} : memref<112x112xf32, #tpu.memory_space<vmem>>, vector<16xf32>,
        tpu.vector_store %arg7[%parallel_loop3A_777, %parallel_loop3A_778], %parallel_loop3A_776 {strides = array<i32>} : memref<112x112xf32, #tpu.memory_space<vmem>>, vector<16xf32>,
        %parallel_loop3A_780 = arith.constant 2 : i32
        %parallel_loop3A_781 = vector.broadcast %parallel_loop3A_780 : i32 to vector<16xi32>
        %parallel_loop3A_782 = tpu.vector_load_idx %arg4[%parallel_loop3A_507, %iota3A, %parallel_loop3A_781] : memref<8x16x196xf32, #tpu.memory_space<vmem>>[vector<16xi32>, vector<16xi32>, vector<16xi32>], vector<16xf32>,
        %parallel_loop3A_783 = arith.index_cast %parallel_loop3A_773 : i32 to index
        %parallel_loop3A_784 = arith.constant 16 : index
        %parallel_loop3A_785 = tpu.vector_load %arg7[%parallel_loop3A_783, %parallel_loop3A_784] {strides = array<i32>} : memref<112x112xf32, #tpu.memory_space<vmem>>, vector<16xf32>,
        tpu.vector_store %arg7[%parallel_loop3A_783, %parallel_loop3A_784], %parallel_loop3A_782 {strides = array<i32>} : memref<112x112xf32, #tpu.memory_space<vmem>>, vector<16xf32>,
        %parallel_loop3A_786 = arith.constant 142 : i32
        %parallel_loop3A_787 = vector.broadcast %parallel_loop3A_786 : i32 to vector<16xi32>
        %parallel_loop3A_788 = tpu.vector_load_idx %arg4[%parallel_loop3A_507, %iota3A, %parallel_loop3A_787] : memref<8x16x196xf32, #tpu.memory_space<vmem>>[vector<16xi32>, vector<16xi32>, vector<16xi32>], vector<16xf32>,
        %parallel_loop3A_789 = arith.index_cast %parallel_loop3A_773 : i32 to index
        %parallel_loop3A_790 = arith.constant 32 : index
        %parallel_loop3A_791 = tpu.vector_load %arg7[%parallel_loop3A_789, %parallel_loop3A_790] {strides = array<i32>} : memref<112x112xf32, #tpu.memory_space<vmem>>, vector<16xf32>,
        tpu.vector_store %arg7[%parallel_loop3A_789, %parallel_loop3A_790], %parallel_loop3A_788 {strides = array<i32>} : memref<112x112xf32, #tpu.memory_space<vmem>>, vector<16xf32>,
        %parallel_loop3A_792 = arith.constant 34 : i32
        %parallel_loop3A_793 = vector.broadcast %parallel_loop3A_792 : i32 to vector<16xi32>
        %parallel_loop3A_794 = tpu.vector_load_idx %arg4[%parallel_loop3A_507, %iota3A, %parallel_loop3A_793] : memref<8x16x196xf32, #tpu.memory_space<vmem>>[vector<16xi32>, vector<16xi32>, vector<16xi32>], vector<16xf32>,
        %parallel_loop3A_795 = arith.index_cast %parallel_loop3A_773 : i32 to index
        %parallel_loop3A_796 = arith.constant 48 : index
        %parallel_loop3A_797 = tpu.vector_load %arg7[%parallel_loop3A_795, %parallel_loop3A_796] {strides = array<i32>} : memref<112x112xf32, #tpu.memory_space<vmem>>, vector<16xf32>,
        tpu.vector_store %arg7[%parallel_loop3A_795, %parallel_loop3A_796], %parallel_loop3A_794 {strides = array<i32>} : memref<112x112xf32, #tpu.memory_space<vmem>>, vector<16xf32>,
        %parallel_loop3A_798 = arith.constant 156 : i32
        %parallel_loop3A_799 = vector.broadcast %parallel_loop3A_798 : i32 to vector<16xi32>
        %parallel_loop3A_800 = tpu.vector_load_idx %arg4[%parallel_loop3A_507, %iota3A, %parallel_loop3A_799] : memref<8x16x196xf32, #tpu.memory_space<vmem>>[vector<16xi32>, vector<16xi32>, vector<16xi32>], vector<16xf32>,
        %parallel_loop3A_801 = arith.index_cast %parallel_loop3A_773 : i32 to index
        %parallel_loop3A_802 = arith.constant 64 : index
        %parallel_loop3A_803 = tpu.vector_load %arg7[%parallel_loop3A_801, %parallel_loop3A_802] {strides = array<i32>} : memref<112x112xf32, #tpu.memory_space<vmem>>, vector<16xf32>,
        tpu.vector_store %arg7[%parallel_loop3A_801, %parallel_loop3A_802], %parallel_loop3A_800 {strides = array<i32>} : memref<112x112xf32, #tpu.memory_space<vmem>>, vector<16xf32>,
        %parallel_loop3A_804 = arith.constant 5 : i32
        %parallel_loop3A_805 = vector.broadcast %parallel_loop3A_804 : i32 to vector<16xi32>
        %parallel_loop3A_806 = tpu.vector_load_idx %arg4[%parallel_loop3A_507, %iota3A, %parallel_loop3A_805] : memref<8x16x196xf32, #tpu.memory_space<vmem>>[vector<16xi32>, vector<16xi32>, vector<16xi32>], vector<16xf32>,
        %parallel_loop3A_807 = arith.index_cast %parallel_loop3A_773 : i32 to index
        %parallel_loop3A_808 = arith.constant 80 : index
        %parallel_loop3A_809 = tpu.vector_load %arg7[%parallel_loop3A_807, %parallel_loop3A_808] {strides = array<i32>} : memref<112x112xf32, #tpu.memory_space<vmem>>, vector<16xf32>,
        tpu.vector_store %arg7[%parallel_loop3A_807, %parallel_loop3A_808], %parallel_loop3A_806 {strides = array<i32>} : memref<112x112xf32, #tpu.memory_space<vmem>>, vector<16xf32>,
        %parallel_loop3A_810 = arith.constant 90 : i32
        %parallel_loop3A_811 = vector.broadcast %parallel_loop3A_810 : i32 to vector<16xi32>
        %parallel_loop3A_812 = tpu.vector_load_idx %arg4[%parallel_loop3A_507, %iota3A, %parallel_loop3A_811] : memref<8x16x196xf32, #tpu.memory_space<vmem>>[vector<16xi32>, vector<16xi32>, vector<16xi32>], vector<16xf32>,
        %parallel_loop3A_813 = arith.index_cast %parallel_loop3A_773 : i32 to index
        %parallel_loop3A_814 = arith.constant 96 : index
        %parallel_loop3A_815 = tpu.vector_load %arg7[%parallel_loop3A_813, %parallel_loop3A_814] {strides = array<i32>} : memref<112x112xf32, #tpu.memory_space<vmem>>, vector<16xf32>,
        tpu.vector_store %arg7[%parallel_loop3A_813, %parallel_loop3A_814], %parallel_loop3A_812 {strides = array<i32>} : memref<112x112xf32, #tpu.memory_space<vmem>>, vector<16xf32>,
      } {sc.loop_unroll_factor = 2 : i64, sc.parallel_access}
      %jit3A_343 = arith.constant 192 : i32
      %div3A_344 = arith.divsi %min3A_148, %jit3A_343 : i32
      %sign3A_345 = arith.constant 0 : i32
      %sign3A_346 = arith.cmpi sgt, %min3A_148, %sign3A_345 : i32
      %sign3A_347 = arith.extui %sign3A_346 : i1 to i32
      %sign3A_348 = arith.constant 0 : i32
      %sign3A_349 = arith.cmpi slt, %min3A_148, %sign3A_348 : i32
      %sign3A_350 = arith.extui %sign3A_349 : i1 to i32
      %sign3A_351 = arith.subi %sign3A_347, %sign3A_350 : i32
      %sign3A_352 = arith.constant 0 : i32
      %sign3A_353 = arith.cmpi sgt, %jit3A_343, %sign3A_352 : i32
      %sign3A_354 = arith.extui %sign3A_353 : i1 to i32
      %sign3A_355 = arith.constant 0 : i32
      %sign3A_356 = arith.cmpi slt, %jit3A_343, %sign3A_355 : i32
      %sign3A_357 = arith.extui %sign3A_356 : i1 to i32
      %sign3A_358 = arith.subi %sign3A_354, %sign3A_357 : i32
      %ne3A_359 = arith.cmpi ne, %sign3A_351, %sign3A_358 : i32
      %rem3A_360 = arith.remsi %min3A_148, %jit3A_343 : i32
      %ne3A_361 = arith.constant 0 : i32
      %ne3A_362 = arith.cmpi ne, %rem3A_360, %ne3A_361 : i32
      %and3A_363 = arith.andi %ne3A_359, %ne3A_362 : i1
      %sub3A_364 = arith.constant 1 : i32
      %sub3A_365 = arith.subi %div3A_344, %sub3A_364 : i32
      %select_n3A_366 = arith.select %and3A_363, %sub3A_365, %div3A_344 : i32
      %jit3A_367 = arith.constant 192 : i32
      %eq3A_368 = arith.constant 0 : i32
      %eq3A_369 = arith.cmpi eq, %jit3A_367, %eq3A_368 : i32
      %jit3A_370 = arith.constant 1 : i32
      %select_n3A_371 = arith.select %eq3A_369, %jit3A_370, %jit3A_367 : i32
      %rem3A_372 = arith.remsi %min3A_148, %select_n3A_371 : i32
      %ne3A_373 = arith.constant 0 : i32
      %ne3A_374 = arith.cmpi ne, %rem3A_372, %ne3A_373 : i32
      %lt3A_375 = arith.constant 0 : i32
      %lt3A_376 = arith.cmpi slt, %rem3A_372, %lt3A_375 : i32
      %lt3A_377 = arith.constant 0 : i32
      %lt3A_378 = arith.cmpi slt, %select_n3A_371, %lt3A_377 : i32
      %ne3A_379 = arith.xori %lt3A_376, %lt3A_378 : i1
      %and3A_380 = arith.andi %ne3A_379, %ne3A_374 : i1
      %add3A_381 = arith.addi %rem3A_372, %select_n3A_371 : i32
      %select_n3A_382 = arith.select %and3A_380, %add3A_381, %rem3A_372 : i32
      %dma_start3A_383 = arith.constant 0 : i32
      %dma_start3A_384 = arith.constant 0 : i32
      %dma_start3A_385 = arith.constant 0 : i32
      %dma_start3A_386 = tpu.memref_slice %arg2[%select_n3A_366, %select_n3A_382, %dma_start3A_383, %dma_start3A_384, %dma_start3A_385] : memref<8x192x16x16x196xf32, #tpu.memory_space<hbm>> -> memref<1x1x8x16x196xf32, #tpu.memory_space<hbm>>
      %dma_start3A_387 = tpu.memref_squeeze %dma_start3A_386 : memref<1x1x8x16x196xf32, #tpu.memory_space<hbm>> -> memref<8x16x196xf32, #tpu.memory_space<hbm>>
      %dma_start3A_388 = arith.constant 0 : i32
      %dma_start3A_389 = arith.constant 0 : i32
      %dma_start3A_390 = arith.constant 0 : i32
      %dma_start3A_391 = tpu.memref_slice %arg2[%select_n3A_366, %select_n3A_382, %dma_start3A_388, %dma_start3A_389, %dma_start3A_390] : memref<8x192x16x16x196xf32, #tpu.memory_space<hbm>> -> memref<1x1x8x16x196xf32, #tpu.memory_space<hbm>>
      %dma_start3A_392 = tpu.memref_squeeze %dma_start3A_391 : memref<1x1x8x16x196xf32, #tpu.memory_space<hbm>> -> memref<8x16x196xf32, #tpu.memory_space<hbm>>
      tpu.enqueue_dma source(%dma_start3A_392 : memref<8x16x196xf32, #tpu.memory_space<hbm>>) target(%arg4 : memref<8x16x196xf32, #tpu.memory_space<vmem>>) target_semaphore(%arg8 : memref<!tpu.dma_semaphore, #tpu.memory_space<semaphore_mem>>)
      %dma_wait3A_393 = arith.constant 0 : i32
      %dma_wait3A_394 = arith.constant 0 : i32
      %dma_wait3A_395 = arith.constant 0 : i32
      %dma_wait3A_396 = arith.constant 0 : i32
      %dma_wait3A_397 = arith.constant 0 : i32
      %dma_wait3A_398 = tpu.memref_slice %arg2[%dma_wait3A_393, %dma_wait3A_394, %dma_wait3A_395, %dma_wait3A_396, %dma_wait3A_397] : memref<8x192x16x16x196xf32, #tpu.memory_space<hbm>> -> memref<1x1x8x16x196xf32, #tpu.memory_space<hbm>>
      %dma_wait3A_399 = tpu.memref_squeeze %dma_wait3A_398 : memref<1x1x8x16x196xf32, #tpu.memory_space<hbm>> -> memref<8x16x196xf32, #tpu.memory_space<hbm>>
      %dma_wait3A_400 = arith.constant 0 : i32
      %dma_wait3A_401 = arith.constant 0 : i32
      %dma_wait3A_402 = arith.constant 0 : i32
      %dma_wait3A_403 = tpu.memref_slice %arg2[%dma_wait3A_393, %dma_wait3A_394, %dma_wait3A_400, %dma_wait3A_401, %dma_wait3A_402] : memref<8x192x16x16x196xf32, #tpu.memory_space<hbm>> -> memref<1x1x8x16x196xf32, #tpu.memory_space<hbm>>
      %dma_wait3A_404 = tpu.memref_squeeze %dma_wait3A_403 : memref<1x1x8x16x196xf32, #tpu.memory_space<hbm>> -> memref<8x16x196xf32, #tpu.memory_space<hbm>>
      tpu.wait_dma2 semaphore(%arg9 : memref<!tpu.dma_semaphore, #tpu.memory_space<semaphore_mem>>) src(%dma_wait3A_404 : memref<8x16x196xf32, #tpu.memory_space<hbm>>) dst(%arg5 : memref<8x16x196xf32, #tpu.memory_space<vmem>>)
      %parallel_loop3A_405 = arith.constant 0 : i32
      %parallel_loop3A_406 = arith.constant 8 : i32
      %parallel_loop3A_407 = arith.constant 1 : i32
      scf.for %parallel_loop3A_506 = %parallel_loop3A_405 to %parallel_loop3A_406 step %parallel_loop3A_407  : i32 {
        %parallel_loop3A_507 = vector.broadcast %parallel_loop3A_506 : i32 to vector<16xi32>
        %parallel_loop3A_508 = arith.constant 8 : i32
        %parallel_loop3A_509 = arith.addi %parallel_loop3A_508, %parallel_loop3A_506 : i32
        %parallel_loop3A_510 = arith.constant 121 : i32
        %parallel_loop3A_511 = vector.broadcast %parallel_loop3A_510 : i32 to vector<16xi32>
        %parallel_loop3A_512 = tpu.vector_load_idx %arg5[%parallel_loop3A_507, %iota3A, %parallel_loop3A_511] : memref<8x16x196xf32, #tpu.memory_space<vmem>>[vector<16xi32>, vector<16xi32>, vector<16xi32>], vector<16xf32>,
        %parallel_loop3A_513 = arith.index_cast %parallel_loop3A_509 : i32 to index
        %parallel_loop3A_514 = arith.constant 0 : index
        %parallel_loop3A_515 = tpu.vector_load %arg7[%parallel_loop3A_513, %parallel_loop3A_514] {strides = array<i32>} : memref<112x112xf32, #tpu.memory_space<vmem>>, vector<16xf32>,
        tpu.vector_store %arg7[%parallel_loop3A_513, %parallel_loop3A_514], %parallel_loop3A_512 {strides = array<i32>} : memref<112x112xf32, #tpu.memory_space<vmem>>, vector<16xf32>,
        %parallel_loop3A_516 = arith.constant 35 : i32
        %parallel_loop3A_517 = vector.broadcast %parallel_loop3A_516 : i32 to vector<16xi32>
        %parallel_loop3A_518 = tpu.vector_load_idx %arg5[%parallel_loop3A_507, %iota3A, %parallel_loop3A_517] : memref<8x16x196xf32, #tpu.memory_space<vmem>>[vector<16xi32>, vector<16xi32>, vector<16xi32>], vector<16xf32>,
        %parallel_loop3A_519 = arith.index_cast %parallel_loop3A_509 : i32 to index
        %parallel_loop3A_520 = arith.constant 16 : index
        %parallel_loop3A_521 = tpu.vector_load %arg7[%parallel_loop3A_519, %parallel_loop3A_520] {strides = array<i32>} : memref<112x112xf32, #tpu.memory_space<vmem>>, vector<16xf32>,
        tpu.vector_store %arg7[%parallel_loop3A_519, %parallel_loop3A_520], %parallel_loop3A_518 {strides = array<i32>} : memref<112x112xf32, #tpu.memory_space<vmem>>, vector<16xf32>,
        %parallel_loop3A_522 = arith.constant 130 : i32
        %parallel_loop3A_523 = vector.broadcast %parallel_loop3A_522 : i32 to vector<16xi32>
        %parallel_loop3A_524 = tpu.vector_load_idx %arg5[%parallel_loop3A_507, %iota3A, %parallel_loop3A_523] : memref<8x16x196xf32, #tpu.memory_space<vmem>>[vector<16xi32>, vector<16xi32>, vector<16xi32>], vector<16xf32>,
        %parallel_loop3A_525 = arith.index_cast %parallel_loop3A_509 : i32 to index
        %parallel_loop3A_526 = arith.constant 32 : index
        %parallel_loop3A_527 = tpu.vector_load %arg7[%parallel_loop3A_525, %parallel_loop3A_526] {strides = array<i32>} : memref<112x112xf32, #tpu.memory_space<vmem>>, vector<16xf32>,
        tpu.vector_store %arg7[%parallel_loop3A_525, %parallel_loop3A_526], %parallel_loop3A_524 {strides = array<i32>} : memref<112x112xf32, #tpu.memory_space<vmem>>, vector<16xf32>,
        %parallel_loop3A_528 = arith.constant 148 : i32
        %parallel_loop3A_529 = vector.broadcast %parallel_loop3A_528 : i32 to vector<16xi32>
        %parallel_loop3A_530 = tpu.vector_load_idx %arg5[%parallel_loop3A_507, %iota3A, %parallel_loop3A_529] : memref<8x16x196xf32, #tpu.memory_space<vmem>>[vector<16xi32>, vector<16xi32>, vector<16xi32>], vector<16xf32>,
        %parallel_loop3A_531 = arith.index_cast %parallel_loop3A_509 : i32 to index
        %parallel_loop3A_532 = arith.constant 48 : index
        %parallel_loop3A_533 = tpu.vector_load %arg7[%parallel_loop3A_531, %parallel_loop3A_532] {strides = array<i32>} : memref<112x112xf32, #tpu.memory_space<vmem>>, vector<16xf32>,
        tpu.vector_store %arg7[%parallel_loop3A_531, %parallel_loop3A_532], %parallel_loop3A_530 {strides = array<i32>} : memref<112x112xf32, #tpu.memory_space<vmem>>, vector<16xf32>,
        %parallel_loop3A_534 = arith.constant 45 : i32
        %parallel_loop3A_535 = vector.broadcast %parallel_loop3A_534 : i32 to vector<16xi32>
        %parallel_loop3A_536 = tpu.vector_load_idx %arg5[%parallel_loop3A_507, %iota3A, %parallel_loop3A_535] : memref<8x16x196xf32, #tpu.memory_space<vmem>>[vector<16xi32>, vector<16xi32>, vector<16xi32>], vector<16xf32>,
        %parallel_loop3A_537 = arith.index_cast %parallel_loop3A_509 : i32 to index
        %parallel_loop3A_538 = arith.constant 64 : index
        %parallel_loop3A_539 = tpu.vector_load %arg7[%parallel_loop3A_537, %parallel_loop3A_538] {strides = array<i32>} : memref<112x112xf32, #tpu.memory_space<vmem>>, vector<16xf32>,
        tpu.vector_store %arg7[%parallel_loop3A_537, %parallel_loop3A_538], %parallel_loop3A_536 {strides = array<i32>} : memref<112x112xf32, #tpu.memory_space<vmem>>, vector<16xf32>,
        %parallel_loop3A_540 = arith.constant 176 : i32
        %parallel_loop3A_541 = vector.broadcast %parallel_loop3A_540 : i32 to vector<16xi32>
        %parallel_loop3A_542 = tpu.vector_load_idx %arg5[%parallel_loop3A_507, %iota3A, %parallel_loop3A_541] : memref<8x16x196xf32, #tpu.memory_space<vmem>>[vector<16xi32>, vector<16xi32>, vector<16xi32>], vector<16xf32>,
        %parallel_loop3A_543 = arith.index_cast %parallel_loop3A_509 : i32 to index
        %parallel_loop3A_544 = arith.constant 80 : index
        %parallel_loop3A_545 = tpu.vector_load %arg7[%parallel_loop3A_543, %parallel_loop3A_544] {strides = array<i32>} : memref<112x112xf32, #tpu.memory_space<vmem>>, vector<16xf32>,
        tpu.vector_store %arg7[%parallel_loop3A_543, %parallel_loop3A_544], %parallel_loop3A_542 {strides = array<i32>} : memref<112x112xf32, #tpu.memory_space<vmem>>, vector<16xf32>,
        %parallel_loop3A_546 = arith.constant 179 : i32
        %parallel_loop3A_547 = vector.broadcast %parallel_loop3A_546 : i32 to vector<16xi32>
        %parallel_loop3A_548 = tpu.vector_load_idx %arg5[%parallel_loop3A_507, %iota3A, %parallel_loop3A_547] : memref<8x16x196xf32, #tpu.memory_space<vmem>>[vector<16xi32>, vector<16xi32>, vector<16xi32>], vector<16xf32>,
        %parallel_loop3A_549 = arith.index_cast %parallel_loop3A_509 : i32 to index
        %parallel_loop3A_550 = arith.constant 96 : index
        %parallel_loop3A_551 = tpu.vector_load %arg7[%parallel_loop3A_549, %parallel_loop3A_550] {strides = array<i32>} : memref<112x112xf32, #tpu.memory_space<vmem>>, vector<16xf32>,
        tpu.vector_store %arg7[%parallel_loop3A_549, %parallel_loop3A_550], %parallel_loop3A_548 {strides = array<i32>} : memref<112x112xf32, #tpu.memory_space<vmem>>, vector<16xf32>,
        %parallel_loop3A_552 = arith.constant 24 : i32
        %parallel_loop3A_553 = arith.addi %parallel_loop3A_552, %parallel_loop3A_506 : i32
        %parallel_loop3A_554 = arith.constant 139 : i32
        %parallel_loop3A_555 = vector.broadcast %parallel_loop3A_554 : i32 to vector<16xi32>
        %parallel_loop3A_556 = tpu.vector_load_idx %arg5[%parallel_loop3A_507, %iota3A, %parallel_loop3A_555] : memref<8x16x196xf32, #tpu.memory_space<vmem>>[vector<16xi32>, vector<16xi32>, vector<16xi32>], vector<16xf32>,
        %parallel_loop3A_557 = arith.index_cast %parallel_loop3A_553 : i32 to index
        %parallel_loop3A_558 = arith.constant 0 : index
        %parallel_loop3A_559 = tpu.vector_load %arg7[%parallel_loop3A_557, %parallel_loop3A_558] {strides = array<i32>} : memref<112x112xf32, #tpu.memory_space<vmem>>, vector<16xf32>,
        tpu.vector_store %arg7[%parallel_loop3A_557, %parallel_loop3A_558], %parallel_loop3A_556 {strides = array<i32>} : memref<112x112xf32, #tpu.memory_space<vmem>>, vector<16xf32>,
        %parallel_loop3A_560 = arith.constant 188 : i32
        %parallel_loop3A_561 = vector.broadcast %parallel_loop3A_560 : i32 to vector<16xi32>
        %parallel_loop3A_562 = tpu.vector_load_idx %arg5[%parallel_loop3A_507, %iota3A, %parallel_loop3A_561] : memref<8x16x196xf32, #tpu.memory_space<vmem>>[vector<16xi32>, vector<16xi32>, vector<16xi32>], vector<16xf32>,
        %parallel_loop3A_563 = arith.index_cast %parallel_loop3A_553 : i32 to index
        %parallel_loop3A_564 = arith.constant 16 : index
        %parallel_loop3A_565 = tpu.vector_load %arg7[%parallel_loop3A_563, %parallel_loop3A_564] {strides = array<i32>} : memref<112x112xf32, #tpu.memory_space<vmem>>, vector<16xf32>,
        tpu.vector_store %arg7[%parallel_loop3A_563, %parallel_loop3A_564], %parallel_loop3A_562 {strides = array<i32>} : memref<112x112xf32, #tpu.memory_space<vmem>>, vector<16xf32>,
        %parallel_loop3A_566 = arith.constant 99 : i32
        %parallel_loop3A_567 = vector.broadcast %parallel_loop3A_566 : i32 to vector<16xi32>
        %parallel_loop3A_568 = tpu.vector_load_idx %arg5[%parallel_loop3A_507, %iota3A, %parallel_loop3A_567] : memref<8x16x196xf32, #tpu.memory_space<vmem>>[vector<16xi32>, vector<16xi32>, vector<16xi32>], vector<16xf32>,
        %parallel_loop3A_569 = arith.index_cast %parallel_loop3A_553 : i32 to index
        %parallel_loop3A_570 = arith.constant 32 : index
        %parallel_loop3A_571 = tpu.vector_load %arg7[%parallel_loop3A_569, %parallel_loop3A_570] {strides = array<i32>} : memref<112x112xf32, #tpu.memory_space<vmem>>, vector<16xf32>,
        tpu.vector_store %arg7[%parallel_loop3A_569, %parallel_loop3A_570], %parallel_loop3A_568 {strides = array<i32>} : memref<112x112xf32, #tpu.memory_space<vmem>>, vector<16xf32>,
        %parallel_loop3A_572 = arith.constant 144 : i32
        %parallel_loop3A_573 = vector.broadcast %parallel_loop3A_572 : i32 to vector<16xi32>
        %parallel_loop3A_574 = tpu.vector_load_idx %arg5[%parallel_loop3A_507, %iota3A, %parallel_loop3A_573] : memref<8x16x196xf32, #tpu.memory_space<vmem>>[vector<16xi32>, vector<16xi32>, vector<16xi32>], vector<16xf32>,
        %parallel_loop3A_575 = arith.index_cast %parallel_loop3A_553 : i32 to index
        %parallel_loop3A_576 = arith.constant 48 : index
        %parallel_loop3A_577 = tpu.vector_load %arg7[%parallel_loop3A_575, %parallel_loop3A_576] {strides = array<i32>} : memref<112x112xf32, #tpu.memory_space<vmem>>, vector<16xf32>,
        tpu.vector_store %arg7[%parallel_loop3A_575, %parallel_loop3A_576], %parallel_loop3A_574 {strides = array<i32>} : memref<112x112xf32, #tpu.memory_space<vmem>>, vector<16xf32>,
        %parallel_loop3A_578 = arith.constant 152 : i32
        %parallel_loop3A_579 = vector.broadcast %parallel_loop3A_578 : i32 to vector<16xi32>
        %parallel_loop3A_580 = tpu.vector_load_idx %arg5[%parallel_loop3A_507, %iota3A, %parallel_loop3A_579] : memref<8x16x196xf32, #tpu.memory_space<vmem>>[vector<16xi32>, vector<16xi32>, vector<16xi32>], vector<16xf32>,
        %parallel_loop3A_581 = arith.index_cast %parallel_loop3A_553 : i32 to index
        %parallel_loop3A_582 = arith.constant 64 : index
        %parallel_loop3A_583 = tpu.vector_load %arg7[%parallel_loop3A_581, %parallel_loop3A_582] {strides = array<i32>} : memref<112x112xf32, #tpu.memory_space<vmem>>, vector<16xf32>,
        tpu.vector_store %arg7[%parallel_loop3A_581, %parallel_loop3A_582], %parallel_loop3A_580 {strides = array<i32>} : memref<112x112xf32, #tpu.memory_space<vmem>>, vector<16xf32>,
        %parallel_loop3A_584 = arith.constant 189 : i32
        %parallel_loop3A_585 = vector.broadcast %parallel_loop3A_584 : i32 to vector<16xi32>
        %parallel_loop3A_586 = tpu.vector_load_idx %arg5[%parallel_loop3A_507, %iota3A, %parallel_loop3A_585] : memref<8x16x196xf32, #tpu.memory_space<vmem>>[vector<16xi32>, vector<16xi32>, vector<16xi32>], vector<16xf32>,
        %parallel_loop3A_587 = arith.index_cast %parallel_loop3A_553 : i32 to index
        %parallel_loop3A_588 = arith.constant 80 : index
        %parallel_loop3A_589 = tpu.vector_load %arg7[%parallel_loop3A_587, %parallel_loop3A_588] {strides = array<i32>} : memref<112x112xf32, #tpu.memory_space<vmem>>, vector<16xf32>,
        tpu.vector_store %arg7[%parallel_loop3A_587, %parallel_loop3A_588], %parallel_loop3A_586 {strides = array<i32>} : memref<112x112xf32, #tpu.memory_space<vmem>>, vector<16xf32>,
        %parallel_loop3A_590 = arith.constant 31 : i32
        %parallel_loop3A_591 = vector.broadcast %parallel_loop3A_590 : i32 to vector<16xi32>
        %parallel_loop3A_592 = tpu.vector_load_idx %arg5[%parallel_loop3A_507, %iota3A, %parallel_loop3A_591] : memref<8x16x196xf32, #tpu.memory_space<vmem>>[vector<16xi32>, vector<16xi32>, vector<16xi32>], vector<16xf32>,
        %parallel_loop3A_593 = arith.index_cast %parallel_loop3A_553 : i32 to index
        %parallel_loop3A_594 = arith.constant 96 : index
        %parallel_loop3A_595 = tpu.vector_load %arg7[%parallel_loop3A_593, %parallel_loop3A_594] {strides = array<i32>} : memref<112x112xf32, #tpu.memory_space<vmem>>, vector<16xf32>,
        tpu.vector_store %arg7[%parallel_loop3A_593, %parallel_loop3A_594], %parallel_loop3A_592 {strides = array<i32>} : memref<112x112xf32, #tpu.memory_space<vmem>>, vector<16xf32>,
        %parallel_loop3A_596 = arith.constant 40 : i32
        %parallel_loop3A_597 = arith.addi %parallel_loop3A_596, %parallel_loop3A_506 : i32
        %parallel_loop3A_598 = arith.constant 112 : i32
        %parallel_loop3A_599 = vector.broadcast %parallel_loop3A_598 : i32 to vector<16xi32>
        %parallel_loop3A_600 = tpu.vector_load_idx %arg5[%parallel_loop3A_507, %iota3A, %parallel_loop3A_599] : memref<8x16x196xf32, #tpu.memory_space<vmem>>[vector<16xi32>, vector<16xi32>, vector<16xi32>], vector<16xf32>,
        %parallel_loop3A_601 = arith.index_cast %parallel_loop3A_597 : i32 to index
        %parallel_loop3A_602 = arith.constant 0 : index
        %parallel_loop3A_603 = tpu.vector_load %arg7[%parallel_loop3A_601, %parallel_loop3A_602] {strides = array<i32>} : memref<112x112xf32, #tpu.memory_space<vmem>>, vector<16xf32>,
        tpu.vector_store %arg7[%parallel_loop3A_601, %parallel_loop3A_602], %parallel_loop3A_600 {strides = array<i32>} : memref<112x112xf32, #tpu.memory_space<vmem>>, vector<16xf32>,
        %parallel_loop3A_604 = arith.constant 85 : i32
        %parallel_loop3A_605 = vector.broadcast %parallel_loop3A_604 : i32 to vector<16xi32>
        %parallel_loop3A_606 = tpu.vector_load_idx %arg5[%parallel_loop3A_507, %iota3A, %parallel_loop3A_605] : memref<8x16x196xf32, #tpu.memory_space<vmem>>[vector<16xi32>, vector<16xi32>, vector<16xi32>], vector<16xf32>,
        %parallel_loop3A_607 = arith.index_cast %parallel_loop3A_597 : i32 to index
        %parallel_loop3A_608 = arith.constant 16 : index
        %parallel_loop3A_609 = tpu.vector_load %arg7[%parallel_loop3A_607, %parallel_loop3A_608] {strides = array<i32>} : memref<112x112xf32, #tpu.memory_space<vmem>>, vector<16xf32>,
        tpu.vector_store %arg7[%parallel_loop3A_607, %parallel_loop3A_608], %parallel_loop3A_606 {strides = array<i32>} : memref<112x112xf32, #tpu.memory_space<vmem>>, vector<16xf32>,
        %parallel_loop3A_610 = arith.constant 63 : i32
        %parallel_loop3A_611 = vector.broadcast %parallel_loop3A_610 : i32 to vector<16xi32>
        %parallel_loop3A_612 = tpu.vector_load_idx %arg5[%parallel_loop3A_507, %iota3A, %parallel_loop3A_611] : memref<8x16x196xf32, #tpu.memory_space<vmem>>[vector<16xi32>, vector<16xi32>, vector<16xi32>], vector<16xf32>,
        %parallel_loop3A_613 = arith.index_cast %parallel_loop3A_597 : i32 to index
        %parallel_loop3A_614 = arith.constant 32 : index
        %parallel_loop3A_615 = tpu.vector_load %arg7[%parallel_loop3A_613, %parallel_loop3A_614] {strides = array<i32>} : memref<112x112xf32, #tpu.memory_space<vmem>>, vector<16xf32>,
        tpu.vector_store %arg7[%parallel_loop3A_613, %parallel_loop3A_614], %parallel_loop3A_612 {strides = array<i32>} : memref<112x112xf32, #tpu.memory_space<vmem>>, vector<16xf32>,
        %parallel_loop3A_616 = arith.constant 117 : i32
        %parallel_loop3A_617 = vector.broadcast %parallel_loop3A_616 : i32 to vector<16xi32>
        %parallel_loop3A_618 = tpu.vector_load_idx %arg5[%parallel_loop3A_507, %iota3A, %parallel_loop3A_617] : memref<8x16x196xf32, #tpu.memory_space<vmem>>[vector<16xi32>, vector<16xi32>, vector<16xi32>], vector<16xf32>,
        %parallel_loop3A_619 = arith.index_cast %parallel_loop3A_597 : i32 to index
        %parallel_loop3A_620 = arith.constant 48 : index
        %parallel_loop3A_621 = tpu.vector_load %arg7[%parallel_loop3A_619, %parallel_loop3A_620] {strides = array<i32>} : memref<112x112xf32, #tpu.memory_space<vmem>>, vector<16xf32>,
        tpu.vector_store %arg7[%parallel_loop3A_619, %parallel_loop3A_620], %parallel_loop3A_618 {strides = array<i32>} : memref<112x112xf32, #tpu.memory_space<vmem>>, vector<16xf32>,
        %parallel_loop3A_622 = arith.constant 174 : i32
        %parallel_loop3A_623 = vector.broadcast %parallel_loop3A_622 : i32 to vector<16xi32>
        %parallel_loop3A_624 = tpu.vector_load_idx %arg5[%parallel_loop3A_507, %iota3A, %parallel_loop3A_623] : memref<8x16x196xf32, #tpu.memory_space<vmem>>[vector<16xi32>, vector<16xi32>, vector<16xi32>], vector<16xf32>,
        %parallel_loop3A_625 = arith.index_cast %parallel_loop3A_597 : i32 to index
        %parallel_loop3A_626 = arith.constant 64 : index
        %parallel_loop3A_627 = tpu.vector_load %arg7[%parallel_loop3A_625, %parallel_loop3A_626] {strides = array<i32>} : memref<112x112xf32, #tpu.memory_space<vmem>>, vector<16xf32>,
        tpu.vector_store %arg7[%parallel_loop3A_625, %parallel_loop3A_626], %parallel_loop3A_624 {strides = array<i32>} : memref<112x112xf32, #tpu.memory_space<vmem>>, vector<16xf32>,
        %parallel_loop3A_628 = arith.constant 114 : i32
        %parallel_loop3A_629 = vector.broadcast %parallel_loop3A_628 : i32 to vector<16xi32>
        %parallel_loop3A_630 = tpu.vector_load_idx %arg5[%parallel_loop3A_507, %iota3A, %parallel_loop3A_629] : memref<8x16x196xf32, #tpu.memory_space<vmem>>[vector<16xi32>, vector<16xi32>, vector<16xi32>], vector<16xf32>,
        %parallel_loop3A_631 = arith.index_cast %parallel_loop3A_597 : i32 to index
        %parallel_loop3A_632 = arith.constant 80 : index
        %parallel_loop3A_633 = tpu.vector_load %arg7[%parallel_loop3A_631, %parallel_loop3A_632] {strides = array<i32>} : memref<112x112xf32, #tpu.memory_space<vmem>>, vector<16xf32>,
        tpu.vector_store %arg7[%parallel_loop3A_631, %parallel_loop3A_632], %parallel_loop3A_630 {strides = array<i32>} : memref<112x112xf32, #tpu.memory_space<vmem>>, vector<16xf32>,
        %parallel_loop3A_634 = arith.constant 82 : i32
        %parallel_loop3A_635 = vector.broadcast %parallel_loop3A_634 : i32 to vector<16xi32>
        %parallel_loop3A_636 = tpu.vector_load_idx %arg5[%parallel_loop3A_507, %iota3A, %parallel_loop3A_635] : memref<8x16x196xf32, #tpu.memory_space<vmem>>[vector<16xi32>, vector<16xi32>, vector<16xi32>], vector<16xf32>,
        %parallel_loop3A_637 = arith.index_cast %parallel_loop3A_597 : i32 to index
        %parallel_loop3A_638 = arith.constant 96 : index
        %parallel_loop3A_639 = tpu.vector_load %arg7[%parallel_loop3A_637, %parallel_loop3A_638] {strides = array<i32>} : memref<112x112xf32, #tpu.memory_space<vmem>>, vector<16xf32>,
        tpu.vector_store %arg7[%parallel_loop3A_637, %parallel_loop3A_638], %parallel_loop3A_636 {strides = array<i32>} : memref<112x112xf32, #tpu.memory_space<vmem>>, vector<16xf32>,
        %parallel_loop3A_640 = arith.constant 56 : i32
        %parallel_loop3A_641 = arith.addi %parallel_loop3A_640, %parallel_loop3A_506 : i32
        %parallel_loop3A_642 = arith.constant 65 : i32
        %parallel_loop3A_643 = vector.broadcast %parallel_loop3A_642 : i32 to vector<16xi32>
        %parallel_loop3A_644 = tpu.vector_load_idx %arg5[%parallel_loop3A_507, %iota3A, %parallel_loop3A_643] : memref<8x16x196xf32, #tpu.memory_space<vmem>>[vector<16xi32>, vector<16xi32>, vector<16xi32>], vector<16xf32>,
        %parallel_loop3A_645 = arith.index_cast %parallel_loop3A_641 : i32 to index
        %parallel_loop3A_646 = arith.constant 0 : index
        %parallel_loop3A_647 = tpu.vector_load %arg7[%parallel_loop3A_645, %parallel_loop3A_646] {strides = array<i32>} : memref<112x112xf32, #tpu.memory_space<vmem>>, vector<16xf32>,
        tpu.vector_store %arg7[%parallel_loop3A_645, %parallel_loop3A_646], %parallel_loop3A_644 {strides = array<i32>} : memref<112x112xf32, #tpu.memory_space<vmem>>, vector<16xf32>,
        %parallel_loop3A_648 = arith.constant 7 : i32
        %parallel_loop3A_649 = vector.broadcast %parallel_loop3A_648 : i32 to vector<16xi32>
        %parallel_loop3A_650 = tpu.vector_load_idx %arg5[%parallel_loop3A_507, %iota3A, %parallel_loop3A_649] : memref<8x16x196xf32, #tpu.memory_space<vmem>>[vector<16xi32>, vector<16xi32>, vector<16xi32>], vector<16xf32>,
        %parallel_loop3A_651 = arith.index_cast %parallel_loop3A_641 : i32 to index
        %parallel_loop3A_652 = arith.constant 16 : index
        %parallel_loop3A_653 = tpu.vector_load %arg7[%parallel_loop3A_651, %parallel_loop3A_652] {strides = array<i32>} : memref<112x112xf32, #tpu.memory_space<vmem>>, vector<16xf32>,
        tpu.vector_store %arg7[%parallel_loop3A_651, %parallel_loop3A_652], %parallel_loop3A_650 {strides = array<i32>} : memref<112x112xf32, #tpu.memory_space<vmem>>, vector<16xf32>,
        %parallel_loop3A_654 = arith.constant 4 : i32
        %parallel_loop3A_655 = vector.broadcast %parallel_loop3A_654 : i32 to vector<16xi32>
        %parallel_loop3A_656 = tpu.vector_load_idx %arg5[%parallel_loop3A_507, %iota3A, %parallel_loop3A_655] : memref<8x16x196xf32, #tpu.memory_space<vmem>>[vector<16xi32>, vector<16xi32>, vector<16xi32>], vector<16xf32>,
        %parallel_loop3A_657 = arith.index_cast %parallel_loop3A_641 : i32 to index
        %parallel_loop3A_658 = arith.constant 32 : index
        %parallel_loop3A_659 = tpu.vector_load %arg7[%parallel_loop3A_657, %parallel_loop3A_658] {strides = array<i32>} : memref<112x112xf32, #tpu.memory_space<vmem>>, vector<16xf32>,
        tpu.vector_store %arg7[%parallel_loop3A_657, %parallel_loop3A_658], %parallel_loop3A_656 {strides = array<i32>} : memref<112x112xf32, #tpu.memory_space<vmem>>, vector<16xf32>,
        %parallel_loop3A_660 = arith.constant 101 : i32
        %parallel_loop3A_661 = vector.broadcast %parallel_loop3A_660 : i32 to vector<16xi32>
        %parallel_loop3A_662 = tpu.vector_load_idx %arg5[%parallel_loop3A_507, %iota3A, %parallel_loop3A_661] : memref<8x16x196xf32, #tpu.memory_space<vmem>>[vector<16xi32>, vector<16xi32>, vector<16xi32>], vector<16xf32>,
        %parallel_loop3A_663 = arith.index_cast %parallel_loop3A_641 : i32 to index
        %parallel_loop3A_664 = arith.constant 48 : index
        %parallel_loop3A_665 = tpu.vector_load %arg7[%parallel_loop3A_663, %parallel_loop3A_664] {strides = array<i32>} : memref<112x112xf32, #tpu.memory_space<vmem>>, vector<16xf32>,
        tpu.vector_store %arg7[%parallel_loop3A_663, %parallel_loop3A_664], %parallel_loop3A_662 {strides = array<i32>} : memref<112x112xf32, #tpu.memory_space<vmem>>, vector<16xf32>,
        %parallel_loop3A_666 = arith.constant 102 : i32
        %parallel_loop3A_667 = vector.broadcast %parallel_loop3A_666 : i32 to vector<16xi32>
        %parallel_loop3A_668 = tpu.vector_load_idx %arg5[%parallel_loop3A_507, %iota3A, %parallel_loop3A_667] : memref<8x16x196xf32, #tpu.memory_space<vmem>>[vector<16xi32>, vector<16xi32>, vector<16xi32>], vector<16xf32>,
        %parallel_loop3A_669 = arith.index_cast %parallel_loop3A_641 : i32 to index
        %parallel_loop3A_670 = arith.constant 64 : index
        %parallel_loop3A_671 = tpu.vector_load %arg7[%parallel_loop3A_669, %parallel_loop3A_670] {strides = array<i32>} : memref<112x112xf32, #tpu.memory_space<vmem>>, vector<16xf32>,
        tpu.vector_store %arg7[%parallel_loop3A_669, %parallel_loop3A_670], %parallel_loop3A_668 {strides = array<i32>} : memref<112x112xf32, #tpu.memory_space<vmem>>, vector<16xf32>,
        %parallel_loop3A_672 = arith.constant 78 : i32
        %parallel_loop3A_673 = vector.broadcast %parallel_loop3A_672 : i32 to vector<16xi32>
        %parallel_loop3A_674 = tpu.vector_load_idx %arg5[%parallel_loop3A_507, %iota3A, %parallel_loop3A_673] : memref<8x16x196xf32, #tpu.memory_space<vmem>>[vector<16xi32>, vector<16xi32>, vector<16xi32>], vector<16xf32>,
        %parallel_loop3A_675 = arith.index_cast %parallel_loop3A_641 : i32 to index
        %parallel_loop3A_676 = arith.constant 80 : index
        %parallel_loop3A_677 = tpu.vector_load %arg7[%parallel_loop3A_675, %parallel_loop3A_676] {strides = array<i32>} : memref<112x112xf32, #tpu.memory_space<vmem>>, vector<16xf32>,
        tpu.vector_store %arg7[%parallel_loop3A_675, %parallel_loop3A_676], %parallel_loop3A_674 {strides = array<i32>} : memref<112x112xf32, #tpu.memory_space<vmem>>, vector<16xf32>,
        %parallel_loop3A_678 = arith.constant 163 : i32
        %parallel_loop3A_679 = vector.broadcast %parallel_loop3A_678 : i32 to vector<16xi32>
        %parallel_loop3A_680 = tpu.vector_load_idx %arg5[%parallel_loop3A_507, %iota3A, %parallel_loop3A_679] : memref<8x16x196xf32, #tpu.memory_space<vmem>>[vector<16xi32>, vector<16xi32>, vector<16xi32>], vector<16xf32>,
        %parallel_loop3A_681 = arith.index_cast %parallel_loop3A_641 : i32 to index
        %parallel_loop3A_682 = arith.constant 96 : index
        %parallel_loop3A_683 = tpu.vector_load %arg7[%parallel_loop3A_681, %parallel_loop3A_682] {strides = array<i32>} : memref<112x112xf32, #tpu.memory_space<vmem>>, vector<16xf32>,
        tpu.vector_store %arg7[%parallel_loop3A_681, %parallel_loop3A_682], %parallel_loop3A_680 {strides = array<i32>} : memref<112x112xf32, #tpu.memory_space<vmem>>, vector<16xf32>,
        %parallel_loop3A_684 = arith.constant 72 : i32
        %parallel_loop3A_685 = arith.addi %parallel_loop3A_684, %parallel_loop3A_506 : i32
        %parallel_loop3A_686 = arith.constant 157 : i32
        %parallel_loop3A_687 = vector.broadcast %parallel_loop3A_686 : i32 to vector<16xi32>
        %parallel_loop3A_688 = tpu.vector_load_idx %arg5[%parallel_loop3A_507, %iota3A, %parallel_loop3A_687] : memref<8x16x196xf32, #tpu.memory_space<vmem>>[vector<16xi32>, vector<16xi32>, vector<16xi32>], vector<16xf32>,
        %parallel_loop3A_689 = arith.index_cast %parallel_loop3A_685 : i32 to index
        %parallel_loop3A_690 = arith.constant 0 : index
        %parallel_loop3A_691 = tpu.vector_load %arg7[%parallel_loop3A_689, %parallel_loop3A_690] {strides = array<i32>} : memref<112x112xf32, #tpu.memory_space<vmem>>, vector<16xf32>,
        tpu.vector_store %arg7[%parallel_loop3A_689, %parallel_loop3A_690], %parallel_loop3A_688 {strides = array<i32>} : memref<112x112xf32, #tpu.memory_space<vmem>>, vector<16xf32>,
        %parallel_loop3A_692 = arith.constant 183 : i32
        %parallel_loop3A_693 = vector.broadcast %parallel_loop3A_692 : i32 to vector<16xi32>
        %parallel_loop3A_694 = tpu.vector_load_idx %arg5[%parallel_loop3A_507, %iota3A, %parallel_loop3A_693] : memref<8x16x196xf32, #tpu.memory_space<vmem>>[vector<16xi32>, vector<16xi32>, vector<16xi32>], vector<16xf32>,
        %parallel_loop3A_695 = arith.index_cast %parallel_loop3A_685 : i32 to index
        %parallel_loop3A_696 = arith.constant 16 : index
        %parallel_loop3A_697 = tpu.vector_load %arg7[%parallel_loop3A_695, %parallel_loop3A_696] {strides = array<i32>} : memref<112x112xf32, #tpu.memory_space<vmem>>, vector<16xf32>,
        tpu.vector_store %arg7[%parallel_loop3A_695, %parallel_loop3A_696], %parallel_loop3A_694 {strides = array<i32>} : memref<112x112xf32, #tpu.memory_space<vmem>>, vector<16xf32>,
        %parallel_loop3A_698 = arith.constant 29 : i32
        %parallel_loop3A_699 = vector.broadcast %parallel_loop3A_698 : i32 to vector<16xi32>
        %parallel_loop3A_700 = tpu.vector_load_idx %arg5[%parallel_loop3A_507, %iota3A, %parallel_loop3A_699] : memref<8x16x196xf32, #tpu.memory_space<vmem>>[vector<16xi32>, vector<16xi32>, vector<16xi32>], vector<16xf32>,
        %parallel_loop3A_701 = arith.index_cast %parallel_loop3A_685 : i32 to index
        %parallel_loop3A_702 = arith.constant 32 : index
        %parallel_loop3A_703 = tpu.vector_load %arg7[%parallel_loop3A_701, %parallel_loop3A_702] {strides = array<i32>} : memref<112x112xf32, #tpu.memory_space<vmem>>, vector<16xf32>,
        tpu.vector_store %arg7[%parallel_loop3A_701, %parallel_loop3A_702], %parallel_loop3A_700 {strides = array<i32>} : memref<112x112xf32, #tpu.memory_space<vmem>>, vector<16xf32>,
        %parallel_loop3A_704 = arith.constant 177 : i32
        %parallel_loop3A_705 = vector.broadcast %parallel_loop3A_704 : i32 to vector<16xi32>
        %parallel_loop3A_706 = tpu.vector_load_idx %arg5[%parallel_loop3A_507, %iota3A, %parallel_loop3A_705] : memref<8x16x196xf32, #tpu.memory_space<vmem>>[vector<16xi32>, vector<16xi32>, vector<16xi32>], vector<16xf32>,
        %parallel_loop3A_707 = arith.index_cast %parallel_loop3A_685 : i32 to index
        %parallel_loop3A_708 = arith.constant 48 : index
        %parallel_loop3A_709 = tpu.vector_load %arg7[%parallel_loop3A_707, %parallel_loop3A_708] {strides = array<i32>} : memref<112x112xf32, #tpu.memory_space<vmem>>, vector<16xf32>,
        tpu.vector_store %arg7[%parallel_loop3A_707, %parallel_loop3A_708], %parallel_loop3A_706 {strides = array<i32>} : memref<112x112xf32, #tpu.memory_space<vmem>>, vector<16xf32>,
        %parallel_loop3A_710 = arith.constant 108 : i32
        %parallel_loop3A_711 = vector.broadcast %parallel_loop3A_710 : i32 to vector<16xi32>
        %parallel_loop3A_712 = tpu.vector_load_idx %arg5[%parallel_loop3A_507, %iota3A, %parallel_loop3A_711] : memref<8x16x196xf32, #tpu.memory_space<vmem>>[vector<16xi32>, vector<16xi32>, vector<16xi32>], vector<16xf32>,
        %parallel_loop3A_713 = arith.index_cast %parallel_loop3A_685 : i32 to index
        %parallel_loop3A_714 = arith.constant 64 : index
        %parallel_loop3A_715 = tpu.vector_load %arg7[%parallel_loop3A_713, %parallel_loop3A_714] {strides = array<i32>} : memref<112x112xf32, #tpu.memory_space<vmem>>, vector<16xf32>,
        tpu.vector_store %arg7[%parallel_loop3A_713, %parallel_loop3A_714], %parallel_loop3A_712 {strides = array<i32>} : memref<112x112xf32, #tpu.memory_space<vmem>>, vector<16xf32>,
        %parallel_loop3A_716 = arith.constant 83 : i32
        %parallel_loop3A_717 = vector.broadcast %parallel_loop3A_716 : i32 to vector<16xi32>
        %parallel_loop3A_718 = tpu.vector_load_idx %arg5[%parallel_loop3A_507, %iota3A, %parallel_loop3A_717] : memref<8x16x196xf32, #tpu.memory_space<vmem>>[vector<16xi32>, vector<16xi32>, vector<16xi32>], vector<16xf32>,
        %parallel_loop3A_719 = arith.index_cast %parallel_loop3A_685 : i32 to index
        %parallel_loop3A_720 = arith.constant 80 : index
        %parallel_loop3A_721 = tpu.vector_load %arg7[%parallel_loop3A_719, %parallel_loop3A_720] {strides = array<i32>} : memref<112x112xf32, #tpu.memory_space<vmem>>, vector<16xf32>,
        tpu.vector_store %arg7[%parallel_loop3A_719, %parallel_loop3A_720], %parallel_loop3A_718 {strides = array<i32>} : memref<112x112xf32, #tpu.memory_space<vmem>>, vector<16xf32>,
        %parallel_loop3A_722 = arith.constant 129 : i32
        %parallel_loop3A_723 = vector.broadcast %parallel_loop3A_722 : i32 to vector<16xi32>
        %parallel_loop3A_724 = tpu.vector_load_idx %arg5[%parallel_loop3A_507, %iota3A, %parallel_loop3A_723] : memref<8x16x196xf32, #tpu.memory_space<vmem>>[vector<16xi32>, vector<16xi32>, vector<16xi32>], vector<16xf32>,
        %parallel_loop3A_725 = arith.index_cast %parallel_loop3A_685 : i32 to index
        %parallel_loop3A_726 = arith.constant 96 : index
        %parallel_loop3A_727 = tpu.vector_load %arg7[%parallel_loop3A_725, %parallel_loop3A_726] {strides = array<i32>} : memref<112x112xf32, #tpu.memory_space<vmem>>, vector<16xf32>,
        tpu.vector_store %arg7[%parallel_loop3A_725, %parallel_loop3A_726], %parallel_loop3A_724 {strides = array<i32>} : memref<112x112xf32, #tpu.memory_space<vmem>>, vector<16xf32>,
        %parallel_loop3A_728 = arith.constant 88 : i32
        %parallel_loop3A_729 = arith.addi %parallel_loop3A_728, %parallel_loop3A_506 : i32
        %parallel_loop3A_730 = arith.constant 44 : i32
        %parallel_loop3A_731 = vector.broadcast %parallel_loop3A_730 : i32 to vector<16xi32>
        %parallel_loop3A_732 = tpu.vector_load_idx %arg5[%parallel_loop3A_507, %iota3A, %parallel_loop3A_731] : memref<8x16x196xf32, #tpu.memory_space<vmem>>[vector<16xi32>, vector<16xi32>, vector<16xi32>], vector<16xf32>,
        %parallel_loop3A_733 = arith.index_cast %parallel_loop3A_729 : i32 to index
        %parallel_loop3A_734 = arith.constant 0 : index
        %parallel_loop3A_735 = tpu.vector_load %arg7[%parallel_loop3A_733, %parallel_loop3A_734] {strides = array<i32>} : memref<112x112xf32, #tpu.memory_space<vmem>>, vector<16xf32>,
        tpu.vector_store %arg7[%parallel_loop3A_733, %parallel_loop3A_734], %parallel_loop3A_732 {strides = array<i32>} : memref<112x112xf32, #tpu.memory_space<vmem>>, vector<16xf32>,
        %parallel_loop3A_736 = arith.constant 16 : i32
        %parallel_loop3A_737 = vector.broadcast %parallel_loop3A_736 : i32 to vector<16xi32>
        %parallel_loop3A_738 = tpu.vector_load_idx %arg5[%parallel_loop3A_507, %iota3A, %parallel_loop3A_737] : memref<8x16x196xf32, #tpu.memory_space<vmem>>[vector<16xi32>, vector<16xi32>, vector<16xi32>], vector<16xf32>,
        %parallel_loop3A_739 = arith.index_cast %parallel_loop3A_729 : i32 to index
        %parallel_loop3A_740 = arith.constant 16 : index
        %parallel_loop3A_741 = tpu.vector_load %arg7[%parallel_loop3A_739, %parallel_loop3A_740] {strides = array<i32>} : memref<112x112xf32, #tpu.memory_space<vmem>>, vector<16xf32>,
        tpu.vector_store %arg7[%parallel_loop3A_739, %parallel_loop3A_740], %parallel_loop3A_738 {strides = array<i32>} : memref<112x112xf32, #tpu.memory_space<vmem>>, vector<16xf32>,
        %parallel_loop3A_742 = arith.constant 58 : i32
        %parallel_loop3A_743 = vector.broadcast %parallel_loop3A_742 : i32 to vector<16xi32>
        %parallel_loop3A_744 = tpu.vector_load_idx %arg5[%parallel_loop3A_507, %iota3A, %parallel_loop3A_743] : memref<8x16x196xf32, #tpu.memory_space<vmem>>[vector<16xi32>, vector<16xi32>, vector<16xi32>], vector<16xf32>,
        %parallel_loop3A_745 = arith.index_cast %parallel_loop3A_729 : i32 to index
        %parallel_loop3A_746 = arith.constant 32 : index
        %parallel_loop3A_747 = tpu.vector_load %arg7[%parallel_loop3A_745, %parallel_loop3A_746] {strides = array<i32>} : memref<112x112xf32, #tpu.memory_space<vmem>>, vector<16xf32>,
        tpu.vector_store %arg7[%parallel_loop3A_745, %parallel_loop3A_746], %parallel_loop3A_744 {strides = array<i32>} : memref<112x112xf32, #tpu.memory_space<vmem>>, vector<16xf32>,
        %parallel_loop3A_748 = arith.constant 123 : i32
        %parallel_loop3A_749 = vector.broadcast %parallel_loop3A_748 : i32 to vector<16xi32>
        %parallel_loop3A_750 = tpu.vector_load_idx %arg5[%parallel_loop3A_507, %iota3A, %parallel_loop3A_749] : memref<8x16x196xf32, #tpu.memory_space<vmem>>[vector<16xi32>, vector<16xi32>, vector<16xi32>], vector<16xf32>,
        %parallel_loop3A_751 = arith.index_cast %parallel_loop3A_729 : i32 to index
        %parallel_loop3A_752 = arith.constant 48 : index
        %parallel_loop3A_753 = tpu.vector_load %arg7[%parallel_loop3A_751, %parallel_loop3A_752] {strides = array<i32>} : memref<112x112xf32, #tpu.memory_space<vmem>>, vector<16xf32>,
        tpu.vector_store %arg7[%parallel_loop3A_751, %parallel_loop3A_752], %parallel_loop3A_750 {strides = array<i32>} : memref<112x112xf32, #tpu.memory_space<vmem>>, vector<16xf32>,
        %parallel_loop3A_754 = arith.constant 37 : i32
        %parallel_loop3A_755 = vector.broadcast %parallel_loop3A_754 : i32 to vector<16xi32>
        %parallel_loop3A_756 = tpu.vector_load_idx %arg5[%parallel_loop3A_507, %iota3A, %parallel_loop3A_755] : memref<8x16x196xf32, #tpu.memory_space<vmem>>[vector<16xi32>, vector<16xi32>, vector<16xi32>], vector<16xf32>,
        %parallel_loop3A_757 = arith.index_cast %parallel_loop3A_729 : i32 to index
        %parallel_loop3A_758 = arith.constant 64 : index
        %parallel_loop3A_759 = tpu.vector_load %arg7[%parallel_loop3A_757, %parallel_loop3A_758] {strides = array<i32>} : memref<112x112xf32, #tpu.memory_space<vmem>>, vector<16xf32>,
        tpu.vector_store %arg7[%parallel_loop3A_757, %parallel_loop3A_758], %parallel_loop3A_756 {strides = array<i32>} : memref<112x112xf32, #tpu.memory_space<vmem>>, vector<16xf32>,
        %parallel_loop3A_760 = arith.constant 111 : i32
        %parallel_loop3A_761 = vector.broadcast %parallel_loop3A_760 : i32 to vector<16xi32>
        %parallel_loop3A_762 = tpu.vector_load_idx %arg5[%parallel_loop3A_507, %iota3A, %parallel_loop3A_761] : memref<8x16x196xf32, #tpu.memory_space<vmem>>[vector<16xi32>, vector<16xi32>, vector<16xi32>], vector<16xf32>,
        %parallel_loop3A_763 = arith.index_cast %parallel_loop3A_729 : i32 to index
        %parallel_loop3A_764 = arith.constant 80 : index
        %parallel_loop3A_765 = tpu.vector_load %arg7[%parallel_loop3A_763, %parallel_loop3A_764] {strides = array<i32>} : memref<112x112xf32, #tpu.memory_space<vmem>>, vector<16xf32>,
        tpu.vector_store %arg7[%parallel_loop3A_763, %parallel_loop3A_764], %parallel_loop3A_762 {strides = array<i32>} : memref<112x112xf32, #tpu.memory_space<vmem>>, vector<16xf32>,
        %parallel_loop3A_766 = arith.constant 19 : i32
        %parallel_loop3A_767 = vector.broadcast %parallel_loop3A_766 : i32 to vector<16xi32>
        %parallel_loop3A_768 = tpu.vector_load_idx %arg5[%parallel_loop3A_507, %iota3A, %parallel_loop3A_767] : memref<8x16x196xf32, #tpu.memory_space<vmem>>[vector<16xi32>, vector<16xi32>, vector<16xi32>], vector<16xf32>,
        %parallel_loop3A_769 = arith.index_cast %parallel_loop3A_729 : i32 to index
        %parallel_loop3A_770 = arith.constant 96 : index
        %parallel_loop3A_771 = tpu.vector_load %arg7[%parallel_loop3A_769, %parallel_loop3A_770] {strides = array<i32>} : memref<112x112xf32, #tpu.memory_space<vmem>>, vector<16xf32>,
        tpu.vector_store %arg7[%parallel_loop3A_769, %parallel_loop3A_770], %parallel_loop3A_768 {strides = array<i32>} : memref<112x112xf32, #tpu.memory_space<vmem>>, vector<16xf32>,
        %parallel_loop3A_772 = arith.constant 104 : i32
        %parallel_loop3A_773 = arith.addi %parallel_loop3A_772, %parallel_loop3A_506 : i32
        %parallel_loop3A_774 = arith.constant 61 : i32
        %parallel_loop3A_775 = vector.broadcast %parallel_loop3A_774 : i32 to vector<16xi32>
        %parallel_loop3A_776 = tpu.vector_load_idx %arg5[%parallel_loop3A_507, %iota3A, %parallel_loop3A_775] : memref<8x16x196xf32, #tpu.memory_space<vmem>>[vector<16xi32>, vector<16xi32>, vector<16xi32>], vector<16xf32>,
        %parallel_loop3A_777 = arith.index_cast %parallel_loop3A_773 : i32 to index
        %parallel_loop3A_778 = arith.constant 0 : index
        %parallel_loop3A_779 = tpu.vector_load %arg7[%parallel_loop3A_777, %parallel_loop3A_778] {strides = array<i32>} : memref<112x112xf32, #tpu.memory_space<vmem>>, vector<16xf32>,
        tpu.vector_store %arg7[%parallel_loop3A_777, %parallel_loop3A_778], %parallel_loop3A_776 {strides = array<i32>} : memref<112x112xf32, #tpu.memory_space<vmem>>, vector<16xf32>,
        %parallel_loop3A_780 = arith.constant 2 : i32
        %parallel_loop3A_781 = vector.broadcast %parallel_loop3A_780 : i32 to vector<16xi32>
        %parallel_loop3A_782 = tpu.vector_load_idx %arg5[%parallel_loop3A_507, %iota3A, %parallel_loop3A_781] : memref<8x16x196xf32, #tpu.memory_space<vmem>>[vector<16xi32>, vector<16xi32>, vector<16xi32>], vector<16xf32>,
        %parallel_loop3A_783 = arith.index_cast %parallel_loop3A_773 : i32 to index
        %parallel_loop3A_784 = arith.constant 16 : index
        %parallel_loop3A_785 = tpu.vector_load %arg7[%parallel_loop3A_783, %parallel_loop3A_784] {strides = array<i32>} : memref<112x112xf32, #tpu.memory_space<vmem>>, vector<16xf32>,
        tpu.vector_store %arg7[%parallel_loop3A_783, %parallel_loop3A_784], %parallel_loop3A_782 {strides = array<i32>} : memref<112x112xf32, #tpu.memory_space<vmem>>, vector<16xf32>,
        %parallel_loop3A_786 = arith.constant 142 : i32
        %parallel_loop3A_787 = vector.broadcast %parallel_loop3A_786 : i32 to vector<16xi32>
        %parallel_loop3A_788 = tpu.vector_load_idx %arg5[%parallel_loop3A_507, %iota3A, %parallel_loop3A_787] : memref<8x16x196xf32, #tpu.memory_space<vmem>>[vector<16xi32>, vector<16xi32>, vector<16xi32>], vector<16xf32>,
        %parallel_loop3A_789 = arith.index_cast %parallel_loop3A_773 : i32 to index
        %parallel_loop3A_790 = arith.constant 32 : index
        %parallel_loop3A_791 = tpu.vector_load %arg7[%parallel_loop3A_789, %parallel_loop3A_790] {strides = array<i32>} : memref<112x112xf32, #tpu.memory_space<vmem>>, vector<16xf32>,
        tpu.vector_store %arg7[%parallel_loop3A_789, %parallel_loop3A_790], %parallel_loop3A_788 {strides = array<i32>} : memref<112x112xf32, #tpu.memory_space<vmem>>, vector<16xf32>,
        %parallel_loop3A_792 = arith.constant 34 : i32
        %parallel_loop3A_793 = vector.broadcast %parallel_loop3A_792 : i32 to vector<16xi32>
        %parallel_loop3A_794 = tpu.vector_load_idx %arg5[%parallel_loop3A_507, %iota3A, %parallel_loop3A_793] : memref<8x16x196xf32, #tpu.memory_space<vmem>>[vector<16xi32>, vector<16xi32>, vector<16xi32>], vector<16xf32>,
        %parallel_loop3A_795 = arith.index_cast %parallel_loop3A_773 : i32 to index
        %parallel_loop3A_796 = arith.constant 48 : index
        %parallel_loop3A_797 = tpu.vector_load %arg7[%parallel_loop3A_795, %parallel_loop3A_796] {strides = array<i32>} : memref<112x112xf32, #tpu.memory_space<vmem>>, vector<16xf32>,
        tpu.vector_store %arg7[%parallel_loop3A_795, %parallel_loop3A_796], %parallel_loop3A_794 {strides = array<i32>} : memref<112x112xf32, #tpu.memory_space<vmem>>, vector<16xf32>,
        %parallel_loop3A_798 = arith.constant 156 : i32
        %parallel_loop3A_799 = vector.broadcast %parallel_loop3A_798 : i32 to vector<16xi32>
        %parallel_loop3A_800 = tpu.vector_load_idx %arg5[%parallel_loop3A_507, %iota3A, %parallel_loop3A_799] : memref<8x16x196xf32, #tpu.memory_space<vmem>>[vector<16xi32>, vector<16xi32>, vector<16xi32>], vector<16xf32>,
        %parallel_loop3A_801 = arith.index_cast %parallel_loop3A_773 : i32 to index
        %parallel_loop3A_802 = arith.constant 64 : index
        %parallel_loop3A_803 = tpu.vector_load %arg7[%parallel_loop3A_801, %parallel_loop3A_802] {strides = array<i32>} : memref<112x112xf32, #tpu.memory_space<vmem>>, vector<16xf32>,
        tpu.vector_store %arg7[%parallel_loop3A_801, %parallel_loop3A_802], %parallel_loop3A_800 {strides = array<i32>} : memref<112x112xf32, #tpu.memory_space<vmem>>, vector<16xf32>,
        %parallel_loop3A_804 = arith.constant 5 : i32
        %parallel_loop3A_805 = vector.broadcast %parallel_loop3A_804 : i32 to vector<16xi32>
        %parallel_loop3A_806 = tpu.vector_load_idx %arg5[%parallel_loop3A_507, %iota3A, %parallel_loop3A_805] : memref<8x16x196xf32, #tpu.memory_space<vmem>>[vector<16xi32>, vector<16xi32>, vector<16xi32>], vector<16xf32>,
        %parallel_loop3A_807 = arith.index_cast %parallel_loop3A_773 : i32 to index
        %parallel_loop3A_808 = arith.constant 80 : index
        %parallel_loop3A_809 = tpu.vector_load %arg7[%parallel_loop3A_807, %parallel_loop3A_808] {strides = array<i32>} : memref<112x112xf32, #tpu.memory_space<vmem>>, vector<16xf32>,
        tpu.vector_store %arg7[%parallel_loop3A_807, %parallel_loop3A_808], %parallel_loop3A_806 {strides = array<i32>} : memref<112x112xf32, #tpu.memory_space<vmem>>, vector<16xf32>,
        %parallel_loop3A_810 = arith.constant 90 : i32
        %parallel_loop3A_811 = vector.broadcast %parallel_loop3A_810 : i32 to vector<16xi32>
        %parallel_loop3A_812 = tpu.vector_load_idx %arg5[%parallel_loop3A_507, %iota3A, %parallel_loop3A_811] : memref<8x16x196xf32, #tpu.memory_space<vmem>>[vector<16xi32>, vector<16xi32>, vector<16xi32>], vector<16xf32>,
        %parallel_loop3A_813 = arith.index_cast %parallel_loop3A_773 : i32 to index
        %parallel_loop3A_814 = arith.constant 96 : index
        %parallel_loop3A_815 = tpu.vector_load %arg7[%parallel_loop3A_813, %parallel_loop3A_814] {strides = array<i32>} : memref<112x112xf32, #tpu.memory_space<vmem>>, vector<16xf32>,
        tpu.vector_store %arg7[%parallel_loop3A_813, %parallel_loop3A_814], %parallel_loop3A_812 {strides = array<i32>} : memref<112x112xf32, #tpu.memory_space<vmem>>, vector<16xf32>,
      } {sc.loop_unroll_factor = 2 : i64, sc.parallel_access}
      %jit3A_408 = arith.constant 192 : i32
      %div3A_409 = arith.divsi %add3A_145, %jit3A_408 : i32
      %sign3A_410 = arith.constant 0 : i32
      %sign3A_411 = arith.cmpi sgt, %add3A_145, %sign3A_410 : i32
      %sign3A_412 = arith.extui %sign3A_411 : i1 to i32
      %sign3A_413 = arith.constant 0 : i32
      %sign3A_414 = arith.cmpi slt, %add3A_145, %sign3A_413 : i32
      %sign3A_415 = arith.extui %sign3A_414 : i1 to i32
      %sign3A_416 = arith.subi %sign3A_412, %sign3A_415 : i32
      %sign3A_417 = arith.constant 0 : i32
      %sign3A_418 = arith.cmpi sgt, %jit3A_408, %sign3A_417 : i32
      %sign3A_419 = arith.extui %sign3A_418 : i1 to i32
      %sign3A_420 = arith.constant 0 : i32
      %sign3A_421 = arith.cmpi slt, %jit3A_408, %sign3A_420 : i32
      %sign3A_422 = arith.extui %sign3A_421 : i1 to i32
      %sign3A_423 = arith.subi %sign3A_419, %sign3A_422 : i32
      %ne3A_424 = arith.cmpi ne, %sign3A_416, %sign3A_423 : i32
      %rem3A_425 = arith.remsi %add3A_145, %jit3A_408 : i32
      %ne3A_426 = arith.constant 0 : i32
      %ne3A_427 = arith.cmpi ne, %rem3A_425, %ne3A_426 : i32
      %and3A_428 = arith.andi %ne3A_424, %ne3A_427 : i1
      %sub3A_429 = arith.constant 1 : i32
      %sub3A_430 = arith.subi %div3A_409, %sub3A_429 : i32
      %select_n3A_431 = arith.select %and3A_428, %sub3A_430, %div3A_409 : i32
      %jit3A_432 = arith.constant 192 : i32
      %eq3A_433 = arith.constant 0 : i32
      %eq3A_434 = arith.cmpi eq, %jit3A_432, %eq3A_433 : i32
      %jit3A_435 = arith.constant 1 : i32
      %select_n3A_436 = arith.select %eq3A_434, %jit3A_435, %jit3A_432 : i32
      %rem3A_437 = arith.remsi %add3A_145, %select_n3A_436 : i32
      %ne3A_438 = arith.constant 0 : i32
      %ne3A_439 = arith.cmpi ne, %rem3A_437, %ne3A_438 : i32
      %lt3A_440 = arith.constant 0 : i32
      %lt3A_441 = arith.cmpi slt, %rem3A_437, %lt3A_440 : i32
      %lt3A_442 = arith.constant 0 : i32
      %lt3A_443 = arith.cmpi slt, %select_n3A_436, %lt3A_442 : i32
      %ne3A_444 = arith.xori %lt3A_441, %lt3A_443 : i1
      %and3A_445 = arith.andi %ne3A_444, %ne3A_439 : i1
      %add3A_446 = arith.addi %rem3A_437, %select_n3A_436 : i32
      %select_n3A_447 = arith.select %and3A_445, %add3A_446, %rem3A_437 : i32
      %dma_start3A_448 = arith.constant 0 : i32
      %dma_start3A_449 = arith.constant 0 : i32
      %dma_start3A_450 = tpu.memref_slice %arg3[%select_n3A_431, %select_n3A_447, %dma_start3A_448, %dma_start3A_449] : memref<8x192x112x112xf32, #tpu.memory_space<hbm>> -> memref<1x1x112x112xf32, #tpu.memory_space<hbm>>
      %dma_start3A_451 = tpu.memref_squeeze %dma_start3A_450 : memref<1x1x112x112xf32, #tpu.memory_space<hbm>> -> memref<112x112xf32, #tpu.memory_space<hbm>>
      %dma_start3A_452 = arith.constant 0 : i32
      %dma_start3A_453 = arith.constant 0 : i32
      %dma_start3A_454 = tpu.memref_slice %arg3[%select_n3A_431, %select_n3A_447, %dma_start3A_452, %dma_start3A_453] : memref<8x192x112x112xf32, #tpu.memory_space<hbm>> -> memref<1x1x112x112xf32, #tpu.memory_space<hbm>>
      %dma_start3A_455 = tpu.memref_squeeze %dma_start3A_454 : memref<1x1x112x112xf32, #tpu.memory_space<hbm>> -> memref<112x112xf32, #tpu.memory_space<hbm>>
      tpu.enqueue_dma source(%arg7 : memref<112x112xf32, #tpu.memory_space<vmem>>) target(%dma_start3A_455 : memref<112x112xf32, #tpu.memory_space<hbm>>) target_semaphore(%arg10 : memref<!tpu.dma_semaphore, #tpu.memory_space<semaphore_mem>>)
      %jit3A_456 = arith.constant 192 : i32
      %div3A_457 = arith.divsi %min3A_148, %jit3A_456 : i32
      %sign3A_458 = arith.constant 0 : i32
      %sign3A_459 = arith.cmpi sgt, %min3A_148, %sign3A_458 : i32
      %sign3A_460 = arith.extui %sign3A_459 : i1 to i32
      %sign3A_461 = arith.constant 0 : i32
      %sign3A_462 = arith.cmpi slt, %min3A_148, %sign3A_461 : i32
      %sign3A_463 = arith.extui %sign3A_462 : i1 to i32
      %sign3A_464 = arith.subi %sign3A_460, %sign3A_463 : i32
      %sign3A_465 = arith.constant 0 : i32
      %sign3A_466 = arith.cmpi sgt, %jit3A_456, %sign3A_465 : i32
      %sign3A_467 = arith.extui %sign3A_466 : i1 to i32
      %sign3A_468 = arith.constant 0 : i32
      %sign3A_469 = arith.cmpi slt, %jit3A_456, %sign3A_468 : i32
      %sign3A_470 = arith.extui %sign3A_469 : i1 to i32
      %sign3A_471 = arith.subi %sign3A_467, %sign3A_470 : i32
      %ne3A_472 = arith.cmpi ne, %sign3A_464, %sign3A_471 : i32
      %rem3A_473 = arith.remsi %min3A_148, %jit3A_456 : i32
      %ne3A_474 = arith.constant 0 : i32
      %ne3A_475 = arith.cmpi ne, %rem3A_473, %ne3A_474 : i32
      %and3A_476 = arith.andi %ne3A_472, %ne3A_475 : i1
      %sub3A_477 = arith.constant 1 : i32
      %sub3A_478 = arith.subi %div3A_457, %sub3A_477 : i32
      %select_n3A_479 = arith.select %and3A_476, %sub3A_478, %div3A_457 : i32
      %jit3A_480 = arith.constant 192 : i32
      %eq3A_481 = arith.constant 0 : i32
      %eq3A_482 = arith.cmpi eq, %jit3A_480, %eq3A_481 : i32
      %jit3A_483 = arith.constant 1 : i32
      %select_n3A_484 = arith.select %eq3A_482, %jit3A_483, %jit3A_480 : i32
      %rem3A_485 = arith.remsi %min3A_148, %select_n3A_484 : i32
      %ne3A_486 = arith.constant 0 : i32
      %ne3A_487 = arith.cmpi ne, %rem3A_485, %ne3A_486 : i32
      %lt3A_488 = arith.constant 0 : i32
      %lt3A_489 = arith.cmpi slt, %rem3A_485, %lt3A_488 : i32
      %lt3A_490 = arith.constant 0 : i32
      %lt3A_491 = arith.cmpi slt, %select_n3A_484, %lt3A_490 : i32
      %ne3A_492 = arith.xori %lt3A_489, %lt3A_491 : i1
      %and3A_493 = arith.andi %ne3A_492, %ne3A_487 : i1
      %add3A_494 = arith.addi %rem3A_485, %select_n3A_484 : i32
      %select_n3A_495 = arith.select %and3A_493, %add3A_494, %rem3A_485 : i32
      %dma_start3A_496 = arith.constant 8 : i32
      %dma_start3A_497 = arith.constant 0 : i32
      %dma_start3A_498 = arith.constant 0 : i32
      %dma_start3A_499 = tpu.memref_slice %arg2[%select_n3A_479, %select_n3A_495, %dma_start3A_496, %dma_start3A_497, %dma_start3A_498] : memref<8x192x16x16x196xf32, #tpu.memory_space<hbm>> -> memref<1x1x8x16x196xf32, #tpu.memory_space<hbm>>
      %dma_start3A_500 = tpu.memref_squeeze %dma_start3A_499 : memref<1x1x8x16x196xf32, #tpu.memory_space<hbm>> -> memref<8x16x196xf32, #tpu.memory_space<hbm>>
      %dma_start3A_501 = arith.constant 8 : i32
      %dma_start3A_502 = arith.constant 0 : i32
      %dma_start3A_503 = arith.constant 0 : i32
      %dma_start3A_504 = tpu.memref_slice %arg2[%select_n3A_479, %select_n3A_495, %dma_start3A_501, %dma_start3A_502, %dma_start3A_503] : memref<8x192x16x16x196xf32, #tpu.memory_space<hbm>> -> memref<1x1x8x16x196xf32, #tpu.memory_space<hbm>>
      %dma_start3A_505 = tpu.memref_squeeze %dma_start3A_504 : memref<1x1x8x16x196xf32, #tpu.memory_space<hbm>> -> memref<8x16x196xf32, #tpu.memory_space<hbm>>
      tpu.enqueue_dma source(%dma_start3A_505 : memref<8x16x196xf32, #tpu.memory_space<hbm>>) target(%arg5 : memref<8x16x196xf32, #tpu.memory_space<vmem>>) target_semaphore(%arg9 : memref<!tpu.dma_semaphore, #tpu.memory_space<semaphore_mem>>)
    }
    %scan3A_96 = arith.constant 24 : i32
    %dma_wait3A = arith.constant 0 : i32
    %dma_wait3A_97 = arith.constant 0 : i32
    %dma_wait3A_98 = arith.constant 0 : i32
    %dma_wait3A_99 = arith.constant 0 : i32
    %dma_wait3A_100 = arith.constant 0 : i32
    %dma_wait3A_101 = tpu.memref_slice %arg2[%dma_wait3A, %dma_wait3A_97, %dma_wait3A_98, %dma_wait3A_99, %dma_wait3A_100] : memref<8x192x16x16x196xf32, #tpu.memory_space<hbm>> -> memref<1x1x8x16x196xf32, #tpu.memory_space<hbm>>
    %dma_wait3A_102 = tpu.memref_squeeze %dma_wait3A_101 : memref<1x1x8x16x196xf32, #tpu.memory_space<hbm>> -> memref<8x16x196xf32, #tpu.memory_space<hbm>>
    %dma_wait3A_103 = arith.constant 0 : i32
    %dma_wait3A_104 = arith.constant 0 : i32
    %dma_wait3A_105 = arith.constant 0 : i32
    %dma_wait3A_106 = tpu.memref_slice %arg2[%dma_wait3A, %dma_wait3A_97, %dma_wait3A_103, %dma_wait3A_104, %dma_wait3A_105] : memref<8x192x16x16x196xf32, #tpu.memory_space<hbm>> -> memref<1x1x8x16x196xf32, #tpu.memory_space<hbm>>
    %dma_wait3A_107 = tpu.memref_squeeze %dma_wait3A_106 : memref<1x1x8x16x196xf32, #tpu.memory_space<hbm>> -> memref<8x16x196xf32, #tpu.memory_space<hbm>>
    tpu.wait_dma2 semaphore(%arg8 : memref<!tpu.dma_semaphore, #tpu.memory_space<semaphore_mem>>) src(%dma_wait3A_107 : memref<8x16x196xf32, #tpu.memory_space<hbm>>) dst(%arg4 : memref<8x16x196xf32, #tpu.memory_space<vmem>>)
    %dma_wait3A_108 = arith.constant 0 : i32
    %dma_wait3A_109 = arith.constant 0 : i32
    %dma_wait3A_110 = arith.constant 0 : i32
    %dma_wait3A_111 = arith.constant 0 : i32
    %dma_wait3A_112 = arith.constant 0 : i32
    %dma_wait3A_113 = tpu.memref_slice %arg2[%dma_wait3A_108, %dma_wait3A_109, %dma_wait3A_110, %dma_wait3A_111, %dma_wait3A_112] : memref<8x192x16x16x196xf32, #tpu.memory_space<hbm>> -> memref<1x1x8x16x196xf32, #tpu.memory_space<hbm>>
    %dma_wait3A_114 = tpu.memref_squeeze %dma_wait3A_113 : memref<1x1x8x16x196xf32, #tpu.memory_space<hbm>> -> memref<8x16x196xf32, #tpu.memory_space<hbm>>
    %dma_wait3A_115 = arith.constant 0 : i32
    %dma_wait3A_116 = arith.constant 0 : i32
    %dma_wait3A_117 = arith.constant 0 : i32
    %dma_wait3A_118 = tpu.memref_slice %arg2[%dma_wait3A_108, %dma_wait3A_109, %dma_wait3A_115, %dma_wait3A_116, %dma_wait3A_117] : memref<8x192x16x16x196xf32, #tpu.memory_space<hbm>> -> memref<1x1x8x16x196xf32, #tpu.memory_space<hbm>>
    %dma_wait3A_119 = tpu.memref_squeeze %dma_wait3A_118 : memref<1x1x8x16x196xf32, #tpu.memory_space<hbm>> -> memref<8x16x196xf32, #tpu.memory_space<hbm>>
    tpu.wait_dma2 semaphore(%arg9 : memref<!tpu.dma_semaphore, #tpu.memory_space<semaphore_mem>>) src(%dma_wait3A_119 : memref<8x16x196xf32, #tpu.memory_space<hbm>>) dst(%arg5 : memref<8x16x196xf32, #tpu.memory_space<vmem>>)
    %dma_wait3A_120 = arith.constant 0 : i32
    %dma_wait3A_121 = arith.constant 0 : i32
    %dma_wait3A_122 = arith.constant 0 : i32
    %dma_wait3A_123 = arith.constant 0 : i32
    %dma_wait3A_124 = tpu.memref_slice %arg3[%dma_wait3A_120, %dma_wait3A_121, %dma_wait3A_122, %dma_wait3A_123] : memref<8x192x112x112xf32, #tpu.memory_space<hbm>> -> memref<1x1x112x112xf32, #tpu.memory_space<hbm>>
    %dma_wait3A_125 = tpu.memref_squeeze %dma_wait3A_124 : memref<1x1x112x112xf32, #tpu.memory_space<hbm>> -> memref<112x112xf32, #tpu.memory_space<hbm>>
    %dma_wait3A_126 = arith.constant 0 : i32
    %dma_wait3A_127 = arith.constant 0 : i32
    %dma_wait3A_128 = tpu.memref_slice %arg3[%dma_wait3A_120, %dma_wait3A_121, %dma_wait3A_126, %dma_wait3A_127] : memref<8x192x112x112xf32, #tpu.memory_space<hbm>> -> memref<1x1x112x112xf32, #tpu.memory_space<hbm>>
    %dma_wait3A_129 = tpu.memref_squeeze %dma_wait3A_128 : memref<1x1x112x112xf32, #tpu.memory_space<hbm>> -> memref<112x112xf32, #tpu.memory_space<hbm>>
    tpu.wait_dma2 semaphore(%arg10 : memref<!tpu.dma_semaphore, #tpu.memory_space<semaphore_mem>>) src(%arg6 : memref<112x112xf32, #tpu.memory_space<vmem>>) dst(%dma_wait3A_129 : memref<112x112xf32, #tpu.memory_space<hbm>>)
    %dma_wait3A_130 = arith.constant 0 : i32
    %dma_wait3A_131 = arith.constant 0 : i32
    %dma_wait3A_132 = arith.constant 0 : i32
    %dma_wait3A_133 = arith.constant 0 : i32
    %dma_wait3A_134 = tpu.memref_slice %arg3[%dma_wait3A_130, %dma_wait3A_131, %dma_wait3A_132, %dma_wait3A_133] : memref<8x192x112x112xf32, #tpu.memory_space<hbm>> -> memref<1x1x112x112xf32, #tpu.memory_space<hbm>>
    %dma_wait3A_135 = tpu.memref_squeeze %dma_wait3A_134 : memref<1x1x112x112xf32, #tpu.memory_space<hbm>> -> memref<112x112xf32, #tpu.memory_space<hbm>>
    %dma_wait3A_136 = arith.constant 0 : i32
    %dma_wait3A_137 = arith.constant 0 : i32
    %dma_wait3A_138 = tpu.memref_slice %arg3[%dma_wait3A_130, %dma_wait3A_131, %dma_wait3A_136, %dma_wait3A_137] : memref<8x192x112x112xf32, #tpu.memory_space<hbm>> -> memref<1x1x112x112xf32, #tpu.memory_space<hbm>>
    %dma_wait3A_139 = tpu.memref_squeeze %dma_wait3A_138 : memref<1x1x112x112xf32, #tpu.memory_space<hbm>> -> memref<112x112xf32, #tpu.memory_space<hbm>>
    tpu.wait_dma2 semaphore(%arg10 : memref<!tpu.dma_semaphore, #tpu.memory_space<semaphore_mem>>) src(%arg7 : memref<112x112xf32, #tpu.memory_space<vmem>>) dst(%dma_wait3A_139 : memref<112x112xf32, #tpu.memory_space<hbm>>)
    return
  }
}

</mosaic_0001>

<sc_bundles>
// kernel: kernel.3.cloned.1.call-start
scs
__scs_entry_jumppad:
0x0: {  	(pc) =	sbr.rel $0x88, $3  }
0x1: {  	(tag) =	ssettag $0x0;
	lr =	simm.s32 $0x1  }
0x2: {  	[smem:$0x3FA0] =	sst lr;
	_ =	strace $0xD0000000  }
0x3: {  	_ = 	snop  }
0x4: {  	_ = 	snop  }
0x5: {  	_ = 	snop  }
0x6: {  	_ = 	snop  }
0x7: {  	_ = 	snop  }
__scs_overlays_trampoline_lowered:
0x8: {  	[smem:$0x3FAF] =	sst s0  }
0x9: {  	[smem:$0x3FB0] =	sst s1  }
0xa: {  	[smem:$0x3FB1] =	sst s2  }
0xb: {  	[smem:$0x3FB2] =	sst s3  }
0xc: {  	[smem:$0x3FB3] =	sst s4  }
0xd: {  	[smem:$0x3FB4] =	sst s5  }
0xe: {  	[smem:$0x3FB5] =	sst s6  }
0xf: {  	[smem:$0x3FB6] =	sst s7  }
0x10: {  	[smem:$0x3FB7] =	sst s8  }
0x11: {  	[smem:$0x3FB8] =	sst s9;
	s0 =	simm.s32 @!p0 $0x0  }
0x12: {  	s1 =	sld [smem:$0x3F9E];
	s0 =	simm.s32 @p0 $0x1  }
0x13: {  	[smem:$0x3FB9] =	sst s0;
	s0 =	simm.s32 @!p1 $0x0  }
0x14: {  	s2 =	sld [smem:$0x3F9D];
	s0 =	simm.s32 @p1 $0x1  }
0x15: {  	[smem:$0x3FBA] =	sst s0;
	s0 =	simm.s32 @!p2 $0x0  }
0x16: {  	s3 =	sld [smem:$0x3FDB];
	s0 =	simm.s32 @p2 $0x1  }
0x17: {  	s4 =	simm.s32 $0x1BF5;
	[smem:$0x3FBC] =	sst s0  }
0x18: {  	s0 =	sld [smem:$0x3F9F];
	_ =	swait.ge [sflag:s4], $0x0  }
0x19: {  	s7 =	sld [smem:$0x3FA0]  }
0x1a: {  	s8 =	sadd.s32 $0xFFFFE003, lr  }
0x1b: {  	s9 =	sadd.s32 $0xFFFFFEF7, lr;
	s5 =	simm.s32 $0xFFFFFFFF;
	p2 =	slt.u32 s8, $0xFFFFF086  }
0x1c: {  	p1 =	slt.u32 s9, $0xF7A;
	s5 =	simm.s32 @!p2 $0x0  }
0x1d: {  	s5 =	simm.s32 @p1 $0x1;
	p0 =	seq.s32 s7, s2  }
0x1e: {  	s7 =	smul.u32 @!p0 $0xF7A, s2;
	p2 =	seq.s32 @!p0 s5, $0x0  }
0x1f: {  	s9 =	smul.u32 $0xF7A, s1;
	s8 =	simm.s32 @!p0 $0x1BF5;
	p2 =	por !p2, p0  }
0x20: {  	[sflag:s8] =	ssyncset.s32 @!p0 $0xFFFFF086;
	s6 =	sadd.s32 @!p0 s3, s7;
	s7 =	simm.s32 @!p0 $0x108  }
0x21: {  	s3 =	sadd.s32 s3, s9;
	s6 =	sadd.s32 @!p0 $0x88, s6;
	s7 =	simm.s32 @p2 $0x1082  }
0x22: {  	[simem:s7], [sflag:s8] =	dma.local @!p0 [hbm:s6], $0xF7A  }
0x23: {  	s9 =	sor.u32 $0xD0000000, s2;
	s6 =	simm.s32 $0x108;
	_ =	swait.ge @!p0 [sflag:s8], $0x0  }
0x24: {  	s3 =	sadd.s32 $0x88, s3;
	s6 =	simm.s32 @!p1 $0x1082;
	[sflag:s4] =	ssyncset.s32 $0xFFFFF086  }
0x25: {  	[simem:s6], [sflag:s4] =	dma.local [hbm:s3], $0xF7A  }
0x26: {  	[smem:$0x3FA0] =	sst s1;
	(tag) =	ssettag s2;
	_ =	strace s9  }
0x27: {  	s1 =	sld [smem:$0x3FB0]  }
0x28: {  	s2 =	sld [smem:$0x3FB1]  }
0x29: {  	s4 =	sld [smem:$0x3FB3]  }
0x2a: {  	p0 =	seq.s32 s5, $0x0;
	s5 =	sld [smem:$0x3FB4]  }
0x2b: {  	s6 =	sld [smem:$0x3FB5]  }
0x2c: {  	s7 =	sld [smem:$0x3FB6]  }
0x2d: {  	s3 =	simm.s32 $0x108;
	s8 =	sld [smem:$0x3FB7]  }
0x2e: {  	s3 =	simm.s32 @!p0 $0x1082;
	s9 =	sld [smem:$0x3FB8]  }
0x2f: {  	lr =	sadd.s32 s0, s3;
	s0 =	sld [smem:$0x3FAF]  }
0x30: {  	s3 =	sld [smem:$0x3FB2]  }
0x31: {  	[smem:$0x3FBB] =	sst s10  }
0x32: {  	s10 =	sld [smem:$0x3FB9];
	_ =	sdelay $0x3  }
0x33: {  	p0 =	seq.s32 s10, $0x1;
	s10 =	sld [smem:$0x3FBB];
	_ =	sdelay $0x3  }
0x34: {  	[smem:$0x3FBB] =	sst s10  }
0x35: {  	s10 =	sld [smem:$0x3FBA];
	_ =	sdelay $0x3  }
0x36: {  	p1 =	seq.s32 s10, $0x1;
	s10 =	sld [smem:$0x3FBB];
	_ =	sdelay $0x3  }
0x37: {  	[smem:$0x3FBB] =	sst s10  }
0x38: {  	s10 =	sld [smem:$0x3FBC]  }
0x39: {  	_ = 	snop;
	(pc) =	sbr.ind lr, $3  }
0x3a: {  	_ = 	snop  }
0x3b: {  	_ = 	snop  }
0x3c: {  	p2 =	seq.s32 s10, $0x1;
	s10 =	sld [smem:$0x3FBB]  }
0x3d: {  	_ =	shalt  }
0x3e: {  	_ =	shalt  }
0x3f: {  	_ =	shalt  }
0x40: {  	_ =	shalt  }
0x41: {  	_ =	shalt  }
0x42: {  	_ =	shalt  }
0x43: {  	_ =	shalt  }
0x44: {  	_ =	shalt  }
0x45: {  	_ =	shalt  }
0x46: {  	_ =	shalt  }
0x47: {  	_ =	shalt  }
0x48: {  	_ =	shalt  }
0x49: {  	_ =	shalt  }
0x4a: {  	_ =	shalt  }
0x4b: {  	_ =	shalt  }
0x4c: {  	_ =	shalt  }
0x4d: {  	_ =	shalt  }
0x4e: {  	_ =	shalt  }
0x4f: {  	_ =	shalt  }
0x50: {  	_ =	shalt  }
0x51: {  	_ =	shalt  }
0x52: {  	_ =	shalt  }
0x53: {  	_ =	shalt  }
0x54: {  	_ =	shalt  }
0x55: {  	_ =	shalt  }
0x56: {  	_ =	shalt  }
0x57: {  	_ =	shalt  }
0x58: {  	_ =	shalt  }
0x59: {  	_ =	shalt  }
0x5a: {  	_ =	shalt  }
0x5b: {  	_ =	shalt  }
0x5c: {  	_ =	shalt  }
0x5d: {  	_ =	shalt  }
0x5e: {  	_ =	shalt  }
0x5f: {  	_ =	shalt  }
0x60: {  	_ =	shalt  }
0x61: {  	_ =	shalt  }
0x62: {  	_ =	shalt  }
0x63: {  	_ =	shalt  }
0x64: {  	_ =	shalt  }
0x65: {  	_ =	shalt  }
0x66: {  	_ =	shalt  }
0x67: {  	_ =	shalt  }
0x68: {  	_ =	shalt  }
0x69: {  	_ =	shalt  }
0x6a: {  	_ =	shalt  }
0x6b: {  	_ =	shalt  }
0x6c: {  	_ =	shalt  }
0x6d: {  	_ =	shalt  }
0x6e: {  	_ =	shalt  }
0x6f: {  	_ =	shalt  }
0x70: {  	_ =	shalt  }
0x71: {  	_ =	shalt  }
0x72: {  	_ =	shalt  }
0x73: {  	_ =	shalt  }
0x74: {  	_ =	shalt  }
0x75: {  	_ =	shalt  }
0x76: {  	_ =	shalt  }
0x77: {  	_ =	shalt  }
0x78: {  	_ =	shalt  }
0x79: {  	_ =	shalt  }
0x7a: {  	_ =	shalt  }
0x7b: {  	_ =	shalt  }
0x7c: {  	_ =	shalt  }
0x7d: {  	_ =	shalt  }
0x7e: {  	_ =	shalt  }
0x7f: {  	_ =	shalt  }
0x80: {  	_ =	shalt  }
0x81: {  	_ =	shalt  }
0x82: {  	_ =	shalt  }
0x83: {  	_ =	shalt  }
0x84: {  	_ =	shalt  }
0x85: {  	_ =	shalt  }
0x86: {  	_ =	shalt  }
0x87: {  	_ =	shalt  }
.Lfunc_end0:
.L_simem_size_0:
called_computation_lowered:
.L_overlay_start_0:
0x88: {  	s2 =	sld [smem:$0x3FD9]  }
0x89: {  	s3 =	sld [smem:$0x3FFE];
	_ =	sdelay $0x1  }
0x8a: {  	s1 =	srdreg.scid  }
0x8b: {  	s0 =	sand.u32 $0x1, s1  }
0x8c: {  	s18 =	sshll.u32 s0, $0xA;
	s2 =	sadd.s32 s3, s2  }
0x8d: {  	s2 =	sadd.s32 s2, s18  }
0x8e: {  	[smem:$0x3FC7] =	sst s2  }
0x8f: {  	_ = 	snop  }
0x90: {  	s2 =	sld [smem:$0x3FC9]  }
0x91: {  	s19 =	sld [smem:$0x3FD0];
	(tm) =	ssettm $0x1  }
0x92: {  	s4 =	sld [smem:$0x3FFB];
	_ =	sdelay $0x3  }
0x93: {  	_ =	strace s4  }
0x94: {  	s4 =	sld [smem:$0x3FFC];
	_ =	sdelay $0x3  }
0x95: {  	_ =	strace s4  }
0x96: {  	s4 =	sld [smem:$0x3FFD];
	_ =	sdelay $0x3  }
0x97: {  	_ =	strace s4  }
0x98: {  	_ =	strace $0x8FFFFFFF  }
0x99: {  	s20 =	sld [smem:$0x3FDB];
	_ =	sdelay $0x1  }
0x9a: {  	s5 =	simm.s32 $_scs_section_size  }
0x9b: {  	s6 =	simm.s32 $_size__tile_overlayer_lowered;
	s7 =	simm.s32 $_tile_overlayer_lowered  }
0x9c: {  	s23 =	simm.s32 $0x1BFF;
	s22 =	sshll.u32 s7, $0x1;
	s4 =	sadd.s32 s5, s20  }
0x9d: {  	s8 =	simm.s32 $0x0;
	s21 =	sshll.u32 s6, $0x1;
	s6 =	sadd.s32 s22, s4  }
0x9e: {  	[timem:s8], [sflag:s23] =	dma.local [hbm:s6], s21  }
0x9f: {  	_ =	swait.ge [sflag:s23], s21  }
0xa0: {  	s5 =	ssub.s32 $0x0, s21;
	[sflag:s23] =	ssyncset.done $0x0  }
0xa1: {  	[sflag:s23] =	ssyncadd.s32 s5;
	_ =	sdelay $0x1  }
0xa2: {  	s24 =	simm.s32 $0x1B8B  }
0xa3: {  	_ =	swait.ge [sflag:s24], $0x1  }
0xa4: {  	[sflag:s24] =	ssyncset.done $0x0  }
0xa5: {  	s25 =	simm.s32 $0x1B8E;
	[sflag:s24] =	ssyncadd.s32 $0xFFFFFFFF  }
0xa6: {  	s26 =	simm.s32 $execute0_lowered;
	[smem:$0x3FD2] =	sst s25  }
0xa7: {  	s5 =	sshll.u32 s26, $0x1;
	_ =	strace $0x80000046;
	[dreg:$0x1] =	wrdreg $0xFFFFFFFF  }
0xa8: {  	s28 =	simm.s32 $_size_execute0_lowered;
	s4 =	sadd.s32 s4, s5;
	[dreg:$0x0] =	wrdreg $0x0  }
0xa9: {  	s5 =	sshll.u32 s28, $0x1;
	[dreg:$0x2] =	wrdreg s4  }
0xaa: {  	[dreg:$0x3] =	wrdreg s5  }
0xab: {  	[dreg:$0x4] =	wrdreg $0xC0  }
0xac: {  	_ =	task [dreg:s8], $0x5FFFF  }
0xad: {  	[dreg:$0x1] =	wrdreg $0xFFFFFFFF  }
0xae: {  	[dreg:$0x0] =	wrdreg $0x60  }
0xaf: {  	[dreg:$0x2] =	wrdreg s2  }
0xb0: {  	[dreg:$0x3] =	wrdreg s19  }
0xb1: {  	[dreg:$0x4] =	wrdreg $0x9  }
0xb2: {  	_ =	task.clear_ibuf [dreg:s8], $0x5FFFF;
	_ =	strace $0x90000046  }
0xb3: {  	s29 =	simm.s32 $0x9;
	_ =	strace $0x80000048  }
0xb4: {  	_ =	swait.ge [sflag:s29], $0x1  }
0xb5: {  	[sflag:s29] =	ssyncadd.s32 $0xFFFFFFFF  }
0xb6: {  	_ =	strace $0x90000048  }
0xb7: {  	_ =	sfence  }
0xb8: {  	s30 =	sld [smem:$0x0];
	_ =	sdelay $0x2  }
0xb9: {  	s31 =	sshll.u32 s1, $0xD;
	s1 =	sshrl.u32 s1, $0x2  }
0xba: {  	s3 =	sand.u32 $0x4000, s31;
	s1 =	sadd.s32 s1, s30  }
0xbb: {  	s0 =	sor.u32 s3, s0;
	s1 =	sshll.u32 s1, $0x11  }
0xbc: {  	s0 =	sor.u32 s1, s0  }
0xbd: {  	s0 =	sadd.s32 $0x8F2B, s0  }
0xbe: {  	[sflag:s0] =	ssyncadd.remote.s32 $0x1  }
0xbf: {  	_ =	sfence.sel $0xFFFF  }
0xc0: {  	[dreg:$0x0] =	wrdreg $0xFFFFFFFF;
	(pc) =	sbr.abs _section_cstart, $3  }
0xc1: {  	[dreg:$0x1] =	wrdreg $0xFFFFFFFF  }
0xc2: {  	_ =	task.clear_ibuf [dreg:s8], $0x2FFFF;
	_ =	strace $0x9FFFFFFF  }
0xc3: {  	(tm) =	ssettm $0x7FFFFFFF  }
tec
execute0_lowered:
.L_overlay_start_1:
0x0: {  	(tag) =	ssettag $0x1  }
0x1: {  	v0 =	vimm.s32 $0xBF9  }
0x2: {  	vm14 =	vcmask $0x300;
	vm13 =	vcmask $0x704;
	vm12 =	vcmask $0xB08  }
0x3: {  	vm11 =	vcmask $0xF0C;
	vm10 =	vcmask $0x1310;
	vm9 =	vcmask $0x1714  }
0x4: {  	vm8 =	vcmask $0x1B18;
	vm7 =	vcmask $0x1F1C;
	vm6 =	vcmask $0x2320  }
0x5: {  	vm5 =	vcmask $0x2724;
	vm4 =	vcmask $0x2B28;
	vm3 =	vcmask $0x2F2C  }
0x6: {  	vm2 =	vcmask $0x3330;
	vm1 =	vcmask $0x3734;
	vm0 =	vcmask $0x3B38  }
0x7: {  	v1 =	vimm.s32 $0xBA3;
	v2 =	vimm.s32 $0xF82;
	v3 =	vimm.s32 $0xF94  }
0x8: {  	v4 =	vimm.s32 $0xBAD;
	v5 =	vimm.s32 $0xFB0;
	v6 =	vimm.s32 $0xFB3  }
0x9: {  	v7 =	vimm.s32 $0xF8B;
	v8 =	vimm.s32 $0xFBC;
	v9 =	vimm.s32 $0xBE3  }
0xa: {  	v10 =	vimm.s32 $0xF90;
	v11 =	vimm.s32 $0xF98;
	v12 =	vimm.s32 $0xFBD  }
0xb: {  	v13 =	vimm.s32 $0xB9F;
	v14 =	vimm.s32 $0xBF0;
	v15 =	vimm.s32 $0xBD5  }
0xc: {  	v16 =	vimm.s32 $0xBBF;
	v17 =	vimm.s32 $0xBF5;
	v18 =	vimm.s32 $0xFAE  }
0xd: {  	v19 =	vimm.s32 $0xBF2;
	v20 =	vimm.s32 $0xBD2;
	v21 =	vimm.s32 $0xBC1  }
0xe: {  	v22 =	vimm.s32 $0xB87;
	v23 =	vimm.s32 $0xB84;
	v24 =	vimm.s32 $0xBE5  }
0xf: {  	v25 =	vimm.s32 $0xBE6;
	v26 =	vimm.s32 $0xBCE;
	v27 =	vimm.s32 $0xFA3  }
0x10: {  	v28 =	vimm.s32 $0xF9D;
	v29 =	vimm.s32 $0xFB7;
	v30 =	vimm.s32 $0xB9D  }
0x11: {  	v31 =	vimm.s32 $0xFB1;
	v32 =	vimm.s32 $0xBEC;
	v33 =	vimm.s32 $0xBD3  }
0x12: {  	v34 =	vimm.s32 $0xF81;
	v35 =	vimm.s32 $0xBAC;
	v36 =	vimm.s32 $0xB90  }
0x13: {  	v37 =	vimm.s32 $0xBBA;
	v38 =	vimm.s32 $0xBFB;
	v39 =	vimm.s32 $0xBA5  }
0x14: {  	v40 =	vimm.s32 $0xBEF;
	v41 =	vimm.s32 $0xB93;
	v42 =	vimm.s32 $0xBBD  }
0x15: {  	v43 =	vimm.s32 $0xB82;
	v44 =	vimm.s32 $0xF8E;
	v45 =	vimm.s32 $0xBA2  }
0x16: {  	v46 =	vimm.s32 $0xF9C;
	v47 =	vimm.s32 $0xB85;
	v48 =	vimm.s32 $0xBDA  }
0x17: {  	v0 =	vsel vm14, $0x79, v0;
	v1 =	vsel vm14, $0x23, v1;
	v2 =	vsel vm14, $0x402, v2  }
0x18: {  	v3 =	vsel vm14, $0x414, v3;
	v4 =	vsel vm14, $0x2D, v4;
	v5 =	vsel vm14, $0x430, v5  }
0x19: {  	v6 =	vsel vm14, $0x433, v6;
	v7 =	vsel vm14, $0x40B, v7;
	v8 =	vsel vm14, $0x43C, v8  }
0x1a: {  	v9 =	vsel vm14, $0x63, v9;
	v10 =	vsel vm14, $0x410, v10;
	v11 =	vsel vm14, $0x418, v11  }
0x1b: {  	v12 =	vsel vm14, $0x43D, v12;
	v13 =	vsel vm14, $0x1F, v13;
	v14 =	vsel vm14, $0x70, v14  }
0x1c: {  	v15 =	vsel vm14, $0x55, v15;
	v16 =	vsel vm14, $0x3F, v16;
	v17 =	vsel vm14, $0x75, v17  }
0x1d: {  	v18 =	vsel vm14, $0x42E, v18;
	v19 =	vsel vm14, $0x72, v19;
	v20 =	vsel vm14, $0x52, v20  }
0x1e: {  	v21 =	vsel vm14, $0x41, v21;
	v22 =	vsel vm14, $0x7, v22;
	v23 =	vsel vm14, $0x4, v23  }
0x1f: {  	v24 =	vsel vm14, $0x65, v24;
	v25 =	vsel vm14, $0x66, v25;
	v26 =	vsel vm14, $0x4E, v26  }
0x20: {  	v27 =	vsel vm14, $0x423, v27;
	v28 =	vsel vm14, $0x41D, v28;
	v29 =	vsel vm14, $0x437, v29  }
0x21: {  	v30 =	vsel vm14, $0x1D, v30;
	v31 =	vsel vm14, $0x431, v31;
	v32 =	vsel vm14, $0x6C, v32  }
0x22: {  	v33 =	vsel vm14, $0x53, v33;
	v34 =	vsel vm14, $0x401, v34;
	v35 =	vsel vm14, $0x2C, v35  }
0x23: {  	v36 =	vsel vm14, $0x10, v36;
	v37 =	vsel vm14, $0x3A, v37;
	v38 =	vsel vm14, $0x7B, v38  }
0x24: {  	v39 =	vsel vm14, $0x25, v39;
	v40 =	vsel vm14, $0x6F, v40;
	v41 =	vsel vm14, $0x13, v41  }
0x25: {  	v42 =	vsel vm14, $0x3D, v42;
	v43 =	vsel vm14, $0x2, v43;
	v44 =	vsel vm14, $0x40E, v44  }
0x26: {  	v45 =	vsel vm14, $0x22, v45;
	v46 =	vsel vm14, $0x41C, v46;
	v47 =	vsel vm14, $0x5, v47  }
0x27: {  	v48 =	vsel vm14, $0x5A, v48;
	v0 =	vsel vm13, $0xF9, v0;
	v1 =	vsel vm13, $0xA3, v1  }
0x28: {  	v2 =	vsel vm13, $0x482, v2;
	v3 =	vsel vm13, $0x494, v3;
	v4 =	vsel vm13, $0xAD, v4  }
0x29: {  	v5 =	vsel vm13, $0x4B0, v5;
	v6 =	vsel vm13, $0x4B3, v6;
	v7 =	vsel vm13, $0x48B, v7  }
0x2a: {  	v8 =	vsel vm13, $0x4BC, v8;
	v9 =	vsel vm13, $0xE3, v9;
	v10 =	vsel vm13, $0x490, v10  }
0x2b: {  	v11 =	vsel vm13, $0x498, v11;
	v12 =	vsel vm13, $0x4BD, v12;
	v13 =	vsel vm13, $0x9F, v13  }
0x2c: {  	v14 =	vsel vm13, $0xF0, v14;
	v15 =	vsel vm13, $0xD5, v15;
	v16 =	vsel vm13, $0xBF, v16  }
0x2d: {  	v17 =	vsel vm13, $0xF5, v17;
	v18 =	vsel vm13, $0x4AE, v18;
	v19 =	vsel vm13, $0xF2, v19  }
0x2e: {  	v20 =	vsel vm13, $0xD2, v20;
	v21 =	vsel vm13, $0xC1, v21;
	v22 =	vsel vm13, $0x87, v22  }
0x2f: {  	v23 =	vsel vm13, $0x84, v23;
	v24 =	vsel vm13, $0xE5, v24;
	v25 =	vsel vm13, $0xE6, v25  }
0x30: {  	v26 =	vsel vm13, $0xCE, v26;
	v27 =	vsel vm13, $0x4A3, v27;
	v28 =	vsel vm13, $0x49D, v28  }
0x31: {  	v29 =	vsel vm13, $0x4B7, v29;
	v30 =	vsel vm13, $0x9D, v30;
	v31 =	vsel vm13, $0x4B1, v31  }
0x32: {  	v32 =	vsel vm13, $0xEC, v32;
	v33 =	vsel vm13, $0xD3, v33;
	v34 =	vsel vm13, $0x481, v34  }
0x33: {  	v35 =	vsel vm13, $0xAC, v35;
	v36 =	vsel vm13, $0x90, v36;
	v37 =	vsel vm13, $0xBA, v37  }
0x34: {  	v38 =	vsel vm13, $0xFB, v38;
	v39 =	vsel vm13, $0xA5, v39;
	v40 =	vsel vm13, $0xEF, v40  }
0x35: {  	v41 =	vsel vm13, $0x93, v41;
	v42 =	vsel vm13, $0xBD, v42;
	v43 =	vsel vm13, $0x82, v43  }
0x36: {  	v44 =	vsel vm13, $0x48E, v44;
	v45 =	vsel vm13, $0xA2, v45;
	v46 =	vsel vm13, $0x49C, v46  }
0x37: {  	v47 =	vsel vm13, $0x85, v47;
	v48 =	vsel vm13, $0xDA, v48;
	v0 =	vsel vm12, $0x179, v0  }
0x38: {  	v1 =	vsel vm12, $0x123, v1;
	v2 =	vsel vm12, $0x502, v2;
	v3 =	vsel vm12, $0x514, v3  }
0x39: {  	v4 =	vsel vm12, $0x12D, v4;
	v5 =	vsel vm12, $0x530, v5;
	v6 =	vsel vm12, $0x533, v6  }
0x3a: {  	v7 =	vsel vm12, $0x50B, v7;
	v8 =	vsel vm12, $0x53C, v8;
	v9 =	vsel vm12, $0x163, v9  }
0x3b: {  	v10 =	vsel vm12, $0x510, v10;
	v11 =	vsel vm12, $0x518, v11;
	v12 =	vsel vm12, $0x53D, v12  }
0x3c: {  	v13 =	vsel vm12, $0x11F, v13;
	v14 =	vsel vm12, $0x170, v14;
	v15 =	vsel vm12, $0x155, v15  }
0x3d: {  	v16 =	vsel vm12, $0x13F, v16;
	v17 =	vsel vm12, $0x175, v17;
	v18 =	vsel vm12, $0x52E, v18  }
0x3e: {  	v19 =	vsel vm12, $0x172, v19;
	v20 =	vsel vm12, $0x152, v20;
	v21 =	vsel vm12, $0x141, v21  }
0x3f: {  	v22 =	vsel vm12, $0x107, v22;
	v23 =	vsel vm12, $0x104, v23;
	v24 =	vsel vm12, $0x165, v24  }
0x40: {  	v25 =	vsel vm12, $0x166, v25;
	v26 =	vsel vm12, $0x14E, v26;
	v27 =	vsel vm12, $0x523, v27  }
0x41: {  	v28 =	vsel vm12, $0x51D, v28;
	v29 =	vsel vm12, $0x537, v29;
	v30 =	vsel vm12, $0x11D, v30  }
0x42: {  	v31 =	vsel vm12, $0x531, v31;
	v32 =	vsel vm12, $0x16C, v32;
	v33 =	vsel vm12, $0x153, v33  }
0x43: {  	v34 =	vsel vm12, $0x501, v34;
	v35 =	vsel vm12, $0x12C, v35;
	v36 =	vsel vm12, $0x110, v36  }
0x44: {  	v37 =	vsel vm12, $0x13A, v37;
	v38 =	vsel vm12, $0x17B, v38;
	v39 =	vsel vm12, $0x125, v39  }
0x45: {  	v40 =	vsel vm12, $0x16F, v40;
	v41 =	vsel vm12, $0x113, v41;
	v42 =	vsel vm12, $0x13D, v42  }
0x46: {  	v43 =	vsel vm12, $0x102, v43;
	v44 =	vsel vm12, $0x50E, v44;
	v45 =	vsel vm12, $0x122, v45  }
0x47: {  	v46 =	vsel vm12, $0x51C, v46;
	v47 =	vsel vm12, $0x105, v47;
	v48 =	vsel vm12, $0x15A, v48  }
0x48: {  	v0 =	vsel vm11, $0x1F9, v0;
	v1 =	vsel vm11, $0x1A3, v1;
	v2 =	vsel vm11, $0x582, v2  }
0x49: {  	v3 =	vsel vm11, $0x594, v3;
	v4 =	vsel vm11, $0x1AD, v4;
	v5 =	vsel vm11, $0x5B0, v5  }
0x4a: {  	v6 =	vsel vm11, $0x5B3, v6;
	v7 =	vsel vm11, $0x58B, v7;
	v8 =	vsel vm11, $0x5BC, v8  }
0x4b: {  	v9 =	vsel vm11, $0x1E3, v9;
	v10 =	vsel vm11, $0x590, v10;
	v11 =	vsel vm11, $0x598, v11  }
0x4c: {  	v12 =	vsel vm11, $0x5BD, v12;
	v13 =	vsel vm11, $0x19F, v13;
	v14 =	vsel vm11, $0x1F0, v14  }
0x4d: {  	v15 =	vsel vm11, $0x1D5, v15;
	v16 =	vsel vm11, $0x1BF, v16;
	v17 =	vsel vm11, $0x1F5, v17  }
0x4e: {  	v18 =	vsel vm11, $0x5AE, v18;
	v19 =	vsel vm11, $0x1F2, v19;
	v20 =	vsel vm11, $0x1D2, v20  }
0x4f: {  	v21 =	vsel vm11, $0x1C1, v21;
	v22 =	vsel vm11, $0x187, v22;
	v23 =	vsel vm11, $0x184, v23  }
0x50: {  	v24 =	vsel vm11, $0x1E5, v24;
	v25 =	vsel vm11, $0x1E6, v25;
	v26 =	vsel vm11, $0x1CE, v26  }
0x51: {  	v27 =	vsel vm11, $0x5A3, v27;
	v28 =	vsel vm11, $0x59D, v28;
	v29 =	vsel vm11, $0x5B7, v29  }
0x52: {  	v30 =	vsel vm11, $0x19D, v30;
	v31 =	vsel vm11, $0x5B1, v31;
	v32 =	vsel vm11, $0x1EC, v32  }
0x53: {  	v33 =	vsel vm11, $0x1D3, v33;
	v34 =	vsel vm11, $0x581, v34;
	v35 =	vsel vm11, $0x1AC, v35  }
0x54: {  	v36 =	vsel vm11, $0x190, v36;
	v37 =	vsel vm11, $0x1BA, v37;
	v38 =	vsel vm11, $0x1FB, v38  }
0x55: {  	v39 =	vsel vm11, $0x1A5, v39;
	v40 =	vsel vm11, $0x1EF, v40;
	v41 =	vsel vm11, $0x193, v41  }
0x56: {  	v42 =	vsel vm11, $0x1BD, v42;
	v43 =	vsel vm11, $0x182, v43;
	v44 =	vsel vm11, $0x58E, v44  }
0x57: {  	v45 =	vsel vm11, $0x1A2, v45;
	v46 =	vsel vm11, $0x59C, v46;
	v47 =	vsel vm11, $0x185, v47  }
0x58: {  	v48 =	vsel vm11, $0x1DA, v48;
	v0 =	vsel vm10, $0x279, v0;
	v1 =	vsel vm10, $0x223, v1  }
0x59: {  	v2 =	vsel vm10, $0x602, v2;
	v3 =	vsel vm10, $0x614, v3;
	v4 =	vsel vm10, $0x22D, v4  }
0x5a: {  	v5 =	vsel vm10, $0x630, v5;
	v6 =	vsel vm10, $0x633, v6;
	v7 =	vsel vm10, $0x60B, v7  }
0x5b: {  	v8 =	vsel vm10, $0x63C, v8;
	v9 =	vsel vm10, $0x263, v9;
	v10 =	vsel vm10, $0x610, v10  }
0x5c: {  	v11 =	vsel vm10, $0x618, v11;
	v12 =	vsel vm10, $0x63D, v12;
	v13 =	vsel vm10, $0x21F, v13  }
0x5d: {  	v14 =	vsel vm10, $0x270, v14;
	v15 =	vsel vm10, $0x255, v15;
	v16 =	vsel vm10, $0x23F, v16  }
0x5e: {  	v17 =	vsel vm10, $0x275, v17;
	v18 =	vsel vm10, $0x62E, v18;
	v19 =	vsel vm10, $0x272, v19  }
0x5f: {  	v20 =	vsel vm10, $0x252, v20;
	v21 =	vsel vm10, $0x241, v21;
	v22 =	vsel vm10, $0x207, v22  }
0x60: {  	v23 =	vsel vm10, $0x204, v23;
	v24 =	vsel vm10, $0x265, v24;
	v25 =	vsel vm10, $0x266, v25  }
0x61: {  	v26 =	vsel vm10, $0x24E, v26;
	v27 =	vsel vm10, $0x623, v27;
	v28 =	vsel vm10, $0x61D, v28  }
0x62: {  	v29 =	vsel vm10, $0x637, v29;
	v30 =	vsel vm10, $0x21D, v30;
	v31 =	vsel vm10, $0x631, v31  }
0x63: {  	v32 =	vsel vm10, $0x26C, v32;
	v33 =	vsel vm10, $0x253, v33;
	v34 =	vsel vm10, $0x601, v34  }
0x64: {  	v35 =	vsel vm10, $0x22C, v35;
	v36 =	vsel vm10, $0x210, v36;
	v37 =	vsel vm10, $0x23A, v37  }
0x65: {  	v38 =	vsel vm10, $0x27B, v38;
	v39 =	vsel vm10, $0x225, v39;
	v40 =	vsel vm10, $0x26F, v40  }
0x66: {  	v41 =	vsel vm10, $0x213, v41;
	v42 =	vsel vm10, $0x23D, v42;
	v43 =	vsel vm10, $0x202, v43  }
0x67: {  	v44 =	vsel vm10, $0x60E, v44;
	v45 =	vsel vm10, $0x222, v45;
	v46 =	vsel vm10, $0x61C, v46  }
0x68: {  	v47 =	vsel vm10, $0x205, v47;
	v48 =	vsel vm10, $0x25A, v48;
	v0 =	vsel vm9, $0x2F9, v0  }
0x69: {  	v1 =	vsel vm9, $0x2A3, v1;
	v2 =	vsel vm9, $0x682, v2;
	v3 =	vsel vm9, $0x694, v3  }
0x6a: {  	v4 =	vsel vm9, $0x2AD, v4;
	v5 =	vsel vm9, $0x6B0, v5;
	v6 =	vsel vm9, $0x6B3, v6  }
0x6b: {  	v7 =	vsel vm9, $0x68B, v7;
	v8 =	vsel vm9, $0x6BC, v8;
	v9 =	vsel vm9, $0x2E3, v9  }
0x6c: {  	v10 =	vsel vm9, $0x690, v10;
	v11 =	vsel vm9, $0x698, v11;
	v12 =	vsel vm9, $0x6BD, v12  }
0x6d: {  	v13 =	vsel vm9, $0x29F, v13;
	v14 =	vsel vm9, $0x2F0, v14;
	v15 =	vsel vm9, $0x2D5, v15  }
0x6e: {  	v16 =	vsel vm9, $0x2BF, v16;
	v17 =	vsel vm9, $0x2F5, v17;
	v18 =	vsel vm9, $0x6AE, v18  }
0x6f: {  	v19 =	vsel vm9, $0x2F2, v19;
	v20 =	vsel vm9, $0x2D2, v20;
	v21 =	vsel vm9, $0x2C1, v21  }
0x70: {  	v22 =	vsel vm9, $0x287, v22;
	v23 =	vsel vm9, $0x284, v23;
	v24 =	vsel vm9, $0x2E5, v24  }
0x71: {  	v25 =	vsel vm9, $0x2E6, v25;
	v26 =	vsel vm9, $0x2CE, v26;
	v27 =	vsel vm9, $0x6A3, v27  }
0x72: {  	v28 =	vsel vm9, $0x69D, v28;
	v29 =	vsel vm9, $0x6B7, v29;
	v30 =	vsel vm9, $0x29D, v30  }
0x73: {  	v31 =	vsel vm9, $0x6B1, v31;
	v32 =	vsel vm9, $0x2EC, v32;
	v33 =	vsel vm9, $0x2D3, v33  }
0x74: {  	v34 =	vsel vm9, $0x681, v34;
	v35 =	vsel vm9, $0x2AC, v35;
	v36 =	vsel vm9, $0x290, v36  }
0x75: {  	v37 =	vsel vm9, $0x2BA, v37;
	v38 =	vsel vm9, $0x2FB, v38;
	v39 =	vsel vm9, $0x2A5, v39  }
0x76: {  	v40 =	vsel vm9, $0x2EF, v40;
	v41 =	vsel vm9, $0x293, v41;
	v42 =	vsel vm9, $0x2BD, v42  }
0x77: {  	v43 =	vsel vm9, $0x282, v43;
	v44 =	vsel vm9, $0x68E, v44;
	v45 =	vsel vm9, $0x2A2, v45  }
0x78: {  	v46 =	vsel vm9, $0x69C, v46;
	v47 =	vsel vm9, $0x285, v47;
	v48 =	vsel vm9, $0x2DA, v48  }
0x79: {  	v0 =	vsel vm8, $0x379, v0;
	v1 =	vsel vm8, $0x323, v1;
	v2 =	vsel vm8, $0x702, v2  }
0x7a: {  	v3 =	vsel vm8, $0x714, v3;
	v4 =	vsel vm8, $0x32D, v4;
	v5 =	vsel vm8, $0x730, v5  }
0x7b: {  	v6 =	vsel vm8, $0x733, v6;
	v7 =	vsel vm8, $0x70B, v7;
	v8 =	vsel vm8, $0x73C, v8  }
0x7c: {  	v9 =	vsel vm8, $0x363, v9;
	v10 =	vsel vm8, $0x710, v10;
	v11 =	vsel vm8, $0x718, v11  }
0x7d: {  	v12 =	vsel vm8, $0x73D, v12;
	v13 =	vsel vm8, $0x31F, v13;
	v14 =	vsel vm8, $0x370, v14  }
0x7e: {  	v15 =	vsel vm8, $0x355, v15;
	v16 =	vsel vm8, $0x33F, v16;
	v17 =	vsel vm8, $0x375, v17  }
0x7f: {  	v18 =	vsel vm8, $0x72E, v18;
	v19 =	vsel vm8, $0x372, v19;
	v20 =	vsel vm8, $0x352, v20  }
0x80: {  	v21 =	vsel vm8, $0x341, v21;
	v22 =	vsel vm8, $0x307, v22;
	v23 =	vsel vm8, $0x304, v23  }
0x81: {  	v24 =	vsel vm8, $0x365, v24;
	v25 =	vsel vm8, $0x366, v25;
	v26 =	vsel vm8, $0x34E, v26  }
0x82: {  	v27 =	vsel vm8, $0x723, v27;
	v28 =	vsel vm8, $0x71D, v28;
	v29 =	vsel vm8, $0x737, v29  }
0x83: {  	v30 =	vsel vm8, $0x31D, v30;
	v31 =	vsel vm8, $0x731, v31;
	v32 =	vsel vm8, $0x36C, v32  }
0x84: {  	v33 =	vsel vm8, $0x353, v33;
	v34 =	vsel vm8, $0x701, v34;
	v35 =	vsel vm8, $0x32C, v35  }
0x85: {  	v36 =	vsel vm8, $0x310, v36;
	v37 =	vsel vm8, $0x33A, v37;
	v38 =	vsel vm8, $0x37B, v38  }
0x86: {  	v39 =	vsel vm8, $0x325, v39;
	v40 =	vsel vm8, $0x36F, v40;
	v41 =	vsel vm8, $0x313, v41  }
0x87: {  	v42 =	vsel vm8, $0x33D, v42;
	v43 =	vsel vm8, $0x302, v43;
	v44 =	vsel vm8, $0x70E, v44  }
0x88: {  	v45 =	vsel vm8, $0x322, v45;
	v46 =	vsel vm8, $0x71C, v46;
	v47 =	vsel vm8, $0x305, v47  }
0x89: {  	v48 =	vsel vm8, $0x35A, v48;
	v0 =	vsel vm7, $0x3F9, v0;
	v1 =	vsel vm7, $0x3A3, v1  }
0x8a: {  	v2 =	vsel vm7, $0x782, v2;
	v3 =	vsel vm7, $0x794, v3;
	v4 =	vsel vm7, $0x3AD, v4  }
0x8b: {  	v5 =	vsel vm7, $0x7B0, v5;
	v6 =	vsel vm7, $0x7B3, v6;
	v7 =	vsel vm7, $0x78B, v7  }
0x8c: {  	v8 =	vsel vm7, $0x7BC, v8;
	v9 =	vsel vm7, $0x3E3, v9;
	v10 =	vsel vm7, $0x790, v10  }
0x8d: {  	v11 =	vsel vm7, $0x798, v11;
	v12 =	vsel vm7, $0x7BD, v12;
	v13 =	vsel vm7, $0x39F, v13  }
0x8e: {  	v14 =	vsel vm7, $0x3F0, v14;
	v15 =	vsel vm7, $0x3D5, v15;
	v16 =	vsel vm7, $0x3BF, v16  }
0x8f: {  	v17 =	vsel vm7, $0x3F5, v17;
	v18 =	vsel vm7, $0x7AE, v18;
	v19 =	vsel vm7, $0x3F2, v19  }
0x90: {  	v20 =	vsel vm7, $0x3D2, v20;
	v21 =	vsel vm7, $0x3C1, v21;
	v22 =	vsel vm7, $0x387, v22  }
0x91: {  	v23 =	vsel vm7, $0x384, v23;
	v24 =	vsel vm7, $0x3E5, v24;
	v25 =	vsel vm7, $0x3E6, v25  }
0x92: {  	v26 =	vsel vm7, $0x3CE, v26;
	v27 =	vsel vm7, $0x7A3, v27;
	v28 =	vsel vm7, $0x79D, v28  }
0x93: {  	v29 =	vsel vm7, $0x7B7, v29;
	v30 =	vsel vm7, $0x39D, v30;
	v31 =	vsel vm7, $0x7B1, v31  }
0x94: {  	v32 =	vsel vm7, $0x3EC, v32;
	v33 =	vsel vm7, $0x3D3, v33;
	v34 =	vsel vm7, $0x781, v34  }
0x95: {  	v35 =	vsel vm7, $0x3AC, v35;
	v36 =	vsel vm7, $0x390, v36;
	v37 =	vsel vm7, $0x3BA, v37  }
0x96: {  	v38 =	vsel vm7, $0x3FB, v38;
	v39 =	vsel vm7, $0x3A5, v39;
	v40 =	vsel vm7, $0x3EF, v40  }
0x97: {  	v41 =	vsel vm7, $0x393, v41;
	v42 =	vsel vm7, $0x3BD, v42;
	v43 =	vsel vm7, $0x382, v43  }
0x98: {  	v44 =	vsel vm7, $0x78E, v44;
	v45 =	vsel vm7, $0x3A2, v45;
	v46 =	vsel vm7, $0x79C, v46  }
0x99: {  	v47 =	vsel vm7, $0x385, v47;
	v48 =	vsel vm7, $0x3DA, v48;
	v0 =	vsel vm6, $0x879, v0  }
0x9a: {  	v1 =	vsel vm6, $0x823, v1;
	v2 =	vsel vm6, $0xC02, v2;
	v3 =	vsel vm6, $0xC14, v3  }
0x9b: {  	v4 =	vsel vm6, $0x82D, v4;
	v5 =	vsel vm6, $0xC30, v5;
	v6 =	vsel vm6, $0xC33, v6  }
0x9c: {  	v7 =	vsel vm6, $0xC0B, v7;
	v8 =	vsel vm6, $0xC3C, v8;
	v9 =	vsel vm6, $0x863, v9  }
0x9d: {  	v10 =	vsel vm6, $0xC10, v10;
	v11 =	vsel vm6, $0xC18, v11;
	v12 =	vsel vm6, $0xC3D, v12  }
0x9e: {  	v13 =	vsel vm6, $0x81F, v13;
	v14 =	vsel vm6, $0x870, v14;
	v15 =	vsel vm6, $0x855, v15  }
0x9f: {  	v16 =	vsel vm6, $0x83F, v16;
	v17 =	vsel vm6, $0x875, v17;
	v18 =	vsel vm6, $0xC2E, v18  }
0xa0: {  	v19 =	vsel vm6, $0x872, v19;
	v20 =	vsel vm6, $0x852, v20;
	v21 =	vsel vm6, $0x841, v21  }
0xa1: {  	v22 =	vsel vm6, $0x807, v22;
	v23 =	vsel vm6, $0x804, v23;
	v24 =	vsel vm6, $0x865, v24  }
0xa2: {  	v25 =	vsel vm6, $0x866, v25;
	v26 =	vsel vm6, $0x84E, v26;
	v27 =	vsel vm6, $0xC23, v27  }
0xa3: {  	v28 =	vsel vm6, $0xC1D, v28;
	v29 =	vsel vm6, $0xC37, v29;
	v30 =	vsel vm6, $0x81D, v30  }
0xa4: {  	v31 =	vsel vm6, $0xC31, v31;
	v32 =	vsel vm6, $0x86C, v32;
	v33 =	vsel vm6, $0x853, v33  }
0xa5: {  	v34 =	vsel vm6, $0xC01, v34;
	v35 =	vsel vm6, $0x82C, v35;
	v36 =	vsel vm6, $0x810, v36  }
0xa6: {  	v37 =	vsel vm6, $0x83A, v37;
	v38 =	vsel vm6, $0x87B, v38;
	v39 =	vsel vm6, $0x825, v39  }
0xa7: {  	v40 =	vsel vm6, $0x86F, v40;
	v41 =	vsel vm6, $0x813, v41;
	v42 =	vsel vm6, $0x83D, v42  }
0xa8: {  	v43 =	vsel vm6, $0x802, v43;
	v44 =	vsel vm6, $0xC0E, v44;
	v45 =	vsel vm6, $0x822, v45  }
0xa9: {  	v46 =	vsel vm6, $0xC1C, v46;
	v47 =	vsel vm6, $0x805, v47;
	v48 =	vsel vm6, $0x85A, v48  }
0xaa: {  	v0 =	vsel vm5, $0x8F9, v0;
	v1 =	vsel vm5, $0x8A3, v1;
	v2 =	vsel vm5, $0xC82, v2  }
0xab: {  	v3 =	vsel vm5, $0xC94, v3;
	v4 =	vsel vm5, $0x8AD, v4;
	v5 =	vsel vm5, $0xCB0, v5  }
0xac: {  	v6 =	vsel vm5, $0xCB3, v6;
	v7 =	vsel vm5, $0xC8B, v7;
	v8 =	vsel vm5, $0xCBC, v8  }
0xad: {  	v9 =	vsel vm5, $0x8E3, v9;
	v10 =	vsel vm5, $0xC90, v10;
	v11 =	vsel vm5, $0xC98, v11  }
0xae: {  	v12 =	vsel vm5, $0xCBD, v12;
	v13 =	vsel vm5, $0x89F, v13;
	v14 =	vsel vm5, $0x8F0, v14  }
0xaf: {  	v15 =	vsel vm5, $0x8D5, v15;
	v16 =	vsel vm5, $0x8BF, v16;
	v17 =	vsel vm5, $0x8F5, v17  }
0xb0: {  	v18 =	vsel vm5, $0xCAE, v18;
	v19 =	vsel vm5, $0x8F2, v19;
	v20 =	vsel vm5, $0x8D2, v20  }
0xb1: {  	v21 =	vsel vm5, $0x8C1, v21;
	v22 =	vsel vm5, $0x887, v22;
	v23 =	vsel vm5, $0x884, v23  }
0xb2: {  	v24 =	vsel vm5, $0x8E5, v24;
	v25 =	vsel vm5, $0x8E6, v25;
	v26 =	vsel vm5, $0x8CE, v26  }
0xb3: {  	v27 =	vsel vm5, $0xCA3, v27;
	v28 =	vsel vm5, $0xC9D, v28;
	v29 =	vsel vm5, $0xCB7, v29  }
0xb4: {  	v30 =	vsel vm5, $0x89D, v30;
	v31 =	vsel vm5, $0xCB1, v31;
	v32 =	vsel vm5, $0x8EC, v32  }
0xb5: {  	v33 =	vsel vm5, $0x8D3, v33;
	v34 =	vsel vm5, $0xC81, v34;
	v35 =	vsel vm5, $0x8AC, v35  }
0xb6: {  	v36 =	vsel vm5, $0x890, v36;
	v37 =	vsel vm5, $0x8BA, v37;
	v38 =	vsel vm5, $0x8FB, v38  }
0xb7: {  	v39 =	vsel vm5, $0x8A5, v39;
	v40 =	vsel vm5, $0x8EF, v40;
	v41 =	vsel vm5, $0x893, v41  }
0xb8: {  	v42 =	vsel vm5, $0x8BD, v42;
	v43 =	vsel vm5, $0x882, v43;
	v44 =	vsel vm5, $0xC8E, v44  }
0xb9: {  	v45 =	vsel vm5, $0x8A2, v45;
	v46 =	vsel vm5, $0xC9C, v46;
	v47 =	vsel vm5, $0x885, v47  }
0xba: {  	v48 =	vsel vm5, $0x8DA, v48;
	v0 =	vsel vm4, $0x979, v0;
	v1 =	vsel vm4, $0x923, v1  }
0xbb: {  	v2 =	vsel vm4, $0xD02, v2;
	v3 =	vsel vm4, $0xD14, v3;
	v4 =	vsel vm4, $0x92D, v4  }
0xbc: {  	v5 =	vsel vm4, $0xD30, v5;
	v6 =	vsel vm4, $0xD33, v6;
	v7 =	vsel vm4, $0xD0B, v7  }
0xbd: {  	v8 =	vsel vm4, $0xD3C, v8;
	v9 =	vsel vm4, $0x963, v9;
	v10 =	vsel vm4, $0xD10, v10  }
0xbe: {  	v11 =	vsel vm4, $0xD18, v11;
	v12 =	vsel vm4, $0xD3D, v12;
	v13 =	vsel vm4, $0x91F, v13  }
0xbf: {  	v14 =	vsel vm4, $0x970, v14;
	v15 =	vsel vm4, $0x955, v15;
	v16 =	vsel vm4, $0x93F, v16  }
0xc0: {  	v17 =	vsel vm4, $0x975, v17;
	v18 =	vsel vm4, $0xD2E, v18;
	v19 =	vsel vm4, $0x972, v19  }
0xc1: {  	v20 =	vsel vm4, $0x952, v20;
	v21 =	vsel vm4, $0x941, v21;
	v22 =	vsel vm4, $0x907, v22  }
0xc2: {  	v23 =	vsel vm4, $0x904, v23;
	v24 =	vsel vm4, $0x965, v24;
	v25 =	vsel vm4, $0x966, v25  }
0xc3: {  	v26 =	vsel vm4, $0x94E, v26;
	v27 =	vsel vm4, $0xD23, v27;
	v28 =	vsel vm4, $0xD1D, v28  }
0xc4: {  	v29 =	vsel vm4, $0xD37, v29;
	v30 =	vsel vm4, $0x91D, v30;
	v31 =	vsel vm4, $0xD31, v31  }
0xc5: {  	v32 =	vsel vm4, $0x96C, v32;
	v33 =	vsel vm4, $0x953, v33;
	v34 =	vsel vm4, $0xD01, v34  }
0xc6: {  	v35 =	vsel vm4, $0x92C, v35;
	v36 =	vsel vm4, $0x910, v36;
	v37 =	vsel vm4, $0x93A, v37  }
0xc7: {  	v38 =	vsel vm4, $0x97B, v38;
	v39 =	vsel vm4, $0x925, v39;
	v40 =	vsel vm4, $0x96F, v40  }
0xc8: {  	v41 =	vsel vm4, $0x913, v41;
	v42 =	vsel vm4, $0x93D, v42;
	v43 =	vsel vm4, $0x902, v43  }
0xc9: {  	v44 =	vsel vm4, $0xD0E, v44;
	v45 =	vsel vm4, $0x922, v45;
	v46 =	vsel vm4, $0xD1C, v46  }
0xca: {  	v47 =	vsel vm4, $0x905, v47;
	v48 =	vsel vm4, $0x95A, v48;
	v0 =	vsel vm3, $0x9F9, v0  }
0xcb: {  	v1 =	vsel vm3, $0x9A3, v1;
	v2 =	vsel vm3, $0xD82, v2;
	v3 =	vsel vm3, $0xD94, v3  }
0xcc: {  	v4 =	vsel vm3, $0x9AD, v4;
	v5 =	vsel vm3, $0xDB0, v5;
	v6 =	vsel vm3, $0xDB3, v6  }
0xcd: {  	v7 =	vsel vm3, $0xD8B, v7;
	v8 =	vsel vm3, $0xDBC, v8;
	v9 =	vsel vm3, $0x9E3, v9  }
0xce: {  	v10 =	vsel vm3, $0xD90, v10;
	v11 =	vsel vm3, $0xD98, v11;
	v12 =	vsel vm3, $0xDBD, v12  }
0xcf: {  	v13 =	vsel vm3, $0x99F, v13;
	v14 =	vsel vm3, $0x9F0, v14;
	v15 =	vsel vm3, $0x9D5, v15  }
0xd0: {  	v16 =	vsel vm3, $0x9BF, v16;
	v17 =	vsel vm3, $0x9F5, v17;
	v18 =	vsel vm3, $0xDAE, v18  }
0xd1: {  	v19 =	vsel vm3, $0x9F2, v19;
	v20 =	vsel vm3, $0x9D2, v20;
	v21 =	vsel vm3, $0x9C1, v21  }
0xd2: {  	v22 =	vsel vm3, $0x987, v22;
	v23 =	vsel vm3, $0x984, v23;
	v24 =	vsel vm3, $0x9E5, v24  }
0xd3: {  	v25 =	vsel vm3, $0x9E6, v25;
	v26 =	vsel vm3, $0x9CE, v26;
	v27 =	vsel vm3, $0xDA3, v27  }
0xd4: {  	v28 =	vsel vm3, $0xD9D, v28;
	v29 =	vsel vm3, $0xDB7, v29;
	v30 =	vsel vm3, $0x99D, v30  }
0xd5: {  	v31 =	vsel vm3, $0xDB1, v31;
	v32 =	vsel vm3, $0x9EC, v32;
	v33 =	vsel vm3, $0x9D3, v33  }
0xd6: {  	v34 =	vsel vm3, $0xD81, v34;
	v35 =	vsel vm3, $0x9AC, v35;
	v36 =	vsel vm3, $0x990, v36  }
0xd7: {  	v37 =	vsel vm3, $0x9BA, v37;
	v38 =	vsel vm3, $0x9FB, v38;
	v39 =	vsel vm3, $0x9A5, v39  }
0xd8: {  	v40 =	vsel vm3, $0x9EF, v40;
	v41 =	vsel vm3, $0x993, v41;
	v42 =	vsel vm3, $0x9BD, v42  }
0xd9: {  	v43 =	vsel vm3, $0x982, v43;
	v44 =	vsel vm3, $0xD8E, v44;
	v45 =	vsel vm3, $0x9A2, v45  }
0xda: {  	v46 =	vsel vm3, $0xD9C, v46;
	v47 =	vsel vm3, $0x985, v47;
	v48 =	vsel vm3, $0x9DA, v48  }
0xdb: {  	v0 =	vsel vm2, $0xA79, v0;
	v1 =	vsel vm2, $0xA23, v1;
	v2 =	vsel vm2, $0xE02, v2  }
0xdc: {  	v3 =	vsel vm2, $0xE14, v3;
	v4 =	vsel vm2, $0xA2D, v4;
	v5 =	vsel vm2, $0xE30, v5  }
0xdd: {  	v6 =	vsel vm2, $0xE33, v6;
	v7 =	vsel vm2, $0xE0B, v7;
	v8 =	vsel vm2, $0xE3C, v8  }
0xde: {  	v9 =	vsel vm2, $0xA63, v9;
	v10 =	vsel vm2, $0xE10, v10;
	v11 =	vsel vm2, $0xE18, v11  }
0xdf: {  	v12 =	vsel vm2, $0xE3D, v12;
	v13 =	vsel vm2, $0xA1F, v13;
	v14 =	vsel vm2, $0xA70, v14  }
0xe0: {  	v15 =	vsel vm2, $0xA55, v15;
	v16 =	vsel vm2, $0xA3F, v16;
	v17 =	vsel vm2, $0xA75, v17  }
0xe1: {  	v18 =	vsel vm2, $0xE2E, v18;
	v19 =	vsel vm2, $0xA72, v19;
	v20 =	vsel vm2, $0xA52, v20  }
0xe2: {  	v21 =	vsel vm2, $0xA41, v21;
	v22 =	vsel vm2, $0xA07, v22;
	v23 =	vsel vm2, $0xA04, v23  }
0xe3: {  	v24 =	vsel vm2, $0xA65, v24;
	v25 =	vsel vm2, $0xA66, v25;
	v26 =	vsel vm2, $0xA4E, v26  }
0xe4: {  	v27 =	vsel vm2, $0xE23, v27;
	v28 =	vsel vm2, $0xE1D, v28;
	v29 =	vsel vm2, $0xE37, v29  }
0xe5: {  	v30 =	vsel vm2, $0xA1D, v30;
	v31 =	vsel vm2, $0xE31, v31;
	v32 =	vsel vm2, $0xA6C, v32  }
0xe6: {  	v33 =	vsel vm2, $0xA53, v33;
	v34 =	vsel vm2, $0xE01, v34;
	v35 =	vsel vm2, $0xA2C, v35  }
0xe7: {  	v36 =	vsel vm2, $0xA10, v36;
	v37 =	vsel vm2, $0xA3A, v37;
	v38 =	vsel vm2, $0xA7B, v38  }
0xe8: {  	v39 =	vsel vm2, $0xA25, v39;
	v40 =	vsel vm2, $0xA6F, v40;
	v41 =	vsel vm2, $0xA13, v41  }
0xe9: {  	v42 =	vsel vm2, $0xA3D, v42;
	v43 =	vsel vm2, $0xA02, v43;
	v44 =	vsel vm2, $0xE0E, v44  }
0xea: {  	v45 =	vsel vm2, $0xA22, v45;
	v46 =	vsel vm2, $0xE1C, v46;
	v47 =	vsel vm2, $0xA05, v47  }
0xeb: {  	v48 =	vsel vm2, $0xA5A, v48;
	v0 =	vsel vm1, $0xAF9, v0;
	v1 =	vsel vm1, $0xAA3, v1  }
0xec: {  	v2 =	vsel vm1, $0xE82, v2;
	v3 =	vsel vm1, $0xE94, v3;
	v4 =	vsel vm1, $0xAAD, v4  }
0xed: {  	v5 =	vsel vm1, $0xEB0, v5;
	v6 =	vsel vm1, $0xEB3, v6;
	v7 =	vsel vm1, $0xE8B, v7  }
0xee: {  	v8 =	vsel vm1, $0xEBC, v8;
	v9 =	vsel vm1, $0xAE3, v9;
	v10 =	vsel vm1, $0xE90, v10  }
0xef: {  	v11 =	vsel vm1, $0xE98, v11;
	v12 =	vsel vm1, $0xEBD, v12;
	v13 =	vsel vm1, $0xA9F, v13  }
0xf0: {  	v14 =	vsel vm1, $0xAF0, v14;
	v15 =	vsel vm1, $0xAD5, v15;
	v16 =	vsel vm1, $0xABF, v16  }
0xf1: {  	v17 =	vsel vm1, $0xAF5, v17;
	v18 =	vsel vm1, $0xEAE, v18;
	v19 =	vsel vm1, $0xAF2, v19  }
0xf2: {  	v20 =	vsel vm1, $0xAD2, v20;
	v21 =	vsel vm1, $0xAC1, v21;
	v22 =	vsel vm1, $0xA87, v22  }
0xf3: {  	v23 =	vsel vm1, $0xA84, v23;
	v24 =	vsel vm1, $0xAE5, v24;
	v25 =	vsel vm1, $0xAE6, v25  }
0xf4: {  	v26 =	vsel vm1, $0xACE, v26;
	v27 =	vsel vm1, $0xEA3, v27;
	v28 =	vsel vm1, $0xE9D, v28  }
0xf5: {  	v29 =	vsel vm1, $0xEB7, v29;
	v30 =	vsel vm1, $0xA9D, v30;
	v31 =	vsel vm1, $0xEB1, v31  }
0xf6: {  	v32 =	vsel vm1, $0xAEC, v32;
	v33 =	vsel vm1, $0xAD3, v33;
	v34 =	vsel vm1, $0xE81, v34  }
0xf7: {  	v35 =	vsel vm1, $0xAAC, v35;
	v36 =	vsel vm1, $0xA90, v36;
	v37 =	vsel vm1, $0xABA, v37  }
0xf8: {  	v38 =	vsel vm1, $0xAFB, v38;
	v39 =	vsel vm1, $0xAA5, v39;
	v40 =	vsel vm1, $0xAEF, v40  }
0xf9: {  	v41 =	vsel vm1, $0xA93, v41;
	v42 =	vsel vm1, $0xABD, v42;
	v43 =	vsel vm1, $0xA82, v43  }
0xfa: {  	v44 =	vsel vm1, $0xE8E, v44;
	v45 =	vsel vm1, $0xAA2, v45;
	v46 =	vsel vm1, $0xE9C, v46  }
0xfb: {  	v47 =	vsel vm1, $0xA85, v47;
	v48 =	vsel vm1, $0xADA, v48;
	v0 =	vsel vm0, $0xB79, v0  }
0xfc: {  	v1 =	vsel vm0, $0xB23, v1;
	v2 =	vsel vm0, $0xF02, v2;
	v3 =	vsel vm0, $0xF14, v3  }
0xfd: {  	v4 =	vsel vm0, $0xB2D, v4;
	v5 =	vsel vm0, $0xF30, v5;
	v6 =	vsel vm0, $0xF33, v6  }
0xfe: {  	s1 =	srdreg.scid;
	s0 =	stileid.u32;
	v7 =	vsel vm0, $0xF0B, v7;
	v8 =	vsel vm0, $0xF3C, v8;
	v9 =	vsel vm0, $0xB63, v9  }
0xff: {  	s6 =	sand.u32 $0x1, s1;
	s30 =	sshll.u32 s0, $0x1;
	v10 =	vsel vm0, $0xF10, v10;
	v11 =	vsel vm0, $0xF18, v11;
	v12 =	vsel vm0, $0xF3D, v12  }
0x100: {  	s1 =	sor.u32 s6, s30;
	v13 =	vsel vm0, $0xB1F, v13;
	v14 =	vsel vm0, $0xB70, v14;
	v15 =	vsel vm0, $0xB55, v15  }
0x101: {  	s2 =	smul.u32 $0x8010, s1;
	v16 =	vsel vm0, $0xB3F, v16;
	v17 =	vsel vm0, $0xB75, v17;
	v18 =	vsel vm0, $0xF2E, v18  }
0x102: {  	s4 =	rddreg [dreg:$0x1];
	s11 =	simm.s32 $0x1;
	v19 =	vsel vm0, $0xB72, v19;
	v20 =	vsel vm0, $0xB52, v20;
	v21 =	vsel vm0, $0xB41, v21  }
0x103: {  	s12 =	simm.s32 $0x2;
	s1 =	smul.u32 $0x30, s1;
	s2 =	sshrl.u32 s2, $0x11;
	v22 =	vsel vm0, $0xB07, v22;
	v23 =	vsel vm0, $0xB04, v23;
	v24 =	vsel vm0, $0xB65, v24  }
0x104: {  	s13 =	simm.s32 $0x10000;
	s14 =	simm.s32 $0x13800;
	s3 =	smul.u32 $0xC0, s2;
	v25 =	vsel vm0, $0xB66, v25;
	v26 =	vsel vm0, $0xB4E, v26;
	v27 =	vsel vm0, $0xF23, v27  }
0x105: {  	s15 =	simm.s32 $0x3;
	s16 =	simm.s32 $0x0;
	s5 =	sshrl.u32 s0, $0x1;
	v28 =	vsel vm0, $0xF1D, v28;
	v29 =	vsel vm0, $0xF37, v29;
	v30 =	vsel vm0, $0xB1D, v30  }
0x106: {  	s8 =	smul.u32 $0xC00000, s5;
	s5 =	simm.s32 $0x0;
	s7 =	ssub.s32 s1, s3;
	v31 =	vsel vm0, $0xF31, v31;
	v32 =	vsel vm0, $0xB6C, v32;
	v33 =	vsel vm0, $0xB53, v33  }
0x107: {  	s6 =	ssub.s32 $0x2, s6;
	[smem:$0x7FF] =	sst s5;
	s7 =	sshll.u32 s7, $0x10;
	v34 =	vsel vm0, $0xF01, v34;
	v35 =	vsel vm0, $0xB2C, v35;
	v36 =	vsel vm0, $0xB10, v36  }
0x108: {  	s31 =	sshrl.u32 s6, $0x1;
	s2 =	rddreg [dreg:$0x0];
	s7 =	sadd.s32 s8, s7;
	v37 =	vsel vm0, $0xB3A, v37;
	v38 =	vsel vm0, $0xB7B, v38;
	v39 =	vsel vm0, $0xB25, v39  }
0x109: {  	s10 =	ssub.s32 s6, s31;
	s3 =	rddreg [dreg:$0x2];
	s9 =	sshrl.u32 s7, $0x3;
	v40 =	vsel vm0, $0xB6F, v40;
	v41 =	vsel vm0, $0xB13, v41;
	v42 =	vsel vm0, $0xB3D, v42  }
0x10a: {  	_ =	strace $0x80000047;
	s7 =	sadd.s32 $0x1000, s2;
	s6 =	sadd.s32 s2, s9;
	v43 =	vsel vm0, $0xB02, v43;
	v44 =	vsel vm0, $0xF0E, v44;
	v45 =	vsel vm0, $0xB22, v45  }
0x10b: {  	s8 =	sadd.s32 s9, s7;
	s9 =	smax.u32 s10, $0x1;
	s10 =	simm.s32 $0x8000;
	v46 =	vsel vm0, $0xF1C, v46;
	v47 =	vsel vm0, $0xB05, v47;
	v48 =	vsel vm0, $0xB5A, v48  }
.LBB2_1:
0x10c: {  	[tilespmem:s5], [sflag:$0x1] =	stream.linear.gather [hbm4b:s6+s5], $0x8000, $0x38;
	[tilespmem:$0x17000] =	vst v63  }
0x10d: {  	s17 =	simm.s32 $0x0  }
0x10e: {  	[tilespmem:s10], [sflag:$0x2] =	stream.linear.gather [hbm4b:s8+s5], $0x8000, $0x38;
	[tilespmem:$0x17000] =	vst v63  }
.LBB2_2:
0x10f: {  	p0 =	seq.s32 s17, $0x0  }
0x110: {  	s18 =	simm.s32 @!p0 $0x3  }
0x111: {  	_ =	swait.ge @!p0 [sflag:s18], $0x3800  }
0x112: {  	[sflag:s18] =	ssyncset.done @!p0 $0x0  }
0x113: {  	[sflag:s18] =	ssyncadd.s32 @!p0 $0xFFFFC800  }
0x114: {  	s19 =	simm.s32 $0x0;
	_ =	swait.ge @!p0 [sflag:s18], $0x3800  }
0x115: {  	v49 =	vor.u32 s19, v0;
	[sflag:s18] =	ssyncset.done @!p0 $0x0  }
0x116: {  	s20 =	simm.s32 $0x1000;
	[sflag:s18] =	ssyncadd.s32 @!p0 $0xFFFFC800  }
0x117: {  	v50 =	vor.u32 s20, v0;
	_ =	swait.ge [sflag:s11], $0x8000  }
0x118: {  	[sflag:s11] =	ssyncset.done $0x0  }
0x119: {  	[sflag:s11] =	ssyncadd.s32 $0xFFFF8000  }
0x11a: {  	v49 =	vld.idx.msk [tilespmem:v49+s5+$0x0], $0xffff  }
0x11b: {  	v51 =	vor.u32 s19, v1  }
0x11c: {  	v50 =	vld.idx.msk [tilespmem:v50+s5+$0x0], $0xffff  }
0x11d: {  	v52 =	vor.u32 s20, v1  }
0x11e: {  	s21 =	simm.s32 $0x11880  }
0x11f: {  	[tilespmem:s21+$0xFFFFE780] =	vst v49  }
0x120: {  	v49 =	vld.idx.msk [tilespmem:v51+s5+$0x0], $0xffff  }
0x121: {  	v60 =	vor.u32 s19, v2;
	[tilespmem:s21+$0xFFFFE800] =	vst v50  }
0x122: {  	v61 =	vld.idx.msk [tilespmem:v52+s5+$0x0], $0xffff  }
0x123: {  	v62 =	vor.u32 s20, v2;
	_ =	sdelay $0x1  }
0x124: {  	[tilespmem:s21+$0xFFFFE790] =	vst v49  }
0x125: {  	v49 =	vld.idx.msk [tilespmem:v60+s5+$0x0], $0xffff  }
0x126: {  	v63 =	vor.u32 s19, v3;
	[tilespmem:s21+$0xFFFFE810] =	vst v61  }
0x127: {  	v51 =	vld.idx.msk [tilespmem:v62+s5+$0x0], $0xffff  }
0x128: {  	v56 =	vor.u32 s20, v3;
	_ =	sdelay $0x1  }
0x129: {  	[tilespmem:s21+$0xFFFFE7A0] =	vst v49  }
0x12a: {  	v49 =	vld.idx.msk [tilespmem:v63+s5+$0x0], $0xffff  }
0x12b: {  	v57 =	vor.u32 s19, v4;
	[tilespmem:s21+$0xFFFFE820] =	vst v51  }
0x12c: {  	v51 =	vld.idx.msk [tilespmem:v56+s5+$0x0], $0xffff  }
0x12d: {  	v58 =	vor.u32 s20, v4;
	_ =	sdelay $0x1  }
0x12e: {  	[tilespmem:s21+$0xFFFFE7B0] =	vst v49  }
0x12f: {  	v49 =	vld.idx.msk [tilespmem:v57+s5+$0x0], $0xffff  }
0x130: {  	v59 =	vor.u32 s19, v5;
	[tilespmem:s21+$0xFFFFE830] =	vst v51  }
0x131: {  	v51 =	vld.idx.msk [tilespmem:v58+s5+$0x0], $0xffff  }
0x132: {  	v60 =	vor.u32 s20, v5;
	_ =	sdelay $0x1  }
0x133: {  	[tilespmem:s21+$0xFFFFE7C0] =	vst v49  }
0x134: {  	v49 =	vld.idx.msk [tilespmem:v59+s5+$0x0], $0xffff  }
0x135: {  	v61 =	vor.u32 s19, v6;
	[tilespmem:s21+$0xFFFFE840] =	vst v51  }
0x136: {  	v51 =	vld.idx.msk [tilespmem:v60+s5+$0x0], $0xffff  }
0x137: {  	v62 =	vor.u32 s20, v6;
	_ =	sdelay $0x1  }
0x138: {  	[tilespmem:s21+$0xFFFFE7D0] =	vst v49  }
0x139: {  	v49 =	vld.idx.msk [tilespmem:v61+s5+$0x0], $0xffff  }
0x13a: {  	v63 =	vor.u32 s19, v7;
	[tilespmem:s21+$0xFFFFE850] =	vst v51  }
0x13b: {  	v51 =	vld.idx.msk [tilespmem:v62+s5+$0x0], $0xffff  }
0x13c: {  	v56 =	vor.u32 s20, v7;
	_ =	sdelay $0x1  }
0x13d: {  	[tilespmem:s21+$0xFFFFE7E0] =	vst v49  }
0x13e: {  	v49 =	vld.idx.msk [tilespmem:v63+s5+$0x0], $0xffff  }
0x13f: {  	v57 =	vor.u32 s19, v8;
	[tilespmem:s21+$0xFFFFE860] =	vst v51  }
0x140: {  	v51 =	vld.idx.msk [tilespmem:v56+s5+$0x0], $0xffff  }
0x141: {  	v58 =	vor.u32 s20, v8;
	_ =	sdelay $0x1  }
0x142: {  	[tilespmem:s21+$0xFFFFEF80] =	vst v49  }
0x143: {  	v49 =	vld.idx.msk [tilespmem:v57+s5+$0x0], $0xffff  }
0x144: {  	v59 =	vor.u32 s19, v9;
	[tilespmem:s21+$0xFFFFF000] =	vst v51  }
0x145: {  	v51 =	vld.idx.msk [tilespmem:v58+s5+$0x0], $0xffff  }
0x146: {  	v60 =	vor.u32 s20, v9;
	_ =	sdelay $0x1  }
0x147: {  	[tilespmem:s21+$0xFFFFEF90] =	vst v49  }
0x148: {  	v49 =	vld.idx.msk [tilespmem:v59+s5+$0x0], $0xffff  }
0x149: {  	v61 =	vor.u32 s19, v10;
	[tilespmem:s21+$0xFFFFF010] =	vst v51  }
0x14a: {  	v51 =	vld.idx.msk [tilespmem:v60+s5+$0x0], $0xffff  }
0x14b: {  	v62 =	vor.u32 s20, v10;
	_ =	sdelay $0x1  }
0x14c: {  	[tilespmem:s21+$0xFFFFEFA0] =	vst v49  }
0x14d: {  	v49 =	vld.idx.msk [tilespmem:v61+s5+$0x0], $0xffff  }
0x14e: {  	v63 =	vor.u32 s19, v11;
	[tilespmem:s21+$0xFFFFF020] =	vst v51  }
0x14f: {  	v51 =	vld.idx.msk [tilespmem:v62+s5+$0x0], $0xffff  }
0x150: {  	v56 =	vor.u32 s20, v11;
	_ =	sdelay $0x1  }
0x151: {  	[tilespmem:s21+$0xFFFFEFB0] =	vst v49  }
0x152: {  	v49 =	vld.idx.msk [tilespmem:v63+s5+$0x0], $0xffff  }
0x153: {  	v57 =	vor.u32 s19, v12;
	[tilespmem:s21+$0xFFFFF030] =	vst v51  }
0x154: {  	v51 =	vld.idx.msk [tilespmem:v56+s5+$0x0], $0xffff  }
0x155: {  	v58 =	vor.u32 s20, v12;
	_ =	sdelay $0x1  }
0x156: {  	[tilespmem:s21+$0xFFFFEFC0] =	vst v49  }
0x157: {  	v49 =	vld.idx.msk [tilespmem:v57+s5+$0x0], $0xffff  }
0x158: {  	v59 =	vor.u32 s19, v13;
	[tilespmem:s21+$0xFFFFF040] =	vst v51  }
0x159: {  	v51 =	vld.idx.msk [tilespmem:v58+s5+$0x0], $0xffff  }
0x15a: {  	v60 =	vor.u32 s20, v13;
	_ =	sdelay $0x1  }
0x15b: {  	[tilespmem:s21+$0xFFFFEFD0] =	vst v49  }
0x15c: {  	v49 =	vld.idx.msk [tilespmem:v59+s5+$0x0], $0xffff  }
0x15d: {  	v61 =	vor.u32 s19, v14;
	[tilespmem:s21+$0xFFFFF050] =	vst v51  }
0x15e: {  	v51 =	vld.idx.msk [tilespmem:v60+s5+$0x0], $0xffff  }
0x15f: {  	v62 =	vor.u32 s20, v14;
	_ =	sdelay $0x1  }
0x160: {  	[tilespmem:s21+$0xFFFFEFE0] =	vst v49  }
0x161: {  	v49 =	vld.idx.msk [tilespmem:v61+s5+$0x0], $0xffff  }
0x162: {  	v63 =	vor.u32 s19, v15;
	[tilespmem:s21+$0xFFFFF060] =	vst v51  }
0x163: {  	v51 =	vld.idx.msk [tilespmem:v62+s5+$0x0], $0xffff  }
0x164: {  	v56 =	vor.u32 s20, v15;
	_ =	sdelay $0x1  }
0x165: {  	[tilespmem:s21+$0xFFFFF780] =	vst v49  }
0x166: {  	v49 =	vld.idx.msk [tilespmem:v63+s5+$0x0], $0xffff  }
0x167: {  	v57 =	vor.u32 s19, v16;
	[tilespmem:s21+$0xFFFFF800] =	vst v51  }
0x168: {  	v51 =	vld.idx.msk [tilespmem:v56+s5+$0x0], $0xffff  }
0x169: {  	v58 =	vor.u32 s20, v16;
	_ =	sdelay $0x1  }
0x16a: {  	[tilespmem:s21+$0xFFFFF790] =	vst v49  }
0x16b: {  	v49 =	vld.idx.msk [tilespmem:v57+s5+$0x0], $0xffff  }
0x16c: {  	v59 =	vor.u32 s19, v17;
	[tilespmem:s21+$0xFFFFF810] =	vst v51  }
0x16d: {  	v51 =	vld.idx.msk [tilespmem:v58+s5+$0x0], $0xffff  }
0x16e: {  	v60 =	vor.u32 s20, v17;
	_ =	sdelay $0x1  }
0x16f: {  	[tilespmem:s21+$0xFFFFF7A0] =	vst v49  }
0x170: {  	v49 =	vld.idx.msk [tilespmem:v59+s5+$0x0], $0xffff  }
0x171: {  	v61 =	vor.u32 s19, v18;
	[tilespmem:s21+$0xFFFFF820] =	vst v51  }
0x172: {  	v51 =	vld.idx.msk [tilespmem:v60+s5+$0x0], $0xffff  }
0x173: {  	v62 =	vor.u32 s20, v18;
	_ =	sdelay $0x1  }
0x174: {  	[tilespmem:s21+$0xFFFFF7B0] =	vst v49  }
0x175: {  	v49 =	vld.idx.msk [tilespmem:v61+s5+$0x0], $0xffff  }
0x176: {  	v63 =	vor.u32 s19, v19;
	[tilespmem:s21+$0xFFFFF830] =	vst v51  }
0x177: {  	v51 =	vld.idx.msk [tilespmem:v62+s5+$0x0], $0xffff  }
0x178: {  	v56 =	vor.u32 s20, v19;
	_ =	sdelay $0x1  }
0x179: {  	[tilespmem:s21+$0xFFFFF7C0] =	vst v49  }
0x17a: {  	v49 =	vld.idx.msk [tilespmem:v63+s5+$0x0], $0xffff  }
0x17b: {  	v57 =	vor.u32 s19, v20;
	[tilespmem:s21+$0xFFFFF840] =	vst v51  }
0x17c: {  	v51 =	vld.idx.msk [tilespmem:v56+s5+$0x0], $0xffff  }
0x17d: {  	v58 =	vor.u32 s20, v20;
	_ =	sdelay $0x1  }
0x17e: {  	[tilespmem:s21+$0xFFFFF7D0] =	vst v49  }
0x17f: {  	v49 =	vld.idx.msk [tilespmem:v57+s5+$0x0], $0xffff  }
0x180: {  	v59 =	vor.u32 s19, v21;
	[tilespmem:s21+$0xFFFFF850] =	vst v51  }
0x181: {  	v51 =	vld.idx.msk [tilespmem:v58+s5+$0x0], $0xffff  }
0x182: {  	v60 =	vor.u32 s20, v21;
	_ =	sdelay $0x1  }
0x183: {  	[tilespmem:s21+$0xFFFFF7E0] =	vst v49  }
0x184: {  	v49 =	vld.idx.msk [tilespmem:v59+s5+$0x0], $0xffff  }
0x185: {  	v61 =	vor.u32 s19, v22;
	[tilespmem:s21+$0xFFFFF860] =	vst v51  }
0x186: {  	v51 =	vld.idx.msk [tilespmem:v60+s5+$0x0], $0xffff  }
0x187: {  	v62 =	vor.u32 s20, v22;
	_ =	sdelay $0x1  }
0x188: {  	[tilespmem:s21+$0xFFFFFF80] =	vst v49  }
0x189: {  	v49 =	vld.idx.msk [tilespmem:v61+s5+$0x0], $0xffff  }
0x18a: {  	v63 =	vor.u32 s19, v23;
	[tilespmem:s21+$0x0] =	vst v51  }
0x18b: {  	v51 =	vld.idx.msk [tilespmem:v62+s5+$0x0], $0xffff  }
0x18c: {  	v56 =	vor.u32 s20, v23;
	_ =	sdelay $0x1  }
0x18d: {  	[tilespmem:s21+$0xFFFFFF90] =	vst v49  }
0x18e: {  	v49 =	vld.idx.msk [tilespmem:v63+s5+$0x0], $0xffff  }
0x18f: {  	v57 =	vor.u32 s19, v24;
	[tilespmem:s21+$0x10] =	vst v51  }
0x190: {  	v51 =	vld.idx.msk [tilespmem:v56+s5+$0x0], $0xffff  }
0x191: {  	v58 =	vor.u32 s20, v24;
	_ =	sdelay $0x1  }
0x192: {  	s18 =	simm.s32 $0x2000;
	[tilespmem:s21+$0xFFFFFFA0] =	vst v49  }
0x193: {  	v53 =	vor.u32 s18, v0;
	v49 =	vld.idx.msk [tilespmem:v57+s5+$0x0], $0xffff  }
0x194: {  	s22 =	simm.s32 $0x3000;
	v59 =	vor.u32 s19, v25;
	[tilespmem:s21+$0x20] =	vst v51  }
0x195: {  	v60 =	vor.u32 s22, v0;
	v51 =	vld.idx.msk [tilespmem:v58+s5+$0x0], $0xffff  }
0x196: {  	v54 =	vor.u32 s20, v25;
	_ =	sdelay $0x1  }
0x197: {  	v53 =	vld.idx.msk [tilespmem:v53+s5+$0x0], $0xffff;
	[tilespmem:s21+$0xFFFFFFB0] =	vst v49  }
0x198: {  	v55 =	vor.u32 s18, v1;
	v49 =	vld.idx.msk [tilespmem:v59+s5+$0x0], $0xffff  }
0x199: {  	v50 =	vld.idx.msk [tilespmem:v60+s5+$0x0], $0xffff;
	v61 =	vor.u32 s19, v26;
	[tilespmem:s21+$0x30] =	vst v51  }
0x19a: {  	v63 =	vor.u32 s22, v1;
	v62 =	vld.idx.msk [tilespmem:v54+s5+$0x0], $0xffff  }
0x19b: {  	s23 =	simm.s32 $0x11980;
	v60 =	vor.u32 s20, v26  }
0x19c: {  	[tilespmem:s23+$0xFFFFE780] =	vst v53  }
0x19d: {  	v55 =	vld.idx.msk [tilespmem:v55+s5+$0x0], $0xffff;
	[tilespmem:s21+$0xFFFFFFC0] =	vst v49  }
0x19e: {  	[tilespmem:s23+$0xFFFFE800] =	vst v50;
	v56 =	vor.u32 s18, v2;
	v49 =	vld.idx.msk [tilespmem:v61+s5+$0x0], $0xffff  }
0x19f: {  	v50 =	vld.idx.msk [tilespmem:v63+s5+$0x0], $0xffff;
	[tilespmem:s21+$0x40] =	vst v62;
	v61 =	vor.u32 s19, v27  }
0x1a0: {  	v62 =	vor.u32 s22, v2;
	v52 =	vld.idx.msk [tilespmem:v60+s5+$0x0], $0xffff  }
0x1a1: {  	v63 =	vor.u32 s20, v27  }
0x1a2: {  	[tilespmem:s23+$0xFFFFE790] =	vst v55  }
0x1a3: {  	v55 =	vld.idx.msk [tilespmem:v56+s5+$0x0], $0xffff;
	[tilespmem:s21+$0xFFFFFFD0] =	vst v49  }
0x1a4: {  	[tilespmem:s23+$0xFFFFE810] =	vst v50;
	v60 =	vor.u32 s18, v3;
	v49 =	vld.idx.msk [tilespmem:v61+s5+$0x0], $0xffff  }
0x1a5: {  	v50 =	vld.idx.msk [tilespmem:v62+s5+$0x0], $0xffff;
	[tilespmem:s21+$0x50] =	vst v52;
	v61 =	vor.u32 s19, v28  }
0x1a6: {  	v62 =	vor.u32 s22, v3;
	v52 =	vld.idx.msk [tilespmem:v63+s5+$0x0], $0xffff  }
0x1a7: {  	v63 =	vor.u32 s20, v28  }
0x1a8: {  	[tilespmem:s23+$0xFFFFE7A0] =	vst v55  }
0x1a9: {  	v55 =	vld.idx.msk [tilespmem:v60+s5+$0x0], $0xffff;
	[tilespmem:s21+$0xFFFFFFE0] =	vst v49  }
0x1aa: {  	v60 =	vor.u32 s18, v4;
	[tilespmem:s23+$0xFFFFE820] =	vst v50;
	v49 =	vld.idx.msk [tilespmem:v61+s5+$0x0], $0xffff  }
0x1ab: {  	v50 =	vld.idx.msk [tilespmem:v62+s5+$0x0], $0xffff;
	[tilespmem:s21+$0x60] =	vst v52;
	v61 =	vor.u32 s19, v29  }
0x1ac: {  	v62 =	vor.u32 s22, v4;
	v52 =	vld.idx.msk [tilespmem:v63+s5+$0x0], $0xffff  }
0x1ad: {  	v63 =	vor.u32 s20, v29  }
0x1ae: {  	[tilespmem:s23+$0xFFFFE7B0] =	vst v55  }
0x1af: {  	v55 =	vld.idx.msk [tilespmem:v60+s5+$0x0], $0xffff;
	[tilespmem:s21+$0x780] =	vst v49  }
0x1b0: {  	v60 =	vor.u32 s18, v5;
	[tilespmem:s23+$0xFFFFE830] =	vst v50;
	v49 =	vld.idx.msk [tilespmem:v61+s5+$0x0], $0xffff  }
0x1b1: {  	v50 =	vld.idx.msk [tilespmem:v62+s5+$0x0], $0xffff;
	[tilespmem:s21+$0x800] =	vst v52;
	v61 =	vor.u32 s19, v30  }
0x1b2: {  	v62 =	vor.u32 s22, v5;
	v52 =	vld.idx.msk [tilespmem:v63+s5+$0x0], $0xffff  }
0x1b3: {  	v63 =	vor.u32 s20, v30  }
0x1b4: {  	[tilespmem:s23+$0xFFFFE7C0] =	vst v55  }
0x1b5: {  	v55 =	vld.idx.msk [tilespmem:v60+s5+$0x0], $0xffff;
	[tilespmem:s21+$0x790] =	vst v49  }
0x1b6: {  	v60 =	vor.u32 s18, v6;
	[tilespmem:s23+$0xFFFFE840] =	vst v50;
	v49 =	vld.idx.msk [tilespmem:v61+s5+$0x0], $0xffff  }
0x1b7: {  	v50 =	vld.idx.msk [tilespmem:v62+s5+$0x0], $0xffff;
	[tilespmem:s21+$0x810] =	vst v52;
	v61 =	vor.u32 s19, v31  }
0x1b8: {  	v62 =	vor.u32 s22, v6;
	v52 =	vld.idx.msk [tilespmem:v63+s5+$0x0], $0xffff  }
0x1b9: {  	v63 =	vor.u32 s20, v31  }
0x1ba: {  	[tilespmem:s23+$0xFFFFE7D0] =	vst v55  }
0x1bb: {  	v55 =	vld.idx.msk [tilespmem:v60+s5+$0x0], $0xffff;
	[tilespmem:s21+$0x7A0] =	vst v49  }
0x1bc: {  	v60 =	vor.u32 s18, v7;
	[tilespmem:s23+$0xFFFFE850] =	vst v50;
	v49 =	vld.idx.msk [tilespmem:v61+s5+$0x0], $0xffff  }
0x1bd: {  	v50 =	vld.idx.msk [tilespmem:v62+s5+$0x0], $0xffff;
	[tilespmem:s21+$0x820] =	vst v52;
	v61 =	vor.u32 s19, v32  }
0x1be: {  	v62 =	vor.u32 s22, v7;
	v52 =	vld.idx.msk [tilespmem:v63+s5+$0x0], $0xffff  }
0x1bf: {  	v63 =	vor.u32 s20, v32  }
0x1c0: {  	[tilespmem:s23+$0xFFFFE7E0] =	vst v55  }
0x1c1: {  	v55 =	vld.idx.msk [tilespmem:v60+s5+$0x0], $0xffff;
	[tilespmem:s21+$0x7B0] =	vst v49  }
0x1c2: {  	v60 =	vor.u32 s18, v8;
	[tilespmem:s23+$0xFFFFE860] =	vst v50;
	v49 =	vld.idx.msk [tilespmem:v61+s5+$0x0], $0xffff  }
0x1c3: {  	v50 =	vld.idx.msk [tilespmem:v62+s5+$0x0], $0xffff;
	[tilespmem:s21+$0x830] =	vst v52;
	v61 =	vor.u32 s19, v33  }
0x1c4: {  	v62 =	vor.u32 s22, v8;
	v52 =	vld.idx.msk [tilespmem:v63+s5+$0x0], $0xffff  }
0x1c5: {  	v63 =	vor.u32 s20, v33  }
0x1c6: {  	[tilespmem:s23+$0xFFFFEF80] =	vst v55  }
0x1c7: {  	v55 =	vld.idx.msk [tilespmem:v60+s5+$0x0], $0xffff;
	[tilespmem:s21+$0x7C0] =	vst v49  }
0x1c8: {  	v60 =	vor.u32 s18, v9;
	[tilespmem:s23+$0xFFFFF000] =	vst v50;
	v49 =	vld.idx.msk [tilespmem:v61+s5+$0x0], $0xffff  }
0x1c9: {  	v50 =	vld.idx.msk [tilespmem:v62+s5+$0x0], $0xffff;
	[tilespmem:s21+$0x840] =	vst v52;
	v61 =	vor.u32 s19, v34  }
0x1ca: {  	v62 =	vor.u32 s22, v9;
	v52 =	vld.idx.msk [tilespmem:v63+s5+$0x0], $0xffff  }
0x1cb: {  	v63 =	vor.u32 s20, v34  }
0x1cc: {  	[tilespmem:s23+$0xFFFFEF90] =	vst v55  }
0x1cd: {  	v55 =	vld.idx.msk [tilespmem:v60+s5+$0x0], $0xffff;
	[tilespmem:s21+$0x7D0] =	vst v49  }
0x1ce: {  	v60 =	vor.u32 s18, v10;
	[tilespmem:s23+$0xFFFFF010] =	vst v50;
	v49 =	vld.idx.msk [tilespmem:v61+s5+$0x0], $0xffff  }
0x1cf: {  	v50 =	vld.idx.msk [tilespmem:v62+s5+$0x0], $0xffff;
	[tilespmem:s21+$0x850] =	vst v52;
	v61 =	vor.u32 s19, v35  }
0x1d0: {  	v62 =	vor.u32 s22, v10;
	v52 =	vld.idx.msk [tilespmem:v63+s5+$0x0], $0xffff  }
0x1d1: {  	v63 =	vor.u32 s20, v35  }
0x1d2: {  	[tilespmem:s23+$0xFFFFEFA0] =	vst v55  }
0x1d3: {  	v55 =	vld.idx.msk [tilespmem:v60+s5+$0x0], $0xffff;
	[tilespmem:s21+$0x7E0] =	vst v49  }
0x1d4: {  	v60 =	vor.u32 s18, v11;
	[tilespmem:s23+$0xFFFFF020] =	vst v50;
	v49 =	vld.idx.msk [tilespmem:v61+s5+$0x0], $0xffff  }
0x1d5: {  	v50 =	vld.idx.msk [tilespmem:v62+s5+$0x0], $0xffff;
	[tilespmem:s21+$0x860] =	vst v52;
	v61 =	vor.u32 s19, v36  }
0x1d6: {  	v62 =	vor.u32 s22, v11;
	v52 =	vld.idx.msk [tilespmem:v63+s5+$0x0], $0xffff  }
0x1d7: {  	v63 =	vor.u32 s20, v36  }
0x1d8: {  	[tilespmem:s23+$0xFFFFEFB0] =	vst v55  }
0x1d9: {  	v55 =	vld.idx.msk [tilespmem:v60+s5+$0x0], $0xffff;
	[tilespmem:s21+$0xF80] =	vst v49  }
0x1da: {  	v60 =	vor.u32 s18, v12;
	[tilespmem:s23+$0xFFFFF030] =	vst v50;
	v49 =	vld.idx.msk [tilespmem:v61+s5+$0x0], $0xffff  }
0x1db: {  	v50 =	vld.idx.msk [tilespmem:v62+s5+$0x0], $0xffff;
	[tilespmem:s21+$0x1000] =	vst v52;
	v61 =	vor.u32 s19, v37  }
0x1dc: {  	v62 =	vor.u32 s22, v12;
	v52 =	vld.idx.msk [tilespmem:v63+s5+$0x0], $0xffff  }
0x1dd: {  	v63 =	vor.u32 s20, v37  }
0x1de: {  	[tilespmem:s23+$0xFFFFEFC0] =	vst v55  }
0x1df: {  	v55 =	vld.idx.msk [tilespmem:v60+s5+$0x0], $0xffff;
	[tilespmem:s21+$0xF90] =	vst v49  }
0x1e0: {  	v60 =	vor.u32 s18, v13;
	[tilespmem:s23+$0xFFFFF040] =	vst v50;
	v49 =	vld.idx.msk [tilespmem:v61+s5+$0x0], $0xffff  }
0x1e1: {  	v50 =	vld.idx.msk [tilespmem:v62+s5+$0x0], $0xffff;
	[tilespmem:s21+$0x1010] =	vst v52;
	v61 =	vor.u32 s19, v38  }
0x1e2: {  	v62 =	vor.u32 s22, v13;
	v52 =	vld.idx.msk [tilespmem:v63+s5+$0x0], $0xffff  }
0x1e3: {  	v63 =	vor.u32 s20, v38  }
0x1e4: {  	[tilespmem:s23+$0xFFFFEFD0] =	vst v55  }
0x1e5: {  	v55 =	vld.idx.msk [tilespmem:v60+s5+$0x0], $0xffff;
	[tilespmem:s21+$0xFA0] =	vst v49  }
0x1e6: {  	v60 =	vor.u32 s18, v14;
	[tilespmem:s23+$0xFFFFF050] =	vst v50;
	v49 =	vld.idx.msk [tilespmem:v61+s5+$0x0], $0xffff  }
0x1e7: {  	v50 =	vld.idx.msk [tilespmem:v62+s5+$0x0], $0xffff;
	[tilespmem:s21+$0x1020] =	vst v52;
	v61 =	vor.u32 s19, v39  }
0x1e8: {  	v62 =	vor.u32 s22, v14;
	v52 =	vld.idx.msk [tilespmem:v63+s5+$0x0], $0xffff  }
0x1e9: {  	v63 =	vor.u32 s20, v39  }
0x1ea: {  	[tilespmem:s23+$0xFFFFEFE0] =	vst v55  }
0x1eb: {  	v55 =	vld.idx.msk [tilespmem:v60+s5+$0x0], $0xffff;
	[tilespmem:s21+$0xFB0] =	vst v49  }
0x1ec: {  	v60 =	vor.u32 s18, v15;
	[tilespmem:s23+$0xFFFFF060] =	vst v50;
	v49 =	vld.idx.msk [tilespmem:v61+s5+$0x0], $0xffff  }
0x1ed: {  	v50 =	vld.idx.msk [tilespmem:v62+s5+$0x0], $0xffff;
	[tilespmem:s21+$0x1030] =	vst v52;
	v61 =	vor.u32 s19, v40  }
0x1ee: {  	v62 =	vor.u32 s22, v15;
	v52 =	vld.idx.msk [tilespmem:v63+s5+$0x0], $0xffff  }
0x1ef: {  	v63 =	vor.u32 s20, v40  }
0x1f0: {  	[tilespmem:s23+$0xFFFFF780] =	vst v55  }
0x1f1: {  	v55 =	vld.idx.msk [tilespmem:v60+s5+$0x0], $0xffff;
	[tilespmem:s21+$0xFC0] =	vst v49  }
0x1f2: {  	v60 =	vor.u32 s18, v16;
	[tilespmem:s23+$0xFFFFF800] =	vst v50;
	v49 =	vld.idx.msk [tilespmem:v61+s5+$0x0], $0xffff  }
0x1f3: {  	v50 =	vld.idx.msk [tilespmem:v62+s5+$0x0], $0xffff;
	[tilespmem:s21+$0x1040] =	vst v52;
	v61 =	vor.u32 s19, v41  }
0x1f4: {  	v62 =	vor.u32 s22, v16;
	v52 =	vld.idx.msk [tilespmem:v63+s5+$0x0], $0xffff  }
0x1f5: {  	v63 =	vor.u32 s20, v41  }
0x1f6: {  	[tilespmem:s23+$0xFFFFF790] =	vst v55  }
0x1f7: {  	v55 =	vld.idx.msk [tilespmem:v60+s5+$0x0], $0xffff;
	[tilespmem:s21+$0xFD0] =	vst v49  }
0x1f8: {  	v60 =	vor.u32 s18, v17;
	[tilespmem:s23+$0xFFFFF810] =	vst v50;
	v49 =	vld.idx.msk [tilespmem:v61+s5+$0x0], $0xffff  }
0x1f9: {  	v50 =	vld.idx.msk [tilespmem:v62+s5+$0x0], $0xffff;
	[tilespmem:s21+$0x1050] =	vst v52;
	v61 =	vor.u32 s19, v42  }
0x1fa: {  	v62 =	vor.u32 s22, v17;
	v52 =	vld.idx.msk [tilespmem:v63+s5+$0x0], $0xffff  }
0x1fb: {  	v63 =	vor.u32 s20, v42  }
0x1fc: {  	[tilespmem:s23+$0xFFFFF7A0] =	vst v55  }
0x1fd: {  	v55 =	vld.idx.msk [tilespmem:v60+s5+$0x0], $0xffff;
	[tilespmem:s21+$0xFE0] =	vst v49  }
0x1fe: {  	v60 =	vor.u32 s18, v18;
	[tilespmem:s23+$0xFFFFF820] =	vst v50;
	v49 =	vld.idx.msk [tilespmem:v61+s5+$0x0], $0xffff  }
0x1ff: {  	v50 =	vld.idx.msk [tilespmem:v62+s5+$0x0], $0xffff;
	[tilespmem:s21+$0x1060] =	vst v52;
	v61 =	vor.u32 s19, v43  }
0x200: {  	v62 =	vor.u32 s22, v18;
	v52 =	vld.idx.msk [tilespmem:v63+s5+$0x0], $0xffff  }
0x201: {  	v63 =	vor.u32 s20, v43  }
0x202: {  	[tilespmem:s23+$0xFFFFF7B0] =	vst v55  }
0x203: {  	v55 =	vld.idx.msk [tilespmem:v60+s5+$0x0], $0xffff;
	[tilespmem:s21+$0x1780] =	vst v49  }
0x204: {  	v60 =	vor.u32 s18, v19;
	[tilespmem:s23+$0xFFFFF830] =	vst v50;
	v49 =	vld.idx.msk [tilespmem:v61+s5+$0x0], $0xffff  }
0x205: {  	v50 =	vld.idx.msk [tilespmem:v62+s5+$0x0], $0xffff;
	[tilespmem:s21+$0x1800] =	vst v52;
	v61 =	vor.u32 s19, v44  }
0x206: {  	v62 =	vor.u32 s22, v19;
	v52 =	vld.idx.msk [tilespmem:v63+s5+$0x0], $0xffff  }
0x207: {  	v63 =	vor.u32 s20, v44  }
0x208: {  	[tilespmem:s23+$0xFFFFF7C0] =	vst v55  }
0x209: {  	v55 =	vld.idx.msk [tilespmem:v60+s5+$0x0], $0xffff;
	[tilespmem:s21+$0x1790] =	vst v49  }
0x20a: {  	v60 =	vor.u32 s18, v20;
	[tilespmem:s23+$0xFFFFF840] =	vst v50;
	v49 =	vld.idx.msk [tilespmem:v61+s5+$0x0], $0xffff  }
0x20b: {  	v50 =	vld.idx.msk [tilespmem:v62+s5+$0x0], $0xffff;
	[tilespmem:s21+$0x1810] =	vst v52;
	v61 =	vor.u32 s19, v45  }
0x20c: {  	v62 =	vor.u32 s22, v20;
	v52 =	vld.idx.msk [tilespmem:v63+s5+$0x0], $0xffff  }
0x20d: {  	v63 =	vor.u32 s20, v45  }
0x20e: {  	[tilespmem:s23+$0xFFFFF7D0] =	vst v55  }
0x20f: {  	v55 =	vld.idx.msk [tilespmem:v60+s5+$0x0], $0xffff;
	[tilespmem:s21+$0x17A0] =	vst v49  }
0x210: {  	v60 =	vor.u32 s18, v21;
	[tilespmem:s23+$0xFFFFF850] =	vst v50;
	v49 =	vld.idx.msk [tilespmem:v61+s5+$0x0], $0xffff  }
0x211: {  	v50 =	vld.idx.msk [tilespmem:v62+s5+$0x0], $0xffff;
	[tilespmem:s21+$0x1820] =	vst v52;
	v61 =	vor.u32 s19, v46  }
0x212: {  	v62 =	vor.u32 s22, v21;
	v52 =	vld.idx.msk [tilespmem:v63+s5+$0x0], $0xffff  }
0x213: {  	v63 =	vor.u32 s20, v46  }
0x214: {  	[tilespmem:s23+$0xFFFFF7E0] =	vst v55  }
0x215: {  	v55 =	vld.idx.msk [tilespmem:v60+s5+$0x0], $0xffff;
	[tilespmem:s21+$0x17B0] =	vst v49  }
0x216: {  	v60 =	vor.u32 s18, v22;
	[tilespmem:s23+$0xFFFFF860] =	vst v50;
	v49 =	vld.idx.msk [tilespmem:v61+s5+$0x0], $0xffff  }
0x217: {  	v50 =	vld.idx.msk [tilespmem:v62+s5+$0x0], $0xffff;
	[tilespmem:s21+$0x1830] =	vst v52;
	v61 =	vor.u32 s19, v47  }
0x218: {  	v62 =	vor.u32 s22, v22;
	v52 =	vld.idx.msk [tilespmem:v63+s5+$0x0], $0xffff  }
0x219: {  	v63 =	vor.u32 s20, v47  }
0x21a: {  	[tilespmem:s23+$0xFFFFFF80] =	vst v55  }
0x21b: {  	v55 =	vld.idx.msk [tilespmem:v60+s5+$0x0], $0xffff;
	[tilespmem:s21+$0x17C0] =	vst v49  }
0x21c: {  	v60 =	vor.u32 s18, v23;
	[tilespmem:s23+$0x0] =	vst v50;
	v49 =	vld.idx.msk [tilespmem:v61+s5+$0x0], $0xffff  }
0x21d: {  	v50 =	vld.idx.msk [tilespmem:v62+s5+$0x0], $0xffff;
	[tilespmem:s21+$0x1840] =	vst v52;
	v61 =	vor.u32 s19, v48  }
0x21e: {  	v62 =	vor.u32 s22, v23;
	v52 =	vld.idx.msk [tilespmem:v63+s5+$0x0], $0xffff  }
0x21f: {  	v63 =	vor.u32 s20, v48  }
0x220: {  	[tilespmem:s23+$0xFFFFFF90] =	vst v55  }
0x221: {  	v55 =	vld.idx.msk [tilespmem:v60+s5+$0x0], $0xffff;
	[tilespmem:s21+$0x17D0] =	vst v49  }
0x222: {  	v53 =	vor.u32 s18, v24;
	[tilespmem:s23+$0x10] =	vst v50;
	v49 =	vld.idx.msk [tilespmem:v61+s5+$0x0], $0xffff  }
0x223: {  	s31 =	sshll.u32 s17, $0x1;
	v51 =	vld.idx.msk [tilespmem:v62+s5+$0x0], $0xffff;
	[tilespmem:s21+$0x1850] =	vst v52  }
0x224: {  	s20 =	sadd.s32 s1, s31;
	v52 =	vor.u32 s22, v24;
	v50 =	vld.idx.msk [tilespmem:v63+s5+$0x0], $0xffff  }
0x225: {  	s19 =	smin.u32 s20, $0x5FD  }
0x226: {  	s25 =	simm.s32 $0x4;
	s24 =	sor.u32 $0x1, s20;
	s19 =	sadd.s32 $0x2, s19;
	[tilespmem:s23+$0xFFFFFFA0] =	vst v55  }
.LBB2_3:
0x227: {  	p0 =	slt.u32 s25, $0x6;
	v53 =	vld.idx.msk [tilespmem:v53+s5+$0x0], $0xffff;
	[tilespmem:s21+$0x17E0] =	vst v49;
	s26 =	smov.u32 s25;
	s25 =	sadd.s32 $0x2, s25  }
0x228: {  	s26 =	sshll.u32 s26, $0xC;
	[tilespmem:s23+$0x20] =	vst v51  }
0x229: {  	v49 =	vor.u32 s26, v0;
	s28 =	sadd.s32 $0x1000, s26;
	v51 =	vld.idx.msk [tilespmem:v52+s5+$0x0], $0xffff;
	[tilespmem:s21+$0x1860] =	vst v50;
	s21 =	smov.u32 s23  }
0x22a: {  	v52 =	vor.u32 s18, v25;
	v50 =	vor.u32 s28, v0  }
0x22b: {  	v54 =	vor.u32 s22, v25;
	_ =	sdelay $0x1  }
0x22c: {  	[tilespmem:s23+$0xFFFFFFB0] =	vst v53  }
0x22d: {  	v49 =	vld.idx.msk [tilespmem:v49+s5+$0x0], $0xffff  }
0x22e: {  	v52 =	vld.idx.msk [tilespmem:v52+s5+$0x0], $0xffff;
	[tilespmem:s23+$0x30] =	vst v51  }
0x22f: {  	v51 =	vor.u32 s26, v1;
	v50 =	vld.idx.msk [tilespmem:v50+s5+$0x0], $0xffff  }
0x230: {  	v53 =	vor.u32 s18, v26;
	v54 =	vld.idx.msk [tilespmem:v54+s5+$0x0], $0xffff  }
0x231: {  	v56 =	vor.u32 s22, v26;
	v55 =	vor.u32 s28, v1  }
0x232: {  	s23 =	sadd.s32 $0x100, s23  }
0x233: {  	[tilespmem:s23+$0xFFFFE780] =	vst v49  }
0x234: {  	v49 =	vld.idx.msk [tilespmem:v51+s5+$0x0], $0xffff;
	[tilespmem:s21+$0xFFFFFFC0] =	vst v52  }
0x235: {  	[tilespmem:s23+$0xFFFFE800] =	vst v50;
	v50 =	vld.idx.msk [tilespmem:v53+s5+$0x0], $0xffff  }
0x236: {  	v51 =	vor.u32 s26, v2;
	v52 =	vld.idx.msk [tilespmem:v55+s5+$0x0], $0xffff;
	[tilespmem:s21+$0x40] =	vst v54  }
0x237: {  	v53 =	vor.u32 s18, v27;
	v54 =	vld.idx.msk [tilespmem:v56+s5+$0x0], $0xffff  }
0x238: {  	v55 =	vor.u32 s28, v2;
	v56 =	vor.u32 s22, v27;
	_ =	sdelay $0x1  }
0x239: {  	[tilespmem:s23+$0xFFFFE790] =	vst v49  }
0x23a: {  	v49 =	vld.idx.msk [tilespmem:v51+s5+$0x0], $0xffff;
	[tilespmem:s21+$0xFFFFFFD0] =	vst v50  }
0x23b: {  	[tilespmem:s23+$0xFFFFE810] =	vst v52;
	v50 =	vld.idx.msk [tilespmem:v53+s5+$0x0], $0xffff  }
0x23c: {  	v51 =	vor.u32 s26, v3;
	v52 =	vld.idx.msk [tilespmem:v55+s5+$0x0], $0xffff;
	[tilespmem:s21+$0x50] =	vst v54  }
0x23d: {  	v53 =	vor.u32 s18, v28;
	v54 =	vld.idx.msk [tilespmem:v56+s5+$0x0], $0xffff  }
0x23e: {  	v55 =	vor.u32 s28, v3;
	v56 =	vor.u32 s22, v28;
	_ =	sdelay $0x1  }
0x23f: {  	[tilespmem:s23+$0xFFFFE7A0] =	vst v49  }
0x240: {  	v49 =	vld.idx.msk [tilespmem:v51+s5+$0x0], $0xffff;
	[tilespmem:s21+$0xFFFFFFE0] =	vst v50  }
0x241: {  	[tilespmem:s23+$0xFFFFE820] =	vst v52;
	v50 =	vld.idx.msk [tilespmem:v53+s5+$0x0], $0xffff  }
0x242: {  	v51 =	vor.u32 s26, v4;
	v52 =	vld.idx.msk [tilespmem:v55+s5+$0x0], $0xffff;
	[tilespmem:s21+$0x60] =	vst v54  }
0x243: {  	v53 =	vor.u32 s18, v29;
	v54 =	vld.idx.msk [tilespmem:v56+s5+$0x0], $0xffff  }
0x244: {  	v55 =	vor.u32 s28, v4;
	v56 =	vor.u32 s22, v29;
	_ =	sdelay $0x1  }
0x245: {  	[tilespmem:s23+$0xFFFFE7B0] =	vst v49  }
0x246: {  	v49 =	vld.idx.msk [tilespmem:v51+s5+$0x0], $0xffff;
	[tilespmem:s21+$0x780] =	vst v50  }
0x247: {  	[tilespmem:s23+$0xFFFFE830] =	vst v52;
	v50 =	vld.idx.msk [tilespmem:v53+s5+$0x0], $0xffff  }
0x248: {  	v51 =	vor.u32 s26, v5;
	v52 =	vld.idx.msk [tilespmem:v55+s5+$0x0], $0xffff;
	[tilespmem:s21+$0x800] =	vst v54  }
0x249: {  	v53 =	vor.u32 s18, v30;
	v54 =	vld.idx.msk [tilespmem:v56+s5+$0x0], $0xffff  }
0x24a: {  	v55 =	vor.u32 s28, v5;
	v56 =	vor.u32 s22, v30;
	_ =	sdelay $0x1  }
0x24b: {  	[tilespmem:s23+$0xFFFFE7C0] =	vst v49  }
0x24c: {  	v49 =	vld.idx.msk [tilespmem:v51+s5+$0x0], $0xffff;
	[tilespmem:s21+$0x790] =	vst v50  }
0x24d: {  	[tilespmem:s23+$0xFFFFE840] =	vst v52;
	v50 =	vld.idx.msk [tilespmem:v53+s5+$0x0], $0xffff  }
0x24e: {  	v51 =	vor.u32 s26, v6;
	v52 =	vld.idx.msk [tilespmem:v55+s5+$0x0], $0xffff;
	[tilespmem:s21+$0x810] =	vst v54  }
0x24f: {  	v53 =	vor.u32 s18, v31;
	v54 =	vld.idx.msk [tilespmem:v56+s5+$0x0], $0xffff  }
0x250: {  	v55 =	vor.u32 s28, v6;
	v56 =	vor.u32 s22, v31;
	_ =	sdelay $0x1  }
0x251: {  	[tilespmem:s23+$0xFFFFE7D0] =	vst v49  }
0x252: {  	v49 =	vld.idx.msk [tilespmem:v51+s5+$0x0], $0xffff;
	[tilespmem:s21+$0x7A0] =	vst v50  }
0x253: {  	[tilespmem:s23+$0xFFFFE850] =	vst v52;
	v50 =	vld.idx.msk [tilespmem:v53+s5+$0x0], $0xffff  }
0x254: {  	v51 =	vor.u32 s26, v7;
	v52 =	vld.idx.msk [tilespmem:v55+s5+$0x0], $0xffff;
	[tilespmem:s21+$0x820] =	vst v54  }
0x255: {  	v53 =	vor.u32 s18, v32;
	v54 =	vld.idx.msk [tilespmem:v56+s5+$0x0], $0xffff  }
0x256: {  	v55 =	vor.u32 s28, v7;
	v56 =	vor.u32 s22, v32;
	_ =	sdelay $0x1  }
0x257: {  	[tilespmem:s23+$0xFFFFE7E0] =	vst v49  }
0x258: {  	v49 =	vld.idx.msk [tilespmem:v51+s5+$0x0], $0xffff;
	[tilespmem:s21+$0x7B0] =	vst v50  }
0x259: {  	[tilespmem:s23+$0xFFFFE860] =	vst v52;
	v50 =	vld.idx.msk [tilespmem:v53+s5+$0x0], $0xffff  }
0x25a: {  	v51 =	vor.u32 s26, v8;
	v52 =	vld.idx.msk [tilespmem:v55+s5+$0x0], $0xffff;
	[tilespmem:s21+$0x830] =	vst v54  }
0x25b: {  	v53 =	vor.u32 s18, v33;
	v54 =	vld.idx.msk [tilespmem:v56+s5+$0x0], $0xffff  }
0x25c: {  	v55 =	vor.u32 s28, v8;
	v56 =	vor.u32 s22, v33;
	_ =	sdelay $0x1  }
0x25d: {  	[tilespmem:s23+$0xFFFFEF80] =	vst v49  }
0x25e: {  	v49 =	vld.idx.msk [tilespmem:v51+s5+$0x0], $0xffff;
	[tilespmem:s21+$0x7C0] =	vst v50  }
0x25f: {  	[tilespmem:s23+$0xFFFFF000] =	vst v52;
	v50 =	vld.idx.msk [tilespmem:v53+s5+$0x0], $0xffff  }
0x260: {  	v51 =	vor.u32 s26, v9;
	v52 =	vld.idx.msk [tilespmem:v55+s5+$0x0], $0xffff;
	[tilespmem:s21+$0x840] =	vst v54  }
0x261: {  	v53 =	vor.u32 s18, v34;
	v54 =	vld.idx.msk [tilespmem:v56+s5+$0x0], $0xffff  }
0x262: {  	v55 =	vor.u32 s28, v9;
	v56 =	vor.u32 s22, v34;
	_ =	sdelay $0x1  }
0x263: {  	[tilespmem:s23+$0xFFFFEF90] =	vst v49  }
0x264: {  	v49 =	vld.idx.msk [tilespmem:v51+s5+$0x0], $0xffff;
	[tilespmem:s21+$0x7D0] =	vst v50  }
0x265: {  	[tilespmem:s23+$0xFFFFF010] =	vst v52;
	v50 =	vld.idx.msk [tilespmem:v53+s5+$0x0], $0xffff  }
0x266: {  	v51 =	vor.u32 s26, v10;
	v52 =	vld.idx.msk [tilespmem:v55+s5+$0x0], $0xffff;
	[tilespmem:s21+$0x850] =	vst v54  }
0x267: {  	v53 =	vor.u32 s18, v35;
	v54 =	vld.idx.msk [tilespmem:v56+s5+$0x0], $0xffff  }
0x268: {  	v55 =	vor.u32 s28, v10;
	v56 =	vor.u32 s22, v35;
	_ =	sdelay $0x1  }
0x269: {  	[tilespmem:s23+$0xFFFFEFA0] =	vst v49  }
0x26a: {  	v49 =	vld.idx.msk [tilespmem:v51+s5+$0x0], $0xffff;
	[tilespmem:s21+$0x7E0] =	vst v50  }
0x26b: {  	[tilespmem:s23+$0xFFFFF020] =	vst v52;
	v50 =	vld.idx.msk [tilespmem:v53+s5+$0x0], $0xffff  }
0x26c: {  	v51 =	vor.u32 s26, v11;
	v52 =	vld.idx.msk [tilespmem:v55+s5+$0x0], $0xffff;
	[tilespmem:s21+$0x860] =	vst v54  }
0x26d: {  	v53 =	vor.u32 s18, v36;
	v54 =	vld.idx.msk [tilespmem:v56+s5+$0x0], $0xffff  }
0x26e: {  	v55 =	vor.u32 s28, v11;
	v56 =	vor.u32 s22, v36;
	_ =	sdelay $0x1  }
0x26f: {  	[tilespmem:s23+$0xFFFFEFB0] =	vst v49  }
0x270: {  	v49 =	vld.idx.msk [tilespmem:v51+s5+$0x0], $0xffff;
	[tilespmem:s21+$0xF80] =	vst v50  }
0x271: {  	[tilespmem:s23+$0xFFFFF030] =	vst v52;
	v50 =	vld.idx.msk [tilespmem:v53+s5+$0x0], $0xffff  }
0x272: {  	v51 =	vor.u32 s26, v12;
	v52 =	vld.idx.msk [tilespmem:v55+s5+$0x0], $0xffff;
	[tilespmem:s21+$0x1000] =	vst v54  }
0x273: {  	v53 =	vor.u32 s18, v37;
	v54 =	vld.idx.msk [tilespmem:v56+s5+$0x0], $0xffff  }
0x274: {  	v55 =	vor.u32 s28, v12;
	v56 =	vor.u32 s22, v37;
	_ =	sdelay $0x1  }
0x275: {  	[tilespmem:s23+$0xFFFFEFC0] =	vst v49  }
0x276: {  	v49 =	vld.idx.msk [tilespmem:v51+s5+$0x0], $0xffff;
	[tilespmem:s21+$0xF90] =	vst v50  }
0x277: {  	[tilespmem:s23+$0xFFFFF040] =	vst v52;
	v50 =	vld.idx.msk [tilespmem:v53+s5+$0x0], $0xffff  }
0x278: {  	v51 =	vor.u32 s26, v13;
	v52 =	vld.idx.msk [tilespmem:v55+s5+$0x0], $0xffff;
	[tilespmem:s21+$0x1010] =	vst v54  }
0x279: {  	v53 =	vor.u32 s18, v38;
	v54 =	vld.idx.msk [tilespmem:v56+s5+$0x0], $0xffff  }
0x27a: {  	v55 =	vor.u32 s28, v13;
	v56 =	vor.u32 s22, v38;
	_ =	sdelay $0x1  }
0x27b: {  	[tilespmem:s23+$0xFFFFEFD0] =	vst v49  }
0x27c: {  	v49 =	vld.idx.msk [tilespmem:v51+s5+$0x0], $0xffff;
	[tilespmem:s21+$0xFA0] =	vst v50  }
0x27d: {  	[tilespmem:s23+$0xFFFFF050] =	vst v52;
	v50 =	vld.idx.msk [tilespmem:v53+s5+$0x0], $0xffff  }
0x27e: {  	v51 =	vor.u32 s26, v14;
	v52 =	vld.idx.msk [tilespmem:v55+s5+$0x0], $0xffff;
	[tilespmem:s21+$0x1020] =	vst v54  }
0x27f: {  	v53 =	vor.u32 s18, v39;
	v54 =	vld.idx.msk [tilespmem:v56+s5+$0x0], $0xffff  }
0x280: {  	v55 =	vor.u32 s28, v14;
	v56 =	vor.u32 s22, v39;
	_ =	sdelay $0x1  }
0x281: {  	[tilespmem:s23+$0xFFFFEFE0] =	vst v49  }
0x282: {  	v49 =	vld.idx.msk [tilespmem:v51+s5+$0x0], $0xffff;
	[tilespmem:s21+$0xFB0] =	vst v50  }
0x283: {  	[tilespmem:s23+$0xFFFFF060] =	vst v52;
	v50 =	vld.idx.msk [tilespmem:v53+s5+$0x0], $0xffff  }
0x284: {  	v51 =	vor.u32 s26, v15;
	v52 =	vld.idx.msk [tilespmem:v55+s5+$0x0], $0xffff;
	[tilespmem:s21+$0x1030] =	vst v54  }
0x285: {  	v53 =	vor.u32 s18, v40;
	v54 =	vld.idx.msk [tilespmem:v56+s5+$0x0], $0xffff  }
0x286: {  	v55 =	vor.u32 s28, v15;
	v56 =	vor.u32 s22, v40;
	_ =	sdelay $0x1  }
0x287: {  	[tilespmem:s23+$0xFFFFF780] =	vst v49  }
0x288: {  	v49 =	vld.idx.msk [tilespmem:v51+s5+$0x0], $0xffff;
	[tilespmem:s21+$0xFC0] =	vst v50  }
0x289: {  	[tilespmem:s23+$0xFFFFF800] =	vst v52;
	v50 =	vld.idx.msk [tilespmem:v53+s5+$0x0], $0xffff  }
0x28a: {  	v51 =	vor.u32 s26, v16;
	v52 =	vld.idx.msk [tilespmem:v55+s5+$0x0], $0xffff;
	[tilespmem:s21+$0x1040] =	vst v54  }
0x28b: {  	v53 =	vor.u32 s18, v41;
	v54 =	vld.idx.msk [tilespmem:v56+s5+$0x0], $0xffff  }
0x28c: {  	v55 =	vor.u32 s28, v16;
	v56 =	vor.u32 s22, v41;
	_ =	sdelay $0x1  }
0x28d: {  	[tilespmem:s23+$0xFFFFF790] =	vst v49  }
0x28e: {  	v49 =	vld.idx.msk [tilespmem:v51+s5+$0x0], $0xffff;
	[tilespmem:s21+$0xFD0] =	vst v50  }
0x28f: {  	[tilespmem:s23+$0xFFFFF810] =	vst v52;
	v50 =	vld.idx.msk [tilespmem:v53+s5+$0x0], $0xffff  }
0x290: {  	v51 =	vor.u32 s26, v17;
	v52 =	vld.idx.msk [tilespmem:v55+s5+$0x0], $0xffff;
	[tilespmem:s21+$0x1050] =	vst v54  }
0x291: {  	v53 =	vor.u32 s18, v42;
	v54 =	vld.idx.msk [tilespmem:v56+s5+$0x0], $0xffff  }
0x292: {  	v55 =	vor.u32 s28, v17;
	v56 =	vor.u32 s22, v42;
	_ =	sdelay $0x1  }
0x293: {  	[tilespmem:s23+$0xFFFFF7A0] =	vst v49  }
0x294: {  	v49 =	vld.idx.msk [tilespmem:v51+s5+$0x0], $0xffff;
	[tilespmem:s21+$0xFE0] =	vst v50  }
0x295: {  	[tilespmem:s23+$0xFFFFF820] =	vst v52;
	v50 =	vld.idx.msk [tilespmem:v53+s5+$0x0], $0xffff  }
0x296: {  	v51 =	vor.u32 s26, v18;
	v52 =	vld.idx.msk [tilespmem:v55+s5+$0x0], $0xffff;
	[tilespmem:s21+$0x1060] =	vst v54  }
0x297: {  	v53 =	vor.u32 s18, v43;
	v54 =	vld.idx.msk [tilespmem:v56+s5+$0x0], $0xffff  }
0x298: {  	v55 =	vor.u32 s28, v18;
	v56 =	vor.u32 s22, v43;
	_ =	sdelay $0x1  }
0x299: {  	[tilespmem:s23+$0xFFFFF7B0] =	vst v49  }
0x29a: {  	v49 =	vld.idx.msk [tilespmem:v51+s5+$0x0], $0xffff;
	[tilespmem:s21+$0x1780] =	vst v50  }
0x29b: {  	[tilespmem:s23+$0xFFFFF830] =	vst v52;
	v50 =	vld.idx.msk [tilespmem:v53+s5+$0x0], $0xffff  }
0x29c: {  	v51 =	vor.u32 s26, v19;
	v52 =	vld.idx.msk [tilespmem:v55+s5+$0x0], $0xffff;
	[tilespmem:s21+$0x1800] =	vst v54  }
0x29d: {  	v53 =	vor.u32 s18, v44;
	v54 =	vld.idx.msk [tilespmem:v56+s5+$0x0], $0xffff  }
0x29e: {  	v55 =	vor.u32 s28, v19;
	v56 =	vor.u32 s22, v44;
	_ =	sdelay $0x1  }
0x29f: {  	[tilespmem:s23+$0xFFFFF7C0] =	vst v49  }
0x2a0: {  	v49 =	vld.idx.msk [tilespmem:v51+s5+$0x0], $0xffff;
	[tilespmem:s21+$0x1790] =	vst v50  }
0x2a1: {  	[tilespmem:s23+$0xFFFFF840] =	vst v52;
	v50 =	vld.idx.msk [tilespmem:v53+s5+$0x0], $0xffff  }
0x2a2: {  	v51 =	vor.u32 s26, v20;
	v52 =	vld.idx.msk [tilespmem:v55+s5+$0x0], $0xffff;
	[tilespmem:s21+$0x1810] =	vst v54  }
0x2a3: {  	v53 =	vor.u32 s18, v45;
	v54 =	vld.idx.msk [tilespmem:v56+s5+$0x0], $0xffff  }
0x2a4: {  	v55 =	vor.u32 s28, v20;
	v56 =	vor.u32 s22, v45;
	_ =	sdelay $0x1  }
0x2a5: {  	[tilespmem:s23+$0xFFFFF7D0] =	vst v49  }
0x2a6: {  	v49 =	vld.idx.msk [tilespmem:v51+s5+$0x0], $0xffff;
	[tilespmem:s21+$0x17A0] =	vst v50  }
0x2a7: {  	[tilespmem:s23+$0xFFFFF850] =	vst v52;
	v50 =	vld.idx.msk [tilespmem:v53+s5+$0x0], $0xffff  }
0x2a8: {  	v51 =	vor.u32 s26, v21;
	v52 =	vld.idx.msk [tilespmem:v55+s5+$0x0], $0xffff;
	[tilespmem:s21+$0x1820] =	vst v54  }
0x2a9: {  	v53 =	vor.u32 s18, v46;
	v54 =	vld.idx.msk [tilespmem:v56+s5+$0x0], $0xffff  }
0x2aa: {  	v55 =	vor.u32 s28, v21;
	v56 =	vor.u32 s22, v46;
	_ =	sdelay $0x1  }
0x2ab: {  	[tilespmem:s23+$0xFFFFF7E0] =	vst v49  }
0x2ac: {  	v49 =	vld.idx.msk [tilespmem:v51+s5+$0x0], $0xffff;
	[tilespmem:s21+$0x17B0] =	vst v50  }
0x2ad: {  	[tilespmem:s23+$0xFFFFF860] =	vst v52;
	v50 =	vld.idx.msk [tilespmem:v53+s5+$0x0], $0xffff  }
0x2ae: {  	v51 =	vor.u32 s26, v22;
	v52 =	vld.idx.msk [tilespmem:v55+s5+$0x0], $0xffff;
	[tilespmem:s21+$0x1830] =	vst v54  }
0x2af: {  	v53 =	vor.u32 s18, v47;
	v54 =	vld.idx.msk [tilespmem:v56+s5+$0x0], $0xffff  }
0x2b0: {  	v55 =	vor.u32 s28, v22;
	v56 =	vor.u32 s22, v47;
	_ =	sdelay $0x1  }
0x2b1: {  	[tilespmem:s23+$0xFFFFFF80] =	vst v49  }
0x2b2: {  	v49 =	vld.idx.msk [tilespmem:v51+s5+$0x0], $0xffff;
	[tilespmem:s21+$0x17C0] =	vst v50  }
0x2b3: {  	[tilespmem:s23+$0x0] =	vst v52;
	v50 =	vld.idx.msk [tilespmem:v53+s5+$0x0], $0xffff  }
0x2b4: {  	v51 =	vor.u32 s26, v23;
	v52 =	vld.idx.msk [tilespmem:v55+s5+$0x0], $0xffff;
	[tilespmem:s21+$0x1840] =	vst v54  }
0x2b5: {  	v53 =	vor.u32 s18, v48;
	s18 =	smov.u32 s26;
	v54 =	vld.idx.msk [tilespmem:v56+s5+$0x0], $0xffff  }
0x2b6: {  	v55 =	vor.u32 s28, v23;
	v56 =	vor.u32 s22, v48;
	s22 =	smov.u32 s28;
	_ =	sdelay $0x1  }
0x2b7: {  	[tilespmem:s23+$0xFFFFFF90] =	vst v49  }
0x2b8: {  	v57 =	vld.idx.msk [tilespmem:v51+s5+$0x0], $0xffff;
	[tilespmem:s21+$0x17D0] =	vst v50  }
0x2b9: {  	[tilespmem:s23+$0x10] =	vst v52;
	v49 =	vld.idx.msk [tilespmem:v53+s5+$0x0], $0xffff  }
.Ltmp0:
0x2ba: {  	v53 =	vor.u32 s18, v24;
	v51 =	vld.idx.msk [tilespmem:v55+s5+$0x0], $0xffff;
	[tilespmem:s21+$0x1850] =	vst v54;
	(pc) =	sbr.rel @p0 .LBB2_3-.Ltmp0, $3  }
0x2bb: {  	v50 =	vld.idx.msk [tilespmem:v56+s5+$0x0], $0xffff  }
0x2bc: {  	v52 =	vor.u32 s22, v24;
	_ =	sdelay $0x1  }
0x2bd: {  	[tilespmem:s23+$0xFFFFFFA0] =	vst v57  }
0x2be: {  	_ =	sdelay $0x3  }
0x2bf: {  	v53 =	vld.idx.msk [tilespmem:v53+s5+$0x0], $0xffff;
	[tilespmem:s23+$0x20] =	vst v51  }
0x2c0: {  	v57 =	vor.u32 s18, v25;
	v51 =	vld.idx.msk [tilespmem:v52+s5+$0x0], $0xffff  }
0x2c1: {  	v54 =	vor.u32 s22, v25;
	_ =	sdelay $0x2  }
0x2c2: {  	[tilespmem:s23+$0xFFFFFFB0] =	vst v53  }
0x2c3: {  	v52 =	vld.idx.msk [tilespmem:v57+s5+$0x0], $0xffff;
	[tilespmem:s23+$0x30] =	vst v51  }
0x2c4: {  	v58 =	vor.u32 s18, v26;
	v59 =	vld.idx.msk [tilespmem:v54+s5+$0x0], $0xffff  }
0x2c5: {  	v60 =	vor.u32 s22, v26;
	_ =	sdelay $0x2  }
0x2c6: {  	[tilespmem:s23+$0xFFFFFFC0] =	vst v52  }
0x2c7: {  	v51 =	vld.idx.msk [tilespmem:v58+s5+$0x0], $0xffff;
	[tilespmem:s23+$0x40] =	vst v59  }
0x2c8: {  	v61 =	vor.u32 s18, v27;
	v53 =	vld.idx.msk [tilespmem:v60+s5+$0x0], $0xffff  }
0x2c9: {  	v62 =	vor.u32 s22, v27;
	_ =	sdelay $0x2  }
0x2ca: {  	[tilespmem:s23+$0xFFFFFFD0] =	vst v51  }
0x2cb: {  	v51 =	vld.idx.msk [tilespmem:v61+s5+$0x0], $0xffff;
	[tilespmem:s23+$0x50] =	vst v53  }
0x2cc: {  	v63 =	vor.u32 s18, v28;
	v53 =	vld.idx.msk [tilespmem:v62+s5+$0x0], $0xffff  }
0x2cd: {  	v57 =	vor.u32 s22, v28;
	_ =	sdelay $0x2  }
0x2ce: {  	[tilespmem:s23+$0xFFFFFFE0] =	vst v51  }
0x2cf: {  	v51 =	vld.idx.msk [tilespmem:v63+s5+$0x0], $0xffff;
	[tilespmem:s23+$0x60] =	vst v53  }
0x2d0: {  	v58 =	vor.u32 s18, v29;
	v53 =	vld.idx.msk [tilespmem:v57+s5+$0x0], $0xffff  }
0x2d1: {  	v59 =	vor.u32 s22, v29;
	_ =	sdelay $0x2  }
0x2d2: {  	[tilespmem:s23+$0x780] =	vst v51  }
0x2d3: {  	v51 =	vld.idx.msk [tilespmem:v58+s5+$0x0], $0xffff;
	[tilespmem:s23+$0x800] =	vst v53  }
0x2d4: {  	v60 =	vor.u32 s18, v30;
	v53 =	vld.idx.msk [tilespmem:v59+s5+$0x0], $0xffff  }
0x2d5: {  	v61 =	vor.u32 s22, v30;
	_ =	sdelay $0x2  }
0x2d6: {  	[tilespmem:s23+$0x790] =	vst v51  }
0x2d7: {  	v51 =	vld.idx.msk [tilespmem:v60+s5+$0x0], $0xffff;
	[tilespmem:s23+$0x810] =	vst v53  }
0x2d8: {  	v62 =	vor.u32 s18, v31;
	v53 =	vld.idx.msk [tilespmem:v61+s5+$0x0], $0xffff  }
0x2d9: {  	v63 =	vor.u32 s22, v31;
	_ =	sdelay $0x2  }
0x2da: {  	[tilespmem:s23+$0x7A0] =	vst v51  }
0x2db: {  	v51 =	vld.idx.msk [tilespmem:v62+s5+$0x0], $0xffff;
	[tilespmem:s23+$0x820] =	vst v53  }
0x2dc: {  	v57 =	vor.u32 s18, v32;
	v53 =	vld.idx.msk [tilespmem:v63+s5+$0x0], $0xffff  }
0x2dd: {  	v58 =	vor.u32 s22, v32;
	_ =	sdelay $0x2  }
0x2de: {  	[tilespmem:s23+$0x7B0] =	vst v51  }
0x2df: {  	v51 =	vld.idx.msk [tilespmem:v57+s5+$0x0], $0xffff;
	[tilespmem:s23+$0x830] =	vst v53  }
0x2e0: {  	v59 =	vor.u32 s18, v33;
	v53 =	vld.idx.msk [tilespmem:v58+s5+$0x0], $0xffff  }
0x2e1: {  	v60 =	vor.u32 s22, v33;
	_ =	sdelay $0x2  }
0x2e2: {  	[tilespmem:s23+$0x7C0] =	vst v51  }
0x2e3: {  	v51 =	vld.idx.msk [tilespmem:v59+s5+$0x0], $0xffff;
	[tilespmem:s23+$0x840] =	vst v53  }
0x2e4: {  	v61 =	vor.u32 s18, v34;
	v53 =	vld.idx.msk [tilespmem:v60+s5+$0x0], $0xffff  }
0x2e5: {  	v62 =	vor.u32 s22, v34;
	_ =	sdelay $0x2  }
0x2e6: {  	[tilespmem:s23+$0x7D0] =	vst v51  }
0x2e7: {  	v51 =	vld.idx.msk [tilespmem:v61+s5+$0x0], $0xffff;
	[tilespmem:s23+$0x850] =	vst v53  }
0x2e8: {  	v63 =	vor.u32 s18, v35;
	v53 =	vld.idx.msk [tilespmem:v62+s5+$0x0], $0xffff  }
0x2e9: {  	v57 =	vor.u32 s22, v35;
	_ =	sdelay $0x2  }
0x2ea: {  	[tilespmem:s23+$0x7E0] =	vst v51  }
0x2eb: {  	v51 =	vld.idx.msk [tilespmem:v63+s5+$0x0], $0xffff;
	[tilespmem:s23+$0x860] =	vst v53  }
0x2ec: {  	v58 =	vor.u32 s18, v36;
	v53 =	vld.idx.msk [tilespmem:v57+s5+$0x0], $0xffff  }
0x2ed: {  	v59 =	vor.u32 s22, v36;
	_ =	sdelay $0x2  }
0x2ee: {  	[tilespmem:s23+$0xF80] =	vst v51  }
0x2ef: {  	v51 =	vld.idx.msk [tilespmem:v58+s5+$0x0], $0xffff;
	[tilespmem:s23+$0x1000] =	vst v53  }
0x2f0: {  	v60 =	vor.u32 s18, v37;
	v53 =	vld.idx.msk [tilespmem:v59+s5+$0x0], $0xffff  }
0x2f1: {  	v61 =	vor.u32 s22, v37;
	_ =	sdelay $0x2  }
0x2f2: {  	[tilespmem:s23+$0xF90] =	vst v51  }
0x2f3: {  	v51 =	vld.idx.msk [tilespmem:v60+s5+$0x0], $0xffff;
	[tilespmem:s23+$0x1010] =	vst v53  }
0x2f4: {  	v62 =	vor.u32 s18, v38;
	v53 =	vld.idx.msk [tilespmem:v61+s5+$0x0], $0xffff  }
0x2f5: {  	v63 =	vor.u32 s22, v38;
	_ =	sdelay $0x2  }
0x2f6: {  	[tilespmem:s23+$0xFA0] =	vst v51  }
0x2f7: {  	v51 =	vld.idx.msk [tilespmem:v62+s5+$0x0], $0xffff;
	[tilespmem:s23+$0x1020] =	vst v53  }
0x2f8: {  	v57 =	vor.u32 s18, v39;
	v53 =	vld.idx.msk [tilespmem:v63+s5+$0x0], $0xffff  }
0x2f9: {  	v58 =	vor.u32 s22, v39;
	_ =	sdelay $0x2  }
0x2fa: {  	[tilespmem:s23+$0xFB0] =	vst v51  }
0x2fb: {  	v51 =	vld.idx.msk [tilespmem:v57+s5+$0x0], $0xffff;
	[tilespmem:s23+$0x1030] =	vst v53  }
0x2fc: {  	v59 =	vor.u32 s18, v40;
	v53 =	vld.idx.msk [tilespmem:v58+s5+$0x0], $0xffff  }
0x2fd: {  	v60 =	vor.u32 s22, v40;
	_ =	sdelay $0x2  }
0x2fe: {  	[tilespmem:s23+$0xFC0] =	vst v51  }
0x2ff: {  	v51 =	vld.idx.msk [tilespmem:v59+s5+$0x0], $0xffff;
	[tilespmem:s23+$0x1040] =	vst v53  }
0x300: {  	v61 =	vor.u32 s18, v41;
	v53 =	vld.idx.msk [tilespmem:v60+s5+$0x0], $0xffff  }
0x301: {  	v62 =	vor.u32 s22, v41;
	_ =	sdelay $0x2  }
0x302: {  	[tilespmem:s23+$0xFD0] =	vst v51  }
0x303: {  	v51 =	vld.idx.msk [tilespmem:v61+s5+$0x0], $0xffff;
	[tilespmem:s23+$0x1050] =	vst v53  }
0x304: {  	v63 =	vor.u32 s18, v42;
	v53 =	vld.idx.msk [tilespmem:v62+s5+$0x0], $0xffff  }
0x305: {  	v57 =	vor.u32 s22, v42;
	_ =	sdelay $0x2  }
0x306: {  	[tilespmem:s23+$0xFE0] =	vst v51  }
0x307: {  	v51 =	vld.idx.msk [tilespmem:v63+s5+$0x0], $0xffff;
	[tilespmem:s23+$0x1060] =	vst v53  }
0x308: {  	v58 =	vor.u32 s18, v43;
	v53 =	vld.idx.msk [tilespmem:v57+s5+$0x0], $0xffff  }
0x309: {  	v59 =	vor.u32 s22, v43;
	_ =	sdelay $0x2  }
0x30a: {  	[tilespmem:s23+$0x1780] =	vst v51  }
0x30b: {  	v51 =	vld.idx.msk [tilespmem:v58+s5+$0x0], $0xffff;
	[tilespmem:s23+$0x1800] =	vst v53  }
0x30c: {  	v60 =	vor.u32 s18, v44;
	v53 =	vld.idx.msk [tilespmem:v59+s5+$0x0], $0xffff  }
0x30d: {  	v61 =	vor.u32 s22, v44;
	_ =	sdelay $0x2  }
0x30e: {  	[tilespmem:s23+$0x1790] =	vst v51  }
0x30f: {  	v51 =	vld.idx.msk [tilespmem:v60+s5+$0x0], $0xffff;
	[tilespmem:s23+$0x1810] =	vst v53  }
0x310: {  	v62 =	vor.u32 s18, v45;
	v53 =	vld.idx.msk [tilespmem:v61+s5+$0x0], $0xffff  }
0x311: {  	v63 =	vor.u32 s22, v45;
	_ =	sdelay $0x2  }
0x312: {  	[tilespmem:s23+$0x17A0] =	vst v51  }
0x313: {  	v51 =	vld.idx.msk [tilespmem:v62+s5+$0x0], $0xffff;
	[tilespmem:s23+$0x1820] =	vst v53  }
0x314: {  	v57 =	vor.u32 s18, v46;
	v53 =	vld.idx.msk [tilespmem:v63+s5+$0x0], $0xffff  }
0x315: {  	v58 =	vor.u32 s22, v46;
	_ =	sdelay $0x2  }
0x316: {  	[tilespmem:s23+$0x17B0] =	vst v51  }
0x317: {  	v51 =	vld.idx.msk [tilespmem:v57+s5+$0x0], $0xffff;
	[tilespmem:s23+$0x1830] =	vst v53  }
0x318: {  	v59 =	vor.u32 s18, v47;
	v53 =	vld.idx.msk [tilespmem:v58+s5+$0x0], $0xffff  }
0x319: {  	v60 =	vor.u32 s22, v47;
	_ =	sdelay $0x2  }
0x31a: {  	[tilespmem:s23+$0x17C0] =	vst v51  }
0x31b: {  	v51 =	vld.idx.msk [tilespmem:v59+s5+$0x0], $0xffff;
	[tilespmem:s23+$0x1840] =	vst v53  }
0x31c: {  	v61 =	vor.u32 s18, v48;
	v53 =	vld.idx.msk [tilespmem:v60+s5+$0x0], $0xffff  }
0x31d: {  	v62 =	vor.u32 s22, v48  }
0x31e: {  	s22 =	smulhi.u32 $0x2AAAAAAB, s24;
	_ =	sdelay $0x1  }
0x31f: {  	s25 =	smulhi.u32 $0x2AAAAAAB, s20;
	s18 =	sshrl.u32 s22, $0x5;
	[tilespmem:s23+$0x17D0] =	vst v51  }
0x320: {  	s18 =	smul.u32 $0xC0, s18;
	v51 =	vld.idx.msk [tilespmem:v61+s5+$0x0], $0xffff;
	[tilespmem:s23+$0x1850] =	vst v53  }
0x321: {  	s22 =	sshrl.u32 s25, $0x5;
	v63 =	vld.idx.msk [tilespmem:v62+s5+$0x0], $0xffff  }
0x322: {  	s26 =	smul.u32 $0xC00000, s22;
	s18 =	ssub.s32 s24, s18  }
0x323: {  	[tilespmem:s21+$0x17E0] =	vst v49;
	s25 =	sshll.u32 s18, $0x10  }
0x324: {  	[tilespmem:s21+$0x1860] =	vst v50;
	s29 =	sadd.s32 s26, s25  }
0x325: {  	s21 =	sshrl.u32 s29, $0x3;
	s29 =	simm.s32 $0x0;
	[tilespmem:s23+$0x17E0] =	vst v51  }
0x326: {  	s31 =	simm.s32 $0x0;
	s28 =	simm.s32 $0x1000;
	s30 =	sadd.s32 s2, s21;
	v54 =	vor.u32 s29, v0;
	[tilespmem:s23+$0x1860] =	vst v63  }
0x327: {  	[tilespmem:s31], [sflag:$0x1] =	stream.linear.gather [hbm4b:s30+s31], $0x8000, $0x38;
	[tilespmem:$0x17000] =	vst v63  }
0x328: {  	v55 =	vor.u32 s28, v0;
	_ =	swait.ge [sflag:s12], $0x8000  }
0x329: {  	[sflag:s12] =	ssyncset.done $0x0  }
0x32a: {  	[sflag:s12] =	ssyncadd.s32 $0xFFFF8000  }
0x32b: {  	v49 =	vld.idx.msk [tilespmem:v54+s10+$0x0], $0xffff  }
0x32c: {  	v56 =	vor.u32 s29, v1  }
0x32d: {  	v50 =	vld.idx.msk [tilespmem:v55+s10+$0x0], $0xffff  }
0x32e: {  	v57 =	vor.u32 s28, v1  }
0x32f: {  	s23 =	simm.s32 $0x11C00  }
0x330: {  	[tilespmem:s23+$0xFFFFE800] =	vst v49  }
0x331: {  	v49 =	vld.idx.msk [tilespmem:v56+s10+$0x0], $0xffff  }
0x332: {  	v58 =	vor.u32 s29, v2;
	[tilespmem:s23+$0xFFFFE880] =	vst v50  }
0x333: {  	v59 =	vld.idx.msk [tilespmem:v57+s10+$0x0], $0xffff  }
0x334: {  	v60 =	vor.u32 s28, v2;
	_ =	sdelay $0x1  }
0x335: {  	[tilespmem:s23+$0xFFFFE810] =	vst v49  }
0x336: {  	v49 =	vld.idx.msk [tilespmem:v58+s10+$0x0], $0xffff  }
0x337: {  	v61 =	vor.u32 s29, v3;
	[tilespmem:s23+$0xFFFFE890] =	vst v59  }
0x338: {  	v51 =	vld.idx.msk [tilespmem:v60+s10+$0x0], $0xffff  }
0x339: {  	v62 =	vor.u32 s28, v3;
	_ =	sdelay $0x1  }
0x33a: {  	[tilespmem:s23+$0xFFFFE820] =	vst v49  }
0x33b: {  	v49 =	vld.idx.msk [tilespmem:v61+s10+$0x0], $0xffff  }
0x33c: {  	v63 =	vor.u32 s29, v4;
	[tilespmem:s23+$0xFFFFE8A0] =	vst v51  }
0x33d: {  	v51 =	vld.idx.msk [tilespmem:v62+s10+$0x0], $0xffff  }
0x33e: {  	v56 =	vor.u32 s28, v4;
	_ =	sdelay $0x1  }
0x33f: {  	[tilespmem:s23+$0xFFFFE830] =	vst v49  }
0x340: {  	v49 =	vld.idx.msk [tilespmem:v63+s10+$0x0], $0xffff  }
0x341: {  	v57 =	vor.u32 s29, v5;
	[tilespmem:s23+$0xFFFFE8B0] =	vst v51  }
0x342: {  	v51 =	vld.idx.msk [tilespmem:v56+s10+$0x0], $0xffff  }
0x343: {  	v58 =	vor.u32 s28, v5;
	_ =	sdelay $0x1  }
0x344: {  	[tilespmem:s23+$0xFFFFE840] =	vst v49  }
0x345: {  	v49 =	vld.idx.msk [tilespmem:v57+s10+$0x0], $0xffff  }
0x346: {  	v59 =	vor.u32 s29, v6;
	[tilespmem:s23+$0xFFFFE8C0] =	vst v51  }
0x347: {  	v51 =	vld.idx.msk [tilespmem:v58+s10+$0x0], $0xffff  }
0x348: {  	v60 =	vor.u32 s28, v6;
	_ =	sdelay $0x1  }
0x349: {  	[tilespmem:s23+$0xFFFFE850] =	vst v49  }
0x34a: {  	v49 =	vld.idx.msk [tilespmem:v59+s10+$0x0], $0xffff  }
0x34b: {  	v61 =	vor.u32 s29, v7;
	[tilespmem:s23+$0xFFFFE8D0] =	vst v51  }
0x34c: {  	v51 =	vld.idx.msk [tilespmem:v60+s10+$0x0], $0xffff  }
0x34d: {  	v62 =	vor.u32 s28, v7;
	_ =	sdelay $0x1  }
0x34e: {  	[tilespmem:s23+$0xFFFFE860] =	vst v49  }
0x34f: {  	v49 =	vld.idx.msk [tilespmem:v61+s10+$0x0], $0xffff  }
0x350: {  	v63 =	vor.u32 s29, v8;
	[tilespmem:s23+$0xFFFFE8E0] =	vst v51  }
0x351: {  	v51 =	vld.idx.msk [tilespmem:v62+s10+$0x0], $0xffff  }
0x352: {  	v56 =	vor.u32 s28, v8;
	_ =	sdelay $0x1  }
0x353: {  	[tilespmem:s23+$0xFFFFF000] =	vst v49  }
0x354: {  	v49 =	vld.idx.msk [tilespmem:v63+s10+$0x0], $0xffff  }
0x355: {  	v57 =	vor.u32 s29, v9;
	[tilespmem:s23+$0xFFFFF080] =	vst v51  }
0x356: {  	v51 =	vld.idx.msk [tilespmem:v56+s10+$0x0], $0xffff  }
0x357: {  	v58 =	vor.u32 s28, v9;
	_ =	sdelay $0x1  }
0x358: {  	[tilespmem:s23+$0xFFFFF010] =	vst v49  }
0x359: {  	v49 =	vld.idx.msk [tilespmem:v57+s10+$0x0], $0xffff  }
0x35a: {  	v59 =	vor.u32 s29, v10;
	[tilespmem:s23+$0xFFFFF090] =	vst v51  }
0x35b: {  	v51 =	vld.idx.msk [tilespmem:v58+s10+$0x0], $0xffff  }
0x35c: {  	v60 =	vor.u32 s28, v10;
	_ =	sdelay $0x1  }
0x35d: {  	[tilespmem:s23+$0xFFFFF020] =	vst v49  }
0x35e: {  	v49 =	vld.idx.msk [tilespmem:v59+s10+$0x0], $0xffff  }
0x35f: {  	v61 =	vor.u32 s29, v11;
	[tilespmem:s23+$0xFFFFF0A0] =	vst v51  }
0x360: {  	v51 =	vld.idx.msk [tilespmem:v60+s10+$0x0], $0xffff  }
0x361: {  	v62 =	vor.u32 s28, v11;
	_ =	sdelay $0x1  }
0x362: {  	[tilespmem:s23+$0xFFFFF030] =	vst v49  }
0x363: {  	v49 =	vld.idx.msk [tilespmem:v61+s10+$0x0], $0xffff  }
0x364: {  	v63 =	vor.u32 s29, v12;
	[tilespmem:s23+$0xFFFFF0B0] =	vst v51  }
0x365: {  	v51 =	vld.idx.msk [tilespmem:v62+s10+$0x0], $0xffff  }
0x366: {  	v56 =	vor.u32 s28, v12;
	_ =	sdelay $0x1  }
0x367: {  	[tilespmem:s23+$0xFFFFF040] =	vst v49  }
0x368: {  	v49 =	vld.idx.msk [tilespmem:v63+s10+$0x0], $0xffff  }
0x369: {  	v57 =	vor.u32 s29, v13;
	[tilespmem:s23+$0xFFFFF0C0] =	vst v51  }
0x36a: {  	v51 =	vld.idx.msk [tilespmem:v56+s10+$0x0], $0xffff  }
0x36b: {  	v58 =	vor.u32 s28, v13;
	_ =	sdelay $0x1  }
0x36c: {  	[tilespmem:s23+$0xFFFFF050] =	vst v49  }
0x36d: {  	v49 =	vld.idx.msk [tilespmem:v57+s10+$0x0], $0xffff  }
0x36e: {  	v59 =	vor.u32 s29, v14;
	[tilespmem:s23+$0xFFFFF0D0] =	vst v51  }
0x36f: {  	v51 =	vld.idx.msk [tilespmem:v58+s10+$0x0], $0xffff  }
0x370: {  	v60 =	vor.u32 s28, v14;
	_ =	sdelay $0x1  }
0x371: {  	[tilespmem:s23+$0xFFFFF060] =	vst v49  }
0x372: {  	v49 =	vld.idx.msk [tilespmem:v59+s10+$0x0], $0xffff  }
0x373: {  	v61 =	vor.u32 s29, v15;
	[tilespmem:s23+$0xFFFFF0E0] =	vst v51  }
0x374: {  	v51 =	vld.idx.msk [tilespmem:v60+s10+$0x0], $0xffff  }
0x375: {  	v62 =	vor.u32 s28, v15;
	_ =	sdelay $0x1  }
0x376: {  	[tilespmem:s23+$0xFFFFF800] =	vst v49  }
0x377: {  	v49 =	vld.idx.msk [tilespmem:v61+s10+$0x0], $0xffff  }
0x378: {  	v63 =	vor.u32 s29, v16;
	[tilespmem:s23+$0xFFFFF880] =	vst v51  }
0x379: {  	v51 =	vld.idx.msk [tilespmem:v62+s10+$0x0], $0xffff  }
0x37a: {  	v56 =	vor.u32 s28, v16;
	_ =	sdelay $0x1  }
0x37b: {  	[tilespmem:s23+$0xFFFFF810] =	vst v49  }
0x37c: {  	v49 =	vld.idx.msk [tilespmem:v63+s10+$0x0], $0xffff  }
0x37d: {  	v57 =	vor.u32 s29, v17;
	[tilespmem:s23+$0xFFFFF890] =	vst v51  }
0x37e: {  	v51 =	vld.idx.msk [tilespmem:v56+s10+$0x0], $0xffff  }
0x37f: {  	v58 =	vor.u32 s28, v17;
	_ =	sdelay $0x1  }
0x380: {  	[tilespmem:s23+$0xFFFFF820] =	vst v49  }
0x381: {  	v49 =	vld.idx.msk [tilespmem:v57+s10+$0x0], $0xffff  }
0x382: {  	v59 =	vor.u32 s29, v18;
	[tilespmem:s23+$0xFFFFF8A0] =	vst v51  }
0x383: {  	v51 =	vld.idx.msk [tilespmem:v58+s10+$0x0], $0xffff  }
0x384: {  	v60 =	vor.u32 s28, v18;
	_ =	sdelay $0x1  }
0x385: {  	[tilespmem:s23+$0xFFFFF830] =	vst v49  }
0x386: {  	v49 =	vld.idx.msk [tilespmem:v59+s10+$0x0], $0xffff  }
0x387: {  	v61 =	vor.u32 s29, v19;
	[tilespmem:s23+$0xFFFFF8B0] =	vst v51  }
0x388: {  	v51 =	vld.idx.msk [tilespmem:v60+s10+$0x0], $0xffff  }
0x389: {  	v62 =	vor.u32 s28, v19;
	_ =	sdelay $0x1  }
0x38a: {  	[tilespmem:s23+$0xFFFFF840] =	vst v49  }
0x38b: {  	v49 =	vld.idx.msk [tilespmem:v61+s10+$0x0], $0xffff  }
0x38c: {  	v63 =	vor.u32 s29, v20;
	[tilespmem:s23+$0xFFFFF8C0] =	vst v51  }
0x38d: {  	v51 =	vld.idx.msk [tilespmem:v62+s10+$0x0], $0xffff  }
0x38e: {  	v56 =	vor.u32 s28, v20;
	_ =	sdelay $0x1  }
0x38f: {  	[tilespmem:s23+$0xFFFFF850] =	vst v49  }
0x390: {  	v49 =	vld.idx.msk [tilespmem:v63+s10+$0x0], $0xffff  }
0x391: {  	v57 =	vor.u32 s29, v21;
	[tilespmem:s23+$0xFFFFF8D0] =	vst v51  }
0x392: {  	v51 =	vld.idx.msk [tilespmem:v56+s10+$0x0], $0xffff  }
0x393: {  	v58 =	vor.u32 s28, v21;
	_ =	sdelay $0x1  }
0x394: {  	[tilespmem:s23+$0xFFFFF860] =	vst v49  }
0x395: {  	v49 =	vld.idx.msk [tilespmem:v57+s10+$0x0], $0xffff  }
0x396: {  	v59 =	vor.u32 s29, v22;
	[tilespmem:s23+$0xFFFFF8E0] =	vst v51  }
0x397: {  	v51 =	vld.idx.msk [tilespmem:v58+s10+$0x0], $0xffff  }
0x398: {  	v60 =	vor.u32 s28, v22;
	_ =	sdelay $0x1  }
0x399: {  	[tilespmem:s23+$0x0] =	vst v49  }
0x39a: {  	v49 =	vld.idx.msk [tilespmem:v59+s10+$0x0], $0xffff  }
0x39b: {  	v61 =	vor.u32 s29, v23;
	[tilespmem:s23+$0x80] =	vst v51  }
0x39c: {  	v51 =	vld.idx.msk [tilespmem:v60+s10+$0x0], $0xffff  }
0x39d: {  	v62 =	vor.u32 s28, v23;
	_ =	sdelay $0x1  }
0x39e: {  	[tilespmem:s23+$0x10] =	vst v49  }
0x39f: {  	v49 =	vld.idx.msk [tilespmem:v61+s10+$0x0], $0xffff  }
0x3a0: {  	v63 =	vor.u32 s29, v24;
	[tilespmem:s23+$0x90] =	vst v51  }
0x3a1: {  	v51 =	vld.idx.msk [tilespmem:v62+s10+$0x0], $0xffff  }
0x3a2: {  	v56 =	vor.u32 s28, v24;
	_ =	sdelay $0x1  }
0x3a3: {  	s24 =	simm.s32 $0x2000;
	[tilespmem:s23+$0x20] =	vst v49  }
0x3a4: {  	v57 =	vor.u32 s24, v0;
	v49 =	vld.idx.msk [tilespmem:v63+s10+$0x0], $0xffff  }
0x3a5: {  	s26 =	simm.s32 $0x3000;
	v58 =	vor.u32 s29, v25;
	[tilespmem:s23+$0xA0] =	vst v51  }
0x3a6: {  	v59 =	vor.u32 s26, v0;
	v51 =	vld.idx.msk [tilespmem:v56+s10+$0x0], $0xffff  }
0x3a7: {  	v60 =	vor.u32 s28, v25;
	_ =	sdelay $0x1  }
0x3a8: {  	v53 =	vld.idx.msk [tilespmem:v57+s10+$0x0], $0xffff;
	[tilespmem:s23+$0x30] =	vst v49  }
0x3a9: {  	v55 =	vor.u32 s24, v1;
	v49 =	vld.idx.msk [tilespmem:v58+s10+$0x0], $0xffff  }
0x3aa: {  	v50 =	vld.idx.msk [tilespmem:v59+s10+$0x0], $0xffff;
	v61 =	vor.u32 s29, v26;
	[tilespmem:s23+$0xB0] =	vst v51  }
0x3ab: {  	v63 =	vor.u32 s26, v1;
	v62 =	vld.idx.msk [tilespmem:v60+s10+$0x0], $0xffff  }
0x3ac: {  	s25 =	simm.s32 $0x11D00;
	v60 =	vor.u32 s28, v26  }
0x3ad: {  	[tilespmem:s25+$0xFFFFE800] =	vst v53  }
0x3ae: {  	v55 =	vld.idx.msk [tilespmem:v55+s10+$0x0], $0xffff;
	[tilespmem:s23+$0x40] =	vst v49  }
0x3af: {  	[tilespmem:s25+$0xFFFFE880] =	vst v50;
	v56 =	vor.u32 s24, v2;
	v49 =	vld.idx.msk [tilespmem:v61+s10+$0x0], $0xffff  }
0x3b0: {  	v50 =	vld.idx.msk [tilespmem:v63+s10+$0x0], $0xffff;
	[tilespmem:s23+$0xC0] =	vst v62;
	v61 =	vor.u32 s29, v27  }
0x3b1: {  	v62 =	vor.u32 s26, v2;
	v52 =	vld.idx.msk [tilespmem:v60+s10+$0x0], $0xffff  }
0x3b2: {  	v63 =	vor.u32 s28, v27  }
0x3b3: {  	[tilespmem:s25+$0xFFFFE810] =	vst v55  }
0x3b4: {  	v55 =	vld.idx.msk [tilespmem:v56+s10+$0x0], $0xffff;
	[tilespmem:s23+$0x50] =	vst v49  }
0x3b5: {  	[tilespmem:s25+$0xFFFFE890] =	vst v50;
	v60 =	vor.u32 s24, v3;
	v49 =	vld.idx.msk [tilespmem:v61+s10+$0x0], $0xffff  }
0x3b6: {  	v50 =	vld.idx.msk [tilespmem:v62+s10+$0x0], $0xffff;
	[tilespmem:s23+$0xD0] =	vst v52;
	v61 =	vor.u32 s29, v28  }
0x3b7: {  	v62 =	vor.u32 s26, v3;
	v52 =	vld.idx.msk [tilespmem:v63+s10+$0x0], $0xffff  }
0x3b8: {  	v63 =	vor.u32 s28, v28  }
0x3b9: {  	[tilespmem:s25+$0xFFFFE820] =	vst v55  }
0x3ba: {  	v55 =	vld.idx.msk [tilespmem:v60+s10+$0x0], $0xffff;
	[tilespmem:s23+$0x60] =	vst v49  }
0x3bb: {  	v60 =	vor.u32 s24, v4;
	[tilespmem:s25+$0xFFFFE8A0] =	vst v50;
	v49 =	vld.idx.msk [tilespmem:v61+s10+$0x0], $0xffff  }
0x3bc: {  	v50 =	vld.idx.msk [tilespmem:v62+s10+$0x0], $0xffff;
	[tilespmem:s23+$0xE0] =	vst v52;
	v61 =	vor.u32 s29, v29  }
0x3bd: {  	v62 =	vor.u32 s26, v4;
	v52 =	vld.idx.msk [tilespmem:v63+s10+$0x0], $0xffff  }
0x3be: {  	v63 =	vor.u32 s28, v29  }
0x3bf: {  	[tilespmem:s25+$0xFFFFE830] =	vst v55  }
0x3c0: {  	v55 =	vld.idx.msk [tilespmem:v60+s10+$0x0], $0xffff;
	[tilespmem:s23+$0x800] =	vst v49  }
0x3c1: {  	v60 =	vor.u32 s24, v5;
	[tilespmem:s25+$0xFFFFE8B0] =	vst v50;
	v49 =	vld.idx.msk [tilespmem:v61+s10+$0x0], $0xffff  }
0x3c2: {  	v50 =	vld.idx.msk [tilespmem:v62+s10+$0x0], $0xffff;
	[tilespmem:s23+$0x880] =	vst v52;
	v61 =	vor.u32 s29, v30  }
0x3c3: {  	v62 =	vor.u32 s26, v5;
	v52 =	vld.idx.msk [tilespmem:v63+s10+$0x0], $0xffff  }
0x3c4: {  	v63 =	vor.u32 s28, v30  }
0x3c5: {  	[tilespmem:s25+$0xFFFFE840] =	vst v55  }
0x3c6: {  	v55 =	vld.idx.msk [tilespmem:v60+s10+$0x0], $0xffff;
	[tilespmem:s23+$0x810] =	vst v49  }
0x3c7: {  	v60 =	vor.u32 s24, v6;
	[tilespmem:s25+$0xFFFFE8C0] =	vst v50;
	v49 =	vld.idx.msk [tilespmem:v61+s10+$0x0], $0xffff  }
0x3c8: {  	v50 =	vld.idx.msk [tilespmem:v62+s10+$0x0], $0xffff;
	[tilespmem:s23+$0x890] =	vst v52;
	v61 =	vor.u32 s29, v31  }
0x3c9: {  	v62 =	vor.u32 s26, v6;
	v52 =	vld.idx.msk [tilespmem:v63+s10+$0x0], $0xffff  }
0x3ca: {  	v63 =	vor.u32 s28, v31  }
0x3cb: {  	[tilespmem:s25+$0xFFFFE850] =	vst v55  }
0x3cc: {  	v55 =	vld.idx.msk [tilespmem:v60+s10+$0x0], $0xffff;
	[tilespmem:s23+$0x820] =	vst v49  }
0x3cd: {  	v60 =	vor.u32 s24, v7;
	[tilespmem:s25+$0xFFFFE8D0] =	vst v50;
	v49 =	vld.idx.msk [tilespmem:v61+s10+$0x0], $0xffff  }
0x3ce: {  	v50 =	vld.idx.msk [tilespmem:v62+s10+$0x0], $0xffff;
	[tilespmem:s23+$0x8A0] =	vst v52;
	v61 =	vor.u32 s29, v32  }
0x3cf: {  	v62 =	vor.u32 s26, v7;
	v52 =	vld.idx.msk [tilespmem:v63+s10+$0x0], $0xffff  }
0x3d0: {  	v63 =	vor.u32 s28, v32  }
0x3d1: {  	[tilespmem:s25+$0xFFFFE860] =	vst v55  }
0x3d2: {  	v55 =	vld.idx.msk [tilespmem:v60+s10+$0x0], $0xffff;
	[tilespmem:s23+$0x830] =	vst v49  }
0x3d3: {  	v60 =	vor.u32 s24, v8;
	[tilespmem:s25+$0xFFFFE8E0] =	vst v50;
	v49 =	vld.idx.msk [tilespmem:v61+s10+$0x0], $0xffff  }
0x3d4: {  	v50 =	vld.idx.msk [tilespmem:v62+s10+$0x0], $0xffff;
	[tilespmem:s23+$0x8B0] =	vst v52;
	v61 =	vor.u32 s29, v33  }
0x3d5: {  	v62 =	vor.u32 s26, v8;
	v52 =	vld.idx.msk [tilespmem:v63+s10+$0x0], $0xffff  }
0x3d6: {  	v63 =	vor.u32 s28, v33  }
0x3d7: {  	[tilespmem:s25+$0xFFFFF000] =	vst v55  }
0x3d8: {  	v55 =	vld.idx.msk [tilespmem:v60+s10+$0x0], $0xffff;
	[tilespmem:s23+$0x840] =	vst v49  }
0x3d9: {  	v60 =	vor.u32 s24, v9;
	[tilespmem:s25+$0xFFFFF080] =	vst v50;
	v49 =	vld.idx.msk [tilespmem:v61+s10+$0x0], $0xffff  }
0x3da: {  	v50 =	vld.idx.msk [tilespmem:v62+s10+$0x0], $0xffff;
	[tilespmem:s23+$0x8C0] =	vst v52;
	v61 =	vor.u32 s29, v34  }
0x3db: {  	v62 =	vor.u32 s26, v9;
	v52 =	vld.idx.msk [tilespmem:v63+s10+$0x0], $0xffff  }
0x3dc: {  	v63 =	vor.u32 s28, v34  }
0x3dd: {  	[tilespmem:s25+$0xFFFFF010] =	vst v55  }
0x3de: {  	v55 =	vld.idx.msk [tilespmem:v60+s10+$0x0], $0xffff;
	[tilespmem:s23+$0x850] =	vst v49  }
0x3df: {  	v60 =	vor.u32 s24, v10;
	[tilespmem:s25+$0xFFFFF090] =	vst v50;
	v49 =	vld.idx.msk [tilespmem:v61+s10+$0x0], $0xffff  }
0x3e0: {  	v50 =	vld.idx.msk [tilespmem:v62+s10+$0x0], $0xffff;
	[tilespmem:s23+$0x8D0] =	vst v52;
	v61 =	vor.u32 s29, v35  }
0x3e1: {  	v62 =	vor.u32 s26, v10;
	v52 =	vld.idx.msk [tilespmem:v63+s10+$0x0], $0xffff  }
0x3e2: {  	v63 =	vor.u32 s28, v35  }
0x3e3: {  	[tilespmem:s25+$0xFFFFF020] =	vst v55  }
0x3e4: {  	v55 =	vld.idx.msk [tilespmem:v60+s10+$0x0], $0xffff;
	[tilespmem:s23+$0x860] =	vst v49  }
0x3e5: {  	v60 =	vor.u32 s24, v11;
	[tilespmem:s25+$0xFFFFF0A0] =	vst v50;
	v49 =	vld.idx.msk [tilespmem:v61+s10+$0x0], $0xffff  }
0x3e6: {  	v50 =	vld.idx.msk [tilespmem:v62+s10+$0x0], $0xffff;
	[tilespmem:s23+$0x8E0] =	vst v52;
	v61 =	vor.u32 s29, v36  }
0x3e7: {  	v62 =	vor.u32 s26, v11;
	v52 =	vld.idx.msk [tilespmem:v63+s10+$0x0], $0xffff  }
0x3e8: {  	v63 =	vor.u32 s28, v36  }
0x3e9: {  	[tilespmem:s25+$0xFFFFF030] =	vst v55  }
0x3ea: {  	v55 =	vld.idx.msk [tilespmem:v60+s10+$0x0], $0xffff;
	[tilespmem:s23+$0x1000] =	vst v49  }
0x3eb: {  	v60 =	vor.u32 s24, v12;
	[tilespmem:s25+$0xFFFFF0B0] =	vst v50;
	v49 =	vld.idx.msk [tilespmem:v61+s10+$0x0], $0xffff  }
0x3ec: {  	v50 =	vld.idx.msk [tilespmem:v62+s10+$0x0], $0xffff;
	[tilespmem:s23+$0x1080] =	vst v52;
	v61 =	vor.u32 s29, v37  }
0x3ed: {  	v62 =	vor.u32 s26, v12;
	v52 =	vld.idx.msk [tilespmem:v63+s10+$0x0], $0xffff  }
0x3ee: {  	v63 =	vor.u32 s28, v37  }
0x3ef: {  	[tilespmem:s25+$0xFFFFF040] =	vst v55  }
0x3f0: {  	v55 =	vld.idx.msk [tilespmem:v60+s10+$0x0], $0xffff;
	[tilespmem:s23+$0x1010] =	vst v49  }
0x3f1: {  	v60 =	vor.u32 s24, v13;
	[tilespmem:s25+$0xFFFFF0C0] =	vst v50;
	v49 =	vld.idx.msk [tilespmem:v61+s10+$0x0], $0xffff  }
0x3f2: {  	v50 =	vld.idx.msk [tilespmem:v62+s10+$0x0], $0xffff;
	[tilespmem:s23+$0x1090] =	vst v52;
	v61 =	vor.u32 s29, v38  }
0x3f3: {  	v62 =	vor.u32 s26, v13;
	v52 =	vld.idx.msk [tilespmem:v63+s10+$0x0], $0xffff  }
0x3f4: {  	v63 =	vor.u32 s28, v38  }
0x3f5: {  	[tilespmem:s25+$0xFFFFF050] =	vst v55  }
0x3f6: {  	v55 =	vld.idx.msk [tilespmem:v60+s10+$0x0], $0xffff;
	[tilespmem:s23+$0x1020] =	vst v49  }
0x3f7: {  	v60 =	vor.u32 s24, v14;
	[tilespmem:s25+$0xFFFFF0D0] =	vst v50;
	v49 =	vld.idx.msk [tilespmem:v61+s10+$0x0], $0xffff  }
0x3f8: {  	v50 =	vld.idx.msk [tilespmem:v62+s10+$0x0], $0xffff;
	[tilespmem:s23+$0x10A0] =	vst v52;
	v61 =	vor.u32 s29, v39  }
0x3f9: {  	v62 =	vor.u32 s26, v14;
	v52 =	vld.idx.msk [tilespmem:v63+s10+$0x0], $0xffff  }
0x3fa: {  	v63 =	vor.u32 s28, v39  }
0x3fb: {  	[tilespmem:s25+$0xFFFFF060] =	vst v55  }
0x3fc: {  	v55 =	vld.idx.msk [tilespmem:v60+s10+$0x0], $0xffff;
	[tilespmem:s23+$0x1030] =	vst v49  }
0x3fd: {  	v60 =	vor.u32 s24, v15;
	[tilespmem:s25+$0xFFFFF0E0] =	vst v50;
	v49 =	vld.idx.msk [tilespmem:v61+s10+$0x0], $0xffff  }
0x3fe: {  	v50 =	vld.idx.msk [tilespmem:v62+s10+$0x0], $0xffff;
	[tilespmem:s23+$0x10B0] =	vst v52;
	v61 =	vor.u32 s29, v40  }
0x3ff: {  	v62 =	vor.u32 s26, v15;
	v52 =	vld.idx.msk [tilespmem:v63+s10+$0x0], $0xffff  }
0x400: {  	v63 =	vor.u32 s28, v40  }
0x401: {  	[tilespmem:s25+$0xFFFFF800] =	vst v55  }
0x402: {  	v55 =	vld.idx.msk [tilespmem:v60+s10+$0x0], $0xffff;
	[tilespmem:s23+$0x1040] =	vst v49  }
0x403: {  	v60 =	vor.u32 s24, v16;
	[tilespmem:s25+$0xFFFFF880] =	vst v50;
	v49 =	vld.idx.msk [tilespmem:v61+s10+$0x0], $0xffff  }
0x404: {  	v50 =	vld.idx.msk [tilespmem:v62+s10+$0x0], $0xffff;
	[tilespmem:s23+$0x10C0] =	vst v52;
	v61 =	vor.u32 s29, v41  }
0x405: {  	v62 =	vor.u32 s26, v16;
	v52 =	vld.idx.msk [tilespmem:v63+s10+$0x0], $0xffff  }
0x406: {  	v63 =	vor.u32 s28, v41  }
0x407: {  	[tilespmem:s25+$0xFFFFF810] =	vst v55  }
0x408: {  	v55 =	vld.idx.msk [tilespmem:v60+s10+$0x0], $0xffff;
	[tilespmem:s23+$0x1050] =	vst v49  }
0x409: {  	v60 =	vor.u32 s24, v17;
	[tilespmem:s25+$0xFFFFF890] =	vst v50;
	v49 =	vld.idx.msk [tilespmem:v61+s10+$0x0], $0xffff  }
0x40a: {  	v50 =	vld.idx.msk [tilespmem:v62+s10+$0x0], $0xffff;
	[tilespmem:s23+$0x10D0] =	vst v52;
	v61 =	vor.u32 s29, v42  }
0x40b: {  	v62 =	vor.u32 s26, v17;
	v52 =	vld.idx.msk [tilespmem:v63+s10+$0x0], $0xffff  }
0x40c: {  	v63 =	vor.u32 s28, v42  }
0x40d: {  	[tilespmem:s25+$0xFFFFF820] =	vst v55  }
0x40e: {  	v55 =	vld.idx.msk [tilespmem:v60+s10+$0x0], $0xffff;
	[tilespmem:s23+$0x1060] =	vst v49  }
0x40f: {  	v60 =	vor.u32 s24, v18;
	[tilespmem:s25+$0xFFFFF8A0] =	vst v50;
	v49 =	vld.idx.msk [tilespmem:v61+s10+$0x0], $0xffff  }
0x410: {  	v50 =	vld.idx.msk [tilespmem:v62+s10+$0x0], $0xffff;
	[tilespmem:s23+$0x10E0] =	vst v52;
	v61 =	vor.u32 s29, v43  }
0x411: {  	v62 =	vor.u32 s26, v18;
	v52 =	vld.idx.msk [tilespmem:v63+s10+$0x0], $0xffff  }
0x412: {  	v63 =	vor.u32 s28, v43  }
0x413: {  	[tilespmem:s25+$0xFFFFF830] =	vst v55  }
0x414: {  	v55 =	vld.idx.msk [tilespmem:v60+s10+$0x0], $0xffff;
	[tilespmem:s23+$0x1800] =	vst v49  }
0x415: {  	v60 =	vor.u32 s24, v19;
	[tilespmem:s25+$0xFFFFF8B0] =	vst v50;
	v49 =	vld.idx.msk [tilespmem:v61+s10+$0x0], $0xffff  }
0x416: {  	v50 =	vld.idx.msk [tilespmem:v62+s10+$0x0], $0xffff;
	[tilespmem:s23+$0x1880] =	vst v52;
	v61 =	vor.u32 s29, v44  }
0x417: {  	v62 =	vor.u32 s26, v19;
	v52 =	vld.idx.msk [tilespmem:v63+s10+$0x0], $0xffff  }
0x418: {  	v63 =	vor.u32 s28, v44  }
0x419: {  	[tilespmem:s25+$0xFFFFF840] =	vst v55  }
0x41a: {  	v55 =	vld.idx.msk [tilespmem:v60+s10+$0x0], $0xffff;
	[tilespmem:s23+$0x1810] =	vst v49  }
0x41b: {  	v60 =	vor.u32 s24, v20;
	[tilespmem:s25+$0xFFFFF8C0] =	vst v50;
	v49 =	vld.idx.msk [tilespmem:v61+s10+$0x0], $0xffff  }
0x41c: {  	v50 =	vld.idx.msk [tilespmem:v62+s10+$0x0], $0xffff;
	[tilespmem:s23+$0x1890] =	vst v52;
	v61 =	vor.u32 s29, v45  }
0x41d: {  	v62 =	vor.u32 s26, v20;
	v52 =	vld.idx.msk [tilespmem:v63+s10+$0x0], $0xffff  }
0x41e: {  	v63 =	vor.u32 s28, v45  }
0x41f: {  	[tilespmem:s25+$0xFFFFF850] =	vst v55  }
0x420: {  	v55 =	vld.idx.msk [tilespmem:v60+s10+$0x0], $0xffff;
	[tilespmem:s23+$0x1820] =	vst v49  }
0x421: {  	v60 =	vor.u32 s24, v21;
	[tilespmem:s25+$0xFFFFF8D0] =	vst v50;
	v49 =	vld.idx.msk [tilespmem:v61+s10+$0x0], $0xffff  }
0x422: {  	v50 =	vld.idx.msk [tilespmem:v62+s10+$0x0], $0xffff;
	[tilespmem:s23+$0x18A0] =	vst v52;
	v61 =	vor.u32 s29, v46  }
0x423: {  	v62 =	vor.u32 s26, v21;
	v52 =	vld.idx.msk [tilespmem:v63+s10+$0x0], $0xffff  }
0x424: {  	v63 =	vor.u32 s28, v46  }
0x425: {  	[tilespmem:s25+$0xFFFFF860] =	vst v55  }
0x426: {  	v55 =	vld.idx.msk [tilespmem:v60+s10+$0x0], $0xffff;
	[tilespmem:s23+$0x1830] =	vst v49  }
0x427: {  	v60 =	vor.u32 s24, v22;
	[tilespmem:s25+$0xFFFFF8E0] =	vst v50;
	v49 =	vld.idx.msk [tilespmem:v61+s10+$0x0], $0xffff  }
0x428: {  	v50 =	vld.idx.msk [tilespmem:v62+s10+$0x0], $0xffff;
	[tilespmem:s23+$0x18B0] =	vst v52;
	v61 =	vor.u32 s29, v47  }
0x429: {  	v62 =	vor.u32 s26, v22;
	v52 =	vld.idx.msk [tilespmem:v63+s10+$0x0], $0xffff  }
0x42a: {  	v63 =	vor.u32 s28, v47  }
0x42b: {  	[tilespmem:s25+$0x0] =	vst v55  }
0x42c: {  	v55 =	vld.idx.msk [tilespmem:v60+s10+$0x0], $0xffff;
	[tilespmem:s23+$0x1840] =	vst v49  }
0x42d: {  	v60 =	vor.u32 s24, v23;
	[tilespmem:s25+$0x80] =	vst v50;
	v49 =	vld.idx.msk [tilespmem:v61+s10+$0x0], $0xffff  }
0x42e: {  	v50 =	vld.idx.msk [tilespmem:v62+s10+$0x0], $0xffff;
	[tilespmem:s23+$0x18C0] =	vst v52;
	v61 =	vor.u32 s29, v48  }
0x42f: {  	v62 =	vor.u32 s26, v23;
	v52 =	vld.idx.msk [tilespmem:v63+s10+$0x0], $0xffff  }
0x430: {  	v63 =	vor.u32 s28, v48  }
0x431: {  	[tilespmem:s25+$0x10] =	vst v55  }
0x432: {  	v55 =	vld.idx.msk [tilespmem:v60+s10+$0x0], $0xffff;
	[tilespmem:s23+$0x1850] =	vst v49  }
0x433: {  	v53 =	vor.u32 s24, v24;
	[tilespmem:s25+$0x90] =	vst v50;
	v49 =	vld.idx.msk [tilespmem:v61+s10+$0x0], $0xffff  }
0x434: {  	v51 =	vld.idx.msk [tilespmem:v62+s10+$0x0], $0xffff;
	[tilespmem:s23+$0x18D0] =	vst v52  }
0x435: {  	s28 =	smul.u32 $0xC0, s22;
	v52 =	vor.u32 s26, v24;
	v50 =	vld.idx.msk [tilespmem:v63+s10+$0x0], $0xffff;
	_ =	sdelay $0x1  }
0x436: {  	s28 =	ssub.s32 s20, s28;
	s20 =	simm.s32 $0x4;
	[tilespmem:s25+$0x20] =	vst v55  }
.LBB2_5:
0x437: {  	p0 =	slt.u32 s20, $0x6;
	v53 =	vld.idx.msk [tilespmem:v53+s10+$0x0], $0xffff;
	[tilespmem:s23+$0x1860] =	vst v49;
	s29 =	smov.u32 s20;
	s20 =	sadd.s32 $0x2, s20  }
0x438: {  	s29 =	sshll.u32 s29, $0xC;
	[tilespmem:s25+$0xA0] =	vst v51  }
0x439: {  	v49 =	vor.u32 s29, v0;
	s30 =	sadd.s32 $0x1000, s29;
	v51 =	vld.idx.msk [tilespmem:v52+s10+$0x0], $0xffff;
	[tilespmem:s23+$0x18E0] =	vst v50;
	s23 =	smov.u32 s25  }
0x43a: {  	v52 =	vor.u32 s24, v25;
	v50 =	vor.u32 s30, v0  }
0x43b: {  	v54 =	vor.u32 s26, v25;
	_ =	sdelay $0x1  }
0x43c: {  	[tilespmem:s25+$0x30] =	vst v53  }
0x43d: {  	v49 =	vld.idx.msk [tilespmem:v49+s10+$0x0], $0xffff  }
0x43e: {  	v52 =	vld.idx.msk [tilespmem:v52+s10+$0x0], $0xffff;
	[tilespmem:s25+$0xB0] =	vst v51  }
0x43f: {  	v51 =	vor.u32 s29, v1;
	v50 =	vld.idx.msk [tilespmem:v50+s10+$0x0], $0xffff  }
0x440: {  	v53 =	vor.u32 s24, v26;
	v54 =	vld.idx.msk [tilespmem:v54+s10+$0x0], $0xffff  }
0x441: {  	v56 =	vor.u32 s26, v26;
	v55 =	vor.u32 s30, v1  }
0x442: {  	s25 =	sadd.s32 $0x100, s25  }
0x443: {  	[tilespmem:s25+$0xFFFFE800] =	vst v49  }
0x444: {  	v49 =	vld.idx.msk [tilespmem:v51+s10+$0x0], $0xffff;
	[tilespmem:s23+$0x40] =	vst v52  }
0x445: {  	[tilespmem:s25+$0xFFFFE880] =	vst v50;
	v50 =	vld.idx.msk [tilespmem:v53+s10+$0x0], $0xffff  }
0x446: {  	v51 =	vor.u32 s29, v2;
	v52 =	vld.idx.msk [tilespmem:v55+s10+$0x0], $0xffff;
	[tilespmem:s23+$0xC0] =	vst v54  }
0x447: {  	v53 =	vor.u32 s24, v27;
	v54 =	vld.idx.msk [tilespmem:v56+s10+$0x0], $0xffff  }
0x448: {  	v55 =	vor.u32 s30, v2;
	v56 =	vor.u32 s26, v27;
	_ =	sdelay $0x1  }
0x449: {  	[tilespmem:s25+$0xFFFFE810] =	vst v49  }
0x44a: {  	v49 =	vld.idx.msk [tilespmem:v51+s10+$0x0], $0xffff;
	[tilespmem:s23+$0x50] =	vst v50  }
0x44b: {  	[tilespmem:s25+$0xFFFFE890] =	vst v52;
	v50 =	vld.idx.msk [tilespmem:v53+s10+$0x0], $0xffff  }
0x44c: {  	v51 =	vor.u32 s29, v3;
	v52 =	vld.idx.msk [tilespmem:v55+s10+$0x0], $0xffff;
	[tilespmem:s23+$0xD0] =	vst v54  }
0x44d: {  	v53 =	vor.u32 s24, v28;
	v54 =	vld.idx.msk [tilespmem:v56+s10+$0x0], $0xffff  }
0x44e: {  	v55 =	vor.u32 s30, v3;
	v56 =	vor.u32 s26, v28;
	_ =	sdelay $0x1  }
0x44f: {  	[tilespmem:s25+$0xFFFFE820] =	vst v49  }
0x450: {  	v49 =	vld.idx.msk [tilespmem:v51+s10+$0x0], $0xffff;
	[tilespmem:s23+$0x60] =	vst v50  }
0x451: {  	[tilespmem:s25+$0xFFFFE8A0] =	vst v52;
	v50 =	vld.idx.msk [tilespmem:v53+s10+$0x0], $0xffff  }
0x452: {  	v51 =	vor.u32 s29, v4;
	v52 =	vld.idx.msk [tilespmem:v55+s10+$0x0], $0xffff;
	[tilespmem:s23+$0xE0] =	vst v54  }
0x453: {  	v53 =	vor.u32 s24, v29;
	v54 =	vld.idx.msk [tilespmem:v56+s10+$0x0], $0xffff  }
0x454: {  	v55 =	vor.u32 s30, v4;
	v56 =	vor.u32 s26, v29;
	_ =	sdelay $0x1  }
0x455: {  	[tilespmem:s25+$0xFFFFE830] =	vst v49  }
0x456: {  	v49 =	vld.idx.msk [tilespmem:v51+s10+$0x0], $0xffff;
	[tilespmem:s23+$0x800] =	vst v50  }
0x457: {  	[tilespmem:s25+$0xFFFFE8B0] =	vst v52;
	v50 =	vld.idx.msk [tilespmem:v53+s10+$0x0], $0xffff  }
0x458: {  	v51 =	vor.u32 s29, v5;
	v52 =	vld.idx.msk [tilespmem:v55+s10+$0x0], $0xffff;
	[tilespmem:s23+$0x880] =	vst v54  }
0x459: {  	v53 =	vor.u32 s24, v30;
	v54 =	vld.idx.msk [tilespmem:v56+s10+$0x0], $0xffff  }
0x45a: {  	v55 =	vor.u32 s30, v5;
	v56 =	vor.u32 s26, v30;
	_ =	sdelay $0x1  }
0x45b: {  	[tilespmem:s25+$0xFFFFE840] =	vst v49  }
0x45c: {  	v49 =	vld.idx.msk [tilespmem:v51+s10+$0x0], $0xffff;
	[tilespmem:s23+$0x810] =	vst v50  }
0x45d: {  	[tilespmem:s25+$0xFFFFE8C0] =	vst v52;
	v50 =	vld.idx.msk [tilespmem:v53+s10+$0x0], $0xffff  }
0x45e: {  	v51 =	vor.u32 s29, v6;
	v52 =	vld.idx.msk [tilespmem:v55+s10+$0x0], $0xffff;
	[tilespmem:s23+$0x890] =	vst v54  }
0x45f: {  	v53 =	vor.u32 s24, v31;
	v54 =	vld.idx.msk [tilespmem:v56+s10+$0x0], $0xffff  }
0x460: {  	v55 =	vor.u32 s30, v6;
	v56 =	vor.u32 s26, v31;
	_ =	sdelay $0x1  }
0x461: {  	[tilespmem:s25+$0xFFFFE850] =	vst v49  }
0x462: {  	v49 =	vld.idx.msk [tilespmem:v51+s10+$0x0], $0xffff;
	[tilespmem:s23+$0x820] =	vst v50  }
0x463: {  	[tilespmem:s25+$0xFFFFE8D0] =	vst v52;
	v50 =	vld.idx.msk [tilespmem:v53+s10+$0x0], $0xffff  }
0x464: {  	v51 =	vor.u32 s29, v7;
	v52 =	vld.idx.msk [tilespmem:v55+s10+$0x0], $0xffff;
	[tilespmem:s23+$0x8A0] =	vst v54  }
0x465: {  	v53 =	vor.u32 s24, v32;
	v54 =	vld.idx.msk [tilespmem:v56+s10+$0x0], $0xffff  }
0x466: {  	v55 =	vor.u32 s30, v7;
	v56 =	vor.u32 s26, v32;
	_ =	sdelay $0x1  }
0x467: {  	[tilespmem:s25+$0xFFFFE860] =	vst v49  }
0x468: {  	v49 =	vld.idx.msk [tilespmem:v51+s10+$0x0], $0xffff;
	[tilespmem:s23+$0x830] =	vst v50  }
0x469: {  	[tilespmem:s25+$0xFFFFE8E0] =	vst v52;
	v50 =	vld.idx.msk [tilespmem:v53+s10+$0x0], $0xffff  }
0x46a: {  	v51 =	vor.u32 s29, v8;
	v52 =	vld.idx.msk [tilespmem:v55+s10+$0x0], $0xffff;
	[tilespmem:s23+$0x8B0] =	vst v54  }
0x46b: {  	v53 =	vor.u32 s24, v33;
	v54 =	vld.idx.msk [tilespmem:v56+s10+$0x0], $0xffff  }
0x46c: {  	v55 =	vor.u32 s30, v8;
	v56 =	vor.u32 s26, v33;
	_ =	sdelay $0x1  }
0x46d: {  	[tilespmem:s25+$0xFFFFF000] =	vst v49  }
0x46e: {  	v49 =	vld.idx.msk [tilespmem:v51+s10+$0x0], $0xffff;
	[tilespmem:s23+$0x840] =	vst v50  }
0x46f: {  	[tilespmem:s25+$0xFFFFF080] =	vst v52;
	v50 =	vld.idx.msk [tilespmem:v53+s10+$0x0], $0xffff  }
0x470: {  	v51 =	vor.u32 s29, v9;
	v52 =	vld.idx.msk [tilespmem:v55+s10+$0x0], $0xffff;
	[tilespmem:s23+$0x8C0] =	vst v54  }
0x471: {  	v53 =	vor.u32 s24, v34;
	v54 =	vld.idx.msk [tilespmem:v56+s10+$0x0], $0xffff  }
0x472: {  	v55 =	vor.u32 s30, v9;
	v56 =	vor.u32 s26, v34;
	_ =	sdelay $0x1  }
0x473: {  	[tilespmem:s25+$0xFFFFF010] =	vst v49  }
0x474: {  	v49 =	vld.idx.msk [tilespmem:v51+s10+$0x0], $0xffff;
	[tilespmem:s23+$0x850] =	vst v50  }
0x475: {  	[tilespmem:s25+$0xFFFFF090] =	vst v52;
	v50 =	vld.idx.msk [tilespmem:v53+s10+$0x0], $0xffff  }
0x476: {  	v51 =	vor.u32 s29, v10;
	v52 =	vld.idx.msk [tilespmem:v55+s10+$0x0], $0xffff;
	[tilespmem:s23+$0x8D0] =	vst v54  }
0x477: {  	v53 =	vor.u32 s24, v35;
	v54 =	vld.idx.msk [tilespmem:v56+s10+$0x0], $0xffff  }
0x478: {  	v55 =	vor.u32 s30, v10;
	v56 =	vor.u32 s26, v35;
	_ =	sdelay $0x1  }
0x479: {  	[tilespmem:s25+$0xFFFFF020] =	vst v49  }
0x47a: {  	v49 =	vld.idx.msk [tilespmem:v51+s10+$0x0], $0xffff;
	[tilespmem:s23+$0x860] =	vst v50  }
0x47b: {  	[tilespmem:s25+$0xFFFFF0A0] =	vst v52;
	v50 =	vld.idx.msk [tilespmem:v53+s10+$0x0], $0xffff  }
0x47c: {  	v51 =	vor.u32 s29, v11;
	v52 =	vld.idx.msk [tilespmem:v55+s10+$0x0], $0xffff;
	[tilespmem:s23+$0x8E0] =	vst v54  }
0x47d: {  	v53 =	vor.u32 s24, v36;
	v54 =	vld.idx.msk [tilespmem:v56+s10+$0x0], $0xffff  }
0x47e: {  	v55 =	vor.u32 s30, v11;
	v56 =	vor.u32 s26, v36;
	_ =	sdelay $0x1  }
0x47f: {  	[tilespmem:s25+$0xFFFFF030] =	vst v49  }
0x480: {  	v49 =	vld.idx.msk [tilespmem:v51+s10+$0x0], $0xffff;
	[tilespmem:s23+$0x1000] =	vst v50  }
0x481: {  	[tilespmem:s25+$0xFFFFF0B0] =	vst v52;
	v50 =	vld.idx.msk [tilespmem:v53+s10+$0x0], $0xffff  }
0x482: {  	v51 =	vor.u32 s29, v12;
	v52 =	vld.idx.msk [tilespmem:v55+s10+$0x0], $0xffff;
	[tilespmem:s23+$0x1080] =	vst v54  }
0x483: {  	v53 =	vor.u32 s24, v37;
	v54 =	vld.idx.msk [tilespmem:v56+s10+$0x0], $0xffff  }
0x484: {  	v55 =	vor.u32 s30, v12;
	v56 =	vor.u32 s26, v37;
	_ =	sdelay $0x1  }
0x485: {  	[tilespmem:s25+$0xFFFFF040] =	vst v49  }
0x486: {  	v49 =	vld.idx.msk [tilespmem:v51+s10+$0x0], $0xffff;
	[tilespmem:s23+$0x1010] =	vst v50  }
0x487: {  	[tilespmem:s25+$0xFFFFF0C0] =	vst v52;
	v50 =	vld.idx.msk [tilespmem:v53+s10+$0x0], $0xffff  }
0x488: {  	v51 =	vor.u32 s29, v13;
	v52 =	vld.idx.msk [tilespmem:v55+s10+$0x0], $0xffff;
	[tilespmem:s23+$0x1090] =	vst v54  }
0x489: {  	v53 =	vor.u32 s24, v38;
	v54 =	vld.idx.msk [tilespmem:v56+s10+$0x0], $0xffff  }
0x48a: {  	v55 =	vor.u32 s30, v13;
	v56 =	vor.u32 s26, v38;
	_ =	sdelay $0x1  }
0x48b: {  	[tilespmem:s25+$0xFFFFF050] =	vst v49  }
0x48c: {  	v49 =	vld.idx.msk [tilespmem:v51+s10+$0x0], $0xffff;
	[tilespmem:s23+$0x1020] =	vst v50  }
0x48d: {  	[tilespmem:s25+$0xFFFFF0D0] =	vst v52;
	v50 =	vld.idx.msk [tilespmem:v53+s10+$0x0], $0xffff  }
0x48e: {  	v51 =	vor.u32 s29, v14;
	v52 =	vld.idx.msk [tilespmem:v55+s10+$0x0], $0xffff;
	[tilespmem:s23+$0x10A0] =	vst v54  }
0x48f: {  	v53 =	vor.u32 s24, v39;
	v54 =	vld.idx.msk [tilespmem:v56+s10+$0x0], $0xffff  }
0x490: {  	v55 =	vor.u32 s30, v14;
	v56 =	vor.u32 s26, v39;
	_ =	sdelay $0x1  }
0x491: {  	[tilespmem:s25+$0xFFFFF060] =	vst v49  }
0x492: {  	v49 =	vld.idx.msk [tilespmem:v51+s10+$0x0], $0xffff;
	[tilespmem:s23+$0x1030] =	vst v50  }
0x493: {  	[tilespmem:s25+$0xFFFFF0E0] =	vst v52;
	v50 =	vld.idx.msk [tilespmem:v53+s10+$0x0], $0xffff  }
0x494: {  	v51 =	vor.u32 s29, v15;
	v52 =	vld.idx.msk [tilespmem:v55+s10+$0x0], $0xffff;
	[tilespmem:s23+$0x10B0] =	vst v54  }
0x495: {  	v53 =	vor.u32 s24, v40;
	v54 =	vld.idx.msk [tilespmem:v56+s10+$0x0], $0xffff  }
0x496: {  	v55 =	vor.u32 s30, v15;
	v56 =	vor.u32 s26, v40;
	_ =	sdelay $0x1  }
0x497: {  	[tilespmem:s25+$0xFFFFF800] =	vst v49  }
0x498: {  	v49 =	vld.idx.msk [tilespmem:v51+s10+$0x0], $0xffff;
	[tilespmem:s23+$0x1040] =	vst v50  }
0x499: {  	[tilespmem:s25+$0xFFFFF880] =	vst v52;
	v50 =	vld.idx.msk [tilespmem:v53+s10+$0x0], $0xffff  }
0x49a: {  	v51 =	vor.u32 s29, v16;
	v52 =	vld.idx.msk [tilespmem:v55+s10+$0x0], $0xffff;
	[tilespmem:s23+$0x10C0] =	vst v54  }
0x49b: {  	v53 =	vor.u32 s24, v41;
	v54 =	vld.idx.msk [tilespmem:v56+s10+$0x0], $0xffff  }
0x49c: {  	v55 =	vor.u32 s30, v16;
	v56 =	vor.u32 s26, v41;
	_ =	sdelay $0x1  }
0x49d: {  	[tilespmem:s25+$0xFFFFF810] =	vst v49  }
0x49e: {  	v49 =	vld.idx.msk [tilespmem:v51+s10+$0x0], $0xffff;
	[tilespmem:s23+$0x1050] =	vst v50  }
0x49f: {  	[tilespmem:s25+$0xFFFFF890] =	vst v52;
	v50 =	vld.idx.msk [tilespmem:v53+s10+$0x0], $0xffff  }
0x4a0: {  	v51 =	vor.u32 s29, v17;
	v52 =	vld.idx.msk [tilespmem:v55+s10+$0x0], $0xffff;
	[tilespmem:s23+$0x10D0] =	vst v54  }
0x4a1: {  	v53 =	vor.u32 s24, v42;
	v54 =	vld.idx.msk [tilespmem:v56+s10+$0x0], $0xffff  }
0x4a2: {  	v55 =	vor.u32 s30, v17;
	v56 =	vor.u32 s26, v42;
	_ =	sdelay $0x1  }
0x4a3: {  	[tilespmem:s25+$0xFFFFF820] =	vst v49  }
0x4a4: {  	v49 =	vld.idx.msk [tilespmem:v51+s10+$0x0], $0xffff;
	[tilespmem:s23+$0x1060] =	vst v50  }
0x4a5: {  	[tilespmem:s25+$0xFFFFF8A0] =	vst v52;
	v50 =	vld.idx.msk [tilespmem:v53+s10+$0x0], $0xffff  }
0x4a6: {  	v51 =	vor.u32 s29, v18;
	v52 =	vld.idx.msk [tilespmem:v55+s10+$0x0], $0xffff;
	[tilespmem:s23+$0x10E0] =	vst v54  }
0x4a7: {  	v53 =	vor.u32 s24, v43;
	v54 =	vld.idx.msk [tilespmem:v56+s10+$0x0], $0xffff  }
0x4a8: {  	v55 =	vor.u32 s30, v18;
	v56 =	vor.u32 s26, v43;
	_ =	sdelay $0x1  }
0x4a9: {  	[tilespmem:s25+$0xFFFFF830] =	vst v49  }
0x4aa: {  	v49 =	vld.idx.msk [tilespmem:v51+s10+$0x0], $0xffff;
	[tilespmem:s23+$0x1800] =	vst v50  }
0x4ab: {  	[tilespmem:s25+$0xFFFFF8B0] =	vst v52;
	v50 =	vld.idx.msk [tilespmem:v53+s10+$0x0], $0xffff  }
0x4ac: {  	v51 =	vor.u32 s29, v19;
	v52 =	vld.idx.msk [tilespmem:v55+s10+$0x0], $0xffff;
	[tilespmem:s23+$0x1880] =	vst v54  }
0x4ad: {  	v53 =	vor.u32 s24, v44;
	v54 =	vld.idx.msk [tilespmem:v56+s10+$0x0], $0xffff  }
0x4ae: {  	v55 =	vor.u32 s30, v19;
	v56 =	vor.u32 s26, v44;
	_ =	sdelay $0x1  }
0x4af: {  	[tilespmem:s25+$0xFFFFF840] =	vst v49  }
0x4b0: {  	v49 =	vld.idx.msk [tilespmem:v51+s10+$0x0], $0xffff;
	[tilespmem:s23+$0x1810] =	vst v50  }
0x4b1: {  	[tilespmem:s25+$0xFFFFF8C0] =	vst v52;
	v50 =	vld.idx.msk [tilespmem:v53+s10+$0x0], $0xffff  }
0x4b2: {  	v51 =	vor.u32 s29, v20;
	v52 =	vld.idx.msk [tilespmem:v55+s10+$0x0], $0xffff;
	[tilespmem:s23+$0x1890] =	vst v54  }
0x4b3: {  	v53 =	vor.u32 s24, v45;
	v54 =	vld.idx.msk [tilespmem:v56+s10+$0x0], $0xffff  }
0x4b4: {  	v55 =	vor.u32 s30, v20;
	v56 =	vor.u32 s26, v45;
	_ =	sdelay $0x1  }
0x4b5: {  	[tilespmem:s25+$0xFFFFF850] =	vst v49  }
0x4b6: {  	v49 =	vld.idx.msk [tilespmem:v51+s10+$0x0], $0xffff;
	[tilespmem:s23+$0x1820] =	vst v50  }
0x4b7: {  	[tilespmem:s25+$0xFFFFF8D0] =	vst v52;
	v50 =	vld.idx.msk [tilespmem:v53+s10+$0x0], $0xffff  }
0x4b8: {  	v51 =	vor.u32 s29, v21;
	v52 =	vld.idx.msk [tilespmem:v55+s10+$0x0], $0xffff;
	[tilespmem:s23+$0x18A0] =	vst v54  }
0x4b9: {  	v53 =	vor.u32 s24, v46;
	v54 =	vld.idx.msk [tilespmem:v56+s10+$0x0], $0xffff  }
0x4ba: {  	v55 =	vor.u32 s30, v21;
	v56 =	vor.u32 s26, v46;
	_ =	sdelay $0x1  }
0x4bb: {  	[tilespmem:s25+$0xFFFFF860] =	vst v49  }
0x4bc: {  	v49 =	vld.idx.msk [tilespmem:v51+s10+$0x0], $0xffff;
	[tilespmem:s23+$0x1830] =	vst v50  }
0x4bd: {  	[tilespmem:s25+$0xFFFFF8E0] =	vst v52;
	v50 =	vld.idx.msk [tilespmem:v53+s10+$0x0], $0xffff  }
0x4be: {  	v51 =	vor.u32 s29, v22;
	v52 =	vld.idx.msk [tilespmem:v55+s10+$0x0], $0xffff;
	[tilespmem:s23+$0x18B0] =	vst v54  }
0x4bf: {  	v53 =	vor.u32 s24, v47;
	v54 =	vld.idx.msk [tilespmem:v56+s10+$0x0], $0xffff  }
0x4c0: {  	v55 =	vor.u32 s30, v22;
	v56 =	vor.u32 s26, v47;
	_ =	sdelay $0x1  }
0x4c1: {  	[tilespmem:s25+$0x0] =	vst v49  }
0x4c2: {  	v49 =	vld.idx.msk [tilespmem:v51+s10+$0x0], $0xffff;
	[tilespmem:s23+$0x1840] =	vst v50  }
0x4c3: {  	[tilespmem:s25+$0x80] =	vst v52;
	v50 =	vld.idx.msk [tilespmem:v53+s10+$0x0], $0xffff  }
0x4c4: {  	v51 =	vor.u32 s29, v23;
	v52 =	vld.idx.msk [tilespmem:v55+s10+$0x0], $0xffff;
	[tilespmem:s23+$0x18C0] =	vst v54  }
0x4c5: {  	v53 =	vor.u32 s24, v48;
	s24 =	smov.u32 s29;
	v54 =	vld.idx.msk [tilespmem:v56+s10+$0x0], $0xffff  }
0x4c6: {  	v55 =	vor.u32 s30, v23;
	v56 =	vor.u32 s26, v48;
	s26 =	smov.u32 s30;
	_ =	sdelay $0x1  }
0x4c7: {  	[tilespmem:s25+$0x10] =	vst v49  }
0x4c8: {  	v57 =	vld.idx.msk [tilespmem:v51+s10+$0x0], $0xffff;
	[tilespmem:s23+$0x1850] =	vst v50  }
0x4c9: {  	[tilespmem:s25+$0x90] =	vst v52;
	v49 =	vld.idx.msk [tilespmem:v53+s10+$0x0], $0xffff  }
.Ltmp1:
0x4ca: {  	v53 =	vor.u32 s24, v24;
	v51 =	vld.idx.msk [tilespmem:v55+s10+$0x0], $0xffff;
	[tilespmem:s23+$0x18D0] =	vst v54;
	(pc) =	sbr.rel @p0 .LBB2_5-.Ltmp1, $3  }
0x4cb: {  	v50 =	vld.idx.msk [tilespmem:v56+s10+$0x0], $0xffff  }
0x4cc: {  	v52 =	vor.u32 s26, v24;
	_ =	sdelay $0x1  }
0x4cd: {  	[tilespmem:s25+$0x20] =	vst v57  }
0x4ce: {  	_ =	sdelay $0x3  }
0x4cf: {  	v53 =	vld.idx.msk [tilespmem:v53+s10+$0x0], $0xffff;
	[tilespmem:s25+$0xA0] =	vst v51  }
0x4d0: {  	v57 =	vor.u32 s24, v25;
	v51 =	vld.idx.msk [tilespmem:v52+s10+$0x0], $0xffff  }
0x4d1: {  	v54 =	vor.u32 s26, v25;
	_ =	sdelay $0x2  }
0x4d2: {  	[tilespmem:s25+$0x30] =	vst v53  }
0x4d3: {  	v52 =	vld.idx.msk [tilespmem:v57+s10+$0x0], $0xffff;
	[tilespmem:s25+$0xB0] =	vst v51  }
0x4d4: {  	v58 =	vor.u32 s24, v26;
	v59 =	vld.idx.msk [tilespmem:v54+s10+$0x0], $0xffff  }
0x4d5: {  	v60 =	vor.u32 s26, v26;
	_ =	sdelay $0x2  }
0x4d6: {  	[tilespmem:s25+$0x40] =	vst v52  }
0x4d7: {  	v51 =	vld.idx.msk [tilespmem:v58+s10+$0x0], $0xffff;
	[tilespmem:s25+$0xC0] =	vst v59  }
0x4d8: {  	v61 =	vor.u32 s24, v27;
	v53 =	vld.idx.msk [tilespmem:v60+s10+$0x0], $0xffff  }
0x4d9: {  	v62 =	vor.u32 s26, v27;
	_ =	sdelay $0x2  }
0x4da: {  	[tilespmem:s25+$0x50] =	vst v51  }
0x4db: {  	v51 =	vld.idx.msk [tilespmem:v61+s10+$0x0], $0xffff;
	[tilespmem:s25+$0xD0] =	vst v53  }
0x4dc: {  	v63 =	vor.u32 s24, v28;
	v53 =	vld.idx.msk [tilespmem:v62+s10+$0x0], $0xffff  }
0x4dd: {  	v57 =	vor.u32 s26, v28;
	_ =	sdelay $0x2  }
0x4de: {  	[tilespmem:s25+$0x60] =	vst v51  }
0x4df: {  	v51 =	vld.idx.msk [tilespmem:v63+s10+$0x0], $0xffff;
	[tilespmem:s25+$0xE0] =	vst v53  }
0x4e0: {  	v58 =	vor.u32 s24, v29;
	v53 =	vld.idx.msk [tilespmem:v57+s10+$0x0], $0xffff  }
0x4e1: {  	v59 =	vor.u32 s26, v29;
	_ =	sdelay $0x2  }
0x4e2: {  	[tilespmem:s25+$0x800] =	vst v51  }
0x4e3: {  	v51 =	vld.idx.msk [tilespmem:v58+s10+$0x0], $0xffff;
	[tilespmem:s25+$0x880] =	vst v53  }
0x4e4: {  	v60 =	vor.u32 s24, v30;
	v53 =	vld.idx.msk [tilespmem:v59+s10+$0x0], $0xffff  }
0x4e5: {  	v61 =	vor.u32 s26, v30;
	_ =	sdelay $0x2  }
0x4e6: {  	[tilespmem:s25+$0x810] =	vst v51  }
0x4e7: {  	v51 =	vld.idx.msk [tilespmem:v60+s10+$0x0], $0xffff;
	[tilespmem:s25+$0x890] =	vst v53  }
0x4e8: {  	v62 =	vor.u32 s24, v31;
	v53 =	vld.idx.msk [tilespmem:v61+s10+$0x0], $0xffff  }
0x4e9: {  	v63 =	vor.u32 s26, v31;
	_ =	sdelay $0x2  }
0x4ea: {  	[tilespmem:s25+$0x820] =	vst v51  }
0x4eb: {  	v51 =	vld.idx.msk [tilespmem:v62+s10+$0x0], $0xffff;
	[tilespmem:s25+$0x8A0] =	vst v53  }
0x4ec: {  	v57 =	vor.u32 s24, v32;
	v53 =	vld.idx.msk [tilespmem:v63+s10+$0x0], $0xffff  }
0x4ed: {  	v58 =	vor.u32 s26, v32;
	_ =	sdelay $0x2  }
0x4ee: {  	[tilespmem:s25+$0x830] =	vst v51  }
0x4ef: {  	v51 =	vld.idx.msk [tilespmem:v57+s10+$0x0], $0xffff;
	[tilespmem:s25+$0x8B0] =	vst v53  }
0x4f0: {  	v59 =	vor.u32 s24, v33;
	v53 =	vld.idx.msk [tilespmem:v58+s10+$0x0], $0xffff  }
0x4f1: {  	v60 =	vor.u32 s26, v33;
	_ =	sdelay $0x2  }
0x4f2: {  	[tilespmem:s25+$0x840] =	vst v51  }
0x4f3: {  	v51 =	vld.idx.msk [tilespmem:v59+s10+$0x0], $0xffff;
	[tilespmem:s25+$0x8C0] =	vst v53  }
0x4f4: {  	v61 =	vor.u32 s24, v34;
	v53 =	vld.idx.msk [tilespmem:v60+s10+$0x0], $0xffff  }
0x4f5: {  	v62 =	vor.u32 s26, v34;
	_ =	sdelay $0x2  }
0x4f6: {  	[tilespmem:s25+$0x850] =	vst v51  }
0x4f7: {  	v51 =	vld.idx.msk [tilespmem:v61+s10+$0x0], $0xffff;
	[tilespmem:s25+$0x8D0] =	vst v53  }
0x4f8: {  	v63 =	vor.u32 s24, v35;
	v53 =	vld.idx.msk [tilespmem:v62+s10+$0x0], $0xffff  }
0x4f9: {  	v57 =	vor.u32 s26, v35;
	_ =	sdelay $0x2  }
0x4fa: {  	[tilespmem:s25+$0x860] =	vst v51  }
0x4fb: {  	v51 =	vld.idx.msk [tilespmem:v63+s10+$0x0], $0xffff;
	[tilespmem:s25+$0x8E0] =	vst v53  }
0x4fc: {  	v58 =	vor.u32 s24, v36;
	v53 =	vld.idx.msk [tilespmem:v57+s10+$0x0], $0xffff  }
0x4fd: {  	v59 =	vor.u32 s26, v36;
	_ =	sdelay $0x2  }
0x4fe: {  	[tilespmem:s25+$0x1000] =	vst v51  }
0x4ff: {  	v51 =	vld.idx.msk [tilespmem:v58+s10+$0x0], $0xffff;
	[tilespmem:s25+$0x1080] =	vst v53  }
0x500: {  	v60 =	vor.u32 s24, v37;
	v53 =	vld.idx.msk [tilespmem:v59+s10+$0x0], $0xffff  }
0x501: {  	v61 =	vor.u32 s26, v37;
	_ =	sdelay $0x2  }
0x502: {  	[tilespmem:s25+$0x1010] =	vst v51  }
0x503: {  	v51 =	vld.idx.msk [tilespmem:v60+s10+$0x0], $0xffff;
	[tilespmem:s25+$0x1090] =	vst v53  }
0x504: {  	v62 =	vor.u32 s24, v38;
	v53 =	vld.idx.msk [tilespmem:v61+s10+$0x0], $0xffff  }
0x505: {  	v63 =	vor.u32 s26, v38;
	_ =	sdelay $0x2  }
0x506: {  	[tilespmem:s25+$0x1020] =	vst v51  }
0x507: {  	v51 =	vld.idx.msk [tilespmem:v62+s10+$0x0], $0xffff;
	[tilespmem:s25+$0x10A0] =	vst v53  }
0x508: {  	v57 =	vor.u32 s24, v39;
	v53 =	vld.idx.msk [tilespmem:v63+s10+$0x0], $0xffff  }
0x509: {  	v58 =	vor.u32 s26, v39;
	_ =	sdelay $0x2  }
0x50a: {  	[tilespmem:s25+$0x1030] =	vst v51  }
0x50b: {  	v51 =	vld.idx.msk [tilespmem:v57+s10+$0x0], $0xffff;
	[tilespmem:s25+$0x10B0] =	vst v53  }
0x50c: {  	v59 =	vor.u32 s24, v40;
	v53 =	vld.idx.msk [tilespmem:v58+s10+$0x0], $0xffff  }
0x50d: {  	v60 =	vor.u32 s26, v40;
	_ =	sdelay $0x2  }
0x50e: {  	[tilespmem:s25+$0x1040] =	vst v51  }
0x50f: {  	v51 =	vld.idx.msk [tilespmem:v59+s10+$0x0], $0xffff;
	[tilespmem:s25+$0x10C0] =	vst v53  }
0x510: {  	v61 =	vor.u32 s24, v41;
	v53 =	vld.idx.msk [tilespmem:v60+s10+$0x0], $0xffff  }
0x511: {  	v62 =	vor.u32 s26, v41;
	_ =	sdelay $0x2  }
0x512: {  	[tilespmem:s25+$0x1050] =	vst v51  }
0x513: {  	v51 =	vld.idx.msk [tilespmem:v61+s10+$0x0], $0xffff;
	[tilespmem:s25+$0x10D0] =	vst v53  }
0x514: {  	v63 =	vor.u32 s24, v42;
	v53 =	vld.idx.msk [tilespmem:v62+s10+$0x0], $0xffff  }
0x515: {  	v57 =	vor.u32 s26, v42;
	_ =	sdelay $0x2  }
0x516: {  	[tilespmem:s25+$0x1060] =	vst v51  }
0x517: {  	v51 =	vld.idx.msk [tilespmem:v63+s10+$0x0], $0xffff;
	[tilespmem:s25+$0x10E0] =	vst v53  }
0x518: {  	v58 =	vor.u32 s24, v43;
	v53 =	vld.idx.msk [tilespmem:v57+s10+$0x0], $0xffff  }
0x519: {  	v59 =	vor.u32 s26, v43;
	_ =	sdelay $0x2  }
0x51a: {  	[tilespmem:s25+$0x1800] =	vst v51  }
0x51b: {  	v51 =	vld.idx.msk [tilespmem:v58+s10+$0x0], $0xffff;
	[tilespmem:s25+$0x1880] =	vst v53  }
0x51c: {  	v60 =	vor.u32 s24, v44;
	v53 =	vld.idx.msk [tilespmem:v59+s10+$0x0], $0xffff  }
0x51d: {  	v61 =	vor.u32 s26, v44;
	_ =	sdelay $0x2  }
0x51e: {  	[tilespmem:s25+$0x1810] =	vst v51  }
0x51f: {  	v51 =	vld.idx.msk [tilespmem:v60+s10+$0x0], $0xffff;
	[tilespmem:s25+$0x1890] =	vst v53  }
0x520: {  	v62 =	vor.u32 s24, v45;
	v53 =	vld.idx.msk [tilespmem:v61+s10+$0x0], $0xffff  }
0x521: {  	v63 =	vor.u32 s26, v45;
	_ =	sdelay $0x2  }
0x522: {  	[tilespmem:s25+$0x1820] =	vst v51  }
0x523: {  	v51 =	vld.idx.msk [tilespmem:v62+s10+$0x0], $0xffff;
	[tilespmem:s25+$0x18A0] =	vst v53  }
0x524: {  	v57 =	vor.u32 s24, v46;
	v53 =	vld.idx.msk [tilespmem:v63+s10+$0x0], $0xffff  }
0x525: {  	v58 =	vor.u32 s26, v46;
	_ =	sdelay $0x2  }
0x526: {  	[tilespmem:s25+$0x1830] =	vst v51  }
0x527: {  	v51 =	vld.idx.msk [tilespmem:v57+s10+$0x0], $0xffff;
	[tilespmem:s25+$0x18B0] =	vst v53  }
0x528: {  	v59 =	vor.u32 s24, v47;
	v53 =	vld.idx.msk [tilespmem:v58+s10+$0x0], $0xffff  }
0x529: {  	v60 =	vor.u32 s26, v47;
	_ =	sdelay $0x2  }
0x52a: {  	[tilespmem:s25+$0x1840] =	vst v51  }
0x52b: {  	v51 =	vld.idx.msk [tilespmem:v59+s10+$0x0], $0xffff;
	[tilespmem:s25+$0x18C0] =	vst v53  }
0x52c: {  	v61 =	vor.u32 s24, v48;
	v53 =	vld.idx.msk [tilespmem:v60+s10+$0x0], $0xffff  }
0x52d: {  	v62 =	vor.u32 s26, v48;
	_ =	sdelay $0x2  }
0x52e: {  	[tilespmem:s25+$0x1850] =	vst v51  }
0x52f: {  	v51 =	vld.idx.msk [tilespmem:v61+s10+$0x0], $0xffff;
	[tilespmem:s25+$0x18D0] =	vst v53  }
0x530: {  	s20 =	smul.u32 $0x2A0000, s22;
	v63 =	vld.idx.msk [tilespmem:v62+s10+$0x0], $0xffff  }
0x531: {  	s28 =	smul.u32 $0x3800, s28  }
0x532: {  	[tilespmem:s23+$0x1860] =	vst v49  }
0x533: {  	[tilespmem:s23+$0x18E0] =	vst v50;
	s22 =	sadd.s32 s28, s20  }
0x534: {  	s22 =	sshrl.u32 s22, $0x3;
	[tilespmem:s25+$0x1860] =	vst v51  }
0x535: {  	s29 =	simm.s32 $0x0;
	s30 =	simm.s32 $0x0;
	s22 =	sadd.s32 s4, s22;
	[tilespmem:s25+$0x18E0] =	vst v63  }
0x536: {  	[hbm4b:s22+s29] =	stream.linear.scatter [tilespmem:s13], [sflag:$0x3], $0x3800, $0x38;
	[tilespmem:$0x17000] =	vst v63  }
0x537: {  	s21 =	sadd.s32 s21, s7;
	s31 =	simm.s32 $0x1000;
	v54 =	vor.u32 s30, v0  }
0x538: {  	[tilespmem:s10], [sflag:$0x2] =	stream.linear.gather [hbm4b:s21+s29], $0x8000, $0x38;
	[tilespmem:$0x17000] =	vst v63  }
0x539: {  	v55 =	vor.u32 s31, v0;
	_ =	swait.ge [sflag:s11], $0x8000  }
0x53a: {  	[sflag:s11] =	ssyncset.done $0x0  }
0x53b: {  	[sflag:s11] =	ssyncadd.s32 $0xFFFF8000  }
0x53c: {  	v49 =	vld.idx.msk [tilespmem:v54+s5+$0x0], $0xffff  }
0x53d: {  	v56 =	vor.u32 s30, v1  }
0x53e: {  	v50 =	vld.idx.msk [tilespmem:v55+s5+$0x0], $0xffff  }
0x53f: {  	v57 =	vor.u32 s31, v1  }
0x540: {  	s21 =	simm.s32 $0x15080  }
0x541: {  	[tilespmem:s21+$0xFFFFE780] =	vst v49  }
0x542: {  	v49 =	vld.idx.msk [tilespmem:v56+s5+$0x0], $0xffff  }
0x543: {  	v58 =	vor.u32 s30, v2;
	[tilespmem:s21+$0xFFFFE800] =	vst v50  }
0x544: {  	v59 =	vld.idx.msk [tilespmem:v57+s5+$0x0], $0xffff  }
0x545: {  	v60 =	vor.u32 s31, v2;
	_ =	sdelay $0x1  }
0x546: {  	[tilespmem:s21+$0xFFFFE790] =	vst v49  }
0x547: {  	v49 =	vld.idx.msk [tilespmem:v58+s5+$0x0], $0xffff  }
0x548: {  	v61 =	vor.u32 s30, v3;
	[tilespmem:s21+$0xFFFFE810] =	vst v59  }
0x549: {  	v51 =	vld.idx.msk [tilespmem:v60+s5+$0x0], $0xffff  }
0x54a: {  	v62 =	vor.u32 s31, v3;
	_ =	sdelay $0x1  }
0x54b: {  	[tilespmem:s21+$0xFFFFE7A0] =	vst v49  }
0x54c: {  	v49 =	vld.idx.msk [tilespmem:v61+s5+$0x0], $0xffff  }
0x54d: {  	v63 =	vor.u32 s30, v4;
	[tilespmem:s21+$0xFFFFE820] =	vst v51  }
0x54e: {  	v51 =	vld.idx.msk [tilespmem:v62+s5+$0x0], $0xffff  }
0x54f: {  	v56 =	vor.u32 s31, v4;
	_ =	sdelay $0x1  }
0x550: {  	[tilespmem:s21+$0xFFFFE7B0] =	vst v49  }
0x551: {  	v49 =	vld.idx.msk [tilespmem:v63+s5+$0x0], $0xffff  }
0x552: {  	v57 =	vor.u32 s30, v5;
	[tilespmem:s21+$0xFFFFE830] =	vst v51  }
0x553: {  	v51 =	vld.idx.msk [tilespmem:v56+s5+$0x0], $0xffff  }
0x554: {  	v58 =	vor.u32 s31, v5;
	_ =	sdelay $0x1  }
0x555: {  	[tilespmem:s21+$0xFFFFE7C0] =	vst v49  }
0x556: {  	v49 =	vld.idx.msk [tilespmem:v57+s5+$0x0], $0xffff  }
0x557: {  	v59 =	vor.u32 s30, v6;
	[tilespmem:s21+$0xFFFFE840] =	vst v51  }
0x558: {  	v51 =	vld.idx.msk [tilespmem:v58+s5+$0x0], $0xffff  }
0x559: {  	v60 =	vor.u32 s31, v6;
	_ =	sdelay $0x1  }
0x55a: {  	[tilespmem:s21+$0xFFFFE7D0] =	vst v49  }
0x55b: {  	v49 =	vld.idx.msk [tilespmem:v59+s5+$0x0], $0xffff  }
0x55c: {  	v61 =	vor.u32 s30, v7;
	[tilespmem:s21+$0xFFFFE850] =	vst v51  }
0x55d: {  	v51 =	vld.idx.msk [tilespmem:v60+s5+$0x0], $0xffff  }
0x55e: {  	v62 =	vor.u32 s31, v7;
	_ =	sdelay $0x1  }
0x55f: {  	[tilespmem:s21+$0xFFFFE7E0] =	vst v49  }
0x560: {  	v49 =	vld.idx.msk [tilespmem:v61+s5+$0x0], $0xffff  }
0x561: {  	v63 =	vor.u32 s30, v8;
	[tilespmem:s21+$0xFFFFE860] =	vst v51  }
0x562: {  	v51 =	vld.idx.msk [tilespmem:v62+s5+$0x0], $0xffff  }
0x563: {  	v56 =	vor.u32 s31, v8;
	_ =	sdelay $0x1  }
0x564: {  	[tilespmem:s21+$0xFFFFEF80] =	vst v49  }
0x565: {  	v49 =	vld.idx.msk [tilespmem:v63+s5+$0x0], $0xffff  }
0x566: {  	v57 =	vor.u32 s30, v9;
	[tilespmem:s21+$0xFFFFF000] =	vst v51  }
0x567: {  	v51 =	vld.idx.msk [tilespmem:v56+s5+$0x0], $0xffff  }
0x568: {  	v58 =	vor.u32 s31, v9;
	_ =	sdelay $0x1  }
0x569: {  	[tilespmem:s21+$0xFFFFEF90] =	vst v49  }
0x56a: {  	v49 =	vld.idx.msk [tilespmem:v57+s5+$0x0], $0xffff  }
0x56b: {  	v59 =	vor.u32 s30, v10;
	[tilespmem:s21+$0xFFFFF010] =	vst v51  }
0x56c: {  	v51 =	vld.idx.msk [tilespmem:v58+s5+$0x0], $0xffff  }
0x56d: {  	v60 =	vor.u32 s31, v10;
	_ =	sdelay $0x1  }
0x56e: {  	[tilespmem:s21+$0xFFFFEFA0] =	vst v49  }
0x56f: {  	v49 =	vld.idx.msk [tilespmem:v59+s5+$0x0], $0xffff  }
0x570: {  	v61 =	vor.u32 s30, v11;
	[tilespmem:s21+$0xFFFFF020] =	vst v51  }
0x571: {  	v51 =	vld.idx.msk [tilespmem:v60+s5+$0x0], $0xffff  }
0x572: {  	v62 =	vor.u32 s31, v11;
	_ =	sdelay $0x1  }
0x573: {  	[tilespmem:s21+$0xFFFFEFB0] =	vst v49  }
0x574: {  	v49 =	vld.idx.msk [tilespmem:v61+s5+$0x0], $0xffff  }
0x575: {  	v63 =	vor.u32 s30, v12;
	[tilespmem:s21+$0xFFFFF030] =	vst v51  }
0x576: {  	v51 =	vld.idx.msk [tilespmem:v62+s5+$0x0], $0xffff  }
0x577: {  	v56 =	vor.u32 s31, v12;
	_ =	sdelay $0x1  }
0x578: {  	[tilespmem:s21+$0xFFFFEFC0] =	vst v49  }
0x579: {  	v49 =	vld.idx.msk [tilespmem:v63+s5+$0x0], $0xffff  }
0x57a: {  	v57 =	vor.u32 s30, v13;
	[tilespmem:s21+$0xFFFFF040] =	vst v51  }
0x57b: {  	v51 =	vld.idx.msk [tilespmem:v56+s5+$0x0], $0xffff  }
0x57c: {  	v58 =	vor.u32 s31, v13;
	_ =	sdelay $0x1  }
0x57d: {  	[tilespmem:s21+$0xFFFFEFD0] =	vst v49  }
0x57e: {  	v49 =	vld.idx.msk [tilespmem:v57+s5+$0x0], $0xffff  }
0x57f: {  	v59 =	vor.u32 s30, v14;
	[tilespmem:s21+$0xFFFFF050] =	vst v51  }
0x580: {  	v51 =	vld.idx.msk [tilespmem:v58+s5+$0x0], $0xffff  }
0x581: {  	v60 =	vor.u32 s31, v14;
	_ =	sdelay $0x1  }
0x582: {  	[tilespmem:s21+$0xFFFFEFE0] =	vst v49  }
0x583: {  	v49 =	vld.idx.msk [tilespmem:v59+s5+$0x0], $0xffff  }
0x584: {  	v61 =	vor.u32 s30, v15;
	[tilespmem:s21+$0xFFFFF060] =	vst v51  }
0x585: {  	v51 =	vld.idx.msk [tilespmem:v60+s5+$0x0], $0xffff  }
0x586: {  	v62 =	vor.u32 s31, v15;
	_ =	sdelay $0x1  }
0x587: {  	[tilespmem:s21+$0xFFFFF780] =	vst v49  }
0x588: {  	v49 =	vld.idx.msk [tilespmem:v61+s5+$0x0], $0xffff  }
0x589: {  	v63 =	vor.u32 s30, v16;
	[tilespmem:s21+$0xFFFFF800] =	vst v51  }
0x58a: {  	v51 =	vld.idx.msk [tilespmem:v62+s5+$0x0], $0xffff  }
0x58b: {  	v56 =	vor.u32 s31, v16;
	_ =	sdelay $0x1  }
0x58c: {  	[tilespmem:s21+$0xFFFFF790] =	vst v49  }
0x58d: {  	v49 =	vld.idx.msk [tilespmem:v63+s5+$0x0], $0xffff  }
0x58e: {  	v57 =	vor.u32 s30, v17;
	[tilespmem:s21+$0xFFFFF810] =	vst v51  }
0x58f: {  	v51 =	vld.idx.msk [tilespmem:v56+s5+$0x0], $0xffff  }
0x590: {  	v58 =	vor.u32 s31, v17;
	_ =	sdelay $0x1  }
0x591: {  	[tilespmem:s21+$0xFFFFF7A0] =	vst v49  }
0x592: {  	v49 =	vld.idx.msk [tilespmem:v57+s5+$0x0], $0xffff  }
0x593: {  	v59 =	vor.u32 s30, v18;
	[tilespmem:s21+$0xFFFFF820] =	vst v51  }
0x594: {  	v51 =	vld.idx.msk [tilespmem:v58+s5+$0x0], $0xffff  }
0x595: {  	v60 =	vor.u32 s31, v18;
	_ =	sdelay $0x1  }
0x596: {  	[tilespmem:s21+$0xFFFFF7B0] =	vst v49  }
0x597: {  	v49 =	vld.idx.msk [tilespmem:v59+s5+$0x0], $0xffff  }
0x598: {  	v61 =	vor.u32 s30, v19;
	[tilespmem:s21+$0xFFFFF830] =	vst v51  }
0x599: {  	v51 =	vld.idx.msk [tilespmem:v60+s5+$0x0], $0xffff  }
0x59a: {  	v62 =	vor.u32 s31, v19;
	_ =	sdelay $0x1  }
0x59b: {  	[tilespmem:s21+$0xFFFFF7C0] =	vst v49  }
0x59c: {  	v49 =	vld.idx.msk [tilespmem:v61+s5+$0x0], $0xffff  }
0x59d: {  	v63 =	vor.u32 s30, v20;
	[tilespmem:s21+$0xFFFFF840] =	vst v51  }
0x59e: {  	v51 =	vld.idx.msk [tilespmem:v62+s5+$0x0], $0xffff  }
0x59f: {  	v56 =	vor.u32 s31, v20;
	_ =	sdelay $0x1  }
0x5a0: {  	[tilespmem:s21+$0xFFFFF7D0] =	vst v49  }
0x5a1: {  	v49 =	vld.idx.msk [tilespmem:v63+s5+$0x0], $0xffff  }
0x5a2: {  	v57 =	vor.u32 s30, v21;
	[tilespmem:s21+$0xFFFFF850] =	vst v51  }
0x5a3: {  	v51 =	vld.idx.msk [tilespmem:v56+s5+$0x0], $0xffff  }
0x5a4: {  	v58 =	vor.u32 s31, v21;
	_ =	sdelay $0x1  }
0x5a5: {  	[tilespmem:s21+$0xFFFFF7E0] =	vst v49  }
0x5a6: {  	v49 =	vld.idx.msk [tilespmem:v57+s5+$0x0], $0xffff  }
0x5a7: {  	v59 =	vor.u32 s30, v22;
	[tilespmem:s21+$0xFFFFF860] =	vst v51  }
0x5a8: {  	v51 =	vld.idx.msk [tilespmem:v58+s5+$0x0], $0xffff  }
0x5a9: {  	v60 =	vor.u32 s31, v22;
	_ =	sdelay $0x1  }
0x5aa: {  	[tilespmem:s21+$0xFFFFFF80] =	vst v49  }
0x5ab: {  	v49 =	vld.idx.msk [tilespmem:v59+s5+$0x0], $0xffff  }
0x5ac: {  	v61 =	vor.u32 s30, v23;
	[tilespmem:s21+$0x0] =	vst v51  }
0x5ad: {  	v51 =	vld.idx.msk [tilespmem:v60+s5+$0x0], $0xffff  }
0x5ae: {  	v62 =	vor.u32 s31, v23;
	_ =	sdelay $0x1  }
0x5af: {  	[tilespmem:s21+$0xFFFFFF90] =	vst v49  }
0x5b0: {  	v49 =	vld.idx.msk [tilespmem:v61+s5+$0x0], $0xffff  }
0x5b1: {  	v63 =	vor.u32 s30, v24;
	[tilespmem:s21+$0x10] =	vst v51  }
0x5b2: {  	v51 =	vld.idx.msk [tilespmem:v62+s5+$0x0], $0xffff  }
0x5b3: {  	v56 =	vor.u32 s31, v24;
	_ =	sdelay $0x1  }
0x5b4: {  	s23 =	simm.s32 $0x2000;
	[tilespmem:s21+$0xFFFFFFA0] =	vst v49  }
0x5b5: {  	v57 =	vor.u32 s23, v0;
	v49 =	vld.idx.msk [tilespmem:v63+s5+$0x0], $0xffff  }
0x5b6: {  	s24 =	simm.s32 $0x3000;
	v58 =	vor.u32 s30, v25;
	[tilespmem:s21+$0x20] =	vst v51  }
0x5b7: {  	v59 =	vor.u32 s24, v0;
	v51 =	vld.idx.msk [tilespmem:v56+s5+$0x0], $0xffff  }
0x5b8: {  	v60 =	vor.u32 s31, v25;
	_ =	sdelay $0x1  }
0x5b9: {  	v53 =	vld.idx.msk [tilespmem:v57+s5+$0x0], $0xffff;
	[tilespmem:s21+$0xFFFFFFB0] =	vst v49  }
0x5ba: {  	v55 =	vor.u32 s23, v1;
	v49 =	vld.idx.msk [tilespmem:v58+s5+$0x0], $0xffff  }
0x5bb: {  	v50 =	vld.idx.msk [tilespmem:v59+s5+$0x0], $0xffff;
	v61 =	vor.u32 s30, v26;
	[tilespmem:s21+$0x30] =	vst v51  }
0x5bc: {  	v63 =	vor.u32 s24, v1;
	v62 =	vld.idx.msk [tilespmem:v60+s5+$0x0], $0xffff  }
0x5bd: {  	s22 =	simm.s32 $0x15180;
	v60 =	vor.u32 s31, v26  }
0x5be: {  	[tilespmem:s22+$0xFFFFE780] =	vst v53  }
0x5bf: {  	v55 =	vld.idx.msk [tilespmem:v55+s5+$0x0], $0xffff;
	[tilespmem:s21+$0xFFFFFFC0] =	vst v49  }
0x5c0: {  	[tilespmem:s22+$0xFFFFE800] =	vst v50;
	v56 =	vor.u32 s23, v2;
	v49 =	vld.idx.msk [tilespmem:v61+s5+$0x0], $0xffff  }
0x5c1: {  	v50 =	vld.idx.msk [tilespmem:v63+s5+$0x0], $0xffff;
	[tilespmem:s21+$0x40] =	vst v62;
	v61 =	vor.u32 s30, v27  }
0x5c2: {  	v62 =	vor.u32 s24, v2;
	v52 =	vld.idx.msk [tilespmem:v60+s5+$0x0], $0xffff  }
0x5c3: {  	v63 =	vor.u32 s31, v27  }
0x5c4: {  	[tilespmem:s22+$0xFFFFE790] =	vst v55  }
0x5c5: {  	v55 =	vld.idx.msk [tilespmem:v56+s5+$0x0], $0xffff;
	[tilespmem:s21+$0xFFFFFFD0] =	vst v49  }
0x5c6: {  	[tilespmem:s22+$0xFFFFE810] =	vst v50;
	v60 =	vor.u32 s23, v3;
	v49 =	vld.idx.msk [tilespmem:v61+s5+$0x0], $0xffff  }
0x5c7: {  	v50 =	vld.idx.msk [tilespmem:v62+s5+$0x0], $0xffff;
	[tilespmem:s21+$0x50] =	vst v52;
	v61 =	vor.u32 s30, v28  }
0x5c8: {  	v62 =	vor.u32 s24, v3;
	v52 =	vld.idx.msk [tilespmem:v63+s5+$0x0], $0xffff  }
0x5c9: {  	v63 =	vor.u32 s31, v28  }
0x5ca: {  	[tilespmem:s22+$0xFFFFE7A0] =	vst v55  }
0x5cb: {  	v55 =	vld.idx.msk [tilespmem:v60+s5+$0x0], $0xffff;
	[tilespmem:s21+$0xFFFFFFE0] =	vst v49  }
0x5cc: {  	v60 =	vor.u32 s23, v4;
	[tilespmem:s22+$0xFFFFE820] =	vst v50;
	v49 =	vld.idx.msk [tilespmem:v61+s5+$0x0], $0xffff  }
0x5cd: {  	v50 =	vld.idx.msk [tilespmem:v62+s5+$0x0], $0xffff;
	[tilespmem:s21+$0x60] =	vst v52;
	v61 =	vor.u32 s30, v29  }
0x5ce: {  	v62 =	vor.u32 s24, v4;
	v52 =	vld.idx.msk [tilespmem:v63+s5+$0x0], $0xffff  }
0x5cf: {  	v63 =	vor.u32 s31, v29  }
0x5d0: {  	[tilespmem:s22+$0xFFFFE7B0] =	vst v55  }
0x5d1: {  	v55 =	vld.idx.msk [tilespmem:v60+s5+$0x0], $0xffff;
	[tilespmem:s21+$0x780] =	vst v49  }
0x5d2: {  	v60 =	vor.u32 s23, v5;
	[tilespmem:s22+$0xFFFFE830] =	vst v50;
	v49 =	vld.idx.msk [tilespmem:v61+s5+$0x0], $0xffff  }
0x5d3: {  	v50 =	vld.idx.msk [tilespmem:v62+s5+$0x0], $0xffff;
	[tilespmem:s21+$0x800] =	vst v52;
	v61 =	vor.u32 s30, v30  }
0x5d4: {  	v62 =	vor.u32 s24, v5;
	v52 =	vld.idx.msk [tilespmem:v63+s5+$0x0], $0xffff  }
0x5d5: {  	v63 =	vor.u32 s31, v30  }
0x5d6: {  	[tilespmem:s22+$0xFFFFE7C0] =	vst v55  }
0x5d7: {  	v55 =	vld.idx.msk [tilespmem:v60+s5+$0x0], $0xffff;
	[tilespmem:s21+$0x790] =	vst v49  }
0x5d8: {  	v60 =	vor.u32 s23, v6;
	[tilespmem:s22+$0xFFFFE840] =	vst v50;
	v49 =	vld.idx.msk [tilespmem:v61+s5+$0x0], $0xffff  }
0x5d9: {  	v50 =	vld.idx.msk [tilespmem:v62+s5+$0x0], $0xffff;
	[tilespmem:s21+$0x810] =	vst v52;
	v61 =	vor.u32 s30, v31  }
0x5da: {  	v62 =	vor.u32 s24, v6;
	v52 =	vld.idx.msk [tilespmem:v63+s5+$0x0], $0xffff  }
0x5db: {  	v63 =	vor.u32 s31, v31  }
0x5dc: {  	[tilespmem:s22+$0xFFFFE7D0] =	vst v55  }
0x5dd: {  	v55 =	vld.idx.msk [tilespmem:v60+s5+$0x0], $0xffff;
	[tilespmem:s21+$0x7A0] =	vst v49  }
0x5de: {  	v60 =	vor.u32 s23, v7;
	[tilespmem:s22+$0xFFFFE850] =	vst v50;
	v49 =	vld.idx.msk [tilespmem:v61+s5+$0x0], $0xffff  }
0x5df: {  	v50 =	vld.idx.msk [tilespmem:v62+s5+$0x0], $0xffff;
	[tilespmem:s21+$0x820] =	vst v52;
	v61 =	vor.u32 s30, v32  }
0x5e0: {  	v62 =	vor.u32 s24, v7;
	v52 =	vld.idx.msk [tilespmem:v63+s5+$0x0], $0xffff  }
0x5e1: {  	v63 =	vor.u32 s31, v32  }
0x5e2: {  	[tilespmem:s22+$0xFFFFE7E0] =	vst v55  }
0x5e3: {  	v55 =	vld.idx.msk [tilespmem:v60+s5+$0x0], $0xffff;
	[tilespmem:s21+$0x7B0] =	vst v49  }
0x5e4: {  	v60 =	vor.u32 s23, v8;
	[tilespmem:s22+$0xFFFFE860] =	vst v50;
	v49 =	vld.idx.msk [tilespmem:v61+s5+$0x0], $0xffff  }
0x5e5: {  	v50 =	vld.idx.msk [tilespmem:v62+s5+$0x0], $0xffff;
	[tilespmem:s21+$0x830] =	vst v52;
	v61 =	vor.u32 s30, v33  }
0x5e6: {  	v62 =	vor.u32 s24, v8;
	v52 =	vld.idx.msk [tilespmem:v63+s5+$0x0], $0xffff  }
0x5e7: {  	v63 =	vor.u32 s31, v33  }
0x5e8: {  	[tilespmem:s22+$0xFFFFEF80] =	vst v55  }
0x5e9: {  	v55 =	vld.idx.msk [tilespmem:v60+s5+$0x0], $0xffff;
	[tilespmem:s21+$0x7C0] =	vst v49  }
0x5ea: {  	v60 =	vor.u32 s23, v9;
	[tilespmem:s22+$0xFFFFF000] =	vst v50;
	v49 =	vld.idx.msk [tilespmem:v61+s5+$0x0], $0xffff  }
0x5eb: {  	v50 =	vld.idx.msk [tilespmem:v62+s5+$0x0], $0xffff;
	[tilespmem:s21+$0x840] =	vst v52;
	v61 =	vor.u32 s30, v34  }
0x5ec: {  	v62 =	vor.u32 s24, v9;
	v52 =	vld.idx.msk [tilespmem:v63+s5+$0x0], $0xffff  }
0x5ed: {  	v63 =	vor.u32 s31, v34  }
0x5ee: {  	[tilespmem:s22+$0xFFFFEF90] =	vst v55  }
0x5ef: {  	v55 =	vld.idx.msk [tilespmem:v60+s5+$0x0], $0xffff;
	[tilespmem:s21+$0x7D0] =	vst v49  }
0x5f0: {  	v60 =	vor.u32 s23, v10;
	[tilespmem:s22+$0xFFFFF010] =	vst v50;
	v49 =	vld.idx.msk [tilespmem:v61+s5+$0x0], $0xffff  }
0x5f1: {  	v50 =	vld.idx.msk [tilespmem:v62+s5+$0x0], $0xffff;
	[tilespmem:s21+$0x850] =	vst v52;
	v61 =	vor.u32 s30, v35  }
0x5f2: {  	v62 =	vor.u32 s24, v10;
	v52 =	vld.idx.msk [tilespmem:v63+s5+$0x0], $0xffff  }
0x5f3: {  	v63 =	vor.u32 s31, v35  }
0x5f4: {  	[tilespmem:s22+$0xFFFFEFA0] =	vst v55  }
0x5f5: {  	v55 =	vld.idx.msk [tilespmem:v60+s5+$0x0], $0xffff;
	[tilespmem:s21+$0x7E0] =	vst v49  }
0x5f6: {  	v60 =	vor.u32 s23, v11;
	[tilespmem:s22+$0xFFFFF020] =	vst v50;
	v49 =	vld.idx.msk [tilespmem:v61+s5+$0x0], $0xffff  }
0x5f7: {  	v50 =	vld.idx.msk [tilespmem:v62+s5+$0x0], $0xffff;
	[tilespmem:s21+$0x860] =	vst v52;
	v61 =	vor.u32 s30, v36  }
0x5f8: {  	v62 =	vor.u32 s24, v11;
	v52 =	vld.idx.msk [tilespmem:v63+s5+$0x0], $0xffff  }
0x5f9: {  	v63 =	vor.u32 s31, v36  }
0x5fa: {  	[tilespmem:s22+$0xFFFFEFB0] =	vst v55  }
0x5fb: {  	v55 =	vld.idx.msk [tilespmem:v60+s5+$0x0], $0xffff;
	[tilespmem:s21+$0xF80] =	vst v49  }
0x5fc: {  	v60 =	vor.u32 s23, v12;
	[tilespmem:s22+$0xFFFFF030] =	vst v50;
	v49 =	vld.idx.msk [tilespmem:v61+s5+$0x0], $0xffff  }
0x5fd: {  	v50 =	vld.idx.msk [tilespmem:v62+s5+$0x0], $0xffff;
	[tilespmem:s21+$0x1000] =	vst v52;
	v61 =	vor.u32 s30, v37  }
0x5fe: {  	v62 =	vor.u32 s24, v12;
	v52 =	vld.idx.msk [tilespmem:v63+s5+$0x0], $0xffff  }
0x5ff: {  	v63 =	vor.u32 s31, v37  }
0x600: {  	[tilespmem:s22+$0xFFFFEFC0] =	vst v55  }
0x601: {  	v55 =	vld.idx.msk [tilespmem:v60+s5+$0x0], $0xffff;
	[tilespmem:s21+$0xF90] =	vst v49  }
0x602: {  	v60 =	vor.u32 s23, v13;
	[tilespmem:s22+$0xFFFFF040] =	vst v50;
	v49 =	vld.idx.msk [tilespmem:v61+s5+$0x0], $0xffff  }
0x603: {  	v50 =	vld.idx.msk [tilespmem:v62+s5+$0x0], $0xffff;
	[tilespmem:s21+$0x1010] =	vst v52;
	v61 =	vor.u32 s30, v38  }
0x604: {  	v62 =	vor.u32 s24, v13;
	v52 =	vld.idx.msk [tilespmem:v63+s5+$0x0], $0xffff  }
0x605: {  	v63 =	vor.u32 s31, v38  }
0x606: {  	[tilespmem:s22+$0xFFFFEFD0] =	vst v55  }
0x607: {  	v55 =	vld.idx.msk [tilespmem:v60+s5+$0x0], $0xffff;
	[tilespmem:s21+$0xFA0] =	vst v49  }
0x608: {  	v60 =	vor.u32 s23, v14;
	[tilespmem:s22+$0xFFFFF050] =	vst v50;
	v49 =	vld.idx.msk [tilespmem:v61+s5+$0x0], $0xffff  }
0x609: {  	v50 =	vld.idx.msk [tilespmem:v62+s5+$0x0], $0xffff;
	[tilespmem:s21+$0x1020] =	vst v52;
	v61 =	vor.u32 s30, v39  }
0x60a: {  	v62 =	vor.u32 s24, v14;
	v52 =	vld.idx.msk [tilespmem:v63+s5+$0x0], $0xffff  }
0x60b: {  	v63 =	vor.u32 s31, v39  }
0x60c: {  	[tilespmem:s22+$0xFFFFEFE0] =	vst v55  }
0x60d: {  	v55 =	vld.idx.msk [tilespmem:v60+s5+$0x0], $0xffff;
	[tilespmem:s21+$0xFB0] =	vst v49  }
0x60e: {  	v60 =	vor.u32 s23, v15;
	[tilespmem:s22+$0xFFFFF060] =	vst v50;
	v49 =	vld.idx.msk [tilespmem:v61+s5+$0x0], $0xffff  }
0x60f: {  	v50 =	vld.idx.msk [tilespmem:v62+s5+$0x0], $0xffff;
	[tilespmem:s21+$0x1030] =	vst v52;
	v61 =	vor.u32 s30, v40  }
0x610: {  	v62 =	vor.u32 s24, v15;
	v52 =	vld.idx.msk [tilespmem:v63+s5+$0x0], $0xffff  }
0x611: {  	v63 =	vor.u32 s31, v40  }
0x612: {  	[tilespmem:s22+$0xFFFFF780] =	vst v55  }
0x613: {  	v55 =	vld.idx.msk [tilespmem:v60+s5+$0x0], $0xffff;
	[tilespmem:s21+$0xFC0] =	vst v49  }
0x614: {  	v60 =	vor.u32 s23, v16;
	[tilespmem:s22+$0xFFFFF800] =	vst v50;
	v49 =	vld.idx.msk [tilespmem:v61+s5+$0x0], $0xffff  }
0x615: {  	v50 =	vld.idx.msk [tilespmem:v62+s5+$0x0], $0xffff;
	[tilespmem:s21+$0x1040] =	vst v52;
	v61 =	vor.u32 s30, v41  }
0x616: {  	v62 =	vor.u32 s24, v16;
	v52 =	vld.idx.msk [tilespmem:v63+s5+$0x0], $0xffff  }
0x617: {  	v63 =	vor.u32 s31, v41  }
0x618: {  	[tilespmem:s22+$0xFFFFF790] =	vst v55  }
0x619: {  	v55 =	vld.idx.msk [tilespmem:v60+s5+$0x0], $0xffff;
	[tilespmem:s21+$0xFD0] =	vst v49  }
0x61a: {  	v60 =	vor.u32 s23, v17;
	[tilespmem:s22+$0xFFFFF810] =	vst v50;
	v49 =	vld.idx.msk [tilespmem:v61+s5+$0x0], $0xffff  }
0x61b: {  	v50 =	vld.idx.msk [tilespmem:v62+s5+$0x0], $0xffff;
	[tilespmem:s21+$0x1050] =	vst v52;
	v61 =	vor.u32 s30, v42  }
0x61c: {  	v62 =	vor.u32 s24, v17;
	v52 =	vld.idx.msk [tilespmem:v63+s5+$0x0], $0xffff  }
0x61d: {  	v63 =	vor.u32 s31, v42  }
0x61e: {  	[tilespmem:s22+$0xFFFFF7A0] =	vst v55  }
0x61f: {  	v55 =	vld.idx.msk [tilespmem:v60+s5+$0x0], $0xffff;
	[tilespmem:s21+$0xFE0] =	vst v49  }
0x620: {  	v60 =	vor.u32 s23, v18;
	[tilespmem:s22+$0xFFFFF820] =	vst v50;
	v49 =	vld.idx.msk [tilespmem:v61+s5+$0x0], $0xffff  }
0x621: {  	v50 =	vld.idx.msk [tilespmem:v62+s5+$0x0], $0xffff;
	[tilespmem:s21+$0x1060] =	vst v52;
	v61 =	vor.u32 s30, v43  }
0x622: {  	v62 =	vor.u32 s24, v18;
	v52 =	vld.idx.msk [tilespmem:v63+s5+$0x0], $0xffff  }
0x623: {  	v63 =	vor.u32 s31, v43  }
0x624: {  	[tilespmem:s22+$0xFFFFF7B0] =	vst v55  }
0x625: {  	v55 =	vld.idx.msk [tilespmem:v60+s5+$0x0], $0xffff;
	[tilespmem:s21+$0x1780] =	vst v49  }
0x626: {  	v60 =	vor.u32 s23, v19;
	[tilespmem:s22+$0xFFFFF830] =	vst v50;
	v49 =	vld.idx.msk [tilespmem:v61+s5+$0x0], $0xffff  }
0x627: {  	v50 =	vld.idx.msk [tilespmem:v62+s5+$0x0], $0xffff;
	[tilespmem:s21+$0x1800] =	vst v52;
	v61 =	vor.u32 s30, v44  }
0x628: {  	v62 =	vor.u32 s24, v19;
	v52 =	vld.idx.msk [tilespmem:v63+s5+$0x0], $0xffff  }
0x629: {  	v63 =	vor.u32 s31, v44  }
0x62a: {  	[tilespmem:s22+$0xFFFFF7C0] =	vst v55  }
0x62b: {  	v55 =	vld.idx.msk [tilespmem:v60+s5+$0x0], $0xffff;
	[tilespmem:s21+$0x1790] =	vst v49  }
0x62c: {  	v60 =	vor.u32 s23, v20;
	[tilespmem:s22+$0xFFFFF840] =	vst v50;
	v49 =	vld.idx.msk [tilespmem:v61+s5+$0x0], $0xffff  }
0x62d: {  	v50 =	vld.idx.msk [tilespmem:v62+s5+$0x0], $0xffff;
	[tilespmem:s21+$0x1810] =	vst v52;
	v61 =	vor.u32 s30, v45  }
0x62e: {  	v62 =	vor.u32 s24, v20;
	v52 =	vld.idx.msk [tilespmem:v63+s5+$0x0], $0xffff  }
0x62f: {  	v63 =	vor.u32 s31, v45  }
0x630: {  	[tilespmem:s22+$0xFFFFF7D0] =	vst v55  }
0x631: {  	v55 =	vld.idx.msk [tilespmem:v60+s5+$0x0], $0xffff;
	[tilespmem:s21+$0x17A0] =	vst v49  }
0x632: {  	v60 =	vor.u32 s23, v21;
	[tilespmem:s22+$0xFFFFF850] =	vst v50;
	v49 =	vld.idx.msk [tilespmem:v61+s5+$0x0], $0xffff  }
0x633: {  	v50 =	vld.idx.msk [tilespmem:v62+s5+$0x0], $0xffff;
	[tilespmem:s21+$0x1820] =	vst v52;
	v61 =	vor.u32 s30, v46  }
0x634: {  	v62 =	vor.u32 s24, v21;
	v52 =	vld.idx.msk [tilespmem:v63+s5+$0x0], $0xffff  }
0x635: {  	v63 =	vor.u32 s31, v46  }
0x636: {  	[tilespmem:s22+$0xFFFFF7E0] =	vst v55  }
0x637: {  	v55 =	vld.idx.msk [tilespmem:v60+s5+$0x0], $0xffff;
	[tilespmem:s21+$0x17B0] =	vst v49  }
0x638: {  	v60 =	vor.u32 s23, v22;
	[tilespmem:s22+$0xFFFFF860] =	vst v50;
	v49 =	vld.idx.msk [tilespmem:v61+s5+$0x0], $0xffff  }
0x639: {  	v50 =	vld.idx.msk [tilespmem:v62+s5+$0x0], $0xffff;
	[tilespmem:s21+$0x1830] =	vst v52;
	v61 =	vor.u32 s30, v47  }
0x63a: {  	v62 =	vor.u32 s24, v22;
	v52 =	vld.idx.msk [tilespmem:v63+s5+$0x0], $0xffff  }
0x63b: {  	v63 =	vor.u32 s31, v47  }
0x63c: {  	[tilespmem:s22+$0xFFFFFF80] =	vst v55  }
0x63d: {  	v55 =	vld.idx.msk [tilespmem:v60+s5+$0x0], $0xffff;
	[tilespmem:s21+$0x17C0] =	vst v49  }
0x63e: {  	v60 =	vor.u32 s23, v23;
	[tilespmem:s22+$0x0] =	vst v50;
	v49 =	vld.idx.msk [tilespmem:v61+s5+$0x0], $0xffff  }
0x63f: {  	v50 =	vld.idx.msk [tilespmem:v62+s5+$0x0], $0xffff;
	[tilespmem:s21+$0x1840] =	vst v52;
	v61 =	vor.u32 s30, v48  }
0x640: {  	v62 =	vor.u32 s24, v23;
	v52 =	vld.idx.msk [tilespmem:v63+s5+$0x0], $0xffff  }
0x641: {  	v63 =	vor.u32 s31, v48  }
0x642: {  	[tilespmem:s22+$0xFFFFFF90] =	vst v55  }
0x643: {  	v55 =	vld.idx.msk [tilespmem:v60+s5+$0x0], $0xffff;
	[tilespmem:s21+$0x17D0] =	vst v49  }
0x644: {  	v53 =	vor.u32 s23, v24;
	[tilespmem:s22+$0x10] =	vst v50;
	v50 =	vld.idx.msk [tilespmem:v61+s5+$0x0], $0xffff  }
0x645: {  	v51 =	vld.idx.msk [tilespmem:v62+s5+$0x0], $0xffff;
	[tilespmem:s21+$0x1850] =	vst v52  }
0x646: {  	v52 =	vor.u32 s24, v24;
	v49 =	vld.idx.msk [tilespmem:v63+s5+$0x0], $0xffff;
	_ =	sdelay $0x1  }
0x647: {  	s25 =	simm.s32 $0x4;
	[tilespmem:s22+$0xFFFFFFA0] =	vst v55  }
.LBB2_7:
0x648: {  	p0 =	slt.u32 s25, $0x6;
	v53 =	vld.idx.msk [tilespmem:v53+s5+$0x0], $0xffff;
	[tilespmem:s21+$0x17E0] =	vst v50;
	s26 =	smov.u32 s25;
	s25 =	sadd.s32 $0x2, s25  }
0x649: {  	s26 =	sshll.u32 s26, $0xC;
	[tilespmem:s22+$0x20] =	vst v51  }
0x64a: {  	v50 =	vor.u32 s26, v0;
	s28 =	sadd.s32 $0x1000, s26;
	v51 =	vld.idx.msk [tilespmem:v52+s5+$0x0], $0xffff;
	[tilespmem:s21+$0x1860] =	vst v49;
	s21 =	smov.u32 s22  }
0x64b: {  	v52 =	vor.u32 s23, v25;
	v49 =	vor.u32 s28, v0  }
0x64c: {  	v54 =	vor.u32 s24, v25;
	_ =	sdelay $0x1  }
0x64d: {  	[tilespmem:s22+$0xFFFFFFB0] =	vst v53  }
0x64e: {  	v50 =	vld.idx.msk [tilespmem:v50+s5+$0x0], $0xffff  }
0x64f: {  	v52 =	vld.idx.msk [tilespmem:v52+s5+$0x0], $0xffff;
	[tilespmem:s22+$0x30] =	vst v51  }
0x650: {  	v51 =	vor.u32 s26, v1;
	v49 =	vld.idx.msk [tilespmem:v49+s5+$0x0], $0xffff  }
0x651: {  	v53 =	vor.u32 s23, v26;
	v54 =	vld.idx.msk [tilespmem:v54+s5+$0x0], $0xffff  }
0x652: {  	v56 =	vor.u32 s24, v26;
	v55 =	vor.u32 s28, v1  }
0x653: {  	s22 =	sadd.s32 $0x100, s22  }
0x654: {  	[tilespmem:s22+$0xFFFFE780] =	vst v50  }
0x655: {  	v50 =	vld.idx.msk [tilespmem:v51+s5+$0x0], $0xffff;
	[tilespmem:s21+$0xFFFFFFC0] =	vst v52  }
0x656: {  	[tilespmem:s22+$0xFFFFE800] =	vst v49;
	v49 =	vld.idx.msk [tilespmem:v53+s5+$0x0], $0xffff  }
0x657: {  	v51 =	vor.u32 s26, v2;
	v52 =	vld.idx.msk [tilespmem:v55+s5+$0x0], $0xffff;
	[tilespmem:s21+$0x40] =	vst v54  }
0x658: {  	v53 =	vor.u32 s23, v27;
	v54 =	vld.idx.msk [tilespmem:v56+s5+$0x0], $0xffff  }
0x659: {  	v55 =	vor.u32 s28, v2;
	v56 =	vor.u32 s24, v27;
	_ =	sdelay $0x1  }
0x65a: {  	[tilespmem:s22+$0xFFFFE790] =	vst v50  }
0x65b: {  	v50 =	vld.idx.msk [tilespmem:v51+s5+$0x0], $0xffff;
	[tilespmem:s21+$0xFFFFFFD0] =	vst v49  }
0x65c: {  	[tilespmem:s22+$0xFFFFE810] =	vst v52;
	v49 =	vld.idx.msk [tilespmem:v53+s5+$0x0], $0xffff  }
0x65d: {  	v51 =	vor.u32 s26, v3;
	v52 =	vld.idx.msk [tilespmem:v55+s5+$0x0], $0xffff;
	[tilespmem:s21+$0x50] =	vst v54  }
0x65e: {  	v53 =	vor.u32 s23, v28;
	v54 =	vld.idx.msk [tilespmem:v56+s5+$0x0], $0xffff  }
0x65f: {  	v55 =	vor.u32 s28, v3;
	v56 =	vor.u32 s24, v28;
	_ =	sdelay $0x1  }
0x660: {  	[tilespmem:s22+$0xFFFFE7A0] =	vst v50  }
0x661: {  	v50 =	vld.idx.msk [tilespmem:v51+s5+$0x0], $0xffff;
	[tilespmem:s21+$0xFFFFFFE0] =	vst v49  }
0x662: {  	[tilespmem:s22+$0xFFFFE820] =	vst v52;
	v49 =	vld.idx.msk [tilespmem:v53+s5+$0x0], $0xffff  }
0x663: {  	v51 =	vor.u32 s26, v4;
	v52 =	vld.idx.msk [tilespmem:v55+s5+$0x0], $0xffff;
	[tilespmem:s21+$0x60] =	vst v54  }
0x664: {  	v53 =	vor.u32 s23, v29;
	v54 =	vld.idx.msk [tilespmem:v56+s5+$0x0], $0xffff  }
0x665: {  	v55 =	vor.u32 s28, v4;
	v56 =	vor.u32 s24, v29;
	_ =	sdelay $0x1  }
0x666: {  	[tilespmem:s22+$0xFFFFE7B0] =	vst v50  }
0x667: {  	v50 =	vld.idx.msk [tilespmem:v51+s5+$0x0], $0xffff;
	[tilespmem:s21+$0x780] =	vst v49  }
0x668: {  	[tilespmem:s22+$0xFFFFE830] =	vst v52;
	v49 =	vld.idx.msk [tilespmem:v53+s5+$0x0], $0xffff  }
0x669: {  	v51 =	vor.u32 s26, v5;
	v52 =	vld.idx.msk [tilespmem:v55+s5+$0x0], $0xffff;
	[tilespmem:s21+$0x800] =	vst v54  }
0x66a: {  	v53 =	vor.u32 s23, v30;
	v54 =	vld.idx.msk [tilespmem:v56+s5+$0x0], $0xffff  }
0x66b: {  	v55 =	vor.u32 s28, v5;
	v56 =	vor.u32 s24, v30;
	_ =	sdelay $0x1  }
0x66c: {  	[tilespmem:s22+$0xFFFFE7C0] =	vst v50  }
0x66d: {  	v50 =	vld.idx.msk [tilespmem:v51+s5+$0x0], $0xffff;
	[tilespmem:s21+$0x790] =	vst v49  }
0x66e: {  	[tilespmem:s22+$0xFFFFE840] =	vst v52;
	v49 =	vld.idx.msk [tilespmem:v53+s5+$0x0], $0xffff  }
0x66f: {  	v51 =	vor.u32 s26, v6;
	v52 =	vld.idx.msk [tilespmem:v55+s5+$0x0], $0xffff;
	[tilespmem:s21+$0x810] =	vst v54  }
0x670: {  	v53 =	vor.u32 s23, v31;
	v54 =	vld.idx.msk [tilespmem:v56+s5+$0x0], $0xffff  }
0x671: {  	v55 =	vor.u32 s28, v6;
	v56 =	vor.u32 s24, v31;
	_ =	sdelay $0x1  }
0x672: {  	[tilespmem:s22+$0xFFFFE7D0] =	vst v50  }
0x673: {  	v50 =	vld.idx.msk [tilespmem:v51+s5+$0x0], $0xffff;
	[tilespmem:s21+$0x7A0] =	vst v49  }
0x674: {  	[tilespmem:s22+$0xFFFFE850] =	vst v52;
	v49 =	vld.idx.msk [tilespmem:v53+s5+$0x0], $0xffff  }
0x675: {  	v51 =	vor.u32 s26, v7;
	v52 =	vld.idx.msk [tilespmem:v55+s5+$0x0], $0xffff;
	[tilespmem:s21+$0x820] =	vst v54  }
0x676: {  	v53 =	vor.u32 s23, v32;
	v54 =	vld.idx.msk [tilespmem:v56+s5+$0x0], $0xffff  }
0x677: {  	v55 =	vor.u32 s28, v7;
	v56 =	vor.u32 s24, v32;
	_ =	sdelay $0x1  }
0x678: {  	[tilespmem:s22+$0xFFFFE7E0] =	vst v50  }
0x679: {  	v50 =	vld.idx.msk [tilespmem:v51+s5+$0x0], $0xffff;
	[tilespmem:s21+$0x7B0] =	vst v49  }
0x67a: {  	[tilespmem:s22+$0xFFFFE860] =	vst v52;
	v49 =	vld.idx.msk [tilespmem:v53+s5+$0x0], $0xffff  }
0x67b: {  	v51 =	vor.u32 s26, v8;
	v52 =	vld.idx.msk [tilespmem:v55+s5+$0x0], $0xffff;
	[tilespmem:s21+$0x830] =	vst v54  }
0x67c: {  	v53 =	vor.u32 s23, v33;
	v54 =	vld.idx.msk [tilespmem:v56+s5+$0x0], $0xffff  }
0x67d: {  	v55 =	vor.u32 s28, v8;
	v56 =	vor.u32 s24, v33;
	_ =	sdelay $0x1  }
0x67e: {  	[tilespmem:s22+$0xFFFFEF80] =	vst v50  }
0x67f: {  	v50 =	vld.idx.msk [tilespmem:v51+s5+$0x0], $0xffff;
	[tilespmem:s21+$0x7C0] =	vst v49  }
0x680: {  	[tilespmem:s22+$0xFFFFF000] =	vst v52;
	v49 =	vld.idx.msk [tilespmem:v53+s5+$0x0], $0xffff  }
0x681: {  	v51 =	vor.u32 s26, v9;
	v52 =	vld.idx.msk [tilespmem:v55+s5+$0x0], $0xffff;
	[tilespmem:s21+$0x840] =	vst v54  }
0x682: {  	v53 =	vor.u32 s23, v34;
	v54 =	vld.idx.msk [tilespmem:v56+s5+$0x0], $0xffff  }
0x683: {  	v55 =	vor.u32 s28, v9;
	v56 =	vor.u32 s24, v34;
	_ =	sdelay $0x1  }
0x684: {  	[tilespmem:s22+$0xFFFFEF90] =	vst v50  }
0x685: {  	v50 =	vld.idx.msk [tilespmem:v51+s5+$0x0], $0xffff;
	[tilespmem:s21+$0x7D0] =	vst v49  }
0x686: {  	[tilespmem:s22+$0xFFFFF010] =	vst v52;
	v49 =	vld.idx.msk [tilespmem:v53+s5+$0x0], $0xffff  }
0x687: {  	v51 =	vor.u32 s26, v10;
	v52 =	vld.idx.msk [tilespmem:v55+s5+$0x0], $0xffff;
	[tilespmem:s21+$0x850] =	vst v54  }
0x688: {  	v53 =	vor.u32 s23, v35;
	v54 =	vld.idx.msk [tilespmem:v56+s5+$0x0], $0xffff  }
0x689: {  	v55 =	vor.u32 s28, v10;
	v56 =	vor.u32 s24, v35;
	_ =	sdelay $0x1  }
0x68a: {  	[tilespmem:s22+$0xFFFFEFA0] =	vst v50  }
0x68b: {  	v50 =	vld.idx.msk [tilespmem:v51+s5+$0x0], $0xffff;
	[tilespmem:s21+$0x7E0] =	vst v49  }
0x68c: {  	[tilespmem:s22+$0xFFFFF020] =	vst v52;
	v49 =	vld.idx.msk [tilespmem:v53+s5+$0x0], $0xffff  }
0x68d: {  	v51 =	vor.u32 s26, v11;
	v52 =	vld.idx.msk [tilespmem:v55+s5+$0x0], $0xffff;
	[tilespmem:s21+$0x860] =	vst v54  }
0x68e: {  	v53 =	vor.u32 s23, v36;
	v54 =	vld.idx.msk [tilespmem:v56+s5+$0x0], $0xffff  }
0x68f: {  	v55 =	vor.u32 s28, v11;
	v56 =	vor.u32 s24, v36;
	_ =	sdelay $0x1  }
0x690: {  	[tilespmem:s22+$0xFFFFEFB0] =	vst v50  }
0x691: {  	v50 =	vld.idx.msk [tilespmem:v51+s5+$0x0], $0xffff;
	[tilespmem:s21+$0xF80] =	vst v49  }
0x692: {  	[tilespmem:s22+$0xFFFFF030] =	vst v52;
	v49 =	vld.idx.msk [tilespmem:v53+s5+$0x0], $0xffff  }
0x693: {  	v51 =	vor.u32 s26, v12;
	v52 =	vld.idx.msk [tilespmem:v55+s5+$0x0], $0xffff;
	[tilespmem:s21+$0x1000] =	vst v54  }
0x694: {  	v53 =	vor.u32 s23, v37;
	v54 =	vld.idx.msk [tilespmem:v56+s5+$0x0], $0xffff  }
0x695: {  	v55 =	vor.u32 s28, v12;
	v56 =	vor.u32 s24, v37;
	_ =	sdelay $0x1  }
0x696: {  	[tilespmem:s22+$0xFFFFEFC0] =	vst v50  }
0x697: {  	v50 =	vld.idx.msk [tilespmem:v51+s5+$0x0], $0xffff;
	[tilespmem:s21+$0xF90] =	vst v49  }
0x698: {  	[tilespmem:s22+$0xFFFFF040] =	vst v52;
	v49 =	vld.idx.msk [tilespmem:v53+s5+$0x0], $0xffff  }
0x699: {  	v51 =	vor.u32 s26, v13;
	v52 =	vld.idx.msk [tilespmem:v55+s5+$0x0], $0xffff;
	[tilespmem:s21+$0x1010] =	vst v54  }
0x69a: {  	v53 =	vor.u32 s23, v38;
	v54 =	vld.idx.msk [tilespmem:v56+s5+$0x0], $0xffff  }
0x69b: {  	v55 =	vor.u32 s28, v13;
	v56 =	vor.u32 s24, v38;
	_ =	sdelay $0x1  }
0x69c: {  	[tilespmem:s22+$0xFFFFEFD0] =	vst v50  }
0x69d: {  	v50 =	vld.idx.msk [tilespmem:v51+s5+$0x0], $0xffff;
	[tilespmem:s21+$0xFA0] =	vst v49  }
0x69e: {  	[tilespmem:s22+$0xFFFFF050] =	vst v52;
	v49 =	vld.idx.msk [tilespmem:v53+s5+$0x0], $0xffff  }
0x69f: {  	v51 =	vor.u32 s26, v14;
	v52 =	vld.idx.msk [tilespmem:v55+s5+$0x0], $0xffff;
	[tilespmem:s21+$0x1020] =	vst v54  }
0x6a0: {  	v53 =	vor.u32 s23, v39;
	v54 =	vld.idx.msk [tilespmem:v56+s5+$0x0], $0xffff  }
0x6a1: {  	v55 =	vor.u32 s28, v14;
	v56 =	vor.u32 s24, v39;
	_ =	sdelay $0x1  }
0x6a2: {  	[tilespmem:s22+$0xFFFFEFE0] =	vst v50  }
0x6a3: {  	v50 =	vld.idx.msk [tilespmem:v51+s5+$0x0], $0xffff;
	[tilespmem:s21+$0xFB0] =	vst v49  }
0x6a4: {  	[tilespmem:s22+$0xFFFFF060] =	vst v52;
	v49 =	vld.idx.msk [tilespmem:v53+s5+$0x0], $0xffff  }
0x6a5: {  	v51 =	vor.u32 s26, v15;
	v52 =	vld.idx.msk [tilespmem:v55+s5+$0x0], $0xffff;
	[tilespmem:s21+$0x1030] =	vst v54  }
0x6a6: {  	v53 =	vor.u32 s23, v40;
	v54 =	vld.idx.msk [tilespmem:v56+s5+$0x0], $0xffff  }
0x6a7: {  	v55 =	vor.u32 s28, v15;
	v56 =	vor.u32 s24, v40;
	_ =	sdelay $0x1  }
0x6a8: {  	[tilespmem:s22+$0xFFFFF780] =	vst v50  }
0x6a9: {  	v50 =	vld.idx.msk [tilespmem:v51+s5+$0x0], $0xffff;
	[tilespmem:s21+$0xFC0] =	vst v49  }
0x6aa: {  	[tilespmem:s22+$0xFFFFF800] =	vst v52;
	v49 =	vld.idx.msk [tilespmem:v53+s5+$0x0], $0xffff  }
0x6ab: {  	v51 =	vor.u32 s26, v16;
	v52 =	vld.idx.msk [tilespmem:v55+s5+$0x0], $0xffff;
	[tilespmem:s21+$0x1040] =	vst v54  }
0x6ac: {  	v53 =	vor.u32 s23, v41;
	v54 =	vld.idx.msk [tilespmem:v56+s5+$0x0], $0xffff  }
0x6ad: {  	v55 =	vor.u32 s28, v16;
	v56 =	vor.u32 s24, v41;
	_ =	sdelay $0x1  }
0x6ae: {  	[tilespmem:s22+$0xFFFFF790] =	vst v50  }
0x6af: {  	v50 =	vld.idx.msk [tilespmem:v51+s5+$0x0], $0xffff;
	[tilespmem:s21+$0xFD0] =	vst v49  }
0x6b0: {  	[tilespmem:s22+$0xFFFFF810] =	vst v52;
	v49 =	vld.idx.msk [tilespmem:v53+s5+$0x0], $0xffff  }
0x6b1: {  	v51 =	vor.u32 s26, v17;
	v52 =	vld.idx.msk [tilespmem:v55+s5+$0x0], $0xffff;
	[tilespmem:s21+$0x1050] =	vst v54  }
0x6b2: {  	v53 =	vor.u32 s23, v42;
	v54 =	vld.idx.msk [tilespmem:v56+s5+$0x0], $0xffff  }
0x6b3: {  	v55 =	vor.u32 s28, v17;
	v56 =	vor.u32 s24, v42;
	_ =	sdelay $0x1  }
0x6b4: {  	[tilespmem:s22+$0xFFFFF7A0] =	vst v50  }
0x6b5: {  	v50 =	vld.idx.msk [tilespmem:v51+s5+$0x0], $0xffff;
	[tilespmem:s21+$0xFE0] =	vst v49  }
0x6b6: {  	[tilespmem:s22+$0xFFFFF820] =	vst v52;
	v49 =	vld.idx.msk [tilespmem:v53+s5+$0x0], $0xffff  }
0x6b7: {  	v51 =	vor.u32 s26, v18;
	v52 =	vld.idx.msk [tilespmem:v55+s5+$0x0], $0xffff;
	[tilespmem:s21+$0x1060] =	vst v54  }
0x6b8: {  	v53 =	vor.u32 s23, v43;
	v54 =	vld.idx.msk [tilespmem:v56+s5+$0x0], $0xffff  }
0x6b9: {  	v55 =	vor.u32 s28, v18;
	v56 =	vor.u32 s24, v43;
	_ =	sdelay $0x1  }
0x6ba: {  	[tilespmem:s22+$0xFFFFF7B0] =	vst v50  }
0x6bb: {  	v50 =	vld.idx.msk [tilespmem:v51+s5+$0x0], $0xffff;
	[tilespmem:s21+$0x1780] =	vst v49  }
0x6bc: {  	[tilespmem:s22+$0xFFFFF830] =	vst v52;
	v49 =	vld.idx.msk [tilespmem:v53+s5+$0x0], $0xffff  }
0x6bd: {  	v51 =	vor.u32 s26, v19;
	v52 =	vld.idx.msk [tilespmem:v55+s5+$0x0], $0xffff;
	[tilespmem:s21+$0x1800] =	vst v54  }
0x6be: {  	v53 =	vor.u32 s23, v44;
	v54 =	vld.idx.msk [tilespmem:v56+s5+$0x0], $0xffff  }
0x6bf: {  	v55 =	vor.u32 s28, v19;
	v56 =	vor.u32 s24, v44;
	_ =	sdelay $0x1  }
0x6c0: {  	[tilespmem:s22+$0xFFFFF7C0] =	vst v50  }
0x6c1: {  	v50 =	vld.idx.msk [tilespmem:v51+s5+$0x0], $0xffff;
	[tilespmem:s21+$0x1790] =	vst v49  }
0x6c2: {  	[tilespmem:s22+$0xFFFFF840] =	vst v52;
	v49 =	vld.idx.msk [tilespmem:v53+s5+$0x0], $0xffff  }
0x6c3: {  	v51 =	vor.u32 s26, v20;
	v52 =	vld.idx.msk [tilespmem:v55+s5+$0x0], $0xffff;
	[tilespmem:s21+$0x1810] =	vst v54  }
0x6c4: {  	v53 =	vor.u32 s23, v45;
	v54 =	vld.idx.msk [tilespmem:v56+s5+$0x0], $0xffff  }
0x6c5: {  	v55 =	vor.u32 s28, v20;
	v56 =	vor.u32 s24, v45;
	_ =	sdelay $0x1  }
0x6c6: {  	[tilespmem:s22+$0xFFFFF7D0] =	vst v50  }
0x6c7: {  	v50 =	vld.idx.msk [tilespmem:v51+s5+$0x0], $0xffff;
	[tilespmem:s21+$0x17A0] =	vst v49  }
0x6c8: {  	[tilespmem:s22+$0xFFFFF850] =	vst v52;
	v49 =	vld.idx.msk [tilespmem:v53+s5+$0x0], $0xffff  }
0x6c9: {  	v51 =	vor.u32 s26, v21;
	v52 =	vld.idx.msk [tilespmem:v55+s5+$0x0], $0xffff;
	[tilespmem:s21+$0x1820] =	vst v54  }
0x6ca: {  	v53 =	vor.u32 s23, v46;
	v54 =	vld.idx.msk [tilespmem:v56+s5+$0x0], $0xffff  }
0x6cb: {  	v55 =	vor.u32 s28, v21;
	v56 =	vor.u32 s24, v46;
	_ =	sdelay $0x1  }
0x6cc: {  	[tilespmem:s22+$0xFFFFF7E0] =	vst v50  }
0x6cd: {  	v50 =	vld.idx.msk [tilespmem:v51+s5+$0x0], $0xffff;
	[tilespmem:s21+$0x17B0] =	vst v49  }
0x6ce: {  	[tilespmem:s22+$0xFFFFF860] =	vst v52;
	v49 =	vld.idx.msk [tilespmem:v53+s5+$0x0], $0xffff  }
0x6cf: {  	v51 =	vor.u32 s26, v22;
	v52 =	vld.idx.msk [tilespmem:v55+s5+$0x0], $0xffff;
	[tilespmem:s21+$0x1830] =	vst v54  }
0x6d0: {  	v53 =	vor.u32 s23, v47;
	v54 =	vld.idx.msk [tilespmem:v56+s5+$0x0], $0xffff  }
0x6d1: {  	v55 =	vor.u32 s28, v22;
	v56 =	vor.u32 s24, v47;
	_ =	sdelay $0x1  }
0x6d2: {  	[tilespmem:s22+$0xFFFFFF80] =	vst v50  }
0x6d3: {  	v50 =	vld.idx.msk [tilespmem:v51+s5+$0x0], $0xffff;
	[tilespmem:s21+$0x17C0] =	vst v49  }
0x6d4: {  	[tilespmem:s22+$0x0] =	vst v52;
	v49 =	vld.idx.msk [tilespmem:v53+s5+$0x0], $0xffff  }
0x6d5: {  	v51 =	vor.u32 s26, v23;
	v52 =	vld.idx.msk [tilespmem:v55+s5+$0x0], $0xffff;
	[tilespmem:s21+$0x1840] =	vst v54  }
0x6d6: {  	v53 =	vor.u32 s23, v48;
	s23 =	smov.u32 s26;
	v54 =	vld.idx.msk [tilespmem:v56+s5+$0x0], $0xffff  }
0x6d7: {  	v55 =	vor.u32 s28, v23;
	v56 =	vor.u32 s24, v48;
	s24 =	smov.u32 s28;
	_ =	sdelay $0x1  }
0x6d8: {  	[tilespmem:s22+$0xFFFFFF90] =	vst v50  }
0x6d9: {  	v57 =	vld.idx.msk [tilespmem:v51+s5+$0x0], $0xffff;
	[tilespmem:s21+$0x17D0] =	vst v49  }
0x6da: {  	[tilespmem:s22+$0x10] =	vst v52;
	v50 =	vld.idx.msk [tilespmem:v53+s5+$0x0], $0xffff  }
.Ltmp2:
0x6db: {  	v53 =	vor.u32 s23, v24;
	v51 =	vld.idx.msk [tilespmem:v55+s5+$0x0], $0xffff;
	[tilespmem:s21+$0x1850] =	vst v54;
	(pc) =	sbr.rel @p0 .LBB2_7-.Ltmp2, $3  }
0x6dc: {  	v49 =	vld.idx.msk [tilespmem:v56+s5+$0x0], $0xffff  }
0x6dd: {  	v52 =	vor.u32 s24, v24;
	_ =	sdelay $0x1  }
0x6de: {  	[tilespmem:s22+$0xFFFFFFA0] =	vst v57  }
0x6df: {  	_ =	sdelay $0x3  }
0x6e0: {  	v53 =	vld.idx.msk [tilespmem:v53+s5+$0x0], $0xffff;
	[tilespmem:s22+$0x20] =	vst v51  }
0x6e1: {  	v57 =	vor.u32 s23, v25;
	v51 =	vld.idx.msk [tilespmem:v52+s5+$0x0], $0xffff  }
0x6e2: {  	v54 =	vor.u32 s24, v25;
	_ =	sdelay $0x2  }
0x6e3: {  	[tilespmem:s22+$0xFFFFFFB0] =	vst v53  }
0x6e4: {  	v52 =	vld.idx.msk [tilespmem:v57+s5+$0x0], $0xffff;
	[tilespmem:s22+$0x30] =	vst v51  }
0x6e5: {  	v58 =	vor.u32 s23, v26;
	v59 =	vld.idx.msk [tilespmem:v54+s5+$0x0], $0xffff  }
0x6e6: {  	v60 =	vor.u32 s24, v26;
	_ =	sdelay $0x2  }
0x6e7: {  	[tilespmem:s22+$0xFFFFFFC0] =	vst v52  }
0x6e8: {  	v51 =	vld.idx.msk [tilespmem:v58+s5+$0x0], $0xffff;
	[tilespmem:s22+$0x40] =	vst v59  }
0x6e9: {  	v61 =	vor.u32 s23, v27;
	v53 =	vld.idx.msk [tilespmem:v60+s5+$0x0], $0xffff  }
0x6ea: {  	v62 =	vor.u32 s24, v27;
	_ =	sdelay $0x2  }
0x6eb: {  	[tilespmem:s22+$0xFFFFFFD0] =	vst v51  }
0x6ec: {  	v51 =	vld.idx.msk [tilespmem:v61+s5+$0x0], $0xffff;
	[tilespmem:s22+$0x50] =	vst v53  }
0x6ed: {  	v63 =	vor.u32 s23, v28;
	v53 =	vld.idx.msk [tilespmem:v62+s5+$0x0], $0xffff  }
0x6ee: {  	v57 =	vor.u32 s24, v28;
	_ =	sdelay $0x2  }
0x6ef: {  	[tilespmem:s22+$0xFFFFFFE0] =	vst v51  }
0x6f0: {  	v51 =	vld.idx.msk [tilespmem:v63+s5+$0x0], $0xffff;
	[tilespmem:s22+$0x60] =	vst v53  }
0x6f1: {  	v58 =	vor.u32 s23, v29;
	v53 =	vld.idx.msk [tilespmem:v57+s5+$0x0], $0xffff  }
0x6f2: {  	v59 =	vor.u32 s24, v29;
	_ =	sdelay $0x2  }
0x6f3: {  	[tilespmem:s22+$0x780] =	vst v51  }
0x6f4: {  	v51 =	vld.idx.msk [tilespmem:v58+s5+$0x0], $0xffff;
	[tilespmem:s22+$0x800] =	vst v53  }
0x6f5: {  	v60 =	vor.u32 s23, v30;
	v53 =	vld.idx.msk [tilespmem:v59+s5+$0x0], $0xffff  }
0x6f6: {  	v61 =	vor.u32 s24, v30;
	_ =	sdelay $0x2  }
0x6f7: {  	[tilespmem:s22+$0x790] =	vst v51  }
0x6f8: {  	v51 =	vld.idx.msk [tilespmem:v60+s5+$0x0], $0xffff;
	[tilespmem:s22+$0x810] =	vst v53  }
0x6f9: {  	v62 =	vor.u32 s23, v31;
	v53 =	vld.idx.msk [tilespmem:v61+s5+$0x0], $0xffff  }
0x6fa: {  	v63 =	vor.u32 s24, v31;
	_ =	sdelay $0x2  }
0x6fb: {  	[tilespmem:s22+$0x7A0] =	vst v51  }
0x6fc: {  	v51 =	vld.idx.msk [tilespmem:v62+s5+$0x0], $0xffff;
	[tilespmem:s22+$0x820] =	vst v53  }
0x6fd: {  	v57 =	vor.u32 s23, v32;
	v53 =	vld.idx.msk [tilespmem:v63+s5+$0x0], $0xffff  }
0x6fe: {  	v58 =	vor.u32 s24, v32;
	_ =	sdelay $0x2  }
0x6ff: {  	[tilespmem:s22+$0x7B0] =	vst v51  }
0x700: {  	v51 =	vld.idx.msk [tilespmem:v57+s5+$0x0], $0xffff;
	[tilespmem:s22+$0x830] =	vst v53  }
0x701: {  	v59 =	vor.u32 s23, v33;
	v53 =	vld.idx.msk [tilespmem:v58+s5+$0x0], $0xffff  }
0x702: {  	v60 =	vor.u32 s24, v33;
	_ =	sdelay $0x2  }
0x703: {  	[tilespmem:s22+$0x7C0] =	vst v51  }
0x704: {  	v51 =	vld.idx.msk [tilespmem:v59+s5+$0x0], $0xffff;
	[tilespmem:s22+$0x840] =	vst v53  }
0x705: {  	v61 =	vor.u32 s23, v34;
	v53 =	vld.idx.msk [tilespmem:v60+s5+$0x0], $0xffff  }
0x706: {  	v62 =	vor.u32 s24, v34;
	_ =	sdelay $0x2  }
0x707: {  	[tilespmem:s22+$0x7D0] =	vst v51  }
0x708: {  	v51 =	vld.idx.msk [tilespmem:v61+s5+$0x0], $0xffff;
	[tilespmem:s22+$0x850] =	vst v53  }
0x709: {  	v63 =	vor.u32 s23, v35;
	v53 =	vld.idx.msk [tilespmem:v62+s5+$0x0], $0xffff  }
0x70a: {  	v57 =	vor.u32 s24, v35;
	_ =	sdelay $0x2  }
0x70b: {  	[tilespmem:s22+$0x7E0] =	vst v51  }
0x70c: {  	v51 =	vld.idx.msk [tilespmem:v63+s5+$0x0], $0xffff;
	[tilespmem:s22+$0x860] =	vst v53  }
0x70d: {  	v58 =	vor.u32 s23, v36;
	v53 =	vld.idx.msk [tilespmem:v57+s5+$0x0], $0xffff  }
0x70e: {  	v59 =	vor.u32 s24, v36;
	_ =	sdelay $0x2  }
0x70f: {  	[tilespmem:s22+$0xF80] =	vst v51  }
0x710: {  	v51 =	vld.idx.msk [tilespmem:v58+s5+$0x0], $0xffff;
	[tilespmem:s22+$0x1000] =	vst v53  }
0x711: {  	v60 =	vor.u32 s23, v37;
	v53 =	vld.idx.msk [tilespmem:v59+s5+$0x0], $0xffff  }
0x712: {  	v61 =	vor.u32 s24, v37;
	_ =	sdelay $0x2  }
0x713: {  	[tilespmem:s22+$0xF90] =	vst v51  }
0x714: {  	v51 =	vld.idx.msk [tilespmem:v60+s5+$0x0], $0xffff;
	[tilespmem:s22+$0x1010] =	vst v53  }
0x715: {  	v62 =	vor.u32 s23, v38;
	v53 =	vld.idx.msk [tilespmem:v61+s5+$0x0], $0xffff  }
0x716: {  	v63 =	vor.u32 s24, v38;
	_ =	sdelay $0x2  }
0x717: {  	[tilespmem:s22+$0xFA0] =	vst v51  }
0x718: {  	v51 =	vld.idx.msk [tilespmem:v62+s5+$0x0], $0xffff;
	[tilespmem:s22+$0x1020] =	vst v53  }
0x719: {  	v57 =	vor.u32 s23, v39;
	v53 =	vld.idx.msk [tilespmem:v63+s5+$0x0], $0xffff  }
0x71a: {  	v58 =	vor.u32 s24, v39;
	_ =	sdelay $0x2  }
0x71b: {  	[tilespmem:s22+$0xFB0] =	vst v51  }
0x71c: {  	v51 =	vld.idx.msk [tilespmem:v57+s5+$0x0], $0xffff;
	[tilespmem:s22+$0x1030] =	vst v53  }
0x71d: {  	v59 =	vor.u32 s23, v40;
	v53 =	vld.idx.msk [tilespmem:v58+s5+$0x0], $0xffff  }
0x71e: {  	v60 =	vor.u32 s24, v40;
	_ =	sdelay $0x2  }
0x71f: {  	[tilespmem:s22+$0xFC0] =	vst v51  }
0x720: {  	v51 =	vld.idx.msk [tilespmem:v59+s5+$0x0], $0xffff;
	[tilespmem:s22+$0x1040] =	vst v53  }
0x721: {  	v61 =	vor.u32 s23, v41;
	v53 =	vld.idx.msk [tilespmem:v60+s5+$0x0], $0xffff  }
0x722: {  	v62 =	vor.u32 s24, v41;
	_ =	sdelay $0x2  }
0x723: {  	[tilespmem:s22+$0xFD0] =	vst v51  }
0x724: {  	v51 =	vld.idx.msk [tilespmem:v61+s5+$0x0], $0xffff;
	[tilespmem:s22+$0x1050] =	vst v53  }
0x725: {  	v63 =	vor.u32 s23, v42;
	v53 =	vld.idx.msk [tilespmem:v62+s5+$0x0], $0xffff  }
0x726: {  	v57 =	vor.u32 s24, v42;
	_ =	sdelay $0x2  }
0x727: {  	[tilespmem:s22+$0xFE0] =	vst v51  }
0x728: {  	v51 =	vld.idx.msk [tilespmem:v63+s5+$0x0], $0xffff;
	[tilespmem:s22+$0x1060] =	vst v53  }
0x729: {  	v58 =	vor.u32 s23, v43;
	v53 =	vld.idx.msk [tilespmem:v57+s5+$0x0], $0xffff  }
0x72a: {  	v59 =	vor.u32 s24, v43;
	_ =	sdelay $0x2  }
0x72b: {  	[tilespmem:s22+$0x1780] =	vst v51  }
0x72c: {  	v51 =	vld.idx.msk [tilespmem:v58+s5+$0x0], $0xffff;
	[tilespmem:s22+$0x1800] =	vst v53  }
0x72d: {  	v60 =	vor.u32 s23, v44;
	v53 =	vld.idx.msk [tilespmem:v59+s5+$0x0], $0xffff  }
0x72e: {  	v61 =	vor.u32 s24, v44;
	_ =	sdelay $0x2  }
0x72f: {  	[tilespmem:s22+$0x1790] =	vst v51  }
0x730: {  	v51 =	vld.idx.msk [tilespmem:v60+s5+$0x0], $0xffff;
	[tilespmem:s22+$0x1810] =	vst v53  }
0x731: {  	v62 =	vor.u32 s23, v45;
	v53 =	vld.idx.msk [tilespmem:v61+s5+$0x0], $0xffff  }
0x732: {  	v63 =	vor.u32 s24, v45;
	_ =	sdelay $0x2  }
0x733: {  	[tilespmem:s22+$0x17A0] =	vst v51  }
0x734: {  	v51 =	vld.idx.msk [tilespmem:v62+s5+$0x0], $0xffff;
	[tilespmem:s22+$0x1820] =	vst v53  }
0x735: {  	v57 =	vor.u32 s23, v46;
	v53 =	vld.idx.msk [tilespmem:v63+s5+$0x0], $0xffff  }
0x736: {  	v58 =	vor.u32 s24, v46;
	_ =	sdelay $0x2  }
0x737: {  	[tilespmem:s22+$0x17B0] =	vst v51  }
0x738: {  	v51 =	vld.idx.msk [tilespmem:v57+s5+$0x0], $0xffff;
	[tilespmem:s22+$0x1830] =	vst v53  }
0x739: {  	v59 =	vor.u32 s23, v47;
	v53 =	vld.idx.msk [tilespmem:v58+s5+$0x0], $0xffff  }
0x73a: {  	v60 =	vor.u32 s24, v47;
	_ =	sdelay $0x2  }
0x73b: {  	[tilespmem:s22+$0x17C0] =	vst v51  }
0x73c: {  	v51 =	vld.idx.msk [tilespmem:v59+s5+$0x0], $0xffff;
	[tilespmem:s22+$0x1840] =	vst v53  }
0x73d: {  	v61 =	vor.u32 s23, v48;
	v53 =	vld.idx.msk [tilespmem:v60+s5+$0x0], $0xffff  }
0x73e: {  	v62 =	vor.u32 s24, v48;
	_ =	sdelay $0x1  }
0x73f: {  	s26 =	smulhi.u32 $0x1555556, s19  }
0x740: {  	[tilespmem:s22+$0x17D0] =	vst v51  }
0x741: {  	s28 =	smul.u32 $0xC0, s26;
	v51 =	vld.idx.msk [tilespmem:v61+s5+$0x0], $0xffff;
	[tilespmem:s22+$0x1850] =	vst v53  }
0x742: {  	v63 =	vld.idx.msk [tilespmem:v62+s5+$0x0], $0xffff  }
0x743: {  	s29 =	ssub.s32 s19, s28;
	s23 =	smul.u32 $0xC00000, s26  }
0x744: {  	[tilespmem:s21+$0x17E0] =	vst v50;
	s19 =	sshll.u32 s29, $0x10  }
0x745: {  	[tilespmem:s21+$0x1860] =	vst v49;
	s19 =	sadd.s32 s19, s23  }
0x746: {  	s26 =	simm.s32 $0x0;
	s19 =	sshrl.u32 s19, $0x3;
	[tilespmem:s22+$0x17E0] =	vst v51  }
0x747: {  	s31 =	simm.s32 $0x0;
	s25 =	simm.s32 $0x1000;
	v54 =	vor.u32 s26, v0;
	s30 =	sadd.s32 s2, s19;
	[tilespmem:s22+$0x1860] =	vst v63  }
0x748: {  	[tilespmem:s31], [sflag:$0x1] =	stream.linear.gather [hbm4b:s30+s31], $0x8000, $0x38;
	[tilespmem:$0x17000] =	vst v63  }
0x749: {  	v55 =	vor.u32 s25, v0;
	_ =	swait.ge [sflag:s12], $0x8000  }
0x74a: {  	[sflag:s12] =	ssyncset.done $0x0  }
0x74b: {  	[sflag:s12] =	ssyncadd.s32 $0xFFFF8000  }
0x74c: {  	v49 =	vld.idx.msk [tilespmem:v54+s10+$0x0], $0xffff  }
0x74d: {  	v56 =	vor.u32 s26, v1  }
0x74e: {  	v50 =	vld.idx.msk [tilespmem:v55+s10+$0x0], $0xffff  }
0x74f: {  	v57 =	vor.u32 s25, v1  }
0x750: {  	s21 =	simm.s32 $0x15400  }
0x751: {  	[tilespmem:s21+$0xFFFFE800] =	vst v49  }
0x752: {  	v49 =	vld.idx.msk [tilespmem:v56+s10+$0x0], $0xffff  }
0x753: {  	v58 =	vor.u32 s26, v2;
	[tilespmem:s21+$0xFFFFE880] =	vst v50  }
0x754: {  	v59 =	vld.idx.msk [tilespmem:v57+s10+$0x0], $0xffff  }
0x755: {  	v60 =	vor.u32 s25, v2;
	_ =	sdelay $0x1  }
0x756: {  	[tilespmem:s21+$0xFFFFE810] =	vst v49  }
0x757: {  	v49 =	vld.idx.msk [tilespmem:v58+s10+$0x0], $0xffff  }
0x758: {  	v61 =	vor.u32 s26, v3;
	[tilespmem:s21+$0xFFFFE890] =	vst v59  }
0x759: {  	v51 =	vld.idx.msk [tilespmem:v60+s10+$0x0], $0xffff  }
0x75a: {  	v62 =	vor.u32 s25, v3;
	_ =	sdelay $0x1  }
0x75b: {  	[tilespmem:s21+$0xFFFFE820] =	vst v49  }
0x75c: {  	v49 =	vld.idx.msk [tilespmem:v61+s10+$0x0], $0xffff  }
0x75d: {  	v63 =	vor.u32 s26, v4;
	[tilespmem:s21+$0xFFFFE8A0] =	vst v51  }
0x75e: {  	v51 =	vld.idx.msk [tilespmem:v62+s10+$0x0], $0xffff  }
0x75f: {  	v56 =	vor.u32 s25, v4;
	_ =	sdelay $0x1  }
0x760: {  	[tilespmem:s21+$0xFFFFE830] =	vst v49  }
0x761: {  	v49 =	vld.idx.msk [tilespmem:v63+s10+$0x0], $0xffff  }
0x762: {  	v57 =	vor.u32 s26, v5;
	[tilespmem:s21+$0xFFFFE8B0] =	vst v51  }
0x763: {  	v51 =	vld.idx.msk [tilespmem:v56+s10+$0x0], $0xffff  }
0x764: {  	v58 =	vor.u32 s25, v5;
	_ =	sdelay $0x1  }
0x765: {  	[tilespmem:s21+$0xFFFFE840] =	vst v49  }
0x766: {  	v49 =	vld.idx.msk [tilespmem:v57+s10+$0x0], $0xffff  }
0x767: {  	v59 =	vor.u32 s26, v6;
	[tilespmem:s21+$0xFFFFE8C0] =	vst v51  }
0x768: {  	v51 =	vld.idx.msk [tilespmem:v58+s10+$0x0], $0xffff  }
0x769: {  	v60 =	vor.u32 s25, v6;
	_ =	sdelay $0x1  }
0x76a: {  	[tilespmem:s21+$0xFFFFE850] =	vst v49  }
0x76b: {  	v49 =	vld.idx.msk [tilespmem:v59+s10+$0x0], $0xffff  }
0x76c: {  	v61 =	vor.u32 s26, v7;
	[tilespmem:s21+$0xFFFFE8D0] =	vst v51  }
0x76d: {  	v51 =	vld.idx.msk [tilespmem:v60+s10+$0x0], $0xffff  }
0x76e: {  	v62 =	vor.u32 s25, v7;
	_ =	sdelay $0x1  }
0x76f: {  	[tilespmem:s21+$0xFFFFE860] =	vst v49  }
0x770: {  	v49 =	vld.idx.msk [tilespmem:v61+s10+$0x0], $0xffff  }
0x771: {  	v63 =	vor.u32 s26, v8;
	[tilespmem:s21+$0xFFFFE8E0] =	vst v51  }
0x772: {  	v51 =	vld.idx.msk [tilespmem:v62+s10+$0x0], $0xffff  }
0x773: {  	v56 =	vor.u32 s25, v8;
	_ =	sdelay $0x1  }
0x774: {  	[tilespmem:s21+$0xFFFFF000] =	vst v49  }
0x775: {  	v49 =	vld.idx.msk [tilespmem:v63+s10+$0x0], $0xffff  }
0x776: {  	v57 =	vor.u32 s26, v9;
	[tilespmem:s21+$0xFFFFF080] =	vst v51  }
0x777: {  	v51 =	vld.idx.msk [tilespmem:v56+s10+$0x0], $0xffff  }
0x778: {  	v58 =	vor.u32 s25, v9;
	_ =	sdelay $0x1  }
0x779: {  	[tilespmem:s21+$0xFFFFF010] =	vst v49  }
0x77a: {  	v49 =	vld.idx.msk [tilespmem:v57+s10+$0x0], $0xffff  }
0x77b: {  	v59 =	vor.u32 s26, v10;
	[tilespmem:s21+$0xFFFFF090] =	vst v51  }
0x77c: {  	v51 =	vld.idx.msk [tilespmem:v58+s10+$0x0], $0xffff  }
0x77d: {  	v60 =	vor.u32 s25, v10;
	_ =	sdelay $0x1  }
0x77e: {  	[tilespmem:s21+$0xFFFFF020] =	vst v49  }
0x77f: {  	v49 =	vld.idx.msk [tilespmem:v59+s10+$0x0], $0xffff  }
0x780: {  	v61 =	vor.u32 s26, v11;
	[tilespmem:s21+$0xFFFFF0A0] =	vst v51  }
0x781: {  	v51 =	vld.idx.msk [tilespmem:v60+s10+$0x0], $0xffff  }
0x782: {  	v62 =	vor.u32 s25, v11;
	_ =	sdelay $0x1  }
0x783: {  	[tilespmem:s21+$0xFFFFF030] =	vst v49  }
0x784: {  	v49 =	vld.idx.msk [tilespmem:v61+s10+$0x0], $0xffff  }
0x785: {  	v63 =	vor.u32 s26, v12;
	[tilespmem:s21+$0xFFFFF0B0] =	vst v51  }
0x786: {  	v51 =	vld.idx.msk [tilespmem:v62+s10+$0x0], $0xffff  }
0x787: {  	v56 =	vor.u32 s25, v12;
	_ =	sdelay $0x1  }
0x788: {  	[tilespmem:s21+$0xFFFFF040] =	vst v49  }
0x789: {  	v49 =	vld.idx.msk [tilespmem:v63+s10+$0x0], $0xffff  }
0x78a: {  	v57 =	vor.u32 s26, v13;
	[tilespmem:s21+$0xFFFFF0C0] =	vst v51  }
0x78b: {  	v51 =	vld.idx.msk [tilespmem:v56+s10+$0x0], $0xffff  }
0x78c: {  	v58 =	vor.u32 s25, v13;
	_ =	sdelay $0x1  }
0x78d: {  	[tilespmem:s21+$0xFFFFF050] =	vst v49  }
0x78e: {  	v49 =	vld.idx.msk [tilespmem:v57+s10+$0x0], $0xffff  }
0x78f: {  	v59 =	vor.u32 s26, v14;
	[tilespmem:s21+$0xFFFFF0D0] =	vst v51  }
0x790: {  	v51 =	vld.idx.msk [tilespmem:v58+s10+$0x0], $0xffff  }
0x791: {  	v60 =	vor.u32 s25, v14;
	_ =	sdelay $0x1  }
0x792: {  	[tilespmem:s21+$0xFFFFF060] =	vst v49  }
0x793: {  	v49 =	vld.idx.msk [tilespmem:v59+s10+$0x0], $0xffff  }
0x794: {  	v61 =	vor.u32 s26, v15;
	[tilespmem:s21+$0xFFFFF0E0] =	vst v51  }
0x795: {  	v51 =	vld.idx.msk [tilespmem:v60+s10+$0x0], $0xffff  }
0x796: {  	v62 =	vor.u32 s25, v15;
	_ =	sdelay $0x1  }
0x797: {  	[tilespmem:s21+$0xFFFFF800] =	vst v49  }
0x798: {  	v49 =	vld.idx.msk [tilespmem:v61+s10+$0x0], $0xffff  }
0x799: {  	v63 =	vor.u32 s26, v16;
	[tilespmem:s21+$0xFFFFF880] =	vst v51  }
0x79a: {  	v51 =	vld.idx.msk [tilespmem:v62+s10+$0x0], $0xffff  }
0x79b: {  	v56 =	vor.u32 s25, v16;
	_ =	sdelay $0x1  }
0x79c: {  	[tilespmem:s21+$0xFFFFF810] =	vst v49  }
0x79d: {  	v49 =	vld.idx.msk [tilespmem:v63+s10+$0x0], $0xffff  }
0x79e: {  	v57 =	vor.u32 s26, v17;
	[tilespmem:s21+$0xFFFFF890] =	vst v51  }
0x79f: {  	v51 =	vld.idx.msk [tilespmem:v56+s10+$0x0], $0xffff  }
0x7a0: {  	v58 =	vor.u32 s25, v17;
	_ =	sdelay $0x1  }
0x7a1: {  	[tilespmem:s21+$0xFFFFF820] =	vst v49  }
0x7a2: {  	v49 =	vld.idx.msk [tilespmem:v57+s10+$0x0], $0xffff  }
0x7a3: {  	v59 =	vor.u32 s26, v18;
	[tilespmem:s21+$0xFFFFF8A0] =	vst v51  }
0x7a4: {  	v51 =	vld.idx.msk [tilespmem:v58+s10+$0x0], $0xffff  }
0x7a5: {  	v60 =	vor.u32 s25, v18;
	_ =	sdelay $0x1  }
0x7a6: {  	[tilespmem:s21+$0xFFFFF830] =	vst v49  }
0x7a7: {  	v49 =	vld.idx.msk [tilespmem:v59+s10+$0x0], $0xffff  }
0x7a8: {  	v61 =	vor.u32 s26, v19;
	[tilespmem:s21+$0xFFFFF8B0] =	vst v51  }
0x7a9: {  	v51 =	vld.idx.msk [tilespmem:v60+s10+$0x0], $0xffff  }
0x7aa: {  	v62 =	vor.u32 s25, v19;
	_ =	sdelay $0x1  }
0x7ab: {  	[tilespmem:s21+$0xFFFFF840] =	vst v49  }
0x7ac: {  	v49 =	vld.idx.msk [tilespmem:v61+s10+$0x0], $0xffff  }
0x7ad: {  	v63 =	vor.u32 s26, v20;
	[tilespmem:s21+$0xFFFFF8C0] =	vst v51  }
0x7ae: {  	v51 =	vld.idx.msk [tilespmem:v62+s10+$0x0], $0xffff  }
0x7af: {  	v56 =	vor.u32 s25, v20;
	_ =	sdelay $0x1  }
0x7b0: {  	[tilespmem:s21+$0xFFFFF850] =	vst v49  }
0x7b1: {  	v49 =	vld.idx.msk [tilespmem:v63+s10+$0x0], $0xffff  }
0x7b2: {  	v57 =	vor.u32 s26, v21;
	[tilespmem:s21+$0xFFFFF8D0] =	vst v51  }
0x7b3: {  	v51 =	vld.idx.msk [tilespmem:v56+s10+$0x0], $0xffff  }
0x7b4: {  	v58 =	vor.u32 s25, v21;
	_ =	sdelay $0x1  }
0x7b5: {  	[tilespmem:s21+$0xFFFFF860] =	vst v49  }
0x7b6: {  	v49 =	vld.idx.msk [tilespmem:v57+s10+$0x0], $0xffff  }
0x7b7: {  	v59 =	vor.u32 s26, v22;
	[tilespmem:s21+$0xFFFFF8E0] =	vst v51  }
0x7b8: {  	v51 =	vld.idx.msk [tilespmem:v58+s10+$0x0], $0xffff  }
0x7b9: {  	v60 =	vor.u32 s25, v22;
	_ =	sdelay $0x1  }
0x7ba: {  	[tilespmem:s21+$0x0] =	vst v49  }
0x7bb: {  	v49 =	vld.idx.msk [tilespmem:v59+s10+$0x0], $0xffff  }
0x7bc: {  	v61 =	vor.u32 s26, v23;
	[tilespmem:s21+$0x80] =	vst v51  }
0x7bd: {  	v51 =	vld.idx.msk [tilespmem:v60+s10+$0x0], $0xffff  }
0x7be: {  	v62 =	vor.u32 s25, v23;
	_ =	sdelay $0x1  }
0x7bf: {  	[tilespmem:s21+$0x10] =	vst v49  }
0x7c0: {  	v49 =	vld.idx.msk [tilespmem:v61+s10+$0x0], $0xffff  }
0x7c1: {  	v63 =	vor.u32 s26, v24;
	[tilespmem:s21+$0x90] =	vst v51  }
0x7c2: {  	v51 =	vld.idx.msk [tilespmem:v62+s10+$0x0], $0xffff  }
0x7c3: {  	v56 =	vor.u32 s25, v24;
	_ =	sdelay $0x1  }
0x7c4: {  	s22 =	simm.s32 $0x2000;
	[tilespmem:s21+$0x20] =	vst v49  }
0x7c5: {  	v57 =	vor.u32 s22, v0;
	v49 =	vld.idx.msk [tilespmem:v63+s10+$0x0], $0xffff  }
0x7c6: {  	s23 =	simm.s32 $0x3000;
	v58 =	vor.u32 s26, v25;
	[tilespmem:s21+$0xA0] =	vst v51  }
0x7c7: {  	v59 =	vor.u32 s23, v0;
	v51 =	vld.idx.msk [tilespmem:v56+s10+$0x0], $0xffff  }
0x7c8: {  	v60 =	vor.u32 s25, v25;
	_ =	sdelay $0x1  }
0x7c9: {  	v53 =	vld.idx.msk [tilespmem:v57+s10+$0x0], $0xffff;
	[tilespmem:s21+$0x30] =	vst v49  }
0x7ca: {  	v55 =	vor.u32 s22, v1;
	v49 =	vld.idx.msk [tilespmem:v58+s10+$0x0], $0xffff  }
0x7cb: {  	v50 =	vld.idx.msk [tilespmem:v59+s10+$0x0], $0xffff;
	v61 =	vor.u32 s26, v26;
	[tilespmem:s21+$0xB0] =	vst v51  }
0x7cc: {  	v63 =	vor.u32 s23, v1;
	v62 =	vld.idx.msk [tilespmem:v60+s10+$0x0], $0xffff  }
0x7cd: {  	s24 =	simm.s32 $0x15500;
	v60 =	vor.u32 s25, v26  }
0x7ce: {  	[tilespmem:s24+$0xFFFFE800] =	vst v53  }
0x7cf: {  	v55 =	vld.idx.msk [tilespmem:v55+s10+$0x0], $0xffff;
	[tilespmem:s21+$0x40] =	vst v49  }
0x7d0: {  	[tilespmem:s24+$0xFFFFE880] =	vst v50;
	v56 =	vor.u32 s22, v2;
	v49 =	vld.idx.msk [tilespmem:v61+s10+$0x0], $0xffff  }
0x7d1: {  	v50 =	vld.idx.msk [tilespmem:v63+s10+$0x0], $0xffff;
	[tilespmem:s21+$0xC0] =	vst v62;
	v61 =	vor.u32 s26, v27  }
0x7d2: {  	v62 =	vor.u32 s23, v2;
	v52 =	vld.idx.msk [tilespmem:v60+s10+$0x0], $0xffff  }
0x7d3: {  	v63 =	vor.u32 s25, v27  }
0x7d4: {  	[tilespmem:s24+$0xFFFFE810] =	vst v55  }
0x7d5: {  	v55 =	vld.idx.msk [tilespmem:v56+s10+$0x0], $0xffff;
	[tilespmem:s21+$0x50] =	vst v49  }
0x7d6: {  	[tilespmem:s24+$0xFFFFE890] =	vst v50;
	v60 =	vor.u32 s22, v3;
	v49 =	vld.idx.msk [tilespmem:v61+s10+$0x0], $0xffff  }
0x7d7: {  	v50 =	vld.idx.msk [tilespmem:v62+s10+$0x0], $0xffff;
	[tilespmem:s21+$0xD0] =	vst v52;
	v61 =	vor.u32 s26, v28  }
0x7d8: {  	v62 =	vor.u32 s23, v3;
	v52 =	vld.idx.msk [tilespmem:v63+s10+$0x0], $0xffff  }
0x7d9: {  	v63 =	vor.u32 s25, v28  }
0x7da: {  	[tilespmem:s24+$0xFFFFE820] =	vst v55  }
0x7db: {  	v55 =	vld.idx.msk [tilespmem:v60+s10+$0x0], $0xffff;
	[tilespmem:s21+$0x60] =	vst v49  }
0x7dc: {  	v60 =	vor.u32 s22, v4;
	[tilespmem:s24+$0xFFFFE8A0] =	vst v50;
	v49 =	vld.idx.msk [tilespmem:v61+s10+$0x0], $0xffff  }
0x7dd: {  	v50 =	vld.idx.msk [tilespmem:v62+s10+$0x0], $0xffff;
	[tilespmem:s21+$0xE0] =	vst v52;
	v61 =	vor.u32 s26, v29  }
0x7de: {  	v62 =	vor.u32 s23, v4;
	v52 =	vld.idx.msk [tilespmem:v63+s10+$0x0], $0xffff  }
0x7df: {  	v63 =	vor.u32 s25, v29  }
0x7e0: {  	[tilespmem:s24+$0xFFFFE830] =	vst v55  }
0x7e1: {  	v55 =	vld.idx.msk [tilespmem:v60+s10+$0x0], $0xffff;
	[tilespmem:s21+$0x800] =	vst v49  }
0x7e2: {  	v60 =	vor.u32 s22, v5;
	[tilespmem:s24+$0xFFFFE8B0] =	vst v50;
	v49 =	vld.idx.msk [tilespmem:v61+s10+$0x0], $0xffff  }
0x7e3: {  	v50 =	vld.idx.msk [tilespmem:v62+s10+$0x0], $0xffff;
	[tilespmem:s21+$0x880] =	vst v52;
	v61 =	vor.u32 s26, v30  }
0x7e4: {  	v62 =	vor.u32 s23, v5;
	v52 =	vld.idx.msk [tilespmem:v63+s10+$0x0], $0xffff  }
0x7e5: {  	v63 =	vor.u32 s25, v30  }
0x7e6: {  	[tilespmem:s24+$0xFFFFE840] =	vst v55  }
0x7e7: {  	v55 =	vld.idx.msk [tilespmem:v60+s10+$0x0], $0xffff;
	[tilespmem:s21+$0x810] =	vst v49  }
0x7e8: {  	v60 =	vor.u32 s22, v6;
	[tilespmem:s24+$0xFFFFE8C0] =	vst v50;
	v49 =	vld.idx.msk [tilespmem:v61+s10+$0x0], $0xffff  }
0x7e9: {  	v50 =	vld.idx.msk [tilespmem:v62+s10+$0x0], $0xffff;
	[tilespmem:s21+$0x890] =	vst v52;
	v61 =	vor.u32 s26, v31  }
0x7ea: {  	v62 =	vor.u32 s23, v6;
	v52 =	vld.idx.msk [tilespmem:v63+s10+$0x0], $0xffff  }
0x7eb: {  	v63 =	vor.u32 s25, v31  }
0x7ec: {  	[tilespmem:s24+$0xFFFFE850] =	vst v55  }
0x7ed: {  	v55 =	vld.idx.msk [tilespmem:v60+s10+$0x0], $0xffff;
	[tilespmem:s21+$0x820] =	vst v49  }
0x7ee: {  	v60 =	vor.u32 s22, v7;
	[tilespmem:s24+$0xFFFFE8D0] =	vst v50;
	v49 =	vld.idx.msk [tilespmem:v61+s10+$0x0], $0xffff  }
0x7ef: {  	v50 =	vld.idx.msk [tilespmem:v62+s10+$0x0], $0xffff;
	[tilespmem:s21+$0x8A0] =	vst v52;
	v61 =	vor.u32 s26, v32  }
0x7f0: {  	v62 =	vor.u32 s23, v7;
	v52 =	vld.idx.msk [tilespmem:v63+s10+$0x0], $0xffff  }
0x7f1: {  	v63 =	vor.u32 s25, v32  }
0x7f2: {  	[tilespmem:s24+$0xFFFFE860] =	vst v55  }
0x7f3: {  	v55 =	vld.idx.msk [tilespmem:v60+s10+$0x0], $0xffff;
	[tilespmem:s21+$0x830] =	vst v49  }
0x7f4: {  	v60 =	vor.u32 s22, v8;
	[tilespmem:s24+$0xFFFFE8E0] =	vst v50;
	v49 =	vld.idx.msk [tilespmem:v61+s10+$0x0], $0xffff  }
0x7f5: {  	v50 =	vld.idx.msk [tilespmem:v62+s10+$0x0], $0xffff;
	[tilespmem:s21+$0x8B0] =	vst v52;
	v61 =	vor.u32 s26, v33  }
0x7f6: {  	v62 =	vor.u32 s23, v8;
	v52 =	vld.idx.msk [tilespmem:v63+s10+$0x0], $0xffff  }
0x7f7: {  	v63 =	vor.u32 s25, v33  }
0x7f8: {  	[tilespmem:s24+$0xFFFFF000] =	vst v55  }
0x7f9: {  	v55 =	vld.idx.msk [tilespmem:v60+s10+$0x0], $0xffff;
	[tilespmem:s21+$0x840] =	vst v49  }
0x7fa: {  	v60 =	vor.u32 s22, v9;
	[tilespmem:s24+$0xFFFFF080] =	vst v50;
	v49 =	vld.idx.msk [tilespmem:v61+s10+$0x0], $0xffff  }
0x7fb: {  	v50 =	vld.idx.msk [tilespmem:v62+s10+$0x0], $0xffff;
	[tilespmem:s21+$0x8C0] =	vst v52;
	v61 =	vor.u32 s26, v34  }
0x7fc: {  	v62 =	vor.u32 s23, v9;
	v52 =	vld.idx.msk [tilespmem:v63+s10+$0x0], $0xffff  }
0x7fd: {  	v63 =	vor.u32 s25, v34  }
0x7fe: {  	[tilespmem:s24+$0xFFFFF010] =	vst v55  }
0x7ff: {  	v55 =	vld.idx.msk [tilespmem:v60+s10+$0x0], $0xffff;
	[tilespmem:s21+$0x850] =	vst v49  }
0x800: {  	v60 =	vor.u32 s22, v10;
	[tilespmem:s24+$0xFFFFF090] =	vst v50;
	v49 =	vld.idx.msk [tilespmem:v61+s10+$0x0], $0xffff  }
0x801: {  	v50 =	vld.idx.msk [tilespmem:v62+s10+$0x0], $0xffff;
	[tilespmem:s21+$0x8D0] =	vst v52;
	v61 =	vor.u32 s26, v35  }
0x802: {  	v62 =	vor.u32 s23, v10;
	v52 =	vld.idx.msk [tilespmem:v63+s10+$0x0], $0xffff  }
0x803: {  	v63 =	vor.u32 s25, v35  }
0x804: {  	[tilespmem:s24+$0xFFFFF020] =	vst v55  }
0x805: {  	v55 =	vld.idx.msk [tilespmem:v60+s10+$0x0], $0xffff;
	[tilespmem:s21+$0x860] =	vst v49  }
0x806: {  	v60 =	vor.u32 s22, v11;
	[tilespmem:s24+$0xFFFFF0A0] =	vst v50;
	v49 =	vld.idx.msk [tilespmem:v61+s10+$0x0], $0xffff  }
0x807: {  	v50 =	vld.idx.msk [tilespmem:v62+s10+$0x0], $0xffff;
	[tilespmem:s21+$0x8E0] =	vst v52;
	v61 =	vor.u32 s26, v36  }
0x808: {  	v62 =	vor.u32 s23, v11;
	v52 =	vld.idx.msk [tilespmem:v63+s10+$0x0], $0xffff  }
0x809: {  	v63 =	vor.u32 s25, v36  }
0x80a: {  	[tilespmem:s24+$0xFFFFF030] =	vst v55  }
0x80b: {  	v55 =	vld.idx.msk [tilespmem:v60+s10+$0x0], $0xffff;
	[tilespmem:s21+$0x1000] =	vst v49  }
0x80c: {  	v60 =	vor.u32 s22, v12;
	[tilespmem:s24+$0xFFFFF0B0] =	vst v50;
	v49 =	vld.idx.msk [tilespmem:v61+s10+$0x0], $0xffff  }
0x80d: {  	v50 =	vld.idx.msk [tilespmem:v62+s10+$0x0], $0xffff;
	[tilespmem:s21+$0x1080] =	vst v52;
	v61 =	vor.u32 s26, v37  }
0x80e: {  	v62 =	vor.u32 s23, v12;
	v52 =	vld.idx.msk [tilespmem:v63+s10+$0x0], $0xffff  }
0x80f: {  	v63 =	vor.u32 s25, v37  }
0x810: {  	[tilespmem:s24+$0xFFFFF040] =	vst v55  }
0x811: {  	v55 =	vld.idx.msk [tilespmem:v60+s10+$0x0], $0xffff;
	[tilespmem:s21+$0x1010] =	vst v49  }
0x812: {  	v60 =	vor.u32 s22, v13;
	[tilespmem:s24+$0xFFFFF0C0] =	vst v50;
	v49 =	vld.idx.msk [tilespmem:v61+s10+$0x0], $0xffff  }
0x813: {  	v50 =	vld.idx.msk [tilespmem:v62+s10+$0x0], $0xffff;
	[tilespmem:s21+$0x1090] =	vst v52;
	v61 =	vor.u32 s26, v38  }
0x814: {  	v62 =	vor.u32 s23, v13;
	v52 =	vld.idx.msk [tilespmem:v63+s10+$0x0], $0xffff  }
0x815: {  	v63 =	vor.u32 s25, v38  }
0x816: {  	[tilespmem:s24+$0xFFFFF050] =	vst v55  }
0x817: {  	v55 =	vld.idx.msk [tilespmem:v60+s10+$0x0], $0xffff;
	[tilespmem:s21+$0x1020] =	vst v49  }
0x818: {  	v60 =	vor.u32 s22, v14;
	[tilespmem:s24+$0xFFFFF0D0] =	vst v50;
	v49 =	vld.idx.msk [tilespmem:v61+s10+$0x0], $0xffff  }
0x819: {  	v50 =	vld.idx.msk [tilespmem:v62+s10+$0x0], $0xffff;
	[tilespmem:s21+$0x10A0] =	vst v52;
	v61 =	vor.u32 s26, v39  }
0x81a: {  	v62 =	vor.u32 s23, v14;
	v52 =	vld.idx.msk [tilespmem:v63+s10+$0x0], $0xffff  }
0x81b: {  	v63 =	vor.u32 s25, v39  }
0x81c: {  	[tilespmem:s24+$0xFFFFF060] =	vst v55  }
0x81d: {  	v55 =	vld.idx.msk [tilespmem:v60+s10+$0x0], $0xffff;
	[tilespmem:s21+$0x1030] =	vst v49  }
0x81e: {  	v60 =	vor.u32 s22, v15;
	[tilespmem:s24+$0xFFFFF0E0] =	vst v50;
	v49 =	vld.idx.msk [tilespmem:v61+s10+$0x0], $0xffff  }
0x81f: {  	v50 =	vld.idx.msk [tilespmem:v62+s10+$0x0], $0xffff;
	[tilespmem:s21+$0x10B0] =	vst v52;
	v61 =	vor.u32 s26, v40  }
0x820: {  	v62 =	vor.u32 s23, v15;
	v52 =	vld.idx.msk [tilespmem:v63+s10+$0x0], $0xffff  }
0x821: {  	v63 =	vor.u32 s25, v40  }
0x822: {  	[tilespmem:s24+$0xFFFFF800] =	vst v55  }
0x823: {  	v55 =	vld.idx.msk [tilespmem:v60+s10+$0x0], $0xffff;
	[tilespmem:s21+$0x1040] =	vst v49  }
0x824: {  	v60 =	vor.u32 s22, v16;
	[tilespmem:s24+$0xFFFFF880] =	vst v50;
	v49 =	vld.idx.msk [tilespmem:v61+s10+$0x0], $0xffff  }
0x825: {  	v50 =	vld.idx.msk [tilespmem:v62+s10+$0x0], $0xffff;
	[tilespmem:s21+$0x10C0] =	vst v52;
	v61 =	vor.u32 s26, v41  }
0x826: {  	v62 =	vor.u32 s23, v16;
	v52 =	vld.idx.msk [tilespmem:v63+s10+$0x0], $0xffff  }
0x827: {  	v63 =	vor.u32 s25, v41  }
0x828: {  	[tilespmem:s24+$0xFFFFF810] =	vst v55  }
0x829: {  	v55 =	vld.idx.msk [tilespmem:v60+s10+$0x0], $0xffff;
	[tilespmem:s21+$0x1050] =	vst v49  }
0x82a: {  	v60 =	vor.u32 s22, v17;
	[tilespmem:s24+$0xFFFFF890] =	vst v50;
	v49 =	vld.idx.msk [tilespmem:v61+s10+$0x0], $0xffff  }
0x82b: {  	v50 =	vld.idx.msk [tilespmem:v62+s10+$0x0], $0xffff;
	[tilespmem:s21+$0x10D0] =	vst v52;
	v61 =	vor.u32 s26, v42  }
0x82c: {  	v62 =	vor.u32 s23, v17;
	v52 =	vld.idx.msk [tilespmem:v63+s10+$0x0], $0xffff  }
0x82d: {  	v63 =	vor.u32 s25, v42  }
0x82e: {  	[tilespmem:s24+$0xFFFFF820] =	vst v55  }
0x82f: {  	v55 =	vld.idx.msk [tilespmem:v60+s10+$0x0], $0xffff;
	[tilespmem:s21+$0x1060] =	vst v49  }
0x830: {  	v60 =	vor.u32 s22, v18;
	[tilespmem:s24+$0xFFFFF8A0] =	vst v50;
	v49 =	vld.idx.msk [tilespmem:v61+s10+$0x0], $0xffff  }
0x831: {  	v50 =	vld.idx.msk [tilespmem:v62+s10+$0x0], $0xffff;
	[tilespmem:s21+$0x10E0] =	vst v52;
	v61 =	vor.u32 s26, v43  }
0x832: {  	v62 =	vor.u32 s23, v18;
	v52 =	vld.idx.msk [tilespmem:v63+s10+$0x0], $0xffff  }
0x833: {  	v63 =	vor.u32 s25, v43  }
0x834: {  	[tilespmem:s24+$0xFFFFF830] =	vst v55  }
0x835: {  	v55 =	vld.idx.msk [tilespmem:v60+s10+$0x0], $0xffff;
	[tilespmem:s21+$0x1800] =	vst v49  }
0x836: {  	v60 =	vor.u32 s22, v19;
	[tilespmem:s24+$0xFFFFF8B0] =	vst v50;
	v49 =	vld.idx.msk [tilespmem:v61+s10+$0x0], $0xffff  }
0x837: {  	v50 =	vld.idx.msk [tilespmem:v62+s10+$0x0], $0xffff;
	[tilespmem:s21+$0x1880] =	vst v52;
	v61 =	vor.u32 s26, v44  }
0x838: {  	v62 =	vor.u32 s23, v19;
	v52 =	vld.idx.msk [tilespmem:v63+s10+$0x0], $0xffff  }
0x839: {  	v63 =	vor.u32 s25, v44  }
0x83a: {  	[tilespmem:s24+$0xFFFFF840] =	vst v55  }
0x83b: {  	v55 =	vld.idx.msk [tilespmem:v60+s10+$0x0], $0xffff;
	[tilespmem:s21+$0x1810] =	vst v49  }
0x83c: {  	v60 =	vor.u32 s22, v20;
	[tilespmem:s24+$0xFFFFF8C0] =	vst v50;
	v49 =	vld.idx.msk [tilespmem:v61+s10+$0x0], $0xffff  }
0x83d: {  	v50 =	vld.idx.msk [tilespmem:v62+s10+$0x0], $0xffff;
	[tilespmem:s21+$0x1890] =	vst v52;
	v61 =	vor.u32 s26, v45  }
0x83e: {  	v62 =	vor.u32 s23, v20;
	v52 =	vld.idx.msk [tilespmem:v63+s10+$0x0], $0xffff  }
0x83f: {  	v63 =	vor.u32 s25, v45  }
0x840: {  	[tilespmem:s24+$0xFFFFF850] =	vst v55  }
0x841: {  	v55 =	vld.idx.msk [tilespmem:v60+s10+$0x0], $0xffff;
	[tilespmem:s21+$0x1820] =	vst v49  }
0x842: {  	v60 =	vor.u32 s22, v21;
	[tilespmem:s24+$0xFFFFF8D0] =	vst v50;
	v49 =	vld.idx.msk [tilespmem:v61+s10+$0x0], $0xffff  }
0x843: {  	v50 =	vld.idx.msk [tilespmem:v62+s10+$0x0], $0xffff;
	[tilespmem:s21+$0x18A0] =	vst v52;
	v61 =	vor.u32 s26, v46  }
0x844: {  	v62 =	vor.u32 s23, v21;
	v52 =	vld.idx.msk [tilespmem:v63+s10+$0x0], $0xffff  }
0x845: {  	v63 =	vor.u32 s25, v46  }
0x846: {  	[tilespmem:s24+$0xFFFFF860] =	vst v55  }
0x847: {  	v55 =	vld.idx.msk [tilespmem:v60+s10+$0x0], $0xffff;
	[tilespmem:s21+$0x1830] =	vst v49  }
0x848: {  	v60 =	vor.u32 s22, v22;
	[tilespmem:s24+$0xFFFFF8E0] =	vst v50;
	v49 =	vld.idx.msk [tilespmem:v61+s10+$0x0], $0xffff  }
0x849: {  	v50 =	vld.idx.msk [tilespmem:v62+s10+$0x0], $0xffff;
	[tilespmem:s21+$0x18B0] =	vst v52;
	v61 =	vor.u32 s26, v47  }
0x84a: {  	v62 =	vor.u32 s23, v22;
	v52 =	vld.idx.msk [tilespmem:v63+s10+$0x0], $0xffff  }
0x84b: {  	v63 =	vor.u32 s25, v47  }
0x84c: {  	[tilespmem:s24+$0x0] =	vst v55  }
0x84d: {  	v55 =	vld.idx.msk [tilespmem:v60+s10+$0x0], $0xffff;
	[tilespmem:s21+$0x1840] =	vst v49  }
0x84e: {  	v60 =	vor.u32 s22, v23;
	[tilespmem:s24+$0x80] =	vst v50;
	v49 =	vld.idx.msk [tilespmem:v61+s10+$0x0], $0xffff  }
0x84f: {  	v50 =	vld.idx.msk [tilespmem:v62+s10+$0x0], $0xffff;
	[tilespmem:s21+$0x18C0] =	vst v52;
	v61 =	vor.u32 s26, v48  }
0x850: {  	v62 =	vor.u32 s23, v23;
	v52 =	vld.idx.msk [tilespmem:v63+s10+$0x0], $0xffff  }
0x851: {  	v63 =	vor.u32 s25, v48  }
0x852: {  	[tilespmem:s24+$0x10] =	vst v55  }
0x853: {  	v55 =	vld.idx.msk [tilespmem:v60+s10+$0x0], $0xffff;
	[tilespmem:s21+$0x1850] =	vst v49  }
0x854: {  	v53 =	vor.u32 s22, v24;
	[tilespmem:s24+$0x90] =	vst v50;
	v49 =	vld.idx.msk [tilespmem:v61+s10+$0x0], $0xffff  }
0x855: {  	v51 =	vld.idx.msk [tilespmem:v62+s10+$0x0], $0xffff;
	[tilespmem:s21+$0x18D0] =	vst v52  }
0x856: {  	v52 =	vor.u32 s23, v24;
	v50 =	vld.idx.msk [tilespmem:v63+s10+$0x0], $0xffff;
	_ =	sdelay $0x1  }
0x857: {  	s25 =	simm.s32 $0x4;
	[tilespmem:s24+$0x20] =	vst v55  }
.LBB2_9:
0x858: {  	p0 =	slt.u32 s25, $0x6;
	v53 =	vld.idx.msk [tilespmem:v53+s10+$0x0], $0xffff;
	[tilespmem:s21+$0x1860] =	vst v49;
	s26 =	smov.u32 s25;
	s25 =	sadd.s32 $0x2, s25  }
0x859: {  	s26 =	sshll.u32 s26, $0xC;
	[tilespmem:s24+$0xA0] =	vst v51  }
0x85a: {  	v49 =	vor.u32 s26, v0;
	s28 =	sadd.s32 $0x1000, s26;
	v51 =	vld.idx.msk [tilespmem:v52+s10+$0x0], $0xffff;
	[tilespmem:s21+$0x18E0] =	vst v50;
	s21 =	smov.u32 s24  }
0x85b: {  	v52 =	vor.u32 s22, v25;
	v50 =	vor.u32 s28, v0  }
0x85c: {  	v54 =	vor.u32 s23, v25;
	_ =	sdelay $0x1  }
0x85d: {  	[tilespmem:s24+$0x30] =	vst v53  }
0x85e: {  	v49 =	vld.idx.msk [tilespmem:v49+s10+$0x0], $0xffff  }
0x85f: {  	v52 =	vld.idx.msk [tilespmem:v52+s10+$0x0], $0xffff;
	[tilespmem:s24+$0xB0] =	vst v51  }
0x860: {  	v51 =	vor.u32 s26, v1;
	v50 =	vld.idx.msk [tilespmem:v50+s10+$0x0], $0xffff  }
0x861: {  	v53 =	vor.u32 s22, v26;
	v54 =	vld.idx.msk [tilespmem:v54+s10+$0x0], $0xffff  }
0x862: {  	v56 =	vor.u32 s23, v26;
	v55 =	vor.u32 s28, v1  }
0x863: {  	s24 =	sadd.s32 $0x100, s24  }
0x864: {  	[tilespmem:s24+$0xFFFFE800] =	vst v49  }
0x865: {  	v49 =	vld.idx.msk [tilespmem:v51+s10+$0x0], $0xffff;
	[tilespmem:s21+$0x40] =	vst v52  }
0x866: {  	[tilespmem:s24+$0xFFFFE880] =	vst v50;
	v50 =	vld.idx.msk [tilespmem:v53+s10+$0x0], $0xffff  }
0x867: {  	v51 =	vor.u32 s26, v2;
	v52 =	vld.idx.msk [tilespmem:v55+s10+$0x0], $0xffff;
	[tilespmem:s21+$0xC0] =	vst v54  }
0x868: {  	v53 =	vor.u32 s22, v27;
	v54 =	vld.idx.msk [tilespmem:v56+s10+$0x0], $0xffff  }
0x869: {  	v55 =	vor.u32 s28, v2;
	v56 =	vor.u32 s23, v27;
	_ =	sdelay $0x1  }
0x86a: {  	[tilespmem:s24+$0xFFFFE810] =	vst v49  }
0x86b: {  	v49 =	vld.idx.msk [tilespmem:v51+s10+$0x0], $0xffff;
	[tilespmem:s21+$0x50] =	vst v50  }
0x86c: {  	[tilespmem:s24+$0xFFFFE890] =	vst v52;
	v50 =	vld.idx.msk [tilespmem:v53+s10+$0x0], $0xffff  }
0x86d: {  	v51 =	vor.u32 s26, v3;
	v52 =	vld.idx.msk [tilespmem:v55+s10+$0x0], $0xffff;
	[tilespmem:s21+$0xD0] =	vst v54  }
0x86e: {  	v53 =	vor.u32 s22, v28;
	v54 =	vld.idx.msk [tilespmem:v56+s10+$0x0], $0xffff  }
0x86f: {  	v55 =	vor.u32 s28, v3;
	v56 =	vor.u32 s23, v28;
	_ =	sdelay $0x1  }
0x870: {  	[tilespmem:s24+$0xFFFFE820] =	vst v49  }
0x871: {  	v49 =	vld.idx.msk [tilespmem:v51+s10+$0x0], $0xffff;
	[tilespmem:s21+$0x60] =	vst v50  }
0x872: {  	[tilespmem:s24+$0xFFFFE8A0] =	vst v52;
	v50 =	vld.idx.msk [tilespmem:v53+s10+$0x0], $0xffff  }
0x873: {  	v51 =	vor.u32 s26, v4;
	v52 =	vld.idx.msk [tilespmem:v55+s10+$0x0], $0xffff;
	[tilespmem:s21+$0xE0] =	vst v54  }
0x874: {  	v53 =	vor.u32 s22, v29;
	v54 =	vld.idx.msk [tilespmem:v56+s10+$0x0], $0xffff  }
0x875: {  	v55 =	vor.u32 s28, v4;
	v56 =	vor.u32 s23, v29;
	_ =	sdelay $0x1  }
0x876: {  	[tilespmem:s24+$0xFFFFE830] =	vst v49  }
0x877: {  	v49 =	vld.idx.msk [tilespmem:v51+s10+$0x0], $0xffff;
	[tilespmem:s21+$0x800] =	vst v50  }
0x878: {  	[tilespmem:s24+$0xFFFFE8B0] =	vst v52;
	v50 =	vld.idx.msk [tilespmem:v53+s10+$0x0], $0xffff  }
0x879: {  	v51 =	vor.u32 s26, v5;
	v52 =	vld.idx.msk [tilespmem:v55+s10+$0x0], $0xffff;
	[tilespmem:s21+$0x880] =	vst v54  }
0x87a: {  	v53 =	vor.u32 s22, v30;
	v54 =	vld.idx.msk [tilespmem:v56+s10+$0x0], $0xffff  }
0x87b: {  	v55 =	vor.u32 s28, v5;
	v56 =	vor.u32 s23, v30;
	_ =	sdelay $0x1  }
0x87c: {  	[tilespmem:s24+$0xFFFFE840] =	vst v49  }
0x87d: {  	v49 =	vld.idx.msk [tilespmem:v51+s10+$0x0], $0xffff;
	[tilespmem:s21+$0x810] =	vst v50  }
0x87e: {  	[tilespmem:s24+$0xFFFFE8C0] =	vst v52;
	v50 =	vld.idx.msk [tilespmem:v53+s10+$0x0], $0xffff  }
0x87f: {  	v51 =	vor.u32 s26, v6;
	v52 =	vld.idx.msk [tilespmem:v55+s10+$0x0], $0xffff;
	[tilespmem:s21+$0x890] =	vst v54  }
0x880: {  	v53 =	vor.u32 s22, v31;
	v54 =	vld.idx.msk [tilespmem:v56+s10+$0x0], $0xffff  }
0x881: {  	v55 =	vor.u32 s28, v6;
	v56 =	vor.u32 s23, v31;
	_ =	sdelay $0x1  }
0x882: {  	[tilespmem:s24+$0xFFFFE850] =	vst v49  }
0x883: {  	v49 =	vld.idx.msk [tilespmem:v51+s10+$0x0], $0xffff;
	[tilespmem:s21+$0x820] =	vst v50  }
0x884: {  	[tilespmem:s24+$0xFFFFE8D0] =	vst v52;
	v50 =	vld.idx.msk [tilespmem:v53+s10+$0x0], $0xffff  }
0x885: {  	v51 =	vor.u32 s26, v7;
	v52 =	vld.idx.msk [tilespmem:v55+s10+$0x0], $0xffff;
	[tilespmem:s21+$0x8A0] =	vst v54  }
0x886: {  	v53 =	vor.u32 s22, v32;
	v54 =	vld.idx.msk [tilespmem:v56+s10+$0x0], $0xffff  }
0x887: {  	v55 =	vor.u32 s28, v7;
	v56 =	vor.u32 s23, v32;
	_ =	sdelay $0x1  }
0x888: {  	[tilespmem:s24+$0xFFFFE860] =	vst v49  }
0x889: {  	v49 =	vld.idx.msk [tilespmem:v51+s10+$0x0], $0xffff;
	[tilespmem:s21+$0x830] =	vst v50  }
0x88a: {  	[tilespmem:s24+$0xFFFFE8E0] =	vst v52;
	v50 =	vld.idx.msk [tilespmem:v53+s10+$0x0], $0xffff  }
0x88b: {  	v51 =	vor.u32 s26, v8;
	v52 =	vld.idx.msk [tilespmem:v55+s10+$0x0], $0xffff;
	[tilespmem:s21+$0x8B0] =	vst v54  }
0x88c: {  	v53 =	vor.u32 s22, v33;
	v54 =	vld.idx.msk [tilespmem:v56+s10+$0x0], $0xffff  }
0x88d: {  	v55 =	vor.u32 s28, v8;
	v56 =	vor.u32 s23, v33;
	_ =	sdelay $0x1  }
0x88e: {  	[tilespmem:s24+$0xFFFFF000] =	vst v49  }
0x88f: {  	v49 =	vld.idx.msk [tilespmem:v51+s10+$0x0], $0xffff;
	[tilespmem:s21+$0x840] =	vst v50  }
0x890: {  	[tilespmem:s24+$0xFFFFF080] =	vst v52;
	v50 =	vld.idx.msk [tilespmem:v53+s10+$0x0], $0xffff  }
0x891: {  	v51 =	vor.u32 s26, v9;
	v52 =	vld.idx.msk [tilespmem:v55+s10+$0x0], $0xffff;
	[tilespmem:s21+$0x8C0] =	vst v54  }
0x892: {  	v53 =	vor.u32 s22, v34;
	v54 =	vld.idx.msk [tilespmem:v56+s10+$0x0], $0xffff  }
0x893: {  	v55 =	vor.u32 s28, v9;
	v56 =	vor.u32 s23, v34;
	_ =	sdelay $0x1  }
0x894: {  	[tilespmem:s24+$0xFFFFF010] =	vst v49  }
0x895: {  	v49 =	vld.idx.msk [tilespmem:v51+s10+$0x0], $0xffff;
	[tilespmem:s21+$0x850] =	vst v50  }
0x896: {  	[tilespmem:s24+$0xFFFFF090] =	vst v52;
	v50 =	vld.idx.msk [tilespmem:v53+s10+$0x0], $0xffff  }
0x897: {  	v51 =	vor.u32 s26, v10;
	v52 =	vld.idx.msk [tilespmem:v55+s10+$0x0], $0xffff;
	[tilespmem:s21+$0x8D0] =	vst v54  }
0x898: {  	v53 =	vor.u32 s22, v35;
	v54 =	vld.idx.msk [tilespmem:v56+s10+$0x0], $0xffff  }
0x899: {  	v55 =	vor.u32 s28, v10;
	v56 =	vor.u32 s23, v35;
	_ =	sdelay $0x1  }
0x89a: {  	[tilespmem:s24+$0xFFFFF020] =	vst v49  }
0x89b: {  	v49 =	vld.idx.msk [tilespmem:v51+s10+$0x0], $0xffff;
	[tilespmem:s21+$0x860] =	vst v50  }
0x89c: {  	[tilespmem:s24+$0xFFFFF0A0] =	vst v52;
	v50 =	vld.idx.msk [tilespmem:v53+s10+$0x0], $0xffff  }
0x89d: {  	v51 =	vor.u32 s26, v11;
	v52 =	vld.idx.msk [tilespmem:v55+s10+$0x0], $0xffff;
	[tilespmem:s21+$0x8E0] =	vst v54  }
0x89e: {  	v53 =	vor.u32 s22, v36;
	v54 =	vld.idx.msk [tilespmem:v56+s10+$0x0], $0xffff  }
0x89f: {  	v55 =	vor.u32 s28, v11;
	v56 =	vor.u32 s23, v36;
	_ =	sdelay $0x1  }
0x8a0: {  	[tilespmem:s24+$0xFFFFF030] =	vst v49  }
0x8a1: {  	v49 =	vld.idx.msk [tilespmem:v51+s10+$0x0], $0xffff;
	[tilespmem:s21+$0x1000] =	vst v50  }
0x8a2: {  	[tilespmem:s24+$0xFFFFF0B0] =	vst v52;
	v50 =	vld.idx.msk [tilespmem:v53+s10+$0x0], $0xffff  }
0x8a3: {  	v51 =	vor.u32 s26, v12;
	v52 =	vld.idx.msk [tilespmem:v55+s10+$0x0], $0xffff;
	[tilespmem:s21+$0x1080] =	vst v54  }
0x8a4: {  	v53 =	vor.u32 s22, v37;
	v54 =	vld.idx.msk [tilespmem:v56+s10+$0x0], $0xffff  }
0x8a5: {  	v55 =	vor.u32 s28, v12;
	v56 =	vor.u32 s23, v37;
	_ =	sdelay $0x1  }
0x8a6: {  	[tilespmem:s24+$0xFFFFF040] =	vst v49  }
0x8a7: {  	v49 =	vld.idx.msk [tilespmem:v51+s10+$0x0], $0xffff;
	[tilespmem:s21+$0x1010] =	vst v50  }
0x8a8: {  	[tilespmem:s24+$0xFFFFF0C0] =	vst v52;
	v50 =	vld.idx.msk [tilespmem:v53+s10+$0x0], $0xffff  }
0x8a9: {  	v51 =	vor.u32 s26, v13;
	v52 =	vld.idx.msk [tilespmem:v55+s10+$0x0], $0xffff;
	[tilespmem:s21+$0x1090] =	vst v54  }
0x8aa: {  	v53 =	vor.u32 s22, v38;
	v54 =	vld.idx.msk [tilespmem:v56+s10+$0x0], $0xffff  }
0x8ab: {  	v55 =	vor.u32 s28, v13;
	v56 =	vor.u32 s23, v38;
	_ =	sdelay $0x1  }
0x8ac: {  	[tilespmem:s24+$0xFFFFF050] =	vst v49  }
0x8ad: {  	v49 =	vld.idx.msk [tilespmem:v51+s10+$0x0], $0xffff;
	[tilespmem:s21+$0x1020] =	vst v50  }
0x8ae: {  	[tilespmem:s24+$0xFFFFF0D0] =	vst v52;
	v50 =	vld.idx.msk [tilespmem:v53+s10+$0x0], $0xffff  }
0x8af: {  	v51 =	vor.u32 s26, v14;
	v52 =	vld.idx.msk [tilespmem:v55+s10+$0x0], $0xffff;
	[tilespmem:s21+$0x10A0] =	vst v54  }
0x8b0: {  	v53 =	vor.u32 s22, v39;
	v54 =	vld.idx.msk [tilespmem:v56+s10+$0x0], $0xffff  }
0x8b1: {  	v55 =	vor.u32 s28, v14;
	v56 =	vor.u32 s23, v39;
	_ =	sdelay $0x1  }
0x8b2: {  	[tilespmem:s24+$0xFFFFF060] =	vst v49  }
0x8b3: {  	v49 =	vld.idx.msk [tilespmem:v51+s10+$0x0], $0xffff;
	[tilespmem:s21+$0x1030] =	vst v50  }
0x8b4: {  	[tilespmem:s24+$0xFFFFF0E0] =	vst v52;
	v50 =	vld.idx.msk [tilespmem:v53+s10+$0x0], $0xffff  }
0x8b5: {  	v51 =	vor.u32 s26, v15;
	v52 =	vld.idx.msk [tilespmem:v55+s10+$0x0], $0xffff;
	[tilespmem:s21+$0x10B0] =	vst v54  }
0x8b6: {  	v53 =	vor.u32 s22, v40;
	v54 =	vld.idx.msk [tilespmem:v56+s10+$0x0], $0xffff  }
0x8b7: {  	v55 =	vor.u32 s28, v15;
	v56 =	vor.u32 s23, v40;
	_ =	sdelay $0x1  }
0x8b8: {  	[tilespmem:s24+$0xFFFFF800] =	vst v49  }
0x8b9: {  	v49 =	vld.idx.msk [tilespmem:v51+s10+$0x0], $0xffff;
	[tilespmem:s21+$0x1040] =	vst v50  }
0x8ba: {  	[tilespmem:s24+$0xFFFFF880] =	vst v52;
	v50 =	vld.idx.msk [tilespmem:v53+s10+$0x0], $0xffff  }
0x8bb: {  	v51 =	vor.u32 s26, v16;
	v52 =	vld.idx.msk [tilespmem:v55+s10+$0x0], $0xffff;
	[tilespmem:s21+$0x10C0] =	vst v54  }
0x8bc: {  	v53 =	vor.u32 s22, v41;
	v54 =	vld.idx.msk [tilespmem:v56+s10+$0x0], $0xffff  }
0x8bd: {  	v55 =	vor.u32 s28, v16;
	v56 =	vor.u32 s23, v41;
	_ =	sdelay $0x1  }
0x8be: {  	[tilespmem:s24+$0xFFFFF810] =	vst v49  }
0x8bf: {  	v49 =	vld.idx.msk [tilespmem:v51+s10+$0x0], $0xffff;
	[tilespmem:s21+$0x1050] =	vst v50  }
0x8c0: {  	[tilespmem:s24+$0xFFFFF890] =	vst v52;
	v50 =	vld.idx.msk [tilespmem:v53+s10+$0x0], $0xffff  }
0x8c1: {  	v51 =	vor.u32 s26, v17;
	v52 =	vld.idx.msk [tilespmem:v55+s10+$0x0], $0xffff;
	[tilespmem:s21+$0x10D0] =	vst v54  }
0x8c2: {  	v53 =	vor.u32 s22, v42;
	v54 =	vld.idx.msk [tilespmem:v56+s10+$0x0], $0xffff  }
0x8c3: {  	v55 =	vor.u32 s28, v17;
	v56 =	vor.u32 s23, v42;
	_ =	sdelay $0x1  }
0x8c4: {  	[tilespmem:s24+$0xFFFFF820] =	vst v49  }
0x8c5: {  	v49 =	vld.idx.msk [tilespmem:v51+s10+$0x0], $0xffff;
	[tilespmem:s21+$0x1060] =	vst v50  }
0x8c6: {  	[tilespmem:s24+$0xFFFFF8A0] =	vst v52;
	v50 =	vld.idx.msk [tilespmem:v53+s10+$0x0], $0xffff  }
0x8c7: {  	v51 =	vor.u32 s26, v18;
	v52 =	vld.idx.msk [tilespmem:v55+s10+$0x0], $0xffff;
	[tilespmem:s21+$0x10E0] =	vst v54  }
0x8c8: {  	v53 =	vor.u32 s22, v43;
	v54 =	vld.idx.msk [tilespmem:v56+s10+$0x0], $0xffff  }
0x8c9: {  	v55 =	vor.u32 s28, v18;
	v56 =	vor.u32 s23, v43;
	_ =	sdelay $0x1  }
0x8ca: {  	[tilespmem:s24+$0xFFFFF830] =	vst v49  }
0x8cb: {  	v49 =	vld.idx.msk [tilespmem:v51+s10+$0x0], $0xffff;
	[tilespmem:s21+$0x1800] =	vst v50  }
0x8cc: {  	[tilespmem:s24+$0xFFFFF8B0] =	vst v52;
	v50 =	vld.idx.msk [tilespmem:v53+s10+$0x0], $0xffff  }
0x8cd: {  	v51 =	vor.u32 s26, v19;
	v52 =	vld.idx.msk [tilespmem:v55+s10+$0x0], $0xffff;
	[tilespmem:s21+$0x1880] =	vst v54  }
0x8ce: {  	v53 =	vor.u32 s22, v44;
	v54 =	vld.idx.msk [tilespmem:v56+s10+$0x0], $0xffff  }
0x8cf: {  	v55 =	vor.u32 s28, v19;
	v56 =	vor.u32 s23, v44;
	_ =	sdelay $0x1  }
0x8d0: {  	[tilespmem:s24+$0xFFFFF840] =	vst v49  }
0x8d1: {  	v49 =	vld.idx.msk [tilespmem:v51+s10+$0x0], $0xffff;
	[tilespmem:s21+$0x1810] =	vst v50  }
0x8d2: {  	[tilespmem:s24+$0xFFFFF8C0] =	vst v52;
	v50 =	vld.idx.msk [tilespmem:v53+s10+$0x0], $0xffff  }
0x8d3: {  	v51 =	vor.u32 s26, v20;
	v52 =	vld.idx.msk [tilespmem:v55+s10+$0x0], $0xffff;
	[tilespmem:s21+$0x1890] =	vst v54  }
0x8d4: {  	v53 =	vor.u32 s22, v45;
	v54 =	vld.idx.msk [tilespmem:v56+s10+$0x0], $0xffff  }
0x8d5: {  	v55 =	vor.u32 s28, v20;
	v56 =	vor.u32 s23, v45;
	_ =	sdelay $0x1  }
0x8d6: {  	[tilespmem:s24+$0xFFFFF850] =	vst v49  }
0x8d7: {  	v49 =	vld.idx.msk [tilespmem:v51+s10+$0x0], $0xffff;
	[tilespmem:s21+$0x1820] =	vst v50  }
0x8d8: {  	[tilespmem:s24+$0xFFFFF8D0] =	vst v52;
	v50 =	vld.idx.msk [tilespmem:v53+s10+$0x0], $0xffff  }
0x8d9: {  	v51 =	vor.u32 s26, v21;
	v52 =	vld.idx.msk [tilespmem:v55+s10+$0x0], $0xffff;
	[tilespmem:s21+$0x18A0] =	vst v54  }
0x8da: {  	v53 =	vor.u32 s22, v46;
	v54 =	vld.idx.msk [tilespmem:v56+s10+$0x0], $0xffff  }
0x8db: {  	v55 =	vor.u32 s28, v21;
	v56 =	vor.u32 s23, v46;
	_ =	sdelay $0x1  }
0x8dc: {  	[tilespmem:s24+$0xFFFFF860] =	vst v49  }
0x8dd: {  	v49 =	vld.idx.msk [tilespmem:v51+s10+$0x0], $0xffff;
	[tilespmem:s21+$0x1830] =	vst v50  }
0x8de: {  	[tilespmem:s24+$0xFFFFF8E0] =	vst v52;
	v50 =	vld.idx.msk [tilespmem:v53+s10+$0x0], $0xffff  }
0x8df: {  	v51 =	vor.u32 s26, v22;
	v52 =	vld.idx.msk [tilespmem:v55+s10+$0x0], $0xffff;
	[tilespmem:s21+$0x18B0] =	vst v54  }
0x8e0: {  	v53 =	vor.u32 s22, v47;
	v54 =	vld.idx.msk [tilespmem:v56+s10+$0x0], $0xffff  }
0x8e1: {  	v55 =	vor.u32 s28, v22;
	v56 =	vor.u32 s23, v47;
	_ =	sdelay $0x1  }
0x8e2: {  	[tilespmem:s24+$0x0] =	vst v49  }
0x8e3: {  	v49 =	vld.idx.msk [tilespmem:v51+s10+$0x0], $0xffff;
	[tilespmem:s21+$0x1840] =	vst v50  }
0x8e4: {  	[tilespmem:s24+$0x80] =	vst v52;
	v50 =	vld.idx.msk [tilespmem:v53+s10+$0x0], $0xffff  }
0x8e5: {  	v51 =	vor.u32 s26, v23;
	v52 =	vld.idx.msk [tilespmem:v55+s10+$0x0], $0xffff;
	[tilespmem:s21+$0x18C0] =	vst v54  }
0x8e6: {  	v53 =	vor.u32 s22, v48;
	s22 =	smov.u32 s26;
	v54 =	vld.idx.msk [tilespmem:v56+s10+$0x0], $0xffff  }
0x8e7: {  	v55 =	vor.u32 s28, v23;
	v56 =	vor.u32 s23, v48;
	s23 =	smov.u32 s28;
	_ =	sdelay $0x1  }
0x8e8: {  	[tilespmem:s24+$0x10] =	vst v49  }
0x8e9: {  	v57 =	vld.idx.msk [tilespmem:v51+s10+$0x0], $0xffff;
	[tilespmem:s21+$0x1850] =	vst v50  }
0x8ea: {  	[tilespmem:s24+$0x90] =	vst v52;
	v49 =	vld.idx.msk [tilespmem:v53+s10+$0x0], $0xffff  }
.Ltmp3:
0x8eb: {  	v53 =	vor.u32 s22, v24;
	v51 =	vld.idx.msk [tilespmem:v55+s10+$0x0], $0xffff;
	[tilespmem:s21+$0x18D0] =	vst v54;
	(pc) =	sbr.rel @p0 .LBB2_9-.Ltmp3, $3  }
0x8ec: {  	v50 =	vld.idx.msk [tilespmem:v56+s10+$0x0], $0xffff  }
0x8ed: {  	v52 =	vor.u32 s23, v24;
	_ =	sdelay $0x1  }
0x8ee: {  	[tilespmem:s24+$0x20] =	vst v57  }
0x8ef: {  	_ =	sdelay $0x3  }
0x8f0: {  	v53 =	vld.idx.msk [tilespmem:v53+s10+$0x0], $0xffff;
	[tilespmem:s24+$0xA0] =	vst v51  }
0x8f1: {  	v57 =	vor.u32 s22, v25;
	v51 =	vld.idx.msk [tilespmem:v52+s10+$0x0], $0xffff  }
0x8f2: {  	v54 =	vor.u32 s23, v25;
	_ =	sdelay $0x2  }
0x8f3: {  	[tilespmem:s24+$0x30] =	vst v53  }
0x8f4: {  	v52 =	vld.idx.msk [tilespmem:v57+s10+$0x0], $0xffff;
	[tilespmem:s24+$0xB0] =	vst v51  }
0x8f5: {  	v58 =	vor.u32 s22, v26;
	v59 =	vld.idx.msk [tilespmem:v54+s10+$0x0], $0xffff  }
0x8f6: {  	v60 =	vor.u32 s23, v26;
	_ =	sdelay $0x2  }
0x8f7: {  	[tilespmem:s24+$0x40] =	vst v52  }
0x8f8: {  	v51 =	vld.idx.msk [tilespmem:v58+s10+$0x0], $0xffff;
	[tilespmem:s24+$0xC0] =	vst v59  }
0x8f9: {  	v61 =	vor.u32 s22, v27;
	v53 =	vld.idx.msk [tilespmem:v60+s10+$0x0], $0xffff  }
0x8fa: {  	v62 =	vor.u32 s23, v27;
	_ =	sdelay $0x2  }
0x8fb: {  	[tilespmem:s24+$0x50] =	vst v51  }
0x8fc: {  	v51 =	vld.idx.msk [tilespmem:v61+s10+$0x0], $0xffff;
	[tilespmem:s24+$0xD0] =	vst v53  }
0x8fd: {  	v63 =	vor.u32 s22, v28;
	v53 =	vld.idx.msk [tilespmem:v62+s10+$0x0], $0xffff  }
0x8fe: {  	v57 =	vor.u32 s23, v28;
	_ =	sdelay $0x2  }
0x8ff: {  	[tilespmem:s24+$0x60] =	vst v51  }
0x900: {  	v51 =	vld.idx.msk [tilespmem:v63+s10+$0x0], $0xffff;
	[tilespmem:s24+$0xE0] =	vst v53  }
0x901: {  	v58 =	vor.u32 s22, v29;
	v53 =	vld.idx.msk [tilespmem:v57+s10+$0x0], $0xffff  }
0x902: {  	v59 =	vor.u32 s23, v29;
	_ =	sdelay $0x2  }
0x903: {  	[tilespmem:s24+$0x800] =	vst v51  }
0x904: {  	v51 =	vld.idx.msk [tilespmem:v58+s10+$0x0], $0xffff;
	[tilespmem:s24+$0x880] =	vst v53  }
0x905: {  	v60 =	vor.u32 s22, v30;
	v53 =	vld.idx.msk [tilespmem:v59+s10+$0x0], $0xffff  }
0x906: {  	v61 =	vor.u32 s23, v30;
	_ =	sdelay $0x2  }
0x907: {  	[tilespmem:s24+$0x810] =	vst v51  }
0x908: {  	v51 =	vld.idx.msk [tilespmem:v60+s10+$0x0], $0xffff;
	[tilespmem:s24+$0x890] =	vst v53  }
0x909: {  	v62 =	vor.u32 s22, v31;
	v53 =	vld.idx.msk [tilespmem:v61+s10+$0x0], $0xffff  }
0x90a: {  	v63 =	vor.u32 s23, v31;
	_ =	sdelay $0x2  }
0x90b: {  	[tilespmem:s24+$0x820] =	vst v51  }
0x90c: {  	v51 =	vld.idx.msk [tilespmem:v62+s10+$0x0], $0xffff;
	[tilespmem:s24+$0x8A0] =	vst v53  }
0x90d: {  	v57 =	vor.u32 s22, v32;
	v53 =	vld.idx.msk [tilespmem:v63+s10+$0x0], $0xffff  }
0x90e: {  	v58 =	vor.u32 s23, v32;
	_ =	sdelay $0x2  }
0x90f: {  	[tilespmem:s24+$0x830] =	vst v51  }
0x910: {  	v51 =	vld.idx.msk [tilespmem:v57+s10+$0x0], $0xffff;
	[tilespmem:s24+$0x8B0] =	vst v53  }
0x911: {  	v59 =	vor.u32 s22, v33;
	v53 =	vld.idx.msk [tilespmem:v58+s10+$0x0], $0xffff  }
0x912: {  	v60 =	vor.u32 s23, v33;
	_ =	sdelay $0x2  }
0x913: {  	[tilespmem:s24+$0x840] =	vst v51  }
0x914: {  	v51 =	vld.idx.msk [tilespmem:v59+s10+$0x0], $0xffff;
	[tilespmem:s24+$0x8C0] =	vst v53  }
0x915: {  	v61 =	vor.u32 s22, v34;
	v53 =	vld.idx.msk [tilespmem:v60+s10+$0x0], $0xffff  }
0x916: {  	v62 =	vor.u32 s23, v34;
	_ =	sdelay $0x2  }
0x917: {  	[tilespmem:s24+$0x850] =	vst v51  }
0x918: {  	v51 =	vld.idx.msk [tilespmem:v61+s10+$0x0], $0xffff;
	[tilespmem:s24+$0x8D0] =	vst v53  }
0x919: {  	v63 =	vor.u32 s22, v35;
	v53 =	vld.idx.msk [tilespmem:v62+s10+$0x0], $0xffff  }
0x91a: {  	v57 =	vor.u32 s23, v35;
	_ =	sdelay $0x2  }
0x91b: {  	[tilespmem:s24+$0x860] =	vst v51  }
0x91c: {  	v51 =	vld.idx.msk [tilespmem:v63+s10+$0x0], $0xffff;
	[tilespmem:s24+$0x8E0] =	vst v53  }
0x91d: {  	v58 =	vor.u32 s22, v36;
	v53 =	vld.idx.msk [tilespmem:v57+s10+$0x0], $0xffff  }
0x91e: {  	v59 =	vor.u32 s23, v36;
	_ =	sdelay $0x2  }
0x91f: {  	[tilespmem:s24+$0x1000] =	vst v51  }
0x920: {  	v51 =	vld.idx.msk [tilespmem:v58+s10+$0x0], $0xffff;
	[tilespmem:s24+$0x1080] =	vst v53  }
0x921: {  	v60 =	vor.u32 s22, v37;
	v53 =	vld.idx.msk [tilespmem:v59+s10+$0x0], $0xffff  }
0x922: {  	v61 =	vor.u32 s23, v37;
	_ =	sdelay $0x2  }
0x923: {  	[tilespmem:s24+$0x1010] =	vst v51  }
0x924: {  	v51 =	vld.idx.msk [tilespmem:v60+s10+$0x0], $0xffff;
	[tilespmem:s24+$0x1090] =	vst v53  }
0x925: {  	v62 =	vor.u32 s22, v38;
	v53 =	vld.idx.msk [tilespmem:v61+s10+$0x0], $0xffff  }
0x926: {  	v63 =	vor.u32 s23, v38;
	_ =	sdelay $0x2  }
0x927: {  	[tilespmem:s24+$0x1020] =	vst v51  }
0x928: {  	v51 =	vld.idx.msk [tilespmem:v62+s10+$0x0], $0xffff;
	[tilespmem:s24+$0x10A0] =	vst v53  }
0x929: {  	v57 =	vor.u32 s22, v39;
	v53 =	vld.idx.msk [tilespmem:v63+s10+$0x0], $0xffff  }
0x92a: {  	v58 =	vor.u32 s23, v39;
	_ =	sdelay $0x2  }
0x92b: {  	[tilespmem:s24+$0x1030] =	vst v51  }
0x92c: {  	v51 =	vld.idx.msk [tilespmem:v57+s10+$0x0], $0xffff;
	[tilespmem:s24+$0x10B0] =	vst v53  }
0x92d: {  	v59 =	vor.u32 s22, v40;
	v53 =	vld.idx.msk [tilespmem:v58+s10+$0x0], $0xffff  }
0x92e: {  	v60 =	vor.u32 s23, v40;
	_ =	sdelay $0x2  }
0x92f: {  	[tilespmem:s24+$0x1040] =	vst v51  }
0x930: {  	v51 =	vld.idx.msk [tilespmem:v59+s10+$0x0], $0xffff;
	[tilespmem:s24+$0x10C0] =	vst v53  }
0x931: {  	v61 =	vor.u32 s22, v41;
	v53 =	vld.idx.msk [tilespmem:v60+s10+$0x0], $0xffff  }
0x932: {  	v62 =	vor.u32 s23, v41;
	_ =	sdelay $0x2  }
0x933: {  	[tilespmem:s24+$0x1050] =	vst v51  }
0x934: {  	v51 =	vld.idx.msk [tilespmem:v61+s10+$0x0], $0xffff;
	[tilespmem:s24+$0x10D0] =	vst v53  }
0x935: {  	v63 =	vor.u32 s22, v42;
	v53 =	vld.idx.msk [tilespmem:v62+s10+$0x0], $0xffff  }
0x936: {  	v57 =	vor.u32 s23, v42;
	_ =	sdelay $0x2  }
0x937: {  	[tilespmem:s24+$0x1060] =	vst v51  }
0x938: {  	v51 =	vld.idx.msk [tilespmem:v63+s10+$0x0], $0xffff;
	[tilespmem:s24+$0x10E0] =	vst v53  }
0x939: {  	v58 =	vor.u32 s22, v43;
	v53 =	vld.idx.msk [tilespmem:v57+s10+$0x0], $0xffff  }
0x93a: {  	v59 =	vor.u32 s23, v43;
	_ =	sdelay $0x2  }
0x93b: {  	[tilespmem:s24+$0x1800] =	vst v51  }
0x93c: {  	v51 =	vld.idx.msk [tilespmem:v58+s10+$0x0], $0xffff;
	[tilespmem:s24+$0x1880] =	vst v53  }
0x93d: {  	v60 =	vor.u32 s22, v44;
	v53 =	vld.idx.msk [tilespmem:v59+s10+$0x0], $0xffff  }
0x93e: {  	v61 =	vor.u32 s23, v44;
	_ =	sdelay $0x2  }
0x93f: {  	[tilespmem:s24+$0x1810] =	vst v51  }
0x940: {  	v51 =	vld.idx.msk [tilespmem:v60+s10+$0x0], $0xffff;
	[tilespmem:s24+$0x1890] =	vst v53  }
0x941: {  	v62 =	vor.u32 s22, v45;
	v53 =	vld.idx.msk [tilespmem:v61+s10+$0x0], $0xffff  }
0x942: {  	v63 =	vor.u32 s23, v45;
	_ =	sdelay $0x2  }
0x943: {  	[tilespmem:s24+$0x1820] =	vst v51  }
0x944: {  	v51 =	vld.idx.msk [tilespmem:v62+s10+$0x0], $0xffff;
	[tilespmem:s24+$0x18A0] =	vst v53  }
0x945: {  	v57 =	vor.u32 s22, v46;
	v53 =	vld.idx.msk [tilespmem:v63+s10+$0x0], $0xffff  }
0x946: {  	v58 =	vor.u32 s23, v46;
	_ =	sdelay $0x2  }
0x947: {  	[tilespmem:s24+$0x1830] =	vst v51  }
0x948: {  	v51 =	vld.idx.msk [tilespmem:v57+s10+$0x0], $0xffff;
	[tilespmem:s24+$0x18B0] =	vst v53  }
0x949: {  	v59 =	vor.u32 s22, v47;
	v53 =	vld.idx.msk [tilespmem:v58+s10+$0x0], $0xffff  }
0x94a: {  	v60 =	vor.u32 s23, v47;
	_ =	sdelay $0x2  }
0x94b: {  	[tilespmem:s24+$0x1840] =	vst v51  }
0x94c: {  	v51 =	vld.idx.msk [tilespmem:v59+s10+$0x0], $0xffff;
	[tilespmem:s24+$0x18C0] =	vst v53  }
0x94d: {  	v61 =	vor.u32 s22, v48;
	v53 =	vld.idx.msk [tilespmem:v60+s10+$0x0], $0xffff  }
0x94e: {  	v62 =	vor.u32 s23, v48;
	_ =	sdelay $0x2  }
0x94f: {  	[tilespmem:s24+$0x1850] =	vst v51  }
0x950: {  	v51 =	vld.idx.msk [tilespmem:v61+s10+$0x0], $0xffff;
	[tilespmem:s24+$0x18D0] =	vst v53  }
0x951: {  	v63 =	vld.idx.msk [tilespmem:v62+s10+$0x0], $0xffff  }
0x952: {  	s18 =	smul.u32 $0x3800, s18  }
0x953: {  	[tilespmem:s21+$0x1860] =	vst v49;
	s17 =	sadd.s32 $0x1, s17  }
0x954: {  	[tilespmem:s21+$0x18E0] =	vst v50;
	p0 =	sne.s32 s17, $0x18;
	s18 =	sadd.s32 s20, s18  }
.Ltmp4:
0x955: {  	s18 =	sshrl.u32 s18, $0x3;
	[tilespmem:s24+$0x1860] =	vst v51;
	(pc) =	sbr.rel @p0 .LBB2_2-.Ltmp4, $4  }
0x956: {  	s18 =	sadd.s32 s4, s18;
	[tilespmem:s24+$0x18E0] =	vst v63  }
0x957: {  	[hbm4b:s18+s5] =	stream.linear.scatter [tilespmem:s14], [sflag:$0x3], $0x3800, $0x38;
	[tilespmem:$0x17000] =	vst v63  }
0x958: {  	s31 =	sadd.s32 s19, s7  }
0x959: {  	[tilespmem:s10], [sflag:$0x2] =	stream.linear.gather [hbm4b:s31+s5], $0x8000, $0x38;
	[tilespmem:$0x17000] =	vst v63  }
0x95a: {  	_ =	swait.ge [sflag:s11], $0x8000  }
0x95b: {  	[sflag:s11] =	ssyncset.done $0x0  }
0x95c: {  	[sflag:s11] =	ssyncadd.s32 $0xFFFF8000  }
0x95d: {  	_ =	swait.ge [sflag:s12], $0x8000  }
0x95e: {  	[sflag:s12] =	ssyncset.done $0x0  }
0x95f: {  	s16 =	sadd.s32 $0x1, s16;
	[sflag:s12] =	ssyncadd.s32 $0xFFFF8000  }
0x960: {  	p0 =	sne.s32 s16, s9;
	_ =	swait.ge [sflag:s15], $0x3800  }
.Ltmp5:
0x961: {  	[sflag:s15] =	ssyncset.done $0x0;
	(pc) =	sbr.rel @p0 .LBB2_1-.Ltmp5, $4  }
0x962: {  	[sflag:s15] =	ssyncadd.s32 $0xFFFFC800  }
0x963: {  	_ =	swait.ge [sflag:s15], $0x3800  }
0x964: {  	[sflag:s15] =	ssyncset.done $0x0  }
0x965: {  	[sflag:s15] =	ssyncadd.s32 $0xFFFFC800  }
0x966: {  	_ =	sfence.sel $0x180000  }
0x967: {  	[bflag:$0x0] =	sbarrier.arrive $0xFFFF  }
0x968: {  	p0 =	sne.s32 s0, $0x0;
	_ =	strace $0x90000047  }
0x969: {  	s0 =	sadd.s32 @!p0 $0x100000, s3;
	[bflag:$0x2] =	sbarrier.arrive $0xFFFF  }
0x96a: {  	[sflag:s0] =	ssyncadd.tile.s32 @!p0 $0x1;
	_ =	shalt  }
.Lfunc_end2:
_tile_overlayer_lowered:
.L_overlay_start_2:
0x96b: {  	(tag) =	ssettag $0x2  }
0x96c: {  	s0 =	rddreg [dreg:$0x0];
	s2 =	stileid.u32  }
0x96d: {  	s1 =	rddreg [dreg:$0x1];
	p0 =	sne.s32 s2, $0x0  }
0x96e: {  	s3 =	rddreg [dreg:$0x2];
	[bflag:$0x3] =	sbarrier.arrive $0xFFFF;
	s2 =	simm.s32 @!p0 $0x1C04  }
0x96f: {  	[timem:s3], [sflag:s2] =	dma.local @!p0 [hbm:s0], s1  }
0x970: {  	s0 =	simm.s32 @!p0 $0x4  }
0x971: {  	_ =	swait.ge @!p0 [sflag:s0], s1  }
0x972: {  	s1 =	ssub.s32 @!p0 $0x0, s1;
	[sflag:s0] =	ssyncset.done @!p0 $0x0  }
0x973: {  	[sflag:s0] =	ssyncadd.s32 @!p0 s1  }
0x974: {  	[bflag:$0x3] =	sbarrier.arrive $0xFFFF  }
0x975: {  	_ =	shalt  }

</sc_bundles>
